<compile_context>
chip_gen: v7x
topology: tpu7x:2x2x1
jax: 0.10.2.dev20260603
libtpu: 0.0.44.dev20260713+nightly
codegen_flags: <defaults>
</compile_context>

<pallas_src>
import functools

import jax
import jax.numpy as jnp
from jax import lax
from jax.experimental import pallas as pl
from jax.experimental.pallas import tpu as pltpu
from jax.experimental.pallas import tpu_sc as plsc

_CH = 3
_NBUF = 2


def _make_sc_kernel(batch, dim):
    info = plsc.get_sparse_core_info()
    nc, ns, lanes = info.num_cores, info.num_subcores, info.num_lanes
    nw = nc * ns
    bpw = batch // nw
    assert batch % nw == 0 and dim % lanes == 0
    nchunk = dim // lanes
    msize = dim * dim

    mesh = plsc.VectorSubcoreMesh(core_axis_name="c", subcore_axis_name="s")

    @functools.partial(
        pl.kernel,
        mesh=mesh,
        out_type=jax.ShapeDtypeStruct((batch * msize,), jnp.float32),
        scratch_types=[
            pltpu.VMEM((bpw, dim), jnp.float32),
        ] + [pltpu.VMEM((_CH * msize,), jnp.float32) for _ in range(_NBUF)]
          + [pltpu.SemaphoreType.DMA for _ in range(_NBUF)],
        compiler_params=pltpu.CompilerParams(needs_layout_passes=False),
    )
    def diag_sc(e_hbm, z_hbm, out_hbm, ebuf, *rest):
        bufs = rest[:_NBUF]
        sems = rest[_NBUF:]
        wid = lax.axis_index("s") * nc + lax.axis_index("c")
        base = wid * bpw
        pltpu.sync_copy(e_hbm.at[pl.ds(base, bpw)], ebuf)
        for buf in bufs:
            pltpu.sync_copy(z_hbm, buf)
        handles = [None] * _NBUF
        sizes = [_CH] * (bpw // _CH)
        if bpw % _CH:
            sizes.append(bpw % _CH)
        b0 = 0
        for c, sz in enumerate(sizes):
            s = c % _NBUF
            buf = bufs[s]
            if handles[s] is not None:
                handles[s].wait()
            for m in range(sz):
                b = b0 + m
                for k in range(nchunk):
                    idx = (jnp.arange(lanes, dtype=jnp.int32)
                           + (k * lanes)) * (dim + 1) + (m * msize)
                    vals = jnp.exp(ebuf[b, pl.ds(k * lanes, lanes)])
                    plsc.store_scatter(buf, [idx], vals)
            dst = out_hbm.at[pl.ds((base + b0) * msize, sz * msize)]
            handles[s] = pltpu.async_copy(buf.at[pl.ds(0, sz * msize)], dst,
                                          sems[s])
            b0 += sz
        for h in handles:
            if h is not None:
                h.wait()

    return diag_sc


def kernel(embeddings):
    batch, dim, _ = embeddings.shape
    e2 = embeddings[:, :, 0]
    zeros = jnp.zeros((_CH * dim * dim,), dtype=jnp.float32)
    sc = _make_sc_kernel(batch, dim)
    return sc(e2, zeros).reshape(batch, dim, dim)

# --- scband reference (transcript-rebuilt; emitter-appended) ---
"""Pipeline reference for scband-mean-field-cov-15942918602942 (READ-ONLY COPY).

The authoritative reference and input builder live on the scoring server;
editing this copy changes nothing except your own understanding.
"""

import jax, jax.numpy as jnp
import numpy as np

def setup_inputs(seed: int = 0) -> dict:
    key = jax.random.key(seed)
    embeddings = jax.random.normal(key, (1024, 128, 1), dtype=jnp.float32)
    return {"embeddings": embeddings}

def reference(embeddings):
    batch = embeddings.shape[0]
    dim = embeddings.shape[1]
    idx = jnp.arange(dim)
    cov = jnp.zeros((batch, dim, dim), dtype=embeddings.dtype)
    cov = cov.at[:, idx, idx].set(jnp.exp(embeddings[:, :, 0]))
    return cov

if __name__ == "__main__":
    import jax
    _d = setup_inputs()
    print(jax.jit(kernel)(*tuple(_d.values())))

</pallas_src>

<mosaic_0001>
#map = affine_map<(d0, d1) -> (0, 0)>
#map1 = affine_map<(d0, d1) -> (0)>
module attributes {stable_mosaic.version = 14 : i64} {
  func.func @diag_sc(%arg0: i32, %arg1: i32, %arg2: memref<1024x128xf32, #tpu.memory_space<hbm>>, %arg3: memref<49152xf32, #tpu.memory_space<hbm>>, %arg4: memref<16777216xf32, #tpu.memory_space<hbm>>, %arg5: memref<32x128xf32, #tpu.memory_space<vmem>>, %arg6: memref<49152xf32, #tpu.memory_space<vmem>>, %arg7: memref<49152xf32, #tpu.memory_space<vmem>>, %arg8: memref<!tpu.dma_semaphore, #tpu.memory_space<semaphore_mem>>, %arg9: memref<!tpu.dma_semaphore, #tpu.memory_space<semaphore_mem>>) attributes {dimension_semantics = [#tpu.dimension_semantics<core_parallel>, #tpu.dimension_semantics<subcore_parallel>], iteration_bounds = array<i64: 2, 16>, scalar_prefetch = 0 : i64, scratch_operands = 5 : i64, tpu.core_type = #tpu.core_type<sc_vector_subcore>, window_params = [{transform_indices = #map}, {transform_indices = #map1}, {transform_indices = #map1}]} {
    %mul3A = arith.constant 2 : i32
    %mul3A_0 = arith.muli %arg1, %mul3A : i32
    %add3A = arith.addi %mul3A_0, %arg0 : i32
    %mul3A_1 = arith.constant 32 : i32
    %mul3A_2 = arith.muli %add3A, %mul3A_1 : i32
    "tpu.region"() ({
      %run_scoped3A = tpu.sem_alloc : memref<!tpu.dma_semaphore, #tpu.memory_space<semaphore_mem>>
      %dma_start3A_4014 = arith.constant 0 : i32
      %dma_start3A_4015 = tpu.memref_slice %arg2[%mul3A_2, %dma_start3A_4014] : memref<1024x128xf32, #tpu.memory_space<hbm>> -> memref<32x128xf32, #tpu.memory_space<hbm>>
      %dma_start3A_4016 = arith.constant 0 : i32
      %dma_start3A_4017 = tpu.memref_slice %arg2[%mul3A_2, %dma_start3A_4016] : memref<1024x128xf32, #tpu.memory_space<hbm>> -> memref<32x128xf32, #tpu.memory_space<hbm>>
      tpu.enqueue_dma source(%dma_start3A_4017 : memref<32x128xf32, #tpu.memory_space<hbm>>) target(%arg5 : memref<32x128xf32, #tpu.memory_space<vmem>>) target_semaphore(%run_scoped3A : memref<!tpu.dma_semaphore, #tpu.memory_space<semaphore_mem>>)
      %dma_wait3A_4018 = arith.constant 0 : i32
      %dma_wait3A_4019 = tpu.memref_slice %arg2[%mul3A_2, %dma_wait3A_4018] : memref<1024x128xf32, #tpu.memory_space<hbm>> -> memref<32x128xf32, #tpu.memory_space<hbm>>
      %dma_wait3A_4020 = arith.constant 0 : i32
      %dma_wait3A_4021 = tpu.memref_slice %arg2[%mul3A_2, %dma_wait3A_4020] : memref<1024x128xf32, #tpu.memory_space<hbm>> -> memref<32x128xf32, #tpu.memory_space<hbm>>
      tpu.wait_dma2 semaphore(%run_scoped3A : memref<!tpu.dma_semaphore, #tpu.memory_space<semaphore_mem>>) src(%dma_wait3A_4021 : memref<32x128xf32, #tpu.memory_space<hbm>>) dst(%arg5 : memref<32x128xf32, #tpu.memory_space<vmem>>)
      tpu.yield
    }) : () -> ()
    "tpu.region"() ({
      %run_scoped3A = tpu.sem_alloc : memref<!tpu.dma_semaphore, #tpu.memory_space<semaphore_mem>>
      tpu.enqueue_dma source(%arg3 : memref<49152xf32, #tpu.memory_space<hbm>>) target(%arg6 : memref<49152xf32, #tpu.memory_space<vmem>>) target_semaphore(%run_scoped3A : memref<!tpu.dma_semaphore, #tpu.memory_space<semaphore_mem>>)
      tpu.wait_dma2 semaphore(%run_scoped3A : memref<!tpu.dma_semaphore, #tpu.memory_space<semaphore_mem>>) src(%arg3 : memref<49152xf32, #tpu.memory_space<hbm>>) dst(%arg6 : memref<49152xf32, #tpu.memory_space<vmem>>)
      tpu.yield
    }) : () -> ()
    "tpu.region"() ({
      %run_scoped3A = tpu.sem_alloc : memref<!tpu.dma_semaphore, #tpu.memory_space<semaphore_mem>>
      tpu.enqueue_dma source(%arg3 : memref<49152xf32, #tpu.memory_space<hbm>>) target(%arg7 : memref<49152xf32, #tpu.memory_space<vmem>>) target_semaphore(%run_scoped3A : memref<!tpu.dma_semaphore, #tpu.memory_space<semaphore_mem>>)
      tpu.wait_dma2 semaphore(%run_scoped3A : memref<!tpu.dma_semaphore, #tpu.memory_space<semaphore_mem>>) src(%arg3 : memref<49152xf32, #tpu.memory_space<hbm>>) dst(%arg7 : memref<49152xf32, #tpu.memory_space<vmem>>)
      tpu.yield
    }) : () -> ()
    %iota3A = tpu.iota {dimensions = array<i32: 0>} : vector<16xi32>
    %add3A_3 = arith.constant 0 : i32
    %add3A_4 = vector.broadcast %add3A_3 : i32 to vector<16xi32>
    %add3A_5 = arith.addi %iota3A, %add3A_4 : vector<16xi32>
    %mul3A_6 = arith.constant 129 : i32
    %mul3A_7 = vector.broadcast %mul3A_6 : i32 to vector<16xi32>
    %mul3A_8 = arith.muli %add3A_5, %mul3A_7 : vector<16xi32>
    %add3A_9 = arith.constant 0 : i32
    %add3A_10 = vector.broadcast %add3A_9 : i32 to vector<16xi32>
    %add3A_11 = arith.addi %mul3A_8, %add3A_10 : vector<16xi32>
    %get3A = arith.constant 0 : i32
    %get3A_12 = arith.index_cast %get3A : i32 to index
    %get3A_13 = arith.constant 0 : index
    %get3A_14 = tpu.vector_load %arg5[%get3A_12, %get3A_13] {strides = array<i32>} : memref<32x128xf32, #tpu.memory_space<vmem>>, vector<16xf32>,
    %exp3A = math.exp %get3A_14 : vector<16xf32>
    tpu.vector_store_idx %arg6[%add3A_11], %exp3A : memref<49152xf32, #tpu.memory_space<vmem>>[vector<16xi32>], vector<16xf32>,
    %iota3A_15 = tpu.iota {dimensions = array<i32: 0>} : vector<16xi32>
    %add3A_16 = arith.constant 16 : i32
    %add3A_17 = vector.broadcast %add3A_16 : i32 to vector<16xi32>
    %add3A_18 = arith.addi %iota3A_15, %add3A_17 : vector<16xi32>
    %mul3A_19 = arith.constant 129 : i32
    %mul3A_20 = vector.broadcast %mul3A_19 : i32 to vector<16xi32>
    %mul3A_21 = arith.muli %add3A_18, %mul3A_20 : vector<16xi32>
    %add3A_22 = arith.constant 0 : i32
    %add3A_23 = vector.broadcast %add3A_22 : i32 to vector<16xi32>
    %add3A_24 = arith.addi %mul3A_21, %add3A_23 : vector<16xi32>
    %get3A_25 = arith.constant 0 : i32
    %get3A_26 = arith.index_cast %get3A_25 : i32 to index
    %get3A_27 = arith.constant 16 : index
    %get3A_28 = tpu.vector_load %arg5[%get3A_26, %get3A_27] {strides = array<i32>} : memref<32x128xf32, #tpu.memory_space<vmem>>, vector<16xf32>,
    %exp3A_29 = math.exp %get3A_28 : vector<16xf32>
    tpu.vector_store_idx %arg6[%add3A_24], %exp3A_29 : memref<49152xf32, #tpu.memory_space<vmem>>[vector<16xi32>], vector<16xf32>,
    %iota3A_30 = tpu.iota {dimensions = array<i32: 0>} : vector<16xi32>
    %add3A_31 = arith.constant 32 : i32
    %add3A_32 = vector.broadcast %add3A_31 : i32 to vector<16xi32>
    %add3A_33 = arith.addi %iota3A_30, %add3A_32 : vector<16xi32>
    %mul3A_34 = arith.constant 129 : i32
    %mul3A_35 = vector.broadcast %mul3A_34 : i32 to vector<16xi32>
    %mul3A_36 = arith.muli %add3A_33, %mul3A_35 : vector<16xi32>
    %add3A_37 = arith.constant 0 : i32
    %add3A_38 = vector.broadcast %add3A_37 : i32 to vector<16xi32>
    %add3A_39 = arith.addi %mul3A_36, %add3A_38 : vector<16xi32>
    %get3A_40 = arith.constant 0 : i32
    %get3A_41 = arith.index_cast %get3A_40 : i32 to index
    %get3A_42 = arith.constant 32 : index
    %get3A_43 = tpu.vector_load %arg5[%get3A_41, %get3A_42] {strides = array<i32>} : memref<32x128xf32, #tpu.memory_space<vmem>>, vector<16xf32>,
    %exp3A_44 = math.exp %get3A_43 : vector<16xf32>
    tpu.vector_store_idx %arg6[%add3A_39], %exp3A_44 : memref<49152xf32, #tpu.memory_space<vmem>>[vector<16xi32>], vector<16xf32>,
    %iota3A_45 = tpu.iota {dimensions = array<i32: 0>} : vector<16xi32>
    %add3A_46 = arith.constant 48 : i32
    %add3A_47 = vector.broadcast %add3A_46 : i32 to vector<16xi32>
    %add3A_48 = arith.addi %iota3A_45, %add3A_47 : vector<16xi32>
    %mul3A_49 = arith.constant 129 : i32
    %mul3A_50 = vector.broadcast %mul3A_49 : i32 to vector<16xi32>
    %mul3A_51 = arith.muli %add3A_48, %mul3A_50 : vector<16xi32>
    %add3A_52 = arith.constant 0 : i32
    %add3A_53 = vector.broadcast %add3A_52 : i32 to vector<16xi32>
    %add3A_54 = arith.addi %mul3A_51, %add3A_53 : vector<16xi32>
    %get3A_55 = arith.constant 0 : i32
    %get3A_56 = arith.index_cast %get3A_55 : i32 to index
    %get3A_57 = arith.constant 48 : index
    %get3A_58 = tpu.vector_load %arg5[%get3A_56, %get3A_57] {strides = array<i32>} : memref<32x128xf32, #tpu.memory_space<vmem>>, vector<16xf32>,
    %exp3A_59 = math.exp %get3A_58 : vector<16xf32>
    tpu.vector_store_idx %arg6[%add3A_54], %exp3A_59 : memref<49152xf32, #tpu.memory_space<vmem>>[vector<16xi32>], vector<16xf32>,
    %iota3A_60 = tpu.iota {dimensions = array<i32: 0>} : vector<16xi32>
    %add3A_61 = arith.constant 64 : i32
    %add3A_62 = vector.broadcast %add3A_61 : i32 to vector<16xi32>
    %add3A_63 = arith.addi %iota3A_60, %add3A_62 : vector<16xi32>
    %mul3A_64 = arith.constant 129 : i32
    %mul3A_65 = vector.broadcast %mul3A_64 : i32 to vector<16xi32>
    %mul3A_66 = arith.muli %add3A_63, %mul3A_65 : vector<16xi32>
    %add3A_67 = arith.constant 0 : i32
    %add3A_68 = vector.broadcast %add3A_67 : i32 to vector<16xi32>
    %add3A_69 = arith.addi %mul3A_66, %add3A_68 : vector<16xi32>
    %get3A_70 = arith.constant 0 : i32
    %get3A_71 = arith.index_cast %get3A_70 : i32 to index
    %get3A_72 = arith.constant 64 : index
    %get3A_73 = tpu.vector_load %arg5[%get3A_71, %get3A_72] {strides = array<i32>} : memref<32x128xf32, #tpu.memory_space<vmem>>, vector<16xf32>,
    %exp3A_74 = math.exp %get3A_73 : vector<16xf32>
    tpu.vector_store_idx %arg6[%add3A_69], %exp3A_74 : memref<49152xf32, #tpu.memory_space<vmem>>[vector<16xi32>], vector<16xf32>,
    %iota3A_75 = tpu.iota {dimensions = array<i32: 0>} : vector<16xi32>
    %add3A_76 = arith.constant 80 : i32
    %add3A_77 = vector.broadcast %add3A_76 : i32 to vector<16xi32>
    %add3A_78 = arith.addi %iota3A_75, %add3A_77 : vector<16xi32>
    %mul3A_79 = arith.constant 129 : i32
    %mul3A_80 = vector.broadcast %mul3A_79 : i32 to vector<16xi32>
    %mul3A_81 = arith.muli %add3A_78, %mul3A_80 : vector<16xi32>
    %add3A_82 = arith.constant 0 : i32
    %add3A_83 = vector.broadcast %add3A_82 : i32 to vector<16xi32>
    %add3A_84 = arith.addi %mul3A_81, %add3A_83 : vector<16xi32>
    %get3A_85 = arith.constant 0 : i32
    %get3A_86 = arith.index_cast %get3A_85 : i32 to index
    %get3A_87 = arith.constant 80 : index
    %get3A_88 = tpu.vector_load %arg5[%get3A_86, %get3A_87] {strides = array<i32>} : memref<32x128xf32, #tpu.memory_space<vmem>>, vector<16xf32>,
    %exp3A_89 = math.exp %get3A_88 : vector<16xf32>
    tpu.vector_store_idx %arg6[%add3A_84], %exp3A_89 : memref<49152xf32, #tpu.memory_space<vmem>>[vector<16xi32>], vector<16xf32>,
    %iota3A_90 = tpu.iota {dimensions = array<i32: 0>} : vector<16xi32>
    %add3A_91 = arith.constant 96 : i32
    %add3A_92 = vector.broadcast %add3A_91 : i32 to vector<16xi32>
    %add3A_93 = arith.addi %iota3A_90, %add3A_92 : vector<16xi32>
    %mul3A_94 = arith.constant 129 : i32
    %mul3A_95 = vector.broadcast %mul3A_94 : i32 to vector<16xi32>
    %mul3A_96 = arith.muli %add3A_93, %mul3A_95 : vector<16xi32>
    %add3A_97 = arith.constant 0 : i32
    %add3A_98 = vector.broadcast %add3A_97 : i32 to vector<16xi32>
    %add3A_99 = arith.addi %mul3A_96, %add3A_98 : vector<16xi32>
    %get3A_100 = arith.constant 0 : i32
    %get3A_101 = arith.index_cast %get3A_100 : i32 to index
    %get3A_102 = arith.constant 96 : index
    %get3A_103 = tpu.vector_load %arg5[%get3A_101, %get3A_102] {strides = array<i32>} : memref<32x128xf32, #tpu.memory_space<vmem>>, vector<16xf32>,
    %exp3A_104 = math.exp %get3A_103 : vector<16xf32>
    tpu.vector_store_idx %arg6[%add3A_99], %exp3A_104 : memref<49152xf32, #tpu.memory_space<vmem>>[vector<16xi32>], vector<16xf32>,
    %iota3A_105 = tpu.iota {dimensions = array<i32: 0>} : vector<16xi32>
    %add3A_106 = arith.constant 112 : i32
    %add3A_107 = vector.broadcast %add3A_106 : i32 to vector<16xi32>
    %add3A_108 = arith.addi %iota3A_105, %add3A_107 : vector<16xi32>
    %mul3A_109 = arith.constant 129 : i32
    %mul3A_110 = vector.broadcast %mul3A_109 : i32 to vector<16xi32>
    %mul3A_111 = arith.muli %add3A_108, %mul3A_110 : vector<16xi32>
    %add3A_112 = arith.constant 0 : i32
    %add3A_113 = vector.broadcast %add3A_112 : i32 to vector<16xi32>
    %add3A_114 = arith.addi %mul3A_111, %add3A_113 : vector<16xi32>
    %get3A_115 = arith.constant 0 : i32
    %get3A_116 = arith.index_cast %get3A_115 : i32 to index
    %get3A_117 = arith.constant 112 : index
    %get3A_118 = tpu.vector_load %arg5[%get3A_116, %get3A_117] {strides = array<i32>} : memref<32x128xf32, #tpu.memory_space<vmem>>, vector<16xf32>,
    %exp3A_119 = math.exp %get3A_118 : vector<16xf32>
    tpu.vector_store_idx %arg6[%add3A_114], %exp3A_119 : memref<49152xf32, #tpu.memory_space<vmem>>[vector<16xi32>], vector<16xf32>,
    %iota3A_120 = tpu.iota {dimensions = array<i32: 0>} : vector<16xi32>
    %add3A_121 = arith.constant 0 : i32
    %add3A_122 = vector.broadcast %add3A_121 : i32 to vector<16xi32>
    %add3A_123 = arith.addi %iota3A_120, %add3A_122 : vector<16xi32>
    %mul3A_124 = arith.constant 129 : i32
    %mul3A_125 = vector.broadcast %mul3A_124 : i32 to vector<16xi32>
    %mul3A_126 = arith.muli %add3A_123, %mul3A_125 : vector<16xi32>
    %add3A_127 = arith.constant 16384 : i32
    %add3A_128 = vector.broadcast %add3A_127 : i32 to vector<16xi32>
    %add3A_129 = arith.addi %mul3A_126, %add3A_128 : vector<16xi32>
    %get3A_130 = arith.constant 1 : i32
    %get3A_131 = arith.index_cast %get3A_130 : i32 to index
    %get3A_132 = arith.constant 0 : index
    %get3A_133 = tpu.vector_load %arg5[%get3A_131, %get3A_132] {strides = array<i32>} : memref<32x128xf32, #tpu.memory_space<vmem>>, vector<16xf32>,
    %exp3A_134 = math.exp %get3A_133 : vector<16xf32>
    tpu.vector_store_idx %arg6[%add3A_129], %exp3A_134 : memref<49152xf32, #tpu.memory_space<vmem>>[vector<16xi32>], vector<16xf32>,
    %iota3A_135 = tpu.iota {dimensions = array<i32: 0>} : vector<16xi32>
    %add3A_136 = arith.constant 16 : i32
    %add3A_137 = vector.broadcast %add3A_136 : i32 to vector<16xi32>
    %add3A_138 = arith.addi %iota3A_135, %add3A_137 : vector<16xi32>
    %mul3A_139 = arith.constant 129 : i32
    %mul3A_140 = vector.broadcast %mul3A_139 : i32 to vector<16xi32>
    %mul3A_141 = arith.muli %add3A_138, %mul3A_140 : vector<16xi32>
    %add3A_142 = arith.constant 16384 : i32
    %add3A_143 = vector.broadcast %add3A_142 : i32 to vector<16xi32>
    %add3A_144 = arith.addi %mul3A_141, %add3A_143 : vector<16xi32>
    %get3A_145 = arith.constant 1 : i32
    %get3A_146 = arith.index_cast %get3A_145 : i32 to index
    %get3A_147 = arith.constant 16 : index
    %get3A_148 = tpu.vector_load %arg5[%get3A_146, %get3A_147] {strides = array<i32>} : memref<32x128xf32, #tpu.memory_space<vmem>>, vector<16xf32>,
    %exp3A_149 = math.exp %get3A_148 : vector<16xf32>
    tpu.vector_store_idx %arg6[%add3A_144], %exp3A_149 : memref<49152xf32, #tpu.memory_space<vmem>>[vector<16xi32>], vector<16xf32>,
    %iota3A_150 = tpu.iota {dimensions = array<i32: 0>} : vector<16xi32>
    %add3A_151 = arith.constant 32 : i32
    %add3A_152 = vector.broadcast %add3A_151 : i32 to vector<16xi32>
    %add3A_153 = arith.addi %iota3A_150, %add3A_152 : vector<16xi32>
    %mul3A_154 = arith.constant 129 : i32
    %mul3A_155 = vector.broadcast %mul3A_154 : i32 to vector<16xi32>
    %mul3A_156 = arith.muli %add3A_153, %mul3A_155 : vector<16xi32>
    %add3A_157 = arith.constant 16384 : i32
    %add3A_158 = vector.broadcast %add3A_157 : i32 to vector<16xi32>
    %add3A_159 = arith.addi %mul3A_156, %add3A_158 : vector<16xi32>
    %get3A_160 = arith.constant 1 : i32
    %get3A_161 = arith.index_cast %get3A_160 : i32 to index
    %get3A_162 = arith.constant 32 : index
    %get3A_163 = tpu.vector_load %arg5[%get3A_161, %get3A_162] {strides = array<i32>} : memref<32x128xf32, #tpu.memory_space<vmem>>, vector<16xf32>,
    %exp3A_164 = math.exp %get3A_163 : vector<16xf32>
    tpu.vector_store_idx %arg6[%add3A_159], %exp3A_164 : memref<49152xf32, #tpu.memory_space<vmem>>[vector<16xi32>], vector<16xf32>,
    %iota3A_165 = tpu.iota {dimensions = array<i32: 0>} : vector<16xi32>
    %add3A_166 = arith.constant 48 : i32
    %add3A_167 = vector.broadcast %add3A_166 : i32 to vector<16xi32>
    %add3A_168 = arith.addi %iota3A_165, %add3A_167 : vector<16xi32>
    %mul3A_169 = arith.constant 129 : i32
    %mul3A_170 = vector.broadcast %mul3A_169 : i32 to vector<16xi32>
    %mul3A_171 = arith.muli %add3A_168, %mul3A_170 : vector<16xi32>
    %add3A_172 = arith.constant 16384 : i32
    %add3A_173 = vector.broadcast %add3A_172 : i32 to vector<16xi32>
    %add3A_174 = arith.addi %mul3A_171, %add3A_173 : vector<16xi32>
    %get3A_175 = arith.constant 1 : i32
    %get3A_176 = arith.index_cast %get3A_175 : i32 to index
    %get3A_177 = arith.constant 48 : index
    %get3A_178 = tpu.vector_load %arg5[%get3A_176, %get3A_177] {strides = array<i32>} : memref<32x128xf32, #tpu.memory_space<vmem>>, vector<16xf32>,
    %exp3A_179 = math.exp %get3A_178 : vector<16xf32>
    tpu.vector_store_idx %arg6[%add3A_174], %exp3A_179 : memref<49152xf32, #tpu.memory_space<vmem>>[vector<16xi32>], vector<16xf32>,
    %iota3A_180 = tpu.iota {dimensions = array<i32: 0>} : vector<16xi32>
    %add3A_181 = arith.constant 64 : i32
    %add3A_182 = vector.broadcast %add3A_181 : i32 to vector<16xi32>
    %add3A_183 = arith.addi %iota3A_180, %add3A_182 : vector<16xi32>
    %mul3A_184 = arith.constant 129 : i32
    %mul3A_185 = vector.broadcast %mul3A_184 : i32 to vector<16xi32>
    %mul3A_186 = arith.muli %add3A_183, %mul3A_185 : vector<16xi32>
    %add3A_187 = arith.constant 16384 : i32
    %add3A_188 = vector.broadcast %add3A_187 : i32 to vector<16xi32>
    %add3A_189 = arith.addi %mul3A_186, %add3A_188 : vector<16xi32>
    %get3A_190 = arith.constant 1 : i32
    %get3A_191 = arith.index_cast %get3A_190 : i32 to index
    %get3A_192 = arith.constant 64 : index
    %get3A_193 = tpu.vector_load %arg5[%get3A_191, %get3A_192] {strides = array<i32>} : memref<32x128xf32, #tpu.memory_space<vmem>>, vector<16xf32>,
    %exp3A_194 = math.exp %get3A_193 : vector<16xf32>
    tpu.vector_store_idx %arg6[%add3A_189], %exp3A_194 : memref<49152xf32, #tpu.memory_space<vmem>>[vector<16xi32>], vector<16xf32>,
    %iota3A_195 = tpu.iota {dimensions = array<i32: 0>} : vector<16xi32>
    %add3A_196 = arith.constant 80 : i32
    %add3A_197 = vector.broadcast %add3A_196 : i32 to vector<16xi32>
    %add3A_198 = arith.addi %iota3A_195, %add3A_197 : vector<16xi32>
    %mul3A_199 = arith.constant 129 : i32
    %mul3A_200 = vector.broadcast %mul3A_199 : i32 to vector<16xi32>
    %mul3A_201 = arith.muli %add3A_198, %mul3A_200 : vector<16xi32>
    %add3A_202 = arith.constant 16384 : i32
    %add3A_203 = vector.broadcast %add3A_202 : i32 to vector<16xi32>
    %add3A_204 = arith.addi %mul3A_201, %add3A_203 : vector<16xi32>
    %get3A_205 = arith.constant 1 : i32
    %get3A_206 = arith.index_cast %get3A_205 : i32 to index
    %get3A_207 = arith.constant 80 : index
    %get3A_208 = tpu.vector_load %arg5[%get3A_206, %get3A_207] {strides = array<i32>} : memref<32x128xf32, #tpu.memory_space<vmem>>, vector<16xf32>,
    %exp3A_209 = math.exp %get3A_208 : vector<16xf32>
    tpu.vector_store_idx %arg6[%add3A_204], %exp3A_209 : memref<49152xf32, #tpu.memory_space<vmem>>[vector<16xi32>], vector<16xf32>,
    %iota3A_210 = tpu.iota {dimensions = array<i32: 0>} : vector<16xi32>
    %add3A_211 = arith.constant 96 : i32
    %add3A_212 = vector.broadcast %add3A_211 : i32 to vector<16xi32>
    %add3A_213 = arith.addi %iota3A_210, %add3A_212 : vector<16xi32>
    %mul3A_214 = arith.constant 129 : i32
    %mul3A_215 = vector.broadcast %mul3A_214 : i32 to vector<16xi32>
    %mul3A_216 = arith.muli %add3A_213, %mul3A_215 : vector<16xi32>
    %add3A_217 = arith.constant 16384 : i32
    %add3A_218 = vector.broadcast %add3A_217 : i32 to vector<16xi32>
    %add3A_219 = arith.addi %mul3A_216, %add3A_218 : vector<16xi32>
    %get3A_220 = arith.constant 1 : i32
    %get3A_221 = arith.index_cast %get3A_220 : i32 to index
    %get3A_222 = arith.constant 96 : index
    %get3A_223 = tpu.vector_load %arg5[%get3A_221, %get3A_222] {strides = array<i32>} : memref<32x128xf32, #tpu.memory_space<vmem>>, vector<16xf32>,
    %exp3A_224 = math.exp %get3A_223 : vector<16xf32>
    tpu.vector_store_idx %arg6[%add3A_219], %exp3A_224 : memref<49152xf32, #tpu.memory_space<vmem>>[vector<16xi32>], vector<16xf32>,
    %iota3A_225 = tpu.iota {dimensions = array<i32: 0>} : vector<16xi32>
    %add3A_226 = arith.constant 112 : i32
    %add3A_227 = vector.broadcast %add3A_226 : i32 to vector<16xi32>
    %add3A_228 = arith.addi %iota3A_225, %add3A_227 : vector<16xi32>
    %mul3A_229 = arith.constant 129 : i32
    %mul3A_230 = vector.broadcast %mul3A_229 : i32 to vector<16xi32>
    %mul3A_231 = arith.muli %add3A_228, %mul3A_230 : vector<16xi32>
    %add3A_232 = arith.constant 16384 : i32
    %add3A_233 = vector.broadcast %add3A_232 : i32 to vector<16xi32>
    %add3A_234 = arith.addi %mul3A_231, %add3A_233 : vector<16xi32>
    %get3A_235 = arith.constant 1 : i32
    %get3A_236 = arith.index_cast %get3A_235 : i32 to index
    %get3A_237 = arith.constant 112 : index
    %get3A_238 = tpu.vector_load %arg5[%get3A_236, %get3A_237] {strides = array<i32>} : memref<32x128xf32, #tpu.memory_space<vmem>>, vector<16xf32>,
    %exp3A_239 = math.exp %get3A_238 : vector<16xf32>
    tpu.vector_store_idx %arg6[%add3A_234], %exp3A_239 : memref<49152xf32, #tpu.memory_space<vmem>>[vector<16xi32>], vector<16xf32>,
    %iota3A_240 = tpu.iota {dimensions = array<i32: 0>} : vector<16xi32>
    %add3A_241 = arith.constant 0 : i32
    %add3A_242 = vector.broadcast %add3A_241 : i32 to vector<16xi32>
    %add3A_243 = arith.addi %iota3A_240, %add3A_242 : vector<16xi32>
    %mul3A_244 = arith.constant 129 : i32
    %mul3A_245 = vector.broadcast %mul3A_244 : i32 to vector<16xi32>
    %mul3A_246 = arith.muli %add3A_243, %mul3A_245 : vector<16xi32>
    %add3A_247 = arith.constant 32768 : i32
    %add3A_248 = vector.broadcast %add3A_247 : i32 to vector<16xi32>
    %add3A_249 = arith.addi %mul3A_246, %add3A_248 : vector<16xi32>
    %get3A_250 = arith.constant 2 : i32
    %get3A_251 = arith.index_cast %get3A_250 : i32 to index
    %get3A_252 = arith.constant 0 : index
    %get3A_253 = tpu.vector_load %arg5[%get3A_251, %get3A_252] {strides = array<i32>} : memref<32x128xf32, #tpu.memory_space<vmem>>, vector<16xf32>,
    %exp3A_254 = math.exp %get3A_253 : vector<16xf32>
    tpu.vector_store_idx %arg6[%add3A_249], %exp3A_254 : memref<49152xf32, #tpu.memory_space<vmem>>[vector<16xi32>], vector<16xf32>,
    %iota3A_255 = tpu.iota {dimensions = array<i32: 0>} : vector<16xi32>
    %add3A_256 = arith.constant 16 : i32
    %add3A_257 = vector.broadcast %add3A_256 : i32 to vector<16xi32>
    %add3A_258 = arith.addi %iota3A_255, %add3A_257 : vector<16xi32>
    %mul3A_259 = arith.constant 129 : i32
    %mul3A_260 = vector.broadcast %mul3A_259 : i32 to vector<16xi32>
    %mul3A_261 = arith.muli %add3A_258, %mul3A_260 : vector<16xi32>
    %add3A_262 = arith.constant 32768 : i32
    %add3A_263 = vector.broadcast %add3A_262 : i32 to vector<16xi32>
    %add3A_264 = arith.addi %mul3A_261, %add3A_263 : vector<16xi32>
    %get3A_265 = arith.constant 2 : i32
    %get3A_266 = arith.index_cast %get3A_265 : i32 to index
    %get3A_267 = arith.constant 16 : index
    %get3A_268 = tpu.vector_load %arg5[%get3A_266, %get3A_267] {strides = array<i32>} : memref<32x128xf32, #tpu.memory_space<vmem>>, vector<16xf32>,
    %exp3A_269 = math.exp %get3A_268 : vector<16xf32>
    tpu.vector_store_idx %arg6[%add3A_264], %exp3A_269 : memref<49152xf32, #tpu.memory_space<vmem>>[vector<16xi32>], vector<16xf32>,
    %iota3A_270 = tpu.iota {dimensions = array<i32: 0>} : vector<16xi32>
    %add3A_271 = arith.constant 32 : i32
    %add3A_272 = vector.broadcast %add3A_271 : i32 to vector<16xi32>
    %add3A_273 = arith.addi %iota3A_270, %add3A_272 : vector<16xi32>
    %mul3A_274 = arith.constant 129 : i32
    %mul3A_275 = vector.broadcast %mul3A_274 : i32 to vector<16xi32>
    %mul3A_276 = arith.muli %add3A_273, %mul3A_275 : vector<16xi32>
    %add3A_277 = arith.constant 32768 : i32
    %add3A_278 = vector.broadcast %add3A_277 : i32 to vector<16xi32>
    %add3A_279 = arith.addi %mul3A_276, %add3A_278 : vector<16xi32>
    %get3A_280 = arith.constant 2 : i32
    %get3A_281 = arith.index_cast %get3A_280 : i32 to index
    %get3A_282 = arith.constant 32 : index
    %get3A_283 = tpu.vector_load %arg5[%get3A_281, %get3A_282] {strides = array<i32>} : memref<32x128xf32, #tpu.memory_space<vmem>>, vector<16xf32>,
    %exp3A_284 = math.exp %get3A_283 : vector<16xf32>
    tpu.vector_store_idx %arg6[%add3A_279], %exp3A_284 : memref<49152xf32, #tpu.memory_space<vmem>>[vector<16xi32>], vector<16xf32>,
    %iota3A_285 = tpu.iota {dimensions = array<i32: 0>} : vector<16xi32>
    %add3A_286 = arith.constant 48 : i32
    %add3A_287 = vector.broadcast %add3A_286 : i32 to vector<16xi32>
    %add3A_288 = arith.addi %iota3A_285, %add3A_287 : vector<16xi32>
    %mul3A_289 = arith.constant 129 : i32
    %mul3A_290 = vector.broadcast %mul3A_289 : i32 to vector<16xi32>
    %mul3A_291 = arith.muli %add3A_288, %mul3A_290 : vector<16xi32>
    %add3A_292 = arith.constant 32768 : i32
    %add3A_293 = vector.broadcast %add3A_292 : i32 to vector<16xi32>
    %add3A_294 = arith.addi %mul3A_291, %add3A_293 : vector<16xi32>
    %get3A_295 = arith.constant 2 : i32
    %get3A_296 = arith.index_cast %get3A_295 : i32 to index
    %get3A_297 = arith.constant 48 : index
    %get3A_298 = tpu.vector_load %arg5[%get3A_296, %get3A_297] {strides = array<i32>} : memref<32x128xf32, #tpu.memory_space<vmem>>, vector<16xf32>,
    %exp3A_299 = math.exp %get3A_298 : vector<16xf32>
    tpu.vector_store_idx %arg6[%add3A_294], %exp3A_299 : memref<49152xf32, #tpu.memory_space<vmem>>[vector<16xi32>], vector<16xf32>,
    %iota3A_300 = tpu.iota {dimensions = array<i32: 0>} : vector<16xi32>
    %add3A_301 = arith.constant 64 : i32
    %add3A_302 = vector.broadcast %add3A_301 : i32 to vector<16xi32>
    %add3A_303 = arith.addi %iota3A_300, %add3A_302 : vector<16xi32>
    %mul3A_304 = arith.constant 129 : i32
    %mul3A_305 = vector.broadcast %mul3A_304 : i32 to vector<16xi32>
    %mul3A_306 = arith.muli %add3A_303, %mul3A_305 : vector<16xi32>
    %add3A_307 = arith.constant 32768 : i32
    %add3A_308 = vector.broadcast %add3A_307 : i32 to vector<16xi32>
    %add3A_309 = arith.addi %mul3A_306, %add3A_308 : vector<16xi32>
    %get3A_310 = arith.constant 2 : i32
    %get3A_311 = arith.index_cast %get3A_310 : i32 to index
    %get3A_312 = arith.constant 64 : index
    %get3A_313 = tpu.vector_load %arg5[%get3A_311, %get3A_312] {strides = array<i32>} : memref<32x128xf32, #tpu.memory_space<vmem>>, vector<16xf32>,
    %exp3A_314 = math.exp %get3A_313 : vector<16xf32>
    tpu.vector_store_idx %arg6[%add3A_309], %exp3A_314 : memref<49152xf32, #tpu.memory_space<vmem>>[vector<16xi32>], vector<16xf32>,
    %iota3A_315 = tpu.iota {dimensions = array<i32: 0>} : vector<16xi32>
    %add3A_316 = arith.constant 80 : i32
    %add3A_317 = vector.broadcast %add3A_316 : i32 to vector<16xi32>
    %add3A_318 = arith.addi %iota3A_315, %add3A_317 : vector<16xi32>
    %mul3A_319 = arith.constant 129 : i32
    %mul3A_320 = vector.broadcast %mul3A_319 : i32 to vector<16xi32>
    %mul3A_321 = arith.muli %add3A_318, %mul3A_320 : vector<16xi32>
    %add3A_322 = arith.constant 32768 : i32
    %add3A_323 = vector.broadcast %add3A_322 : i32 to vector<16xi32>
    %add3A_324 = arith.addi %mul3A_321, %add3A_323 : vector<16xi32>
    %get3A_325 = arith.constant 2 : i32
    %get3A_326 = arith.index_cast %get3A_325 : i32 to index
    %get3A_327 = arith.constant 80 : index
    %get3A_328 = tpu.vector_load %arg5[%get3A_326, %get3A_327] {strides = array<i32>} : memref<32x128xf32, #tpu.memory_space<vmem>>, vector<16xf32>,
    %exp3A_329 = math.exp %get3A_328 : vector<16xf32>
    tpu.vector_store_idx %arg6[%add3A_324], %exp3A_329 : memref<49152xf32, #tpu.memory_space<vmem>>[vector<16xi32>], vector<16xf32>,
    %iota3A_330 = tpu.iota {dimensions = array<i32: 0>} : vector<16xi32>
    %add3A_331 = arith.constant 96 : i32
    %add3A_332 = vector.broadcast %add3A_331 : i32 to vector<16xi32>
    %add3A_333 = arith.addi %iota3A_330, %add3A_332 : vector<16xi32>
    %mul3A_334 = arith.constant 129 : i32
    %mul3A_335 = vector.broadcast %mul3A_334 : i32 to vector<16xi32>
    %mul3A_336 = arith.muli %add3A_333, %mul3A_335 : vector<16xi32>
    %add3A_337 = arith.constant 32768 : i32
    %add3A_338 = vector.broadcast %add3A_337 : i32 to vector<16xi32>
    %add3A_339 = arith.addi %mul3A_336, %add3A_338 : vector<16xi32>
    %get3A_340 = arith.constant 2 : i32
    %get3A_341 = arith.index_cast %get3A_340 : i32 to index
    %get3A_342 = arith.constant 96 : index
    %get3A_343 = tpu.vector_load %arg5[%get3A_341, %get3A_342] {strides = array<i32>} : memref<32x128xf32, #tpu.memory_space<vmem>>, vector<16xf32>,
    %exp3A_344 = math.exp %get3A_343 : vector<16xf32>
    tpu.vector_store_idx %arg6[%add3A_339], %exp3A_344 : memref<49152xf32, #tpu.memory_space<vmem>>[vector<16xi32>], vector<16xf32>,
    %iota3A_345 = tpu.iota {dimensions = array<i32: 0>} : vector<16xi32>
    %add3A_346 = arith.constant 112 : i32
    %add3A_347 = vector.broadcast %add3A_346 : i32 to vector<16xi32>
    %add3A_348 = arith.addi %iota3A_345, %add3A_347 : vector<16xi32>
    %mul3A_349 = arith.constant 129 : i32
    %mul3A_350 = vector.broadcast %mul3A_349 : i32 to vector<16xi32>
    %mul3A_351 = arith.muli %add3A_348, %mul3A_350 : vector<16xi32>
    %add3A_352 = arith.constant 32768 : i32
    %add3A_353 = vector.broadcast %add3A_352 : i32 to vector<16xi32>
    %add3A_354 = arith.addi %mul3A_351, %add3A_353 : vector<16xi32>
    %get3A_355 = arith.constant 2 : i32
    %get3A_356 = arith.index_cast %get3A_355 : i32 to index
    %get3A_357 = arith.constant 112 : index
    %get3A_358 = tpu.vector_load %arg5[%get3A_356, %get3A_357] {strides = array<i32>} : memref<32x128xf32, #tpu.memory_space<vmem>>, vector<16xf32>,
    %exp3A_359 = math.exp %get3A_358 : vector<16xf32>
    tpu.vector_store_idx %arg6[%add3A_354], %exp3A_359 : memref<49152xf32, #tpu.memory_space<vmem>>[vector<16xi32>], vector<16xf32>,
    %add3A_360 = arith.constant 0 : i32
    %add3A_361 = arith.addi %mul3A_2, %add3A_360 : i32
    %mul3A_362 = arith.constant 16384 : i32
    %mul3A_363 = arith.muli %add3A_361, %mul3A_362 : i32
    %dma_start3A = arith.constant 0 : i32
    %dma_start3A_364 = tpu.memref_slice %arg6[%dma_start3A] : memref<49152xf32, #tpu.memory_space<vmem>> -> memref<49152xf32, #tpu.memory_space<vmem>>
    %dma_start3A_365 = tpu.memref_slice %arg4[%mul3A_363] : memref<16777216xf32, #tpu.memory_space<hbm>> -> memref<49152xf32, #tpu.memory_space<hbm>>
    %dma_start3A_366 = tpu.memref_slice %arg4[%mul3A_363] : memref<16777216xf32, #tpu.memory_space<hbm>> -> memref<49152xf32, #tpu.memory_space<hbm>>
    %dma_start3A_367 = arith.constant 0 : i32
    %dma_start3A_368 = tpu.memref_slice %arg6[%dma_start3A_367] : memref<49152xf32, #tpu.memory_space<vmem>> -> memref<49152xf32, #tpu.memory_space<vmem>>
    tpu.enqueue_dma source(%dma_start3A_368 : memref<49152xf32, #tpu.memory_space<vmem>>) target(%dma_start3A_366 : memref<49152xf32, #tpu.memory_space<hbm>>) target_semaphore(%arg8 : memref<!tpu.dma_semaphore, #tpu.memory_space<semaphore_mem>>)
    %iota3A_369 = tpu.iota {dimensions = array<i32: 0>} : vector<16xi32>
    %add3A_370 = arith.constant 0 : i32
    %add3A_371 = vector.broadcast %add3A_370 : i32 to vector<16xi32>
    %add3A_372 = arith.addi %iota3A_369, %add3A_371 : vector<16xi32>
    %mul3A_373 = arith.constant 129 : i32
    %mul3A_374 = vector.broadcast %mul3A_373 : i32 to vector<16xi32>
    %mul3A_375 = arith.muli %add3A_372, %mul3A_374 : vector<16xi32>
    %add3A_376 = arith.constant 0 : i32
    %add3A_377 = vector.broadcast %add3A_376 : i32 to vector<16xi32>
    %add3A_378 = arith.addi %mul3A_375, %add3A_377 : vector<16xi32>
    %get3A_379 = arith.constant 3 : i32
    %get3A_380 = arith.index_cast %get3A_379 : i32 to index
    %get3A_381 = arith.constant 0 : index
    %get3A_382 = tpu.vector_load %arg5[%get3A_380, %get3A_381] {strides = array<i32>} : memref<32x128xf32, #tpu.memory_space<vmem>>, vector<16xf32>,
    %exp3A_383 = math.exp %get3A_382 : vector<16xf32>
    tpu.vector_store_idx %arg7[%add3A_378], %exp3A_383 : memref<49152xf32, #tpu.memory_space<vmem>>[vector<16xi32>], vector<16xf32>,
    %iota3A_384 = tpu.iota {dimensions = array<i32: 0>} : vector<16xi32>
    %add3A_385 = arith.constant 16 : i32
    %add3A_386 = vector.broadcast %add3A_385 : i32 to vector<16xi32>
    %add3A_387 = arith.addi %iota3A_384, %add3A_386 : vector<16xi32>
    %mul3A_388 = arith.constant 129 : i32
    %mul3A_389 = vector.broadcast %mul3A_388 : i32 to vector<16xi32>
    %mul3A_390 = arith.muli %add3A_387, %mul3A_389 : vector<16xi32>
    %add3A_391 = arith.constant 0 : i32
    %add3A_392 = vector.broadcast %add3A_391 : i32 to vector<16xi32>
    %add3A_393 = arith.addi %mul3A_390, %add3A_392 : vector<16xi32>
    %get3A_394 = arith.constant 3 : i32
    %get3A_395 = arith.index_cast %get3A_394 : i32 to index
    %get3A_396 = arith.constant 16 : index
    %get3A_397 = tpu.vector_load %arg5[%get3A_395, %get3A_396] {strides = array<i32>} : memref<32x128xf32, #tpu.memory_space<vmem>>, vector<16xf32>,
    %exp3A_398 = math.exp %get3A_397 : vector<16xf32>
    tpu.vector_store_idx %arg7[%add3A_393], %exp3A_398 : memref<49152xf32, #tpu.memory_space<vmem>>[vector<16xi32>], vector<16xf32>,
    %iota3A_399 = tpu.iota {dimensions = array<i32: 0>} : vector<16xi32>
    %add3A_400 = arith.constant 32 : i32
    %add3A_401 = vector.broadcast %add3A_400 : i32 to vector<16xi32>
    %add3A_402 = arith.addi %iota3A_399, %add3A_401 : vector<16xi32>
    %mul3A_403 = arith.constant 129 : i32
    %mul3A_404 = vector.broadcast %mul3A_403 : i32 to vector<16xi32>
    %mul3A_405 = arith.muli %add3A_402, %mul3A_404 : vector<16xi32>
    %add3A_406 = arith.constant 0 : i32
    %add3A_407 = vector.broadcast %add3A_406 : i32 to vector<16xi32>
    %add3A_408 = arith.addi %mul3A_405, %add3A_407 : vector<16xi32>
    %get3A_409 = arith.constant 3 : i32
    %get3A_410 = arith.index_cast %get3A_409 : i32 to index
    %get3A_411 = arith.constant 32 : index
    %get3A_412 = tpu.vector_load %arg5[%get3A_410, %get3A_411] {strides = array<i32>} : memref<32x128xf32, #tpu.memory_space<vmem>>, vector<16xf32>,
    %exp3A_413 = math.exp %get3A_412 : vector<16xf32>
    tpu.vector_store_idx %arg7[%add3A_408], %exp3A_413 : memref<49152xf32, #tpu.memory_space<vmem>>[vector<16xi32>], vector<16xf32>,
    %iota3A_414 = tpu.iota {dimensions = array<i32: 0>} : vector<16xi32>
    %add3A_415 = arith.constant 48 : i32
    %add3A_416 = vector.broadcast %add3A_415 : i32 to vector<16xi32>
    %add3A_417 = arith.addi %iota3A_414, %add3A_416 : vector<16xi32>
    %mul3A_418 = arith.constant 129 : i32
    %mul3A_419 = vector.broadcast %mul3A_418 : i32 to vector<16xi32>
    %mul3A_420 = arith.muli %add3A_417, %mul3A_419 : vector<16xi32>
    %add3A_421 = arith.constant 0 : i32
    %add3A_422 = vector.broadcast %add3A_421 : i32 to vector<16xi32>
    %add3A_423 = arith.addi %mul3A_420, %add3A_422 : vector<16xi32>
    %get3A_424 = arith.constant 3 : i32
    %get3A_425 = arith.index_cast %get3A_424 : i32 to index
    %get3A_426 = arith.constant 48 : index
    %get3A_427 = tpu.vector_load %arg5[%get3A_425, %get3A_426] {strides = array<i32>} : memref<32x128xf32, #tpu.memory_space<vmem>>, vector<16xf32>,
    %exp3A_428 = math.exp %get3A_427 : vector<16xf32>
    tpu.vector_store_idx %arg7[%add3A_423], %exp3A_428 : memref<49152xf32, #tpu.memory_space<vmem>>[vector<16xi32>], vector<16xf32>,
    %iota3A_429 = tpu.iota {dimensions = array<i32: 0>} : vector<16xi32>
    %add3A_430 = arith.constant 64 : i32
    %add3A_431 = vector.broadcast %add3A_430 : i32 to vector<16xi32>
    %add3A_432 = arith.addi %iota3A_429, %add3A_431 : vector<16xi32>
    %mul3A_433 = arith.constant 129 : i32
    %mul3A_434 = vector.broadcast %mul3A_433 : i32 to vector<16xi32>
    %mul3A_435 = arith.muli %add3A_432, %mul3A_434 : vector<16xi32>
    %add3A_436 = arith.constant 0 : i32
    %add3A_437 = vector.broadcast %add3A_436 : i32 to vector<16xi32>
    %add3A_438 = arith.addi %mul3A_435, %add3A_437 : vector<16xi32>
    %get3A_439 = arith.constant 3 : i32
    %get3A_440 = arith.index_cast %get3A_439 : i32 to index
    %get3A_441 = arith.constant 64 : index
    %get3A_442 = tpu.vector_load %arg5[%get3A_440, %get3A_441] {strides = array<i32>} : memref<32x128xf32, #tpu.memory_space<vmem>>, vector<16xf32>,
    %exp3A_443 = math.exp %get3A_442 : vector<16xf32>
    tpu.vector_store_idx %arg7[%add3A_438], %exp3A_443 : memref<49152xf32, #tpu.memory_space<vmem>>[vector<16xi32>], vector<16xf32>,
    %iota3A_444 = tpu.iota {dimensions = array<i32: 0>} : vector<16xi32>
    %add3A_445 = arith.constant 80 : i32
    %add3A_446 = vector.broadcast %add3A_445 : i32 to vector<16xi32>
    %add3A_447 = arith.addi %iota3A_444, %add3A_446 : vector<16xi32>
    %mul3A_448 = arith.constant 129 : i32
    %mul3A_449 = vector.broadcast %mul3A_448 : i32 to vector<16xi32>
    %mul3A_450 = arith.muli %add3A_447, %mul3A_449 : vector<16xi32>
    %add3A_451 = arith.constant 0 : i32
    %add3A_452 = vector.broadcast %add3A_451 : i32 to vector<16xi32>
    %add3A_453 = arith.addi %mul3A_450, %add3A_452 : vector<16xi32>
    %get3A_454 = arith.constant 3 : i32
    %get3A_455 = arith.index_cast %get3A_454 : i32 to index
    %get3A_456 = arith.constant 80 : index
    %get3A_457 = tpu.vector_load %arg5[%get3A_455, %get3A_456] {strides = array<i32>} : memref<32x128xf32, #tpu.memory_space<vmem>>, vector<16xf32>,
    %exp3A_458 = math.exp %get3A_457 : vector<16xf32>
    tpu.vector_store_idx %arg7[%add3A_453], %exp3A_458 : memref<49152xf32, #tpu.memory_space<vmem>>[vector<16xi32>], vector<16xf32>,
    %iota3A_459 = tpu.iota {dimensions = array<i32: 0>} : vector<16xi32>
    %add3A_460 = arith.constant 96 : i32
    %add3A_461 = vector.broadcast %add3A_460 : i32 to vector<16xi32>
    %add3A_462 = arith.addi %iota3A_459, %add3A_461 : vector<16xi32>
    %mul3A_463 = arith.constant 129 : i32
    %mul3A_464 = vector.broadcast %mul3A_463 : i32 to vector<16xi32>
    %mul3A_465 = arith.muli %add3A_462, %mul3A_464 : vector<16xi32>
    %add3A_466 = arith.constant 0 : i32
    %add3A_467 = vector.broadcast %add3A_466 : i32 to vector<16xi32>
    %add3A_468 = arith.addi %mul3A_465, %add3A_467 : vector<16xi32>
    %get3A_469 = arith.constant 3 : i32
    %get3A_470 = arith.index_cast %get3A_469 : i32 to index
    %get3A_471 = arith.constant 96 : index
    %get3A_472 = tpu.vector_load %arg5[%get3A_470, %get3A_471] {strides = array<i32>} : memref<32x128xf32, #tpu.memory_space<vmem>>, vector<16xf32>,
    %exp3A_473 = math.exp %get3A_472 : vector<16xf32>
    tpu.vector_store_idx %arg7[%add3A_468], %exp3A_473 : memref<49152xf32, #tpu.memory_space<vmem>>[vector<16xi32>], vector<16xf32>,
    %iota3A_474 = tpu.iota {dimensions = array<i32: 0>} : vector<16xi32>
    %add3A_475 = arith.constant 112 : i32
    %add3A_476 = vector.broadcast %add3A_475 : i32 to vector<16xi32>
    %add3A_477 = arith.addi %iota3A_474, %add3A_476 : vector<16xi32>
    %mul3A_478 = arith.constant 129 : i32
    %mul3A_479 = vector.broadcast %mul3A_478 : i32 to vector<16xi32>
    %mul3A_480 = arith.muli %add3A_477, %mul3A_479 : vector<16xi32>
    %add3A_481 = arith.constant 0 : i32
    %add3A_482 = vector.broadcast %add3A_481 : i32 to vector<16xi32>
    %add3A_483 = arith.addi %mul3A_480, %add3A_482 : vector<16xi32>
    %get3A_484 = arith.constant 3 : i32
    %get3A_485 = arith.index_cast %get3A_484 : i32 to index
    %get3A_486 = arith.constant 112 : index
    %get3A_487 = tpu.vector_load %arg5[%get3A_485, %get3A_486] {strides = array<i32>} : memref<32x128xf32, #tpu.memory_space<vmem>>, vector<16xf32>,
    %exp3A_488 = math.exp %get3A_487 : vector<16xf32>
    tpu.vector_store_idx %arg7[%add3A_483], %exp3A_488 : memref<49152xf32, #tpu.memory_space<vmem>>[vector<16xi32>], vector<16xf32>,
    %iota3A_489 = tpu.iota {dimensions = array<i32: 0>} : vector<16xi32>
    %add3A_490 = arith.constant 0 : i32
    %add3A_491 = vector.broadcast %add3A_490 : i32 to vector<16xi32>
    %add3A_492 = arith.addi %iota3A_489, %add3A_491 : vector<16xi32>
    %mul3A_493 = arith.constant 129 : i32
    %mul3A_494 = vector.broadcast %mul3A_493 : i32 to vector<16xi32>
    %mul3A_495 = arith.muli %add3A_492, %mul3A_494 : vector<16xi32>
    %add3A_496 = arith.constant 16384 : i32
    %add3A_497 = vector.broadcast %add3A_496 : i32 to vector<16xi32>
    %add3A_498 = arith.addi %mul3A_495, %add3A_497 : vector<16xi32>
    %get3A_499 = arith.constant 4 : i32
    %get3A_500 = arith.index_cast %get3A_499 : i32 to index
    %get3A_501 = arith.constant 0 : index
    %get3A_502 = tpu.vector_load %arg5[%get3A_500, %get3A_501] {strides = array<i32>} : memref<32x128xf32, #tpu.memory_space<vmem>>, vector<16xf32>,
    %exp3A_503 = math.exp %get3A_502 : vector<16xf32>
    tpu.vector_store_idx %arg7[%add3A_498], %exp3A_503 : memref<49152xf32, #tpu.memory_space<vmem>>[vector<16xi32>], vector<16xf32>,
    %iota3A_504 = tpu.iota {dimensions = array<i32: 0>} : vector<16xi32>
    %add3A_505 = arith.constant 16 : i32
    %add3A_506 = vector.broadcast %add3A_505 : i32 to vector<16xi32>
    %add3A_507 = arith.addi %iota3A_504, %add3A_506 : vector<16xi32>
    %mul3A_508 = arith.constant 129 : i32
    %mul3A_509 = vector.broadcast %mul3A_508 : i32 to vector<16xi32>
    %mul3A_510 = arith.muli %add3A_507, %mul3A_509 : vector<16xi32>
    %add3A_511 = arith.constant 16384 : i32
    %add3A_512 = vector.broadcast %add3A_511 : i32 to vector<16xi32>
    %add3A_513 = arith.addi %mul3A_510, %add3A_512 : vector<16xi32>
    %get3A_514 = arith.constant 4 : i32
    %get3A_515 = arith.index_cast %get3A_514 : i32 to index
    %get3A_516 = arith.constant 16 : index
    %get3A_517 = tpu.vector_load %arg5[%get3A_515, %get3A_516] {strides = array<i32>} : memref<32x128xf32, #tpu.memory_space<vmem>>, vector<16xf32>,
    %exp3A_518 = math.exp %get3A_517 : vector<16xf32>
    tpu.vector_store_idx %arg7[%add3A_513], %exp3A_518 : memref<49152xf32, #tpu.memory_space<vmem>>[vector<16xi32>], vector<16xf32>,
    %iota3A_519 = tpu.iota {dimensions = array<i32: 0>} : vector<16xi32>
    %add3A_520 = arith.constant 32 : i32
    %add3A_521 = vector.broadcast %add3A_520 : i32 to vector<16xi32>
    %add3A_522 = arith.addi %iota3A_519, %add3A_521 : vector<16xi32>
    %mul3A_523 = arith.constant 129 : i32
    %mul3A_524 = vector.broadcast %mul3A_523 : i32 to vector<16xi32>
    %mul3A_525 = arith.muli %add3A_522, %mul3A_524 : vector<16xi32>
    %add3A_526 = arith.constant 16384 : i32
    %add3A_527 = vector.broadcast %add3A_526 : i32 to vector<16xi32>
    %add3A_528 = arith.addi %mul3A_525, %add3A_527 : vector<16xi32>
    %get3A_529 = arith.constant 4 : i32
    %get3A_530 = arith.index_cast %get3A_529 : i32 to index
    %get3A_531 = arith.constant 32 : index
    %get3A_532 = tpu.vector_load %arg5[%get3A_530, %get3A_531] {strides = array<i32>} : memref<32x128xf32, #tpu.memory_space<vmem>>, vector<16xf32>,
    %exp3A_533 = math.exp %get3A_532 : vector<16xf32>
    tpu.vector_store_idx %arg7[%add3A_528], %exp3A_533 : memref<49152xf32, #tpu.memory_space<vmem>>[vector<16xi32>], vector<16xf32>,
    %iota3A_534 = tpu.iota {dimensions = array<i32: 0>} : vector<16xi32>
    %add3A_535 = arith.constant 48 : i32
    %add3A_536 = vector.broadcast %add3A_535 : i32 to vector<16xi32>
    %add3A_537 = arith.addi %iota3A_534, %add3A_536 : vector<16xi32>
    %mul3A_538 = arith.constant 129 : i32
    %mul3A_539 = vector.broadcast %mul3A_538 : i32 to vector<16xi32>
    %mul3A_540 = arith.muli %add3A_537, %mul3A_539 : vector<16xi32>
    %add3A_541 = arith.constant 16384 : i32
    %add3A_542 = vector.broadcast %add3A_541 : i32 to vector<16xi32>
    %add3A_543 = arith.addi %mul3A_540, %add3A_542 : vector<16xi32>
    %get3A_544 = arith.constant 4 : i32
    %get3A_545 = arith.index_cast %get3A_544 : i32 to index
    %get3A_546 = arith.constant 48 : index
    %get3A_547 = tpu.vector_load %arg5[%get3A_545, %get3A_546] {strides = array<i32>} : memref<32x128xf32, #tpu.memory_space<vmem>>, vector<16xf32>,
    %exp3A_548 = math.exp %get3A_547 : vector<16xf32>
    tpu.vector_store_idx %arg7[%add3A_543], %exp3A_548 : memref<49152xf32, #tpu.memory_space<vmem>>[vector<16xi32>], vector<16xf32>,
    %iota3A_549 = tpu.iota {dimensions = array<i32: 0>} : vector<16xi32>
    %add3A_550 = arith.constant 64 : i32
    %add3A_551 = vector.broadcast %add3A_550 : i32 to vector<16xi32>
    %add3A_552 = arith.addi %iota3A_549, %add3A_551 : vector<16xi32>
    %mul3A_553 = arith.constant 129 : i32
    %mul3A_554 = vector.broadcast %mul3A_553 : i32 to vector<16xi32>
    %mul3A_555 = arith.muli %add3A_552, %mul3A_554 : vector<16xi32>
    %add3A_556 = arith.constant 16384 : i32
    %add3A_557 = vector.broadcast %add3A_556 : i32 to vector<16xi32>
    %add3A_558 = arith.addi %mul3A_555, %add3A_557 : vector<16xi32>
    %get3A_559 = arith.constant 4 : i32
    %get3A_560 = arith.index_cast %get3A_559 : i32 to index
    %get3A_561 = arith.constant 64 : index
    %get3A_562 = tpu.vector_load %arg5[%get3A_560, %get3A_561] {strides = array<i32>} : memref<32x128xf32, #tpu.memory_space<vmem>>, vector<16xf32>,
    %exp3A_563 = math.exp %get3A_562 : vector<16xf32>
    tpu.vector_store_idx %arg7[%add3A_558], %exp3A_563 : memref<49152xf32, #tpu.memory_space<vmem>>[vector<16xi32>], vector<16xf32>,
    %iota3A_564 = tpu.iota {dimensions = array<i32: 0>} : vector<16xi32>
    %add3A_565 = arith.constant 80 : i32
    %add3A_566 = vector.broadcast %add3A_565 : i32 to vector<16xi32>
    %add3A_567 = arith.addi %iota3A_564, %add3A_566 : vector<16xi32>
    %mul3A_568 = arith.constant 129 : i32
    %mul3A_569 = vector.broadcast %mul3A_568 : i32 to vector<16xi32>
    %mul3A_570 = arith.muli %add3A_567, %mul3A_569 : vector<16xi32>
    %add3A_571 = arith.constant 16384 : i32
    %add3A_572 = vector.broadcast %add3A_571 : i32 to vector<16xi32>
    %add3A_573 = arith.addi %mul3A_570, %add3A_572 : vector<16xi32>
    %get3A_574 = arith.constant 4 : i32
    %get3A_575 = arith.index_cast %get3A_574 : i32 to index
    %get3A_576 = arith.constant 80 : index
    %get3A_577 = tpu.vector_load %arg5[%get3A_575, %get3A_576] {strides = array<i32>} : memref<32x128xf32, #tpu.memory_space<vmem>>, vector<16xf32>,
    %exp3A_578 = math.exp %get3A_577 : vector<16xf32>
    tpu.vector_store_idx %arg7[%add3A_573], %exp3A_578 : memref<49152xf32, #tpu.memory_space<vmem>>[vector<16xi32>], vector<16xf32>,
    %iota3A_579 = tpu.iota {dimensions = array<i32: 0>} : vector<16xi32>
    %add3A_580 = arith.constant 96 : i32
    %add3A_581 = vector.broadcast %add3A_580 : i32 to vector<16xi32>
    %add3A_582 = arith.addi %iota3A_579, %add3A_581 : vector<16xi32>
    %mul3A_583 = arith.constant 129 : i32
    %mul3A_584 = vector.broadcast %mul3A_583 : i32 to vector<16xi32>
    %mul3A_585 = arith.muli %add3A_582, %mul3A_584 : vector<16xi32>
    %add3A_586 = arith.constant 16384 : i32
    %add3A_587 = vector.broadcast %add3A_586 : i32 to vector<16xi32>
    %add3A_588 = arith.addi %mul3A_585, %add3A_587 : vector<16xi32>
    %get3A_589 = arith.constant 4 : i32
    %get3A_590 = arith.index_cast %get3A_589 : i32 to index
    %get3A_591 = arith.constant 96 : index
    %get3A_592 = tpu.vector_load %arg5[%get3A_590, %get3A_591] {strides = array<i32>} : memref<32x128xf32, #tpu.memory_space<vmem>>, vector<16xf32>,
    %exp3A_593 = math.exp %get3A_592 : vector<16xf32>
    tpu.vector_store_idx %arg7[%add3A_588], %exp3A_593 : memref<49152xf32, #tpu.memory_space<vmem>>[vector<16xi32>], vector<16xf32>,
    %iota3A_594 = tpu.iota {dimensions = array<i32: 0>} : vector<16xi32>
    %add3A_595 = arith.constant 112 : i32
    %add3A_596 = vector.broadcast %add3A_595 : i32 to vector<16xi32>
    %add3A_597 = arith.addi %iota3A_594, %add3A_596 : vector<16xi32>
    %mul3A_598 = arith.constant 129 : i32
    %mul3A_599 = vector.broadcast %mul3A_598 : i32 to vector<16xi32>
    %mul3A_600 = arith.muli %add3A_597, %mul3A_599 : vector<16xi32>
    %add3A_601 = arith.constant 16384 : i32
    %add3A_602 = vector.broadcast %add3A_601 : i32 to vector<16xi32>
    %add3A_603 = arith.addi %mul3A_600, %add3A_602 : vector<16xi32>
    %get3A_604 = arith.constant 4 : i32
    %get3A_605 = arith.index_cast %get3A_604 : i32 to index
    %get3A_606 = arith.constant 112 : index
    %get3A_607 = tpu.vector_load %arg5[%get3A_605, %get3A_606] {strides = array<i32>} : memref<32x128xf32, #tpu.memory_space<vmem>>, vector<16xf32>,
    %exp3A_608 = math.exp %get3A_607 : vector<16xf32>
    tpu.vector_store_idx %arg7[%add3A_603], %exp3A_608 : memref<49152xf32, #tpu.memory_space<vmem>>[vector<16xi32>], vector<16xf32>,
    %iota3A_609 = tpu.iota {dimensions = array<i32: 0>} : vector<16xi32>
    %add3A_610 = arith.constant 0 : i32
    %add3A_611 = vector.broadcast %add3A_610 : i32 to vector<16xi32>
    %add3A_612 = arith.addi %iota3A_609, %add3A_611 : vector<16xi32>
    %mul3A_613 = arith.constant 129 : i32
    %mul3A_614 = vector.broadcast %mul3A_613 : i32 to vector<16xi32>
    %mul3A_615 = arith.muli %add3A_612, %mul3A_614 : vector<16xi32>
    %add3A_616 = arith.constant 32768 : i32
    %add3A_617 = vector.broadcast %add3A_616 : i32 to vector<16xi32>
    %add3A_618 = arith.addi %mul3A_615, %add3A_617 : vector<16xi32>
    %get3A_619 = arith.constant 5 : i32
    %get3A_620 = arith.index_cast %get3A_619 : i32 to index
    %get3A_621 = arith.constant 0 : index
    %get3A_622 = tpu.vector_load %arg5[%get3A_620, %get3A_621] {strides = array<i32>} : memref<32x128xf32, #tpu.memory_space<vmem>>, vector<16xf32>,
    %exp3A_623 = math.exp %get3A_622 : vector<16xf32>
    tpu.vector_store_idx %arg7[%add3A_618], %exp3A_623 : memref<49152xf32, #tpu.memory_space<vmem>>[vector<16xi32>], vector<16xf32>,
    %iota3A_624 = tpu.iota {dimensions = array<i32: 0>} : vector<16xi32>
    %add3A_625 = arith.constant 16 : i32
    %add3A_626 = vector.broadcast %add3A_625 : i32 to vector<16xi32>
    %add3A_627 = arith.addi %iota3A_624, %add3A_626 : vector<16xi32>
    %mul3A_628 = arith.constant 129 : i32
    %mul3A_629 = vector.broadcast %mul3A_628 : i32 to vector<16xi32>
    %mul3A_630 = arith.muli %add3A_627, %mul3A_629 : vector<16xi32>
    %add3A_631 = arith.constant 32768 : i32
    %add3A_632 = vector.broadcast %add3A_631 : i32 to vector<16xi32>
    %add3A_633 = arith.addi %mul3A_630, %add3A_632 : vector<16xi32>
    %get3A_634 = arith.constant 5 : i32
    %get3A_635 = arith.index_cast %get3A_634 : i32 to index
    %get3A_636 = arith.constant 16 : index
    %get3A_637 = tpu.vector_load %arg5[%get3A_635, %get3A_636] {strides = array<i32>} : memref<32x128xf32, #tpu.memory_space<vmem>>, vector<16xf32>,
    %exp3A_638 = math.exp %get3A_637 : vector<16xf32>
    tpu.vector_store_idx %arg7[%add3A_633], %exp3A_638 : memref<49152xf32, #tpu.memory_space<vmem>>[vector<16xi32>], vector<16xf32>,
    %iota3A_639 = tpu.iota {dimensions = array<i32: 0>} : vector<16xi32>
    %add3A_640 = arith.constant 32 : i32
    %add3A_641 = vector.broadcast %add3A_640 : i32 to vector<16xi32>
    %add3A_642 = arith.addi %iota3A_639, %add3A_641 : vector<16xi32>
    %mul3A_643 = arith.constant 129 : i32
    %mul3A_644 = vector.broadcast %mul3A_643 : i32 to vector<16xi32>
    %mul3A_645 = arith.muli %add3A_642, %mul3A_644 : vector<16xi32>
    %add3A_646 = arith.constant 32768 : i32
    %add3A_647 = vector.broadcast %add3A_646 : i32 to vector<16xi32>
    %add3A_648 = arith.addi %mul3A_645, %add3A_647 : vector<16xi32>
    %get3A_649 = arith.constant 5 : i32
    %get3A_650 = arith.index_cast %get3A_649 : i32 to index
    %get3A_651 = arith.constant 32 : index
    %get3A_652 = tpu.vector_load %arg5[%get3A_650, %get3A_651] {strides = array<i32>} : memref<32x128xf32, #tpu.memory_space<vmem>>, vector<16xf32>,
    %exp3A_653 = math.exp %get3A_652 : vector<16xf32>
    tpu.vector_store_idx %arg7[%add3A_648], %exp3A_653 : memref<49152xf32, #tpu.memory_space<vmem>>[vector<16xi32>], vector<16xf32>,
    %iota3A_654 = tpu.iota {dimensions = array<i32: 0>} : vector<16xi32>
    %add3A_655 = arith.constant 48 : i32
    %add3A_656 = vector.broadcast %add3A_655 : i32 to vector<16xi32>
    %add3A_657 = arith.addi %iota3A_654, %add3A_656 : vector<16xi32>
    %mul3A_658 = arith.constant 129 : i32
    %mul3A_659 = vector.broadcast %mul3A_658 : i32 to vector<16xi32>
    %mul3A_660 = arith.muli %add3A_657, %mul3A_659 : vector<16xi32>
    %add3A_661 = arith.constant 32768 : i32
    %add3A_662 = vector.broadcast %add3A_661 : i32 to vector<16xi32>
    %add3A_663 = arith.addi %mul3A_660, %add3A_662 : vector<16xi32>
    %get3A_664 = arith.constant 5 : i32
    %get3A_665 = arith.index_cast %get3A_664 : i32 to index
    %get3A_666 = arith.constant 48 : index
    %get3A_667 = tpu.vector_load %arg5[%get3A_665, %get3A_666] {strides = array<i32>} : memref<32x128xf32, #tpu.memory_space<vmem>>, vector<16xf32>,
    %exp3A_668 = math.exp %get3A_667 : vector<16xf32>
    tpu.vector_store_idx %arg7[%add3A_663], %exp3A_668 : memref<49152xf32, #tpu.memory_space<vmem>>[vector<16xi32>], vector<16xf32>,
    %iota3A_669 = tpu.iota {dimensions = array<i32: 0>} : vector<16xi32>
    %add3A_670 = arith.constant 64 : i32
    %add3A_671 = vector.broadcast %add3A_670 : i32 to vector<16xi32>
    %add3A_672 = arith.addi %iota3A_669, %add3A_671 : vector<16xi32>
    %mul3A_673 = arith.constant 129 : i32
    %mul3A_674 = vector.broadcast %mul3A_673 : i32 to vector<16xi32>
    %mul3A_675 = arith.muli %add3A_672, %mul3A_674 : vector<16xi32>
    %add3A_676 = arith.constant 32768 : i32
    %add3A_677 = vector.broadcast %add3A_676 : i32 to vector<16xi32>
    %add3A_678 = arith.addi %mul3A_675, %add3A_677 : vector<16xi32>
    %get3A_679 = arith.constant 5 : i32
    %get3A_680 = arith.index_cast %get3A_679 : i32 to index
    %get3A_681 = arith.constant 64 : index
    %get3A_682 = tpu.vector_load %arg5[%get3A_680, %get3A_681] {strides = array<i32>} : memref<32x128xf32, #tpu.memory_space<vmem>>, vector<16xf32>,
    %exp3A_683 = math.exp %get3A_682 : vector<16xf32>
    tpu.vector_store_idx %arg7[%add3A_678], %exp3A_683 : memref<49152xf32, #tpu.memory_space<vmem>>[vector<16xi32>], vector<16xf32>,
    %iota3A_684 = tpu.iota {dimensions = array<i32: 0>} : vector<16xi32>
    %add3A_685 = arith.constant 80 : i32
    %add3A_686 = vector.broadcast %add3A_685 : i32 to vector<16xi32>
    %add3A_687 = arith.addi %iota3A_684, %add3A_686 : vector<16xi32>
    %mul3A_688 = arith.constant 129 : i32
    %mul3A_689 = vector.broadcast %mul3A_688 : i32 to vector<16xi32>
    %mul3A_690 = arith.muli %add3A_687, %mul3A_689 : vector<16xi32>
    %add3A_691 = arith.constant 32768 : i32
    %add3A_692 = vector.broadcast %add3A_691 : i32 to vector<16xi32>
    %add3A_693 = arith.addi %mul3A_690, %add3A_692 : vector<16xi32>
    %get3A_694 = arith.constant 5 : i32
    %get3A_695 = arith.index_cast %get3A_694 : i32 to index
    %get3A_696 = arith.constant 80 : index
    %get3A_697 = tpu.vector_load %arg5[%get3A_695, %get3A_696] {strides = array<i32>} : memref<32x128xf32, #tpu.memory_space<vmem>>, vector<16xf32>,
    %exp3A_698 = math.exp %get3A_697 : vector<16xf32>
    tpu.vector_store_idx %arg7[%add3A_693], %exp3A_698 : memref<49152xf32, #tpu.memory_space<vmem>>[vector<16xi32>], vector<16xf32>,
    %iota3A_699 = tpu.iota {dimensions = array<i32: 0>} : vector<16xi32>
    %add3A_700 = arith.constant 96 : i32
    %add3A_701 = vector.broadcast %add3A_700 : i32 to vector<16xi32>
    %add3A_702 = arith.addi %iota3A_699, %add3A_701 : vector<16xi32>
    %mul3A_703 = arith.constant 129 : i32
    %mul3A_704 = vector.broadcast %mul3A_703 : i32 to vector<16xi32>
    %mul3A_705 = arith.muli %add3A_702, %mul3A_704 : vector<16xi32>
    %add3A_706 = arith.constant 32768 : i32
    %add3A_707 = vector.broadcast %add3A_706 : i32 to vector<16xi32>
    %add3A_708 = arith.addi %mul3A_705, %add3A_707 : vector<16xi32>
    %get3A_709 = arith.constant 5 : i32
    %get3A_710 = arith.index_cast %get3A_709 : i32 to index
    %get3A_711 = arith.constant 96 : index
    %get3A_712 = tpu.vector_load %arg5[%get3A_710, %get3A_711] {strides = array<i32>} : memref<32x128xf32, #tpu.memory_space<vmem>>, vector<16xf32>,
    %exp3A_713 = math.exp %get3A_712 : vector<16xf32>
    tpu.vector_store_idx %arg7[%add3A_708], %exp3A_713 : memref<49152xf32, #tpu.memory_space<vmem>>[vector<16xi32>], vector<16xf32>,
    %iota3A_714 = tpu.iota {dimensions = array<i32: 0>} : vector<16xi32>
    %add3A_715 = arith.constant 112 : i32
    %add3A_716 = vector.broadcast %add3A_715 : i32 to vector<16xi32>
    %add3A_717 = arith.addi %iota3A_714, %add3A_716 : vector<16xi32>
    %mul3A_718 = arith.constant 129 : i32
    %mul3A_719 = vector.broadcast %mul3A_718 : i32 to vector<16xi32>
    %mul3A_720 = arith.muli %add3A_717, %mul3A_719 : vector<16xi32>
    %add3A_721 = arith.constant 32768 : i32
    %add3A_722 = vector.broadcast %add3A_721 : i32 to vector<16xi32>
    %add3A_723 = arith.addi %mul3A_720, %add3A_722 : vector<16xi32>
    %get3A_724 = arith.constant 5 : i32
    %get3A_725 = arith.index_cast %get3A_724 : i32 to index
    %get3A_726 = arith.constant 112 : index
    %get3A_727 = tpu.vector_load %arg5[%get3A_725, %get3A_726] {strides = array<i32>} : memref<32x128xf32, #tpu.memory_space<vmem>>, vector<16xf32>,
    %exp3A_728 = math.exp %get3A_727 : vector<16xf32>
    tpu.vector_store_idx %arg7[%add3A_723], %exp3A_728 : memref<49152xf32, #tpu.memory_space<vmem>>[vector<16xi32>], vector<16xf32>,
    %add3A_729 = arith.constant 3 : i32
    %add3A_730 = arith.addi %mul3A_2, %add3A_729 : i32
    %mul3A_731 = arith.constant 16384 : i32
    %mul3A_732 = arith.muli %add3A_730, %mul3A_731 : i32
    %dma_start3A_733 = arith.constant 0 : i32
    %dma_start3A_734 = tpu.memref_slice %arg7[%dma_start3A_733] : memref<49152xf32, #tpu.memory_space<vmem>> -> memref<49152xf32, #tpu.memory_space<vmem>>
    %dma_start3A_735 = tpu.memref_slice %arg4[%mul3A_732] : memref<16777216xf32, #tpu.memory_space<hbm>> -> memref<49152xf32, #tpu.memory_space<hbm>>
    %dma_start3A_736 = tpu.memref_slice %arg4[%mul3A_732] : memref<16777216xf32, #tpu.memory_space<hbm>> -> memref<49152xf32, #tpu.memory_space<hbm>>
    %dma_start3A_737 = arith.constant 0 : i32
    %dma_start3A_738 = tpu.memref_slice %arg7[%dma_start3A_737] : memref<49152xf32, #tpu.memory_space<vmem>> -> memref<49152xf32, #tpu.memory_space<vmem>>
    tpu.enqueue_dma source(%dma_start3A_738 : memref<49152xf32, #tpu.memory_space<vmem>>) target(%dma_start3A_736 : memref<49152xf32, #tpu.memory_space<hbm>>) target_semaphore(%arg9 : memref<!tpu.dma_semaphore, #tpu.memory_space<semaphore_mem>>)
    %dma_wait3A = arith.constant 0 : i32
    %dma_wait3A_739 = tpu.memref_slice %arg6[%dma_wait3A] : memref<49152xf32, #tpu.memory_space<vmem>> -> memref<49152xf32, #tpu.memory_space<vmem>>
    %dma_wait3A_740 = tpu.memref_slice %arg4[%mul3A_363] : memref<16777216xf32, #tpu.memory_space<hbm>> -> memref<49152xf32, #tpu.memory_space<hbm>>
    %dma_wait3A_741 = tpu.memref_slice %arg4[%mul3A_363] : memref<16777216xf32, #tpu.memory_space<hbm>> -> memref<49152xf32, #tpu.memory_space<hbm>>
    %dma_wait3A_742 = arith.constant 0 : i32
    %dma_wait3A_743 = tpu.memref_slice %arg6[%dma_wait3A_742] : memref<49152xf32, #tpu.memory_space<vmem>> -> memref<49152xf32, #tpu.memory_space<vmem>>
    tpu.wait_dma2 semaphore(%arg8 : memref<!tpu.dma_semaphore, #tpu.memory_space<semaphore_mem>>) src(%dma_wait3A_743 : memref<49152xf32, #tpu.memory_space<vmem>>) dst(%dma_wait3A_741 : memref<49152xf32, #tpu.memory_space<hbm>>)
    %iota3A_744 = tpu.iota {dimensions = array<i32: 0>} : vector<16xi32>
    %add3A_745 = arith.constant 0 : i32
    %add3A_746 = vector.broadcast %add3A_745 : i32 to vector<16xi32>
    %add3A_747 = arith.addi %iota3A_744, %add3A_746 : vector<16xi32>
    %mul3A_748 = arith.constant 129 : i32
    %mul3A_749 = vector.broadcast %mul3A_748 : i32 to vector<16xi32>
    %mul3A_750 = arith.muli %add3A_747, %mul3A_749 : vector<16xi32>
    %add3A_751 = arith.constant 0 : i32
    %add3A_752 = vector.broadcast %add3A_751 : i32 to vector<16xi32>
    %add3A_753 = arith.addi %mul3A_750, %add3A_752 : vector<16xi32>
    %get3A_754 = arith.constant 6 : i32
    %get3A_755 = arith.index_cast %get3A_754 : i32 to index
    %get3A_756 = arith.constant 0 : index
    %get3A_757 = tpu.vector_load %arg5[%get3A_755, %get3A_756] {strides = array<i32>} : memref<32x128xf32, #tpu.memory_space<vmem>>, vector<16xf32>,
    %exp3A_758 = math.exp %get3A_757 : vector<16xf32>
    tpu.vector_store_idx %arg6[%add3A_753], %exp3A_758 : memref<49152xf32, #tpu.memory_space<vmem>>[vector<16xi32>], vector<16xf32>,
    %iota3A_759 = tpu.iota {dimensions = array<i32: 0>} : vector<16xi32>
    %add3A_760 = arith.constant 16 : i32
    %add3A_761 = vector.broadcast %add3A_760 : i32 to vector<16xi32>
    %add3A_762 = arith.addi %iota3A_759, %add3A_761 : vector<16xi32>
    %mul3A_763 = arith.constant 129 : i32
    %mul3A_764 = vector.broadcast %mul3A_763 : i32 to vector<16xi32>
    %mul3A_765 = arith.muli %add3A_762, %mul3A_764 : vector<16xi32>
    %add3A_766 = arith.constant 0 : i32
    %add3A_767 = vector.broadcast %add3A_766 : i32 to vector<16xi32>
    %add3A_768 = arith.addi %mul3A_765, %add3A_767 : vector<16xi32>
    %get3A_769 = arith.constant 6 : i32
    %get3A_770 = arith.index_cast %get3A_769 : i32 to index
    %get3A_771 = arith.constant 16 : index
    %get3A_772 = tpu.vector_load %arg5[%get3A_770, %get3A_771] {strides = array<i32>} : memref<32x128xf32, #tpu.memory_space<vmem>>, vector<16xf32>,
    %exp3A_773 = math.exp %get3A_772 : vector<16xf32>
    tpu.vector_store_idx %arg6[%add3A_768], %exp3A_773 : memref<49152xf32, #tpu.memory_space<vmem>>[vector<16xi32>], vector<16xf32>,
    %iota3A_774 = tpu.iota {dimensions = array<i32: 0>} : vector<16xi32>
    %add3A_775 = arith.constant 32 : i32
    %add3A_776 = vector.broadcast %add3A_775 : i32 to vector<16xi32>
    %add3A_777 = arith.addi %iota3A_774, %add3A_776 : vector<16xi32>
    %mul3A_778 = arith.constant 129 : i32
    %mul3A_779 = vector.broadcast %mul3A_778 : i32 to vector<16xi32>
    %mul3A_780 = arith.muli %add3A_777, %mul3A_779 : vector<16xi32>
    %add3A_781 = arith.constant 0 : i32
    %add3A_782 = vector.broadcast %add3A_781 : i32 to vector<16xi32>
    %add3A_783 = arith.addi %mul3A_780, %add3A_782 : vector<16xi32>
    %get3A_784 = arith.constant 6 : i32
    %get3A_785 = arith.index_cast %get3A_784 : i32 to index
    %get3A_786 = arith.constant 32 : index
    %get3A_787 = tpu.vector_load %arg5[%get3A_785, %get3A_786] {strides = array<i32>} : memref<32x128xf32, #tpu.memory_space<vmem>>, vector<16xf32>,
    %exp3A_788 = math.exp %get3A_787 : vector<16xf32>
    tpu.vector_store_idx %arg6[%add3A_783], %exp3A_788 : memref<49152xf32, #tpu.memory_space<vmem>>[vector<16xi32>], vector<16xf32>,
    %iota3A_789 = tpu.iota {dimensions = array<i32: 0>} : vector<16xi32>
    %add3A_790 = arith.constant 48 : i32
    %add3A_791 = vector.broadcast %add3A_790 : i32 to vector<16xi32>
    %add3A_792 = arith.addi %iota3A_789, %add3A_791 : vector<16xi32>
    %mul3A_793 = arith.constant 129 : i32
    %mul3A_794 = vector.broadcast %mul3A_793 : i32 to vector<16xi32>
    %mul3A_795 = arith.muli %add3A_792, %mul3A_794 : vector<16xi32>
    %add3A_796 = arith.constant 0 : i32
    %add3A_797 = vector.broadcast %add3A_796 : i32 to vector<16xi32>
    %add3A_798 = arith.addi %mul3A_795, %add3A_797 : vector<16xi32>
    %get3A_799 = arith.constant 6 : i32
    %get3A_800 = arith.index_cast %get3A_799 : i32 to index
    %get3A_801 = arith.constant 48 : index
    %get3A_802 = tpu.vector_load %arg5[%get3A_800, %get3A_801] {strides = array<i32>} : memref<32x128xf32, #tpu.memory_space<vmem>>, vector<16xf32>,
    %exp3A_803 = math.exp %get3A_802 : vector<16xf32>
    tpu.vector_store_idx %arg6[%add3A_798], %exp3A_803 : memref<49152xf32, #tpu.memory_space<vmem>>[vector<16xi32>], vector<16xf32>,
    %iota3A_804 = tpu.iota {dimensions = array<i32: 0>} : vector<16xi32>
    %add3A_805 = arith.constant 64 : i32
    %add3A_806 = vector.broadcast %add3A_805 : i32 to vector<16xi32>
    %add3A_807 = arith.addi %iota3A_804, %add3A_806 : vector<16xi32>
    %mul3A_808 = arith.constant 129 : i32
    %mul3A_809 = vector.broadcast %mul3A_808 : i32 to vector<16xi32>
    %mul3A_810 = arith.muli %add3A_807, %mul3A_809 : vector<16xi32>
    %add3A_811 = arith.constant 0 : i32
    %add3A_812 = vector.broadcast %add3A_811 : i32 to vector<16xi32>
    %add3A_813 = arith.addi %mul3A_810, %add3A_812 : vector<16xi32>
    %get3A_814 = arith.constant 6 : i32
    %get3A_815 = arith.index_cast %get3A_814 : i32 to index
    %get3A_816 = arith.constant 64 : index
    %get3A_817 = tpu.vector_load %arg5[%get3A_815, %get3A_816] {strides = array<i32>} : memref<32x128xf32, #tpu.memory_space<vmem>>, vector<16xf32>,
    %exp3A_818 = math.exp %get3A_817 : vector<16xf32>
    tpu.vector_store_idx %arg6[%add3A_813], %exp3A_818 : memref<49152xf32, #tpu.memory_space<vmem>>[vector<16xi32>], vector<16xf32>,
    %iota3A_819 = tpu.iota {dimensions = array<i32: 0>} : vector<16xi32>
    %add3A_820 = arith.constant 80 : i32
    %add3A_821 = vector.broadcast %add3A_820 : i32 to vector<16xi32>
    %add3A_822 = arith.addi %iota3A_819, %add3A_821 : vector<16xi32>
    %mul3A_823 = arith.constant 129 : i32
    %mul3A_824 = vector.broadcast %mul3A_823 : i32 to vector<16xi32>
    %mul3A_825 = arith.muli %add3A_822, %mul3A_824 : vector<16xi32>
    %add3A_826 = arith.constant 0 : i32
    %add3A_827 = vector.broadcast %add3A_826 : i32 to vector<16xi32>
    %add3A_828 = arith.addi %mul3A_825, %add3A_827 : vector<16xi32>
    %get3A_829 = arith.constant 6 : i32
    %get3A_830 = arith.index_cast %get3A_829 : i32 to index
    %get3A_831 = arith.constant 80 : index
    %get3A_832 = tpu.vector_load %arg5[%get3A_830, %get3A_831] {strides = array<i32>} : memref<32x128xf32, #tpu.memory_space<vmem>>, vector<16xf32>,
    %exp3A_833 = math.exp %get3A_832 : vector<16xf32>
    tpu.vector_store_idx %arg6[%add3A_828], %exp3A_833 : memref<49152xf32, #tpu.memory_space<vmem>>[vector<16xi32>], vector<16xf32>,
    %iota3A_834 = tpu.iota {dimensions = array<i32: 0>} : vector<16xi32>
    %add3A_835 = arith.constant 96 : i32
    %add3A_836 = vector.broadcast %add3A_835 : i32 to vector<16xi32>
    %add3A_837 = arith.addi %iota3A_834, %add3A_836 : vector<16xi32>
    %mul3A_838 = arith.constant 129 : i32
    %mul3A_839 = vector.broadcast %mul3A_838 : i32 to vector<16xi32>
    %mul3A_840 = arith.muli %add3A_837, %mul3A_839 : vector<16xi32>
    %add3A_841 = arith.constant 0 : i32
    %add3A_842 = vector.broadcast %add3A_841 : i32 to vector<16xi32>
    %add3A_843 = arith.addi %mul3A_840, %add3A_842 : vector<16xi32>
    %get3A_844 = arith.constant 6 : i32
    %get3A_845 = arith.index_cast %get3A_844 : i32 to index
    %get3A_846 = arith.constant 96 : index
    %get3A_847 = tpu.vector_load %arg5[%get3A_845, %get3A_846] {strides = array<i32>} : memref<32x128xf32, #tpu.memory_space<vmem>>, vector<16xf32>,
    %exp3A_848 = math.exp %get3A_847 : vector<16xf32>
    tpu.vector_store_idx %arg6[%add3A_843], %exp3A_848 : memref<49152xf32, #tpu.memory_space<vmem>>[vector<16xi32>], vector<16xf32>,
    %iota3A_849 = tpu.iota {dimensions = array<i32: 0>} : vector<16xi32>
    %add3A_850 = arith.constant 112 : i32
    %add3A_851 = vector.broadcast %add3A_850 : i32 to vector<16xi32>
    %add3A_852 = arith.addi %iota3A_849, %add3A_851 : vector<16xi32>
    %mul3A_853 = arith.constant 129 : i32
    %mul3A_854 = vector.broadcast %mul3A_853 : i32 to vector<16xi32>
    %mul3A_855 = arith.muli %add3A_852, %mul3A_854 : vector<16xi32>
    %add3A_856 = arith.constant 0 : i32
    %add3A_857 = vector.broadcast %add3A_856 : i32 to vector<16xi32>
    %add3A_858 = arith.addi %mul3A_855, %add3A_857 : vector<16xi32>
    %get3A_859 = arith.constant 6 : i32
    %get3A_860 = arith.index_cast %get3A_859 : i32 to index
    %get3A_861 = arith.constant 112 : index
    %get3A_862 = tpu.vector_load %arg5[%get3A_860, %get3A_861] {strides = array<i32>} : memref<32x128xf32, #tpu.memory_space<vmem>>, vector<16xf32>,
    %exp3A_863 = math.exp %get3A_862 : vector<16xf32>
    tpu.vector_store_idx %arg6[%add3A_858], %exp3A_863 : memref<49152xf32, #tpu.memory_space<vmem>>[vector<16xi32>], vector<16xf32>,
    %iota3A_864 = tpu.iota {dimensions = array<i32: 0>} : vector<16xi32>
    %add3A_865 = arith.constant 0 : i32
    %add3A_866 = vector.broadcast %add3A_865 : i32 to vector<16xi32>
    %add3A_867 = arith.addi %iota3A_864, %add3A_866 : vector<16xi32>
    %mul3A_868 = arith.constant 129 : i32
    %mul3A_869 = vector.broadcast %mul3A_868 : i32 to vector<16xi32>
    %mul3A_870 = arith.muli %add3A_867, %mul3A_869 : vector<16xi32>
    %add3A_871 = arith.constant 16384 : i32
    %add3A_872 = vector.broadcast %add3A_871 : i32 to vector<16xi32>
    %add3A_873 = arith.addi %mul3A_870, %add3A_872 : vector<16xi32>
    %get3A_874 = arith.constant 7 : i32
    %get3A_875 = arith.index_cast %get3A_874 : i32 to index
    %get3A_876 = arith.constant 0 : index
    %get3A_877 = tpu.vector_load %arg5[%get3A_875, %get3A_876] {strides = array<i32>} : memref<32x128xf32, #tpu.memory_space<vmem>>, vector<16xf32>,
    %exp3A_878 = math.exp %get3A_877 : vector<16xf32>
    tpu.vector_store_idx %arg6[%add3A_873], %exp3A_878 : memref<49152xf32, #tpu.memory_space<vmem>>[vector<16xi32>], vector<16xf32>,
    %iota3A_879 = tpu.iota {dimensions = array<i32: 0>} : vector<16xi32>
    %add3A_880 = arith.constant 16 : i32
    %add3A_881 = vector.broadcast %add3A_880 : i32 to vector<16xi32>
    %add3A_882 = arith.addi %iota3A_879, %add3A_881 : vector<16xi32>
    %mul3A_883 = arith.constant 129 : i32
    %mul3A_884 = vector.broadcast %mul3A_883 : i32 to vector<16xi32>
    %mul3A_885 = arith.muli %add3A_882, %mul3A_884 : vector<16xi32>
    %add3A_886 = arith.constant 16384 : i32
    %add3A_887 = vector.broadcast %add3A_886 : i32 to vector<16xi32>
    %add3A_888 = arith.addi %mul3A_885, %add3A_887 : vector<16xi32>
    %get3A_889 = arith.constant 7 : i32
    %get3A_890 = arith.index_cast %get3A_889 : i32 to index
    %get3A_891 = arith.constant 16 : index
    %get3A_892 = tpu.vector_load %arg5[%get3A_890, %get3A_891] {strides = array<i32>} : memref<32x128xf32, #tpu.memory_space<vmem>>, vector<16xf32>,
    %exp3A_893 = math.exp %get3A_892 : vector<16xf32>
    tpu.vector_store_idx %arg6[%add3A_888], %exp3A_893 : memref<49152xf32, #tpu.memory_space<vmem>>[vector<16xi32>], vector<16xf32>,
    %iota3A_894 = tpu.iota {dimensions = array<i32: 0>} : vector<16xi32>
    %add3A_895 = arith.constant 32 : i32
    %add3A_896 = vector.broadcast %add3A_895 : i32 to vector<16xi32>
    %add3A_897 = arith.addi %iota3A_894, %add3A_896 : vector<16xi32>
    %mul3A_898 = arith.constant 129 : i32
    %mul3A_899 = vector.broadcast %mul3A_898 : i32 to vector<16xi32>
    %mul3A_900 = arith.muli %add3A_897, %mul3A_899 : vector<16xi32>
    %add3A_901 = arith.constant 16384 : i32
    %add3A_902 = vector.broadcast %add3A_901 : i32 to vector<16xi32>
    %add3A_903 = arith.addi %mul3A_900, %add3A_902 : vector<16xi32>
    %get3A_904 = arith.constant 7 : i32
    %get3A_905 = arith.index_cast %get3A_904 : i32 to index
    %get3A_906 = arith.constant 32 : index
    %get3A_907 = tpu.vector_load %arg5[%get3A_905, %get3A_906] {strides = array<i32>} : memref<32x128xf32, #tpu.memory_space<vmem>>, vector<16xf32>,
    %exp3A_908 = math.exp %get3A_907 : vector<16xf32>
    tpu.vector_store_idx %arg6[%add3A_903], %exp3A_908 : memref<49152xf32, #tpu.memory_space<vmem>>[vector<16xi32>], vector<16xf32>,
    %iota3A_909 = tpu.iota {dimensions = array<i32: 0>} : vector<16xi32>
    %add3A_910 = arith.constant 48 : i32
    %add3A_911 = vector.broadcast %add3A_910 : i32 to vector<16xi32>
    %add3A_912 = arith.addi %iota3A_909, %add3A_911 : vector<16xi32>
    %mul3A_913 = arith.constant 129 : i32
    %mul3A_914 = vector.broadcast %mul3A_913 : i32 to vector<16xi32>
    %mul3A_915 = arith.muli %add3A_912, %mul3A_914 : vector<16xi32>
    %add3A_916 = arith.constant 16384 : i32
    %add3A_917 = vector.broadcast %add3A_916 : i32 to vector<16xi32>
    %add3A_918 = arith.addi %mul3A_915, %add3A_917 : vector<16xi32>
    %get3A_919 = arith.constant 7 : i32
    %get3A_920 = arith.index_cast %get3A_919 : i32 to index
    %get3A_921 = arith.constant 48 : index
    %get3A_922 = tpu.vector_load %arg5[%get3A_920, %get3A_921] {strides = array<i32>} : memref<32x128xf32, #tpu.memory_space<vmem>>, vector<16xf32>,
    %exp3A_923 = math.exp %get3A_922 : vector<16xf32>
    tpu.vector_store_idx %arg6[%add3A_918], %exp3A_923 : memref<49152xf32, #tpu.memory_space<vmem>>[vector<16xi32>], vector<16xf32>,
    %iota3A_924 = tpu.iota {dimensions = array<i32: 0>} : vector<16xi32>
    %add3A_925 = arith.constant 64 : i32
    %add3A_926 = vector.broadcast %add3A_925 : i32 to vector<16xi32>
    %add3A_927 = arith.addi %iota3A_924, %add3A_926 : vector<16xi32>
    %mul3A_928 = arith.constant 129 : i32
    %mul3A_929 = vector.broadcast %mul3A_928 : i32 to vector<16xi32>
    %mul3A_930 = arith.muli %add3A_927, %mul3A_929 : vector<16xi32>
    %add3A_931 = arith.constant 16384 : i32
    %add3A_932 = vector.broadcast %add3A_931 : i32 to vector<16xi32>
    %add3A_933 = arith.addi %mul3A_930, %add3A_932 : vector<16xi32>
    %get3A_934 = arith.constant 7 : i32
    %get3A_935 = arith.index_cast %get3A_934 : i32 to index
    %get3A_936 = arith.constant 64 : index
    %get3A_937 = tpu.vector_load %arg5[%get3A_935, %get3A_936] {strides = array<i32>} : memref<32x128xf32, #tpu.memory_space<vmem>>, vector<16xf32>,
    %exp3A_938 = math.exp %get3A_937 : vector<16xf32>
    tpu.vector_store_idx %arg6[%add3A_933], %exp3A_938 : memref<49152xf32, #tpu.memory_space<vmem>>[vector<16xi32>], vector<16xf32>,
    %iota3A_939 = tpu.iota {dimensions = array<i32: 0>} : vector<16xi32>
    %add3A_940 = arith.constant 80 : i32
    %add3A_941 = vector.broadcast %add3A_940 : i32 to vector<16xi32>
    %add3A_942 = arith.addi %iota3A_939, %add3A_941 : vector<16xi32>
    %mul3A_943 = arith.constant 129 : i32
    %mul3A_944 = vector.broadcast %mul3A_943 : i32 to vector<16xi32>
    %mul3A_945 = arith.muli %add3A_942, %mul3A_944 : vector<16xi32>
    %add3A_946 = arith.constant 16384 : i32
    %add3A_947 = vector.broadcast %add3A_946 : i32 to vector<16xi32>
    %add3A_948 = arith.addi %mul3A_945, %add3A_947 : vector<16xi32>
    %get3A_949 = arith.constant 7 : i32
    %get3A_950 = arith.index_cast %get3A_949 : i32 to index
    %get3A_951 = arith.constant 80 : index
    %get3A_952 = tpu.vector_load %arg5[%get3A_950, %get3A_951] {strides = array<i32>} : memref<32x128xf32, #tpu.memory_space<vmem>>, vector<16xf32>,
    %exp3A_953 = math.exp %get3A_952 : vector<16xf32>
    tpu.vector_store_idx %arg6[%add3A_948], %exp3A_953 : memref<49152xf32, #tpu.memory_space<vmem>>[vector<16xi32>], vector<16xf32>,
    %iota3A_954 = tpu.iota {dimensions = array<i32: 0>} : vector<16xi32>
    %add3A_955 = arith.constant 96 : i32
    %add3A_956 = vector.broadcast %add3A_955 : i32 to vector<16xi32>
    %add3A_957 = arith.addi %iota3A_954, %add3A_956 : vector<16xi32>
    %mul3A_958 = arith.constant 129 : i32
    %mul3A_959 = vector.broadcast %mul3A_958 : i32 to vector<16xi32>
    %mul3A_960 = arith.muli %add3A_957, %mul3A_959 : vector<16xi32>
    %add3A_961 = arith.constant 16384 : i32
    %add3A_962 = vector.broadcast %add3A_961 : i32 to vector<16xi32>
    %add3A_963 = arith.addi %mul3A_960, %add3A_962 : vector<16xi32>
    %get3A_964 = arith.constant 7 : i32
    %get3A_965 = arith.index_cast %get3A_964 : i32 to index
    %get3A_966 = arith.constant 96 : index
    %get3A_967 = tpu.vector_load %arg5[%get3A_965, %get3A_966] {strides = array<i32>} : memref<32x128xf32, #tpu.memory_space<vmem>>, vector<16xf32>,
    %exp3A_968 = math.exp %get3A_967 : vector<16xf32>
    tpu.vector_store_idx %arg6[%add3A_963], %exp3A_968 : memref<49152xf32, #tpu.memory_space<vmem>>[vector<16xi32>], vector<16xf32>,
    %iota3A_969 = tpu.iota {dimensions = array<i32: 0>} : vector<16xi32>
    %add3A_970 = arith.constant 112 : i32
    %add3A_971 = vector.broadcast %add3A_970 : i32 to vector<16xi32>
    %add3A_972 = arith.addi %iota3A_969, %add3A_971 : vector<16xi32>
    %mul3A_973 = arith.constant 129 : i32
    %mul3A_974 = vector.broadcast %mul3A_973 : i32 to vector<16xi32>
    %mul3A_975 = arith.muli %add3A_972, %mul3A_974 : vector<16xi32>
    %add3A_976 = arith.constant 16384 : i32
    %add3A_977 = vector.broadcast %add3A_976 : i32 to vector<16xi32>
    %add3A_978 = arith.addi %mul3A_975, %add3A_977 : vector<16xi32>
    %get3A_979 = arith.constant 7 : i32
    %get3A_980 = arith.index_cast %get3A_979 : i32 to index
    %get3A_981 = arith.constant 112 : index
    %get3A_982 = tpu.vector_load %arg5[%get3A_980, %get3A_981] {strides = array<i32>} : memref<32x128xf32, #tpu.memory_space<vmem>>, vector<16xf32>,
    %exp3A_983 = math.exp %get3A_982 : vector<16xf32>
    tpu.vector_store_idx %arg6[%add3A_978], %exp3A_983 : memref<49152xf32, #tpu.memory_space<vmem>>[vector<16xi32>], vector<16xf32>,
    %iota3A_984 = tpu.iota {dimensions = array<i32: 0>} : vector<16xi32>
    %add3A_985 = arith.constant 0 : i32
    %add3A_986 = vector.broadcast %add3A_985 : i32 to vector<16xi32>
    %add3A_987 = arith.addi %iota3A_984, %add3A_986 : vector<16xi32>
    %mul3A_988 = arith.constant 129 : i32
    %mul3A_989 = vector.broadcast %mul3A_988 : i32 to vector<16xi32>
    %mul3A_990 = arith.muli %add3A_987, %mul3A_989 : vector<16xi32>
    %add3A_991 = arith.constant 32768 : i32
    %add3A_992 = vector.broadcast %add3A_991 : i32 to vector<16xi32>
    %add3A_993 = arith.addi %mul3A_990, %add3A_992 : vector<16xi32>
    %get3A_994 = arith.constant 8 : i32
    %get3A_995 = arith.index_cast %get3A_994 : i32 to index
    %get3A_996 = arith.constant 0 : index
    %get3A_997 = tpu.vector_load %arg5[%get3A_995, %get3A_996] {strides = array<i32>} : memref<32x128xf32, #tpu.memory_space<vmem>>, vector<16xf32>,
    %exp3A_998 = math.exp %get3A_997 : vector<16xf32>
    tpu.vector_store_idx %arg6[%add3A_993], %exp3A_998 : memref<49152xf32, #tpu.memory_space<vmem>>[vector<16xi32>], vector<16xf32>,
    %iota3A_999 = tpu.iota {dimensions = array<i32: 0>} : vector<16xi32>
    %add3A_1000 = arith.constant 16 : i32
    %add3A_1001 = vector.broadcast %add3A_1000 : i32 to vector<16xi32>
    %add3A_1002 = arith.addi %iota3A_999, %add3A_1001 : vector<16xi32>
    %mul3A_1003 = arith.constant 129 : i32
    %mul3A_1004 = vector.broadcast %mul3A_1003 : i32 to vector<16xi32>
    %mul3A_1005 = arith.muli %add3A_1002, %mul3A_1004 : vector<16xi32>
    %add3A_1006 = arith.constant 32768 : i32
    %add3A_1007 = vector.broadcast %add3A_1006 : i32 to vector<16xi32>
    %add3A_1008 = arith.addi %mul3A_1005, %add3A_1007 : vector<16xi32>
    %get3A_1009 = arith.constant 8 : i32
    %get3A_1010 = arith.index_cast %get3A_1009 : i32 to index
    %get3A_1011 = arith.constant 16 : index
    %get3A_1012 = tpu.vector_load %arg5[%get3A_1010, %get3A_1011] {strides = array<i32>} : memref<32x128xf32, #tpu.memory_space<vmem>>, vector<16xf32>,
    %exp3A_1013 = math.exp %get3A_1012 : vector<16xf32>
    tpu.vector_store_idx %arg6[%add3A_1008], %exp3A_1013 : memref<49152xf32, #tpu.memory_space<vmem>>[vector<16xi32>], vector<16xf32>,
    %iota3A_1014 = tpu.iota {dimensions = array<i32: 0>} : vector<16xi32>
    %add3A_1015 = arith.constant 32 : i32
    %add3A_1016 = vector.broadcast %add3A_1015 : i32 to vector<16xi32>
    %add3A_1017 = arith.addi %iota3A_1014, %add3A_1016 : vector<16xi32>
    %mul3A_1018 = arith.constant 129 : i32
    %mul3A_1019 = vector.broadcast %mul3A_1018 : i32 to vector<16xi32>
    %mul3A_1020 = arith.muli %add3A_1017, %mul3A_1019 : vector<16xi32>
    %add3A_1021 = arith.constant 32768 : i32
    %add3A_1022 = vector.broadcast %add3A_1021 : i32 to vector<16xi32>
    %add3A_1023 = arith.addi %mul3A_1020, %add3A_1022 : vector<16xi32>
    %get3A_1024 = arith.constant 8 : i32
    %get3A_1025 = arith.index_cast %get3A_1024 : i32 to index
    %get3A_1026 = arith.constant 32 : index
    %get3A_1027 = tpu.vector_load %arg5[%get3A_1025, %get3A_1026] {strides = array<i32>} : memref<32x128xf32, #tpu.memory_space<vmem>>, vector<16xf32>,
    %exp3A_1028 = math.exp %get3A_1027 : vector<16xf32>
    tpu.vector_store_idx %arg6[%add3A_1023], %exp3A_1028 : memref<49152xf32, #tpu.memory_space<vmem>>[vector<16xi32>], vector<16xf32>,
    %iota3A_1029 = tpu.iota {dimensions = array<i32: 0>} : vector<16xi32>
    %add3A_1030 = arith.constant 48 : i32
    %add3A_1031 = vector.broadcast %add3A_1030 : i32 to vector<16xi32>
    %add3A_1032 = arith.addi %iota3A_1029, %add3A_1031 : vector<16xi32>
    %mul3A_1033 = arith.constant 129 : i32
    %mul3A_1034 = vector.broadcast %mul3A_1033 : i32 to vector<16xi32>
    %mul3A_1035 = arith.muli %add3A_1032, %mul3A_1034 : vector<16xi32>
    %add3A_1036 = arith.constant 32768 : i32
    %add3A_1037 = vector.broadcast %add3A_1036 : i32 to vector<16xi32>
    %add3A_1038 = arith.addi %mul3A_1035, %add3A_1037 : vector<16xi32>
    %get3A_1039 = arith.constant 8 : i32
    %get3A_1040 = arith.index_cast %get3A_1039 : i32 to index
    %get3A_1041 = arith.constant 48 : index
    %get3A_1042 = tpu.vector_load %arg5[%get3A_1040, %get3A_1041] {strides = array<i32>} : memref<32x128xf32, #tpu.memory_space<vmem>>, vector<16xf32>,
    %exp3A_1043 = math.exp %get3A_1042 : vector<16xf32>
    tpu.vector_store_idx %arg6[%add3A_1038], %exp3A_1043 : memref<49152xf32, #tpu.memory_space<vmem>>[vector<16xi32>], vector<16xf32>,
    %iota3A_1044 = tpu.iota {dimensions = array<i32: 0>} : vector<16xi32>
    %add3A_1045 = arith.constant 64 : i32
    %add3A_1046 = vector.broadcast %add3A_1045 : i32 to vector<16xi32>
    %add3A_1047 = arith.addi %iota3A_1044, %add3A_1046 : vector<16xi32>
    %mul3A_1048 = arith.constant 129 : i32
    %mul3A_1049 = vector.broadcast %mul3A_1048 : i32 to vector<16xi32>
    %mul3A_1050 = arith.muli %add3A_1047, %mul3A_1049 : vector<16xi32>
    %add3A_1051 = arith.constant 32768 : i32
    %add3A_1052 = vector.broadcast %add3A_1051 : i32 to vector<16xi32>
    %add3A_1053 = arith.addi %mul3A_1050, %add3A_1052 : vector<16xi32>
    %get3A_1054 = arith.constant 8 : i32
    %get3A_1055 = arith.index_cast %get3A_1054 : i32 to index
    %get3A_1056 = arith.constant 64 : index
    %get3A_1057 = tpu.vector_load %arg5[%get3A_1055, %get3A_1056] {strides = array<i32>} : memref<32x128xf32, #tpu.memory_space<vmem>>, vector<16xf32>,
    %exp3A_1058 = math.exp %get3A_1057 : vector<16xf32>
    tpu.vector_store_idx %arg6[%add3A_1053], %exp3A_1058 : memref<49152xf32, #tpu.memory_space<vmem>>[vector<16xi32>], vector<16xf32>,
    %iota3A_1059 = tpu.iota {dimensions = array<i32: 0>} : vector<16xi32>
    %add3A_1060 = arith.constant 80 : i32
    %add3A_1061 = vector.broadcast %add3A_1060 : i32 to vector<16xi32>
    %add3A_1062 = arith.addi %iota3A_1059, %add3A_1061 : vector<16xi32>
    %mul3A_1063 = arith.constant 129 : i32
    %mul3A_1064 = vector.broadcast %mul3A_1063 : i32 to vector<16xi32>
    %mul3A_1065 = arith.muli %add3A_1062, %mul3A_1064 : vector<16xi32>
    %add3A_1066 = arith.constant 32768 : i32
    %add3A_1067 = vector.broadcast %add3A_1066 : i32 to vector<16xi32>
    %add3A_1068 = arith.addi %mul3A_1065, %add3A_1067 : vector<16xi32>
    %get3A_1069 = arith.constant 8 : i32
    %get3A_1070 = arith.index_cast %get3A_1069 : i32 to index
    %get3A_1071 = arith.constant 80 : index
    %get3A_1072 = tpu.vector_load %arg5[%get3A_1070, %get3A_1071] {strides = array<i32>} : memref<32x128xf32, #tpu.memory_space<vmem>>, vector<16xf32>,
    %exp3A_1073 = math.exp %get3A_1072 : vector<16xf32>
    tpu.vector_store_idx %arg6[%add3A_1068], %exp3A_1073 : memref<49152xf32, #tpu.memory_space<vmem>>[vector<16xi32>], vector<16xf32>,
    %iota3A_1074 = tpu.iota {dimensions = array<i32: 0>} : vector<16xi32>
    %add3A_1075 = arith.constant 96 : i32
    %add3A_1076 = vector.broadcast %add3A_1075 : i32 to vector<16xi32>
    %add3A_1077 = arith.addi %iota3A_1074, %add3A_1076 : vector<16xi32>
    %mul3A_1078 = arith.constant 129 : i32
    %mul3A_1079 = vector.broadcast %mul3A_1078 : i32 to vector<16xi32>
    %mul3A_1080 = arith.muli %add3A_1077, %mul3A_1079 : vector<16xi32>
    %add3A_1081 = arith.constant 32768 : i32
    %add3A_1082 = vector.broadcast %add3A_1081 : i32 to vector<16xi32>
    %add3A_1083 = arith.addi %mul3A_1080, %add3A_1082 : vector<16xi32>
    %get3A_1084 = arith.constant 8 : i32
    %get3A_1085 = arith.index_cast %get3A_1084 : i32 to index
    %get3A_1086 = arith.constant 96 : index
    %get3A_1087 = tpu.vector_load %arg5[%get3A_1085, %get3A_1086] {strides = array<i32>} : memref<32x128xf32, #tpu.memory_space<vmem>>, vector<16xf32>,
    %exp3A_1088 = math.exp %get3A_1087 : vector<16xf32>
    tpu.vector_store_idx %arg6[%add3A_1083], %exp3A_1088 : memref<49152xf32, #tpu.memory_space<vmem>>[vector<16xi32>], vector<16xf32>,
    %iota3A_1089 = tpu.iota {dimensions = array<i32: 0>} : vector<16xi32>
    %add3A_1090 = arith.constant 112 : i32
    %add3A_1091 = vector.broadcast %add3A_1090 : i32 to vector<16xi32>
    %add3A_1092 = arith.addi %iota3A_1089, %add3A_1091 : vector<16xi32>
    %mul3A_1093 = arith.constant 129 : i32
    %mul3A_1094 = vector.broadcast %mul3A_1093 : i32 to vector<16xi32>
    %mul3A_1095 = arith.muli %add3A_1092, %mul3A_1094 : vector<16xi32>
    %add3A_1096 = arith.constant 32768 : i32
    %add3A_1097 = vector.broadcast %add3A_1096 : i32 to vector<16xi32>
    %add3A_1098 = arith.addi %mul3A_1095, %add3A_1097 : vector<16xi32>
    %get3A_1099 = arith.constant 8 : i32
    %get3A_1100 = arith.index_cast %get3A_1099 : i32 to index
    %get3A_1101 = arith.constant 112 : index
    %get3A_1102 = tpu.vector_load %arg5[%get3A_1100, %get3A_1101] {strides = array<i32>} : memref<32x128xf32, #tpu.memory_space<vmem>>, vector<16xf32>,
    %exp3A_1103 = math.exp %get3A_1102 : vector<16xf32>
    tpu.vector_store_idx %arg6[%add3A_1098], %exp3A_1103 : memref<49152xf32, #tpu.memory_space<vmem>>[vector<16xi32>], vector<16xf32>,
    %add3A_1104 = arith.constant 6 : i32
    %add3A_1105 = arith.addi %mul3A_2, %add3A_1104 : i32
    %mul3A_1106 = arith.constant 16384 : i32
    %mul3A_1107 = arith.muli %add3A_1105, %mul3A_1106 : i32
    %dma_start3A_1108 = arith.constant 0 : i32
    %dma_start3A_1109 = tpu.memref_slice %arg6[%dma_start3A_1108] : memref<49152xf32, #tpu.memory_space<vmem>> -> memref<49152xf32, #tpu.memory_space<vmem>>
    %dma_start3A_1110 = tpu.memref_slice %arg4[%mul3A_1107] : memref<16777216xf32, #tpu.memory_space<hbm>> -> memref<49152xf32, #tpu.memory_space<hbm>>
    %dma_start3A_1111 = tpu.memref_slice %arg4[%mul3A_1107] : memref<16777216xf32, #tpu.memory_space<hbm>> -> memref<49152xf32, #tpu.memory_space<hbm>>
    %dma_start3A_1112 = arith.constant 0 : i32
    %dma_start3A_1113 = tpu.memref_slice %arg6[%dma_start3A_1112] : memref<49152xf32, #tpu.memory_space<vmem>> -> memref<49152xf32, #tpu.memory_space<vmem>>
    tpu.enqueue_dma source(%dma_start3A_1113 : memref<49152xf32, #tpu.memory_space<vmem>>) target(%dma_start3A_1111 : memref<49152xf32, #tpu.memory_space<hbm>>) target_semaphore(%arg8 : memref<!tpu.dma_semaphore, #tpu.memory_space<semaphore_mem>>)
    %dma_wait3A_1114 = arith.constant 0 : i32
    %dma_wait3A_1115 = tpu.memref_slice %arg7[%dma_wait3A_1114] : memref<49152xf32, #tpu.memory_space<vmem>> -> memref<49152xf32, #tpu.memory_space<vmem>>
    %dma_wait3A_1116 = tpu.memref_slice %arg4[%mul3A_732] : memref<16777216xf32, #tpu.memory_space<hbm>> -> memref<49152xf32, #tpu.memory_space<hbm>>
    %dma_wait3A_1117 = tpu.memref_slice %arg4[%mul3A_732] : memref<16777216xf32, #tpu.memory_space<hbm>> -> memref<49152xf32, #tpu.memory_space<hbm>>
    %dma_wait3A_1118 = arith.constant 0 : i32
    %dma_wait3A_1119 = tpu.memref_slice %arg7[%dma_wait3A_1118] : memref<49152xf32, #tpu.memory_space<vmem>> -> memref<49152xf32, #tpu.memory_space<vmem>>
    tpu.wait_dma2 semaphore(%arg9 : memref<!tpu.dma_semaphore, #tpu.memory_space<semaphore_mem>>) src(%dma_wait3A_1119 : memref<49152xf32, #tpu.memory_space<vmem>>) dst(%dma_wait3A_1117 : memref<49152xf32, #tpu.memory_space<hbm>>)
    %iota3A_1120 = tpu.iota {dimensions = array<i32: 0>} : vector<16xi32>
    %add3A_1121 = arith.constant 0 : i32
    %add3A_1122 = vector.broadcast %add3A_1121 : i32 to vector<16xi32>
    %add3A_1123 = arith.addi %iota3A_1120, %add3A_1122 : vector<16xi32>
    %mul3A_1124 = arith.constant 129 : i32
    %mul3A_1125 = vector.broadcast %mul3A_1124 : i32 to vector<16xi32>
    %mul3A_1126 = arith.muli %add3A_1123, %mul3A_1125 : vector<16xi32>
    %add3A_1127 = arith.constant 0 : i32
    %add3A_1128 = vector.broadcast %add3A_1127 : i32 to vector<16xi32>
    %add3A_1129 = arith.addi %mul3A_1126, %add3A_1128 : vector<16xi32>
    %get3A_1130 = arith.constant 9 : i32
    %get3A_1131 = arith.index_cast %get3A_1130 : i32 to index
    %get3A_1132 = arith.constant 0 : index
    %get3A_1133 = tpu.vector_load %arg5[%get3A_1131, %get3A_1132] {strides = array<i32>} : memref<32x128xf32, #tpu.memory_space<vmem>>, vector<16xf32>,
    %exp3A_1134 = math.exp %get3A_1133 : vector<16xf32>
    tpu.vector_store_idx %arg7[%add3A_1129], %exp3A_1134 : memref<49152xf32, #tpu.memory_space<vmem>>[vector<16xi32>], vector<16xf32>,
    %iota3A_1135 = tpu.iota {dimensions = array<i32: 0>} : vector<16xi32>
    %add3A_1136 = arith.constant 16 : i32
    %add3A_1137 = vector.broadcast %add3A_1136 : i32 to vector<16xi32>
    %add3A_1138 = arith.addi %iota3A_1135, %add3A_1137 : vector<16xi32>
    %mul3A_1139 = arith.constant 129 : i32
    %mul3A_1140 = vector.broadcast %mul3A_1139 : i32 to vector<16xi32>
    %mul3A_1141 = arith.muli %add3A_1138, %mul3A_1140 : vector<16xi32>
    %add3A_1142 = arith.constant 0 : i32
    %add3A_1143 = vector.broadcast %add3A_1142 : i32 to vector<16xi32>
    %add3A_1144 = arith.addi %mul3A_1141, %add3A_1143 : vector<16xi32>
    %get3A_1145 = arith.constant 9 : i32
    %get3A_1146 = arith.index_cast %get3A_1145 : i32 to index
    %get3A_1147 = arith.constant 16 : index
    %get3A_1148 = tpu.vector_load %arg5[%get3A_1146, %get3A_1147] {strides = array<i32>} : memref<32x128xf32, #tpu.memory_space<vmem>>, vector<16xf32>,
    %exp3A_1149 = math.exp %get3A_1148 : vector<16xf32>
    tpu.vector_store_idx %arg7[%add3A_1144], %exp3A_1149 : memref<49152xf32, #tpu.memory_space<vmem>>[vector<16xi32>], vector<16xf32>,
    %iota3A_1150 = tpu.iota {dimensions = array<i32: 0>} : vector<16xi32>
    %add3A_1151 = arith.constant 32 : i32
    %add3A_1152 = vector.broadcast %add3A_1151 : i32 to vector<16xi32>
    %add3A_1153 = arith.addi %iota3A_1150, %add3A_1152 : vector<16xi32>
    %mul3A_1154 = arith.constant 129 : i32
    %mul3A_1155 = vector.broadcast %mul3A_1154 : i32 to vector<16xi32>
    %mul3A_1156 = arith.muli %add3A_1153, %mul3A_1155 : vector<16xi32>
    %add3A_1157 = arith.constant 0 : i32
    %add3A_1158 = vector.broadcast %add3A_1157 : i32 to vector<16xi32>
    %add3A_1159 = arith.addi %mul3A_1156, %add3A_1158 : vector<16xi32>
    %get3A_1160 = arith.constant 9 : i32
    %get3A_1161 = arith.index_cast %get3A_1160 : i32 to index
    %get3A_1162 = arith.constant 32 : index
    %get3A_1163 = tpu.vector_load %arg5[%get3A_1161, %get3A_1162] {strides = array<i32>} : memref<32x128xf32, #tpu.memory_space<vmem>>, vector<16xf32>,
    %exp3A_1164 = math.exp %get3A_1163 : vector<16xf32>
    tpu.vector_store_idx %arg7[%add3A_1159], %exp3A_1164 : memref<49152xf32, #tpu.memory_space<vmem>>[vector<16xi32>], vector<16xf32>,
    %iota3A_1165 = tpu.iota {dimensions = array<i32: 0>} : vector<16xi32>
    %add3A_1166 = arith.constant 48 : i32
    %add3A_1167 = vector.broadcast %add3A_1166 : i32 to vector<16xi32>
    %add3A_1168 = arith.addi %iota3A_1165, %add3A_1167 : vector<16xi32>
    %mul3A_1169 = arith.constant 129 : i32
    %mul3A_1170 = vector.broadcast %mul3A_1169 : i32 to vector<16xi32>
    %mul3A_1171 = arith.muli %add3A_1168, %mul3A_1170 : vector<16xi32>
    %add3A_1172 = arith.constant 0 : i32
    %add3A_1173 = vector.broadcast %add3A_1172 : i32 to vector<16xi32>
    %add3A_1174 = arith.addi %mul3A_1171, %add3A_1173 : vector<16xi32>
    %get3A_1175 = arith.constant 9 : i32
    %get3A_1176 = arith.index_cast %get3A_1175 : i32 to index
    %get3A_1177 = arith.constant 48 : index
    %get3A_1178 = tpu.vector_load %arg5[%get3A_1176, %get3A_1177] {strides = array<i32>} : memref<32x128xf32, #tpu.memory_space<vmem>>, vector<16xf32>,
    %exp3A_1179 = math.exp %get3A_1178 : vector<16xf32>
    tpu.vector_store_idx %arg7[%add3A_1174], %exp3A_1179 : memref<49152xf32, #tpu.memory_space<vmem>>[vector<16xi32>], vector<16xf32>,
    %iota3A_1180 = tpu.iota {dimensions = array<i32: 0>} : vector<16xi32>
    %add3A_1181 = arith.constant 64 : i32
    %add3A_1182 = vector.broadcast %add3A_1181 : i32 to vector<16xi32>
    %add3A_1183 = arith.addi %iota3A_1180, %add3A_1182 : vector<16xi32>
    %mul3A_1184 = arith.constant 129 : i32
    %mul3A_1185 = vector.broadcast %mul3A_1184 : i32 to vector<16xi32>
    %mul3A_1186 = arith.muli %add3A_1183, %mul3A_1185 : vector<16xi32>
    %add3A_1187 = arith.constant 0 : i32
    %add3A_1188 = vector.broadcast %add3A_1187 : i32 to vector<16xi32>
    %add3A_1189 = arith.addi %mul3A_1186, %add3A_1188 : vector<16xi32>
    %get3A_1190 = arith.constant 9 : i32
    %get3A_1191 = arith.index_cast %get3A_1190 : i32 to index
    %get3A_1192 = arith.constant 64 : index
    %get3A_1193 = tpu.vector_load %arg5[%get3A_1191, %get3A_1192] {strides = array<i32>} : memref<32x128xf32, #tpu.memory_space<vmem>>, vector<16xf32>,
    %exp3A_1194 = math.exp %get3A_1193 : vector<16xf32>
    tpu.vector_store_idx %arg7[%add3A_1189], %exp3A_1194 : memref<49152xf32, #tpu.memory_space<vmem>>[vector<16xi32>], vector<16xf32>,
    %iota3A_1195 = tpu.iota {dimensions = array<i32: 0>} : vector<16xi32>
    %add3A_1196 = arith.constant 80 : i32
    %add3A_1197 = vector.broadcast %add3A_1196 : i32 to vector<16xi32>
    %add3A_1198 = arith.addi %iota3A_1195, %add3A_1197 : vector<16xi32>
    %mul3A_1199 = arith.constant 129 : i32
    %mul3A_1200 = vector.broadcast %mul3A_1199 : i32 to vector<16xi32>
    %mul3A_1201 = arith.muli %add3A_1198, %mul3A_1200 : vector<16xi32>
    %add3A_1202 = arith.constant 0 : i32
    %add3A_1203 = vector.broadcast %add3A_1202 : i32 to vector<16xi32>
    %add3A_1204 = arith.addi %mul3A_1201, %add3A_1203 : vector<16xi32>
    %get3A_1205 = arith.constant 9 : i32
    %get3A_1206 = arith.index_cast %get3A_1205 : i32 to index
    %get3A_1207 = arith.constant 80 : index
    %get3A_1208 = tpu.vector_load %arg5[%get3A_1206, %get3A_1207] {strides = array<i32>} : memref<32x128xf32, #tpu.memory_space<vmem>>, vector<16xf32>,
    %exp3A_1209 = math.exp %get3A_1208 : vector<16xf32>
    tpu.vector_store_idx %arg7[%add3A_1204], %exp3A_1209 : memref<49152xf32, #tpu.memory_space<vmem>>[vector<16xi32>], vector<16xf32>,
    %iota3A_1210 = tpu.iota {dimensions = array<i32: 0>} : vector<16xi32>
    %add3A_1211 = arith.constant 96 : i32
    %add3A_1212 = vector.broadcast %add3A_1211 : i32 to vector<16xi32>
    %add3A_1213 = arith.addi %iota3A_1210, %add3A_1212 : vector<16xi32>
    %mul3A_1214 = arith.constant 129 : i32
    %mul3A_1215 = vector.broadcast %mul3A_1214 : i32 to vector<16xi32>
    %mul3A_1216 = arith.muli %add3A_1213, %mul3A_1215 : vector<16xi32>
    %add3A_1217 = arith.constant 0 : i32
    %add3A_1218 = vector.broadcast %add3A_1217 : i32 to vector<16xi32>
    %add3A_1219 = arith.addi %mul3A_1216, %add3A_1218 : vector<16xi32>
    %get3A_1220 = arith.constant 9 : i32
    %get3A_1221 = arith.index_cast %get3A_1220 : i32 to index
    %get3A_1222 = arith.constant 96 : index
    %get3A_1223 = tpu.vector_load %arg5[%get3A_1221, %get3A_1222] {strides = array<i32>} : memref<32x128xf32, #tpu.memory_space<vmem>>, vector<16xf32>,
    %exp3A_1224 = math.exp %get3A_1223 : vector<16xf32>
    tpu.vector_store_idx %arg7[%add3A_1219], %exp3A_1224 : memref<49152xf32, #tpu.memory_space<vmem>>[vector<16xi32>], vector<16xf32>,
    %iota3A_1225 = tpu.iota {dimensions = array<i32: 0>} : vector<16xi32>
    %add3A_1226 = arith.constant 112 : i32
    %add3A_1227 = vector.broadcast %add3A_1226 : i32 to vector<16xi32>
    %add3A_1228 = arith.addi %iota3A_1225, %add3A_1227 : vector<16xi32>
    %mul3A_1229 = arith.constant 129 : i32
    %mul3A_1230 = vector.broadcast %mul3A_1229 : i32 to vector<16xi32>
    %mul3A_1231 = arith.muli %add3A_1228, %mul3A_1230 : vector<16xi32>
    %add3A_1232 = arith.constant 0 : i32
    %add3A_1233 = vector.broadcast %add3A_1232 : i32 to vector<16xi32>
    %add3A_1234 = arith.addi %mul3A_1231, %add3A_1233 : vector<16xi32>
    %get3A_1235 = arith.constant 9 : i32
    %get3A_1236 = arith.index_cast %get3A_1235 : i32 to index
    %get3A_1237 = arith.constant 112 : index
    %get3A_1238 = tpu.vector_load %arg5[%get3A_1236, %get3A_1237] {strides = array<i32>} : memref<32x128xf32, #tpu.memory_space<vmem>>, vector<16xf32>,
    %exp3A_1239 = math.exp %get3A_1238 : vector<16xf32>
    tpu.vector_store_idx %arg7[%add3A_1234], %exp3A_1239 : memref<49152xf32, #tpu.memory_space<vmem>>[vector<16xi32>], vector<16xf32>,
    %iota3A_1240 = tpu.iota {dimensions = array<i32: 0>} : vector<16xi32>
    %add3A_1241 = arith.constant 0 : i32
    %add3A_1242 = vector.broadcast %add3A_1241 : i32 to vector<16xi32>
    %add3A_1243 = arith.addi %iota3A_1240, %add3A_1242 : vector<16xi32>
    %mul3A_1244 = arith.constant 129 : i32
    %mul3A_1245 = vector.broadcast %mul3A_1244 : i32 to vector<16xi32>
    %mul3A_1246 = arith.muli %add3A_1243, %mul3A_1245 : vector<16xi32>
    %add3A_1247 = arith.constant 16384 : i32
    %add3A_1248 = vector.broadcast %add3A_1247 : i32 to vector<16xi32>
    %add3A_1249 = arith.addi %mul3A_1246, %add3A_1248 : vector<16xi32>
    %get3A_1250 = arith.constant 10 : i32
    %get3A_1251 = arith.index_cast %get3A_1250 : i32 to index
    %get3A_1252 = arith.constant 0 : index
    %get3A_1253 = tpu.vector_load %arg5[%get3A_1251, %get3A_1252] {strides = array<i32>} : memref<32x128xf32, #tpu.memory_space<vmem>>, vector<16xf32>,
    %exp3A_1254 = math.exp %get3A_1253 : vector<16xf32>
    tpu.vector_store_idx %arg7[%add3A_1249], %exp3A_1254 : memref<49152xf32, #tpu.memory_space<vmem>>[vector<16xi32>], vector<16xf32>,
    %iota3A_1255 = tpu.iota {dimensions = array<i32: 0>} : vector<16xi32>
    %add3A_1256 = arith.constant 16 : i32
    %add3A_1257 = vector.broadcast %add3A_1256 : i32 to vector<16xi32>
    %add3A_1258 = arith.addi %iota3A_1255, %add3A_1257 : vector<16xi32>
    %mul3A_1259 = arith.constant 129 : i32
    %mul3A_1260 = vector.broadcast %mul3A_1259 : i32 to vector<16xi32>
    %mul3A_1261 = arith.muli %add3A_1258, %mul3A_1260 : vector<16xi32>
    %add3A_1262 = arith.constant 16384 : i32
    %add3A_1263 = vector.broadcast %add3A_1262 : i32 to vector<16xi32>
    %add3A_1264 = arith.addi %mul3A_1261, %add3A_1263 : vector<16xi32>
    %get3A_1265 = arith.constant 10 : i32
    %get3A_1266 = arith.index_cast %get3A_1265 : i32 to index
    %get3A_1267 = arith.constant 16 : index
    %get3A_1268 = tpu.vector_load %arg5[%get3A_1266, %get3A_1267] {strides = array<i32>} : memref<32x128xf32, #tpu.memory_space<vmem>>, vector<16xf32>,
    %exp3A_1269 = math.exp %get3A_1268 : vector<16xf32>
    tpu.vector_store_idx %arg7[%add3A_1264], %exp3A_1269 : memref<49152xf32, #tpu.memory_space<vmem>>[vector<16xi32>], vector<16xf32>,
    %iota3A_1270 = tpu.iota {dimensions = array<i32: 0>} : vector<16xi32>
    %add3A_1271 = arith.constant 32 : i32
    %add3A_1272 = vector.broadcast %add3A_1271 : i32 to vector<16xi32>
    %add3A_1273 = arith.addi %iota3A_1270, %add3A_1272 : vector<16xi32>
    %mul3A_1274 = arith.constant 129 : i32
    %mul3A_1275 = vector.broadcast %mul3A_1274 : i32 to vector<16xi32>
    %mul3A_1276 = arith.muli %add3A_1273, %mul3A_1275 : vector<16xi32>
    %add3A_1277 = arith.constant 16384 : i32
    %add3A_1278 = vector.broadcast %add3A_1277 : i32 to vector<16xi32>
    %add3A_1279 = arith.addi %mul3A_1276, %add3A_1278 : vector<16xi32>
    %get3A_1280 = arith.constant 10 : i32
    %get3A_1281 = arith.index_cast %get3A_1280 : i32 to index
    %get3A_1282 = arith.constant 32 : index
    %get3A_1283 = tpu.vector_load %arg5[%get3A_1281, %get3A_1282] {strides = array<i32>} : memref<32x128xf32, #tpu.memory_space<vmem>>, vector<16xf32>,
    %exp3A_1284 = math.exp %get3A_1283 : vector<16xf32>
    tpu.vector_store_idx %arg7[%add3A_1279], %exp3A_1284 : memref<49152xf32, #tpu.memory_space<vmem>>[vector<16xi32>], vector<16xf32>,
    %iota3A_1285 = tpu.iota {dimensions = array<i32: 0>} : vector<16xi32>
    %add3A_1286 = arith.constant 48 : i32
    %add3A_1287 = vector.broadcast %add3A_1286 : i32 to vector<16xi32>
    %add3A_1288 = arith.addi %iota3A_1285, %add3A_1287 : vector<16xi32>
    %mul3A_1289 = arith.constant 129 : i32
    %mul3A_1290 = vector.broadcast %mul3A_1289 : i32 to vector<16xi32>
    %mul3A_1291 = arith.muli %add3A_1288, %mul3A_1290 : vector<16xi32>
    %add3A_1292 = arith.constant 16384 : i32
    %add3A_1293 = vector.broadcast %add3A_1292 : i32 to vector<16xi32>
    %add3A_1294 = arith.addi %mul3A_1291, %add3A_1293 : vector<16xi32>
    %get3A_1295 = arith.constant 10 : i32
    %get3A_1296 = arith.index_cast %get3A_1295 : i32 to index
    %get3A_1297 = arith.constant 48 : index
    %get3A_1298 = tpu.vector_load %arg5[%get3A_1296, %get3A_1297] {strides = array<i32>} : memref<32x128xf32, #tpu.memory_space<vmem>>, vector<16xf32>,
    %exp3A_1299 = math.exp %get3A_1298 : vector<16xf32>
    tpu.vector_store_idx %arg7[%add3A_1294], %exp3A_1299 : memref<49152xf32, #tpu.memory_space<vmem>>[vector<16xi32>], vector<16xf32>,
    %iota3A_1300 = tpu.iota {dimensions = array<i32: 0>} : vector<16xi32>
    %add3A_1301 = arith.constant 64 : i32
    %add3A_1302 = vector.broadcast %add3A_1301 : i32 to vector<16xi32>
    %add3A_1303 = arith.addi %iota3A_1300, %add3A_1302 : vector<16xi32>
    %mul3A_1304 = arith.constant 129 : i32
    %mul3A_1305 = vector.broadcast %mul3A_1304 : i32 to vector<16xi32>
    %mul3A_1306 = arith.muli %add3A_1303, %mul3A_1305 : vector<16xi32>
    %add3A_1307 = arith.constant 16384 : i32
    %add3A_1308 = vector.broadcast %add3A_1307 : i32 to vector<16xi32>
    %add3A_1309 = arith.addi %mul3A_1306, %add3A_1308 : vector<16xi32>
    %get3A_1310 = arith.constant 10 : i32
    %get3A_1311 = arith.index_cast %get3A_1310 : i32 to index
    %get3A_1312 = arith.constant 64 : index
    %get3A_1313 = tpu.vector_load %arg5[%get3A_1311, %get3A_1312] {strides = array<i32>} : memref<32x128xf32, #tpu.memory_space<vmem>>, vector<16xf32>,
    %exp3A_1314 = math.exp %get3A_1313 : vector<16xf32>
    tpu.vector_store_idx %arg7[%add3A_1309], %exp3A_1314 : memref<49152xf32, #tpu.memory_space<vmem>>[vector<16xi32>], vector<16xf32>,
    %iota3A_1315 = tpu.iota {dimensions = array<i32: 0>} : vector<16xi32>
    %add3A_1316 = arith.constant 80 : i32
    %add3A_1317 = vector.broadcast %add3A_1316 : i32 to vector<16xi32>
    %add3A_1318 = arith.addi %iota3A_1315, %add3A_1317 : vector<16xi32>
    %mul3A_1319 = arith.constant 129 : i32
    %mul3A_1320 = vector.broadcast %mul3A_1319 : i32 to vector<16xi32>
    %mul3A_1321 = arith.muli %add3A_1318, %mul3A_1320 : vector<16xi32>
    %add3A_1322 = arith.constant 16384 : i32
    %add3A_1323 = vector.broadcast %add3A_1322 : i32 to vector<16xi32>
    %add3A_1324 = arith.addi %mul3A_1321, %add3A_1323 : vector<16xi32>
    %get3A_1325 = arith.constant 10 : i32
    %get3A_1326 = arith.index_cast %get3A_1325 : i32 to index
    %get3A_1327 = arith.constant 80 : index
    %get3A_1328 = tpu.vector_load %arg5[%get3A_1326, %get3A_1327] {strides = array<i32>} : memref<32x128xf32, #tpu.memory_space<vmem>>, vector<16xf32>,
    %exp3A_1329 = math.exp %get3A_1328 : vector<16xf32>
    tpu.vector_store_idx %arg7[%add3A_1324], %exp3A_1329 : memref<49152xf32, #tpu.memory_space<vmem>>[vector<16xi32>], vector<16xf32>,
    %iota3A_1330 = tpu.iota {dimensions = array<i32: 0>} : vector<16xi32>
    %add3A_1331 = arith.constant 96 : i32
    %add3A_1332 = vector.broadcast %add3A_1331 : i32 to vector<16xi32>
    %add3A_1333 = arith.addi %iota3A_1330, %add3A_1332 : vector<16xi32>
    %mul3A_1334 = arith.constant 129 : i32
    %mul3A_1335 = vector.broadcast %mul3A_1334 : i32 to vector<16xi32>
    %mul3A_1336 = arith.muli %add3A_1333, %mul3A_1335 : vector<16xi32>
    %add3A_1337 = arith.constant 16384 : i32
    %add3A_1338 = vector.broadcast %add3A_1337 : i32 to vector<16xi32>
    %add3A_1339 = arith.addi %mul3A_1336, %add3A_1338 : vector<16xi32>
    %get3A_1340 = arith.constant 10 : i32
    %get3A_1341 = arith.index_cast %get3A_1340 : i32 to index
    %get3A_1342 = arith.constant 96 : index
    %get3A_1343 = tpu.vector_load %arg5[%get3A_1341, %get3A_1342] {strides = array<i32>} : memref<32x128xf32, #tpu.memory_space<vmem>>, vector<16xf32>,
    %exp3A_1344 = math.exp %get3A_1343 : vector<16xf32>
    tpu.vector_store_idx %arg7[%add3A_1339], %exp3A_1344 : memref<49152xf32, #tpu.memory_space<vmem>>[vector<16xi32>], vector<16xf32>,
    %iota3A_1345 = tpu.iota {dimensions = array<i32: 0>} : vector<16xi32>
    %add3A_1346 = arith.constant 112 : i32
    %add3A_1347 = vector.broadcast %add3A_1346 : i32 to vector<16xi32>
    %add3A_1348 = arith.addi %iota3A_1345, %add3A_1347 : vector<16xi32>
    %mul3A_1349 = arith.constant 129 : i32
    %mul3A_1350 = vector.broadcast %mul3A_1349 : i32 to vector<16xi32>
    %mul3A_1351 = arith.muli %add3A_1348, %mul3A_1350 : vector<16xi32>
    %add3A_1352 = arith.constant 16384 : i32
    %add3A_1353 = vector.broadcast %add3A_1352 : i32 to vector<16xi32>
    %add3A_1354 = arith.addi %mul3A_1351, %add3A_1353 : vector<16xi32>
    %get3A_1355 = arith.constant 10 : i32
    %get3A_1356 = arith.index_cast %get3A_1355 : i32 to index
    %get3A_1357 = arith.constant 112 : index
    %get3A_1358 = tpu.vector_load %arg5[%get3A_1356, %get3A_1357] {strides = array<i32>} : memref<32x128xf32, #tpu.memory_space<vmem>>, vector<16xf32>,
    %exp3A_1359 = math.exp %get3A_1358 : vector<16xf32>
    tpu.vector_store_idx %arg7[%add3A_1354], %exp3A_1359 : memref<49152xf32, #tpu.memory_space<vmem>>[vector<16xi32>], vector<16xf32>,
    %iota3A_1360 = tpu.iota {dimensions = array<i32: 0>} : vector<16xi32>
    %add3A_1361 = arith.constant 0 : i32
    %add3A_1362 = vector.broadcast %add3A_1361 : i32 to vector<16xi32>
    %add3A_1363 = arith.addi %iota3A_1360, %add3A_1362 : vector<16xi32>
    %mul3A_1364 = arith.constant 129 : i32
    %mul3A_1365 = vector.broadcast %mul3A_1364 : i32 to vector<16xi32>
    %mul3A_1366 = arith.muli %add3A_1363, %mul3A_1365 : vector<16xi32>
    %add3A_1367 = arith.constant 32768 : i32
    %add3A_1368 = vector.broadcast %add3A_1367 : i32 to vector<16xi32>
    %add3A_1369 = arith.addi %mul3A_1366, %add3A_1368 : vector<16xi32>
    %get3A_1370 = arith.constant 11 : i32
    %get3A_1371 = arith.index_cast %get3A_1370 : i32 to index
    %get3A_1372 = arith.constant 0 : index
    %get3A_1373 = tpu.vector_load %arg5[%get3A_1371, %get3A_1372] {strides = array<i32>} : memref<32x128xf32, #tpu.memory_space<vmem>>, vector<16xf32>,
    %exp3A_1374 = math.exp %get3A_1373 : vector<16xf32>
    tpu.vector_store_idx %arg7[%add3A_1369], %exp3A_1374 : memref<49152xf32, #tpu.memory_space<vmem>>[vector<16xi32>], vector<16xf32>,
    %iota3A_1375 = tpu.iota {dimensions = array<i32: 0>} : vector<16xi32>
    %add3A_1376 = arith.constant 16 : i32
    %add3A_1377 = vector.broadcast %add3A_1376 : i32 to vector<16xi32>
    %add3A_1378 = arith.addi %iota3A_1375, %add3A_1377 : vector<16xi32>
    %mul3A_1379 = arith.constant 129 : i32
    %mul3A_1380 = vector.broadcast %mul3A_1379 : i32 to vector<16xi32>
    %mul3A_1381 = arith.muli %add3A_1378, %mul3A_1380 : vector<16xi32>
    %add3A_1382 = arith.constant 32768 : i32
    %add3A_1383 = vector.broadcast %add3A_1382 : i32 to vector<16xi32>
    %add3A_1384 = arith.addi %mul3A_1381, %add3A_1383 : vector<16xi32>
    %get3A_1385 = arith.constant 11 : i32
    %get3A_1386 = arith.index_cast %get3A_1385 : i32 to index
    %get3A_1387 = arith.constant 16 : index
    %get3A_1388 = tpu.vector_load %arg5[%get3A_1386, %get3A_1387] {strides = array<i32>} : memref<32x128xf32, #tpu.memory_space<vmem>>, vector<16xf32>,
    %exp3A_1389 = math.exp %get3A_1388 : vector<16xf32>
    tpu.vector_store_idx %arg7[%add3A_1384], %exp3A_1389 : memref<49152xf32, #tpu.memory_space<vmem>>[vector<16xi32>], vector<16xf32>,
    %iota3A_1390 = tpu.iota {dimensions = array<i32: 0>} : vector<16xi32>
    %add3A_1391 = arith.constant 32 : i32
    %add3A_1392 = vector.broadcast %add3A_1391 : i32 to vector<16xi32>
    %add3A_1393 = arith.addi %iota3A_1390, %add3A_1392 : vector<16xi32>
    %mul3A_1394 = arith.constant 129 : i32
    %mul3A_1395 = vector.broadcast %mul3A_1394 : i32 to vector<16xi32>
    %mul3A_1396 = arith.muli %add3A_1393, %mul3A_1395 : vector<16xi32>
    %add3A_1397 = arith.constant 32768 : i32
    %add3A_1398 = vector.broadcast %add3A_1397 : i32 to vector<16xi32>
    %add3A_1399 = arith.addi %mul3A_1396, %add3A_1398 : vector<16xi32>
    %get3A_1400 = arith.constant 11 : i32
    %get3A_1401 = arith.index_cast %get3A_1400 : i32 to index
    %get3A_1402 = arith.constant 32 : index
    %get3A_1403 = tpu.vector_load %arg5[%get3A_1401, %get3A_1402] {strides = array<i32>} : memref<32x128xf32, #tpu.memory_space<vmem>>, vector<16xf32>,
    %exp3A_1404 = math.exp %get3A_1403 : vector<16xf32>
    tpu.vector_store_idx %arg7[%add3A_1399], %exp3A_1404 : memref<49152xf32, #tpu.memory_space<vmem>>[vector<16xi32>], vector<16xf32>,
    %iota3A_1405 = tpu.iota {dimensions = array<i32: 0>} : vector<16xi32>
    %add3A_1406 = arith.constant 48 : i32
    %add3A_1407 = vector.broadcast %add3A_1406 : i32 to vector<16xi32>
    %add3A_1408 = arith.addi %iota3A_1405, %add3A_1407 : vector<16xi32>
    %mul3A_1409 = arith.constant 129 : i32
    %mul3A_1410 = vector.broadcast %mul3A_1409 : i32 to vector<16xi32>
    %mul3A_1411 = arith.muli %add3A_1408, %mul3A_1410 : vector<16xi32>
    %add3A_1412 = arith.constant 32768 : i32
    %add3A_1413 = vector.broadcast %add3A_1412 : i32 to vector<16xi32>
    %add3A_1414 = arith.addi %mul3A_1411, %add3A_1413 : vector<16xi32>
    %get3A_1415 = arith.constant 11 : i32
    %get3A_1416 = arith.index_cast %get3A_1415 : i32 to index
    %get3A_1417 = arith.constant 48 : index
    %get3A_1418 = tpu.vector_load %arg5[%get3A_1416, %get3A_1417] {strides = array<i32>} : memref<32x128xf32, #tpu.memory_space<vmem>>, vector<16xf32>,
    %exp3A_1419 = math.exp %get3A_1418 : vector<16xf32>
    tpu.vector_store_idx %arg7[%add3A_1414], %exp3A_1419 : memref<49152xf32, #tpu.memory_space<vmem>>[vector<16xi32>], vector<16xf32>,
    %iota3A_1420 = tpu.iota {dimensions = array<i32: 0>} : vector<16xi32>
    %add3A_1421 = arith.constant 64 : i32
    %add3A_1422 = vector.broadcast %add3A_1421 : i32 to vector<16xi32>
    %add3A_1423 = arith.addi %iota3A_1420, %add3A_1422 : vector<16xi32>
    %mul3A_1424 = arith.constant 129 : i32
    %mul3A_1425 = vector.broadcast %mul3A_1424 : i32 to vector<16xi32>
    %mul3A_1426 = arith.muli %add3A_1423, %mul3A_1425 : vector<16xi32>
    %add3A_1427 = arith.constant 32768 : i32
    %add3A_1428 = vector.broadcast %add3A_1427 : i32 to vector<16xi32>
    %add3A_1429 = arith.addi %mul3A_1426, %add3A_1428 : vector<16xi32>
    %get3A_1430 = arith.constant 11 : i32
    %get3A_1431 = arith.index_cast %get3A_1430 : i32 to index
    %get3A_1432 = arith.constant 64 : index
    %get3A_1433 = tpu.vector_load %arg5[%get3A_1431, %get3A_1432] {strides = array<i32>} : memref<32x128xf32, #tpu.memory_space<vmem>>, vector<16xf32>,
    %exp3A_1434 = math.exp %get3A_1433 : vector<16xf32>
    tpu.vector_store_idx %arg7[%add3A_1429], %exp3A_1434 : memref<49152xf32, #tpu.memory_space<vmem>>[vector<16xi32>], vector<16xf32>,
    %iota3A_1435 = tpu.iota {dimensions = array<i32: 0>} : vector<16xi32>
    %add3A_1436 = arith.constant 80 : i32
    %add3A_1437 = vector.broadcast %add3A_1436 : i32 to vector<16xi32>
    %add3A_1438 = arith.addi %iota3A_1435, %add3A_1437 : vector<16xi32>
    %mul3A_1439 = arith.constant 129 : i32
    %mul3A_1440 = vector.broadcast %mul3A_1439 : i32 to vector<16xi32>
    %mul3A_1441 = arith.muli %add3A_1438, %mul3A_1440 : vector<16xi32>
    %add3A_1442 = arith.constant 32768 : i32
    %add3A_1443 = vector.broadcast %add3A_1442 : i32 to vector<16xi32>
    %add3A_1444 = arith.addi %mul3A_1441, %add3A_1443 : vector<16xi32>
    %get3A_1445 = arith.constant 11 : i32
    %get3A_1446 = arith.index_cast %get3A_1445 : i32 to index
    %get3A_1447 = arith.constant 80 : index
    %get3A_1448 = tpu.vector_load %arg5[%get3A_1446, %get3A_1447] {strides = array<i32>} : memref<32x128xf32, #tpu.memory_space<vmem>>, vector<16xf32>,
    %exp3A_1449 = math.exp %get3A_1448 : vector<16xf32>
    tpu.vector_store_idx %arg7[%add3A_1444], %exp3A_1449 : memref<49152xf32, #tpu.memory_space<vmem>>[vector<16xi32>], vector<16xf32>,
    %iota3A_1450 = tpu.iota {dimensions = array<i32: 0>} : vector<16xi32>
    %add3A_1451 = arith.constant 96 : i32
    %add3A_1452 = vector.broadcast %add3A_1451 : i32 to vector<16xi32>
    %add3A_1453 = arith.addi %iota3A_1450, %add3A_1452 : vector<16xi32>
    %mul3A_1454 = arith.constant 129 : i32
    %mul3A_1455 = vector.broadcast %mul3A_1454 : i32 to vector<16xi32>
    %mul3A_1456 = arith.muli %add3A_1453, %mul3A_1455 : vector<16xi32>
    %add3A_1457 = arith.constant 32768 : i32
    %add3A_1458 = vector.broadcast %add3A_1457 : i32 to vector<16xi32>
    %add3A_1459 = arith.addi %mul3A_1456, %add3A_1458 : vector<16xi32>
    %get3A_1460 = arith.constant 11 : i32
    %get3A_1461 = arith.index_cast %get3A_1460 : i32 to index
    %get3A_1462 = arith.constant 96 : index
    %get3A_1463 = tpu.vector_load %arg5[%get3A_1461, %get3A_1462] {strides = array<i32>} : memref<32x128xf32, #tpu.memory_space<vmem>>, vector<16xf32>,
    %exp3A_1464 = math.exp %get3A_1463 : vector<16xf32>
    tpu.vector_store_idx %arg7[%add3A_1459], %exp3A_1464 : memref<49152xf32, #tpu.memory_space<vmem>>[vector<16xi32>], vector<16xf32>,
    %iota3A_1465 = tpu.iota {dimensions = array<i32: 0>} : vector<16xi32>
    %add3A_1466 = arith.constant 112 : i32
    %add3A_1467 = vector.broadcast %add3A_1466 : i32 to vector<16xi32>
    %add3A_1468 = arith.addi %iota3A_1465, %add3A_1467 : vector<16xi32>
    %mul3A_1469 = arith.constant 129 : i32
    %mul3A_1470 = vector.broadcast %mul3A_1469 : i32 to vector<16xi32>
    %mul3A_1471 = arith.muli %add3A_1468, %mul3A_1470 : vector<16xi32>
    %add3A_1472 = arith.constant 32768 : i32
    %add3A_1473 = vector.broadcast %add3A_1472 : i32 to vector<16xi32>
    %add3A_1474 = arith.addi %mul3A_1471, %add3A_1473 : vector<16xi32>
    %get3A_1475 = arith.constant 11 : i32
    %get3A_1476 = arith.index_cast %get3A_1475 : i32 to index
    %get3A_1477 = arith.constant 112 : index
    %get3A_1478 = tpu.vector_load %arg5[%get3A_1476, %get3A_1477] {strides = array<i32>} : memref<32x128xf32, #tpu.memory_space<vmem>>, vector<16xf32>,
    %exp3A_1479 = math.exp %get3A_1478 : vector<16xf32>
    tpu.vector_store_idx %arg7[%add3A_1474], %exp3A_1479 : memref<49152xf32, #tpu.memory_space<vmem>>[vector<16xi32>], vector<16xf32>,
    %add3A_1480 = arith.constant 9 : i32
    %add3A_1481 = arith.addi %mul3A_2, %add3A_1480 : i32
    %mul3A_1482 = arith.constant 16384 : i32
    %mul3A_1483 = arith.muli %add3A_1481, %mul3A_1482 : i32
    %dma_start3A_1484 = arith.constant 0 : i32
    %dma_start3A_1485 = tpu.memref_slice %arg7[%dma_start3A_1484] : memref<49152xf32, #tpu.memory_space<vmem>> -> memref<49152xf32, #tpu.memory_space<vmem>>
    %dma_start3A_1486 = tpu.memref_slice %arg4[%mul3A_1483] : memref<16777216xf32, #tpu.memory_space<hbm>> -> memref<49152xf32, #tpu.memory_space<hbm>>
    %dma_start3A_1487 = tpu.memref_slice %arg4[%mul3A_1483] : memref<16777216xf32, #tpu.memory_space<hbm>> -> memref<49152xf32, #tpu.memory_space<hbm>>
    %dma_start3A_1488 = arith.constant 0 : i32
    %dma_start3A_1489 = tpu.memref_slice %arg7[%dma_start3A_1488] : memref<49152xf32, #tpu.memory_space<vmem>> -> memref<49152xf32, #tpu.memory_space<vmem>>
    tpu.enqueue_dma source(%dma_start3A_1489 : memref<49152xf32, #tpu.memory_space<vmem>>) target(%dma_start3A_1487 : memref<49152xf32, #tpu.memory_space<hbm>>) target_semaphore(%arg9 : memref<!tpu.dma_semaphore, #tpu.memory_space<semaphore_mem>>)
    %dma_wait3A_1490 = arith.constant 0 : i32
    %dma_wait3A_1491 = tpu.memref_slice %arg6[%dma_wait3A_1490] : memref<49152xf32, #tpu.memory_space<vmem>> -> memref<49152xf32, #tpu.memory_space<vmem>>
    %dma_wait3A_1492 = tpu.memref_slice %arg4[%mul3A_1107] : memref<16777216xf32, #tpu.memory_space<hbm>> -> memref<49152xf32, #tpu.memory_space<hbm>>
    %dma_wait3A_1493 = tpu.memref_slice %arg4[%mul3A_1107] : memref<16777216xf32, #tpu.memory_space<hbm>> -> memref<49152xf32, #tpu.memory_space<hbm>>
    %dma_wait3A_1494 = arith.constant 0 : i32
    %dma_wait3A_1495 = tpu.memref_slice %arg6[%dma_wait3A_1494] : memref<49152xf32, #tpu.memory_space<vmem>> -> memref<49152xf32, #tpu.memory_space<vmem>>
    tpu.wait_dma2 semaphore(%arg8 : memref<!tpu.dma_semaphore, #tpu.memory_space<semaphore_mem>>) src(%dma_wait3A_1495 : memref<49152xf32, #tpu.memory_space<vmem>>) dst(%dma_wait3A_1493 : memref<49152xf32, #tpu.memory_space<hbm>>)
    %iota3A_1496 = tpu.iota {dimensions = array<i32: 0>} : vector<16xi32>
    %add3A_1497 = arith.constant 0 : i32
    %add3A_1498 = vector.broadcast %add3A_1497 : i32 to vector<16xi32>
    %add3A_1499 = arith.addi %iota3A_1496, %add3A_1498 : vector<16xi32>
    %mul3A_1500 = arith.constant 129 : i32
    %mul3A_1501 = vector.broadcast %mul3A_1500 : i32 to vector<16xi32>
    %mul3A_1502 = arith.muli %add3A_1499, %mul3A_1501 : vector<16xi32>
    %add3A_1503 = arith.constant 0 : i32
    %add3A_1504 = vector.broadcast %add3A_1503 : i32 to vector<16xi32>
    %add3A_1505 = arith.addi %mul3A_1502, %add3A_1504 : vector<16xi32>
    %get3A_1506 = arith.constant 12 : i32
    %get3A_1507 = arith.index_cast %get3A_1506 : i32 to index
    %get3A_1508 = arith.constant 0 : index
    %get3A_1509 = tpu.vector_load %arg5[%get3A_1507, %get3A_1508] {strides = array<i32>} : memref<32x128xf32, #tpu.memory_space<vmem>>, vector<16xf32>,
    %exp3A_1510 = math.exp %get3A_1509 : vector<16xf32>
    tpu.vector_store_idx %arg6[%add3A_1505], %exp3A_1510 : memref<49152xf32, #tpu.memory_space<vmem>>[vector<16xi32>], vector<16xf32>,
    %iota3A_1511 = tpu.iota {dimensions = array<i32: 0>} : vector<16xi32>
    %add3A_1512 = arith.constant 16 : i32
    %add3A_1513 = vector.broadcast %add3A_1512 : i32 to vector<16xi32>
    %add3A_1514 = arith.addi %iota3A_1511, %add3A_1513 : vector<16xi32>
    %mul3A_1515 = arith.constant 129 : i32
    %mul3A_1516 = vector.broadcast %mul3A_1515 : i32 to vector<16xi32>
    %mul3A_1517 = arith.muli %add3A_1514, %mul3A_1516 : vector<16xi32>
    %add3A_1518 = arith.constant 0 : i32
    %add3A_1519 = vector.broadcast %add3A_1518 : i32 to vector<16xi32>
    %add3A_1520 = arith.addi %mul3A_1517, %add3A_1519 : vector<16xi32>
    %get3A_1521 = arith.constant 12 : i32
    %get3A_1522 = arith.index_cast %get3A_1521 : i32 to index
    %get3A_1523 = arith.constant 16 : index
    %get3A_1524 = tpu.vector_load %arg5[%get3A_1522, %get3A_1523] {strides = array<i32>} : memref<32x128xf32, #tpu.memory_space<vmem>>, vector<16xf32>,
    %exp3A_1525 = math.exp %get3A_1524 : vector<16xf32>
    tpu.vector_store_idx %arg6[%add3A_1520], %exp3A_1525 : memref<49152xf32, #tpu.memory_space<vmem>>[vector<16xi32>], vector<16xf32>,
    %iota3A_1526 = tpu.iota {dimensions = array<i32: 0>} : vector<16xi32>
    %add3A_1527 = arith.constant 32 : i32
    %add3A_1528 = vector.broadcast %add3A_1527 : i32 to vector<16xi32>
    %add3A_1529 = arith.addi %iota3A_1526, %add3A_1528 : vector<16xi32>
    %mul3A_1530 = arith.constant 129 : i32
    %mul3A_1531 = vector.broadcast %mul3A_1530 : i32 to vector<16xi32>
    %mul3A_1532 = arith.muli %add3A_1529, %mul3A_1531 : vector<16xi32>
    %add3A_1533 = arith.constant 0 : i32
    %add3A_1534 = vector.broadcast %add3A_1533 : i32 to vector<16xi32>
    %add3A_1535 = arith.addi %mul3A_1532, %add3A_1534 : vector<16xi32>
    %get3A_1536 = arith.constant 12 : i32
    %get3A_1537 = arith.index_cast %get3A_1536 : i32 to index
    %get3A_1538 = arith.constant 32 : index
    %get3A_1539 = tpu.vector_load %arg5[%get3A_1537, %get3A_1538] {strides = array<i32>} : memref<32x128xf32, #tpu.memory_space<vmem>>, vector<16xf32>,
    %exp3A_1540 = math.exp %get3A_1539 : vector<16xf32>
    tpu.vector_store_idx %arg6[%add3A_1535], %exp3A_1540 : memref<49152xf32, #tpu.memory_space<vmem>>[vector<16xi32>], vector<16xf32>,
    %iota3A_1541 = tpu.iota {dimensions = array<i32: 0>} : vector<16xi32>
    %add3A_1542 = arith.constant 48 : i32
    %add3A_1543 = vector.broadcast %add3A_1542 : i32 to vector<16xi32>
    %add3A_1544 = arith.addi %iota3A_1541, %add3A_1543 : vector<16xi32>
    %mul3A_1545 = arith.constant 129 : i32
    %mul3A_1546 = vector.broadcast %mul3A_1545 : i32 to vector<16xi32>
    %mul3A_1547 = arith.muli %add3A_1544, %mul3A_1546 : vector<16xi32>
    %add3A_1548 = arith.constant 0 : i32
    %add3A_1549 = vector.broadcast %add3A_1548 : i32 to vector<16xi32>
    %add3A_1550 = arith.addi %mul3A_1547, %add3A_1549 : vector<16xi32>
    %get3A_1551 = arith.constant 12 : i32
    %get3A_1552 = arith.index_cast %get3A_1551 : i32 to index
    %get3A_1553 = arith.constant 48 : index
    %get3A_1554 = tpu.vector_load %arg5[%get3A_1552, %get3A_1553] {strides = array<i32>} : memref<32x128xf32, #tpu.memory_space<vmem>>, vector<16xf32>,
    %exp3A_1555 = math.exp %get3A_1554 : vector<16xf32>
    tpu.vector_store_idx %arg6[%add3A_1550], %exp3A_1555 : memref<49152xf32, #tpu.memory_space<vmem>>[vector<16xi32>], vector<16xf32>,
    %iota3A_1556 = tpu.iota {dimensions = array<i32: 0>} : vector<16xi32>
    %add3A_1557 = arith.constant 64 : i32
    %add3A_1558 = vector.broadcast %add3A_1557 : i32 to vector<16xi32>
    %add3A_1559 = arith.addi %iota3A_1556, %add3A_1558 : vector<16xi32>
    %mul3A_1560 = arith.constant 129 : i32
    %mul3A_1561 = vector.broadcast %mul3A_1560 : i32 to vector<16xi32>
    %mul3A_1562 = arith.muli %add3A_1559, %mul3A_1561 : vector<16xi32>
    %add3A_1563 = arith.constant 0 : i32
    %add3A_1564 = vector.broadcast %add3A_1563 : i32 to vector<16xi32>
    %add3A_1565 = arith.addi %mul3A_1562, %add3A_1564 : vector<16xi32>
    %get3A_1566 = arith.constant 12 : i32
    %get3A_1567 = arith.index_cast %get3A_1566 : i32 to index
    %get3A_1568 = arith.constant 64 : index
    %get3A_1569 = tpu.vector_load %arg5[%get3A_1567, %get3A_1568] {strides = array<i32>} : memref<32x128xf32, #tpu.memory_space<vmem>>, vector<16xf32>,
    %exp3A_1570 = math.exp %get3A_1569 : vector<16xf32>
    tpu.vector_store_idx %arg6[%add3A_1565], %exp3A_1570 : memref<49152xf32, #tpu.memory_space<vmem>>[vector<16xi32>], vector<16xf32>,
    %iota3A_1571 = tpu.iota {dimensions = array<i32: 0>} : vector<16xi32>
    %add3A_1572 = arith.constant 80 : i32
    %add3A_1573 = vector.broadcast %add3A_1572 : i32 to vector<16xi32>
    %add3A_1574 = arith.addi %iota3A_1571, %add3A_1573 : vector<16xi32>
    %mul3A_1575 = arith.constant 129 : i32
    %mul3A_1576 = vector.broadcast %mul3A_1575 : i32 to vector<16xi32>
    %mul3A_1577 = arith.muli %add3A_1574, %mul3A_1576 : vector<16xi32>
    %add3A_1578 = arith.constant 0 : i32
    %add3A_1579 = vector.broadcast %add3A_1578 : i32 to vector<16xi32>
    %add3A_1580 = arith.addi %mul3A_1577, %add3A_1579 : vector<16xi32>
    %get3A_1581 = arith.constant 12 : i32
    %get3A_1582 = arith.index_cast %get3A_1581 : i32 to index
    %get3A_1583 = arith.constant 80 : index
    %get3A_1584 = tpu.vector_load %arg5[%get3A_1582, %get3A_1583] {strides = array<i32>} : memref<32x128xf32, #tpu.memory_space<vmem>>, vector<16xf32>,
    %exp3A_1585 = math.exp %get3A_1584 : vector<16xf32>
    tpu.vector_store_idx %arg6[%add3A_1580], %exp3A_1585 : memref<49152xf32, #tpu.memory_space<vmem>>[vector<16xi32>], vector<16xf32>,
    %iota3A_1586 = tpu.iota {dimensions = array<i32: 0>} : vector<16xi32>
    %add3A_1587 = arith.constant 96 : i32
    %add3A_1588 = vector.broadcast %add3A_1587 : i32 to vector<16xi32>
    %add3A_1589 = arith.addi %iota3A_1586, %add3A_1588 : vector<16xi32>
    %mul3A_1590 = arith.constant 129 : i32
    %mul3A_1591 = vector.broadcast %mul3A_1590 : i32 to vector<16xi32>
    %mul3A_1592 = arith.muli %add3A_1589, %mul3A_1591 : vector<16xi32>
    %add3A_1593 = arith.constant 0 : i32
    %add3A_1594 = vector.broadcast %add3A_1593 : i32 to vector<16xi32>
    %add3A_1595 = arith.addi %mul3A_1592, %add3A_1594 : vector<16xi32>
    %get3A_1596 = arith.constant 12 : i32
    %get3A_1597 = arith.index_cast %get3A_1596 : i32 to index
    %get3A_1598 = arith.constant 96 : index
    %get3A_1599 = tpu.vector_load %arg5[%get3A_1597, %get3A_1598] {strides = array<i32>} : memref<32x128xf32, #tpu.memory_space<vmem>>, vector<16xf32>,
    %exp3A_1600 = math.exp %get3A_1599 : vector<16xf32>
    tpu.vector_store_idx %arg6[%add3A_1595], %exp3A_1600 : memref<49152xf32, #tpu.memory_space<vmem>>[vector<16xi32>], vector<16xf32>,
    %iota3A_1601 = tpu.iota {dimensions = array<i32: 0>} : vector<16xi32>
    %add3A_1602 = arith.constant 112 : i32
    %add3A_1603 = vector.broadcast %add3A_1602 : i32 to vector<16xi32>
    %add3A_1604 = arith.addi %iota3A_1601, %add3A_1603 : vector<16xi32>
    %mul3A_1605 = arith.constant 129 : i32
    %mul3A_1606 = vector.broadcast %mul3A_1605 : i32 to vector<16xi32>
    %mul3A_1607 = arith.muli %add3A_1604, %mul3A_1606 : vector<16xi32>
    %add3A_1608 = arith.constant 0 : i32
    %add3A_1609 = vector.broadcast %add3A_1608 : i32 to vector<16xi32>
    %add3A_1610 = arith.addi %mul3A_1607, %add3A_1609 : vector<16xi32>
    %get3A_1611 = arith.constant 12 : i32
    %get3A_1612 = arith.index_cast %get3A_1611 : i32 to index
    %get3A_1613 = arith.constant 112 : index
    %get3A_1614 = tpu.vector_load %arg5[%get3A_1612, %get3A_1613] {strides = array<i32>} : memref<32x128xf32, #tpu.memory_space<vmem>>, vector<16xf32>,
    %exp3A_1615 = math.exp %get3A_1614 : vector<16xf32>
    tpu.vector_store_idx %arg6[%add3A_1610], %exp3A_1615 : memref<49152xf32, #tpu.memory_space<vmem>>[vector<16xi32>], vector<16xf32>,
    %iota3A_1616 = tpu.iota {dimensions = array<i32: 0>} : vector<16xi32>
    %add3A_1617 = arith.constant 0 : i32
    %add3A_1618 = vector.broadcast %add3A_1617 : i32 to vector<16xi32>
    %add3A_1619 = arith.addi %iota3A_1616, %add3A_1618 : vector<16xi32>
    %mul3A_1620 = arith.constant 129 : i32
    %mul3A_1621 = vector.broadcast %mul3A_1620 : i32 to vector<16xi32>
    %mul3A_1622 = arith.muli %add3A_1619, %mul3A_1621 : vector<16xi32>
    %add3A_1623 = arith.constant 16384 : i32
    %add3A_1624 = vector.broadcast %add3A_1623 : i32 to vector<16xi32>
    %add3A_1625 = arith.addi %mul3A_1622, %add3A_1624 : vector<16xi32>
    %get3A_1626 = arith.constant 13 : i32
    %get3A_1627 = arith.index_cast %get3A_1626 : i32 to index
    %get3A_1628 = arith.constant 0 : index
    %get3A_1629 = tpu.vector_load %arg5[%get3A_1627, %get3A_1628] {strides = array<i32>} : memref<32x128xf32, #tpu.memory_space<vmem>>, vector<16xf32>,
    %exp3A_1630 = math.exp %get3A_1629 : vector<16xf32>
    tpu.vector_store_idx %arg6[%add3A_1625], %exp3A_1630 : memref<49152xf32, #tpu.memory_space<vmem>>[vector<16xi32>], vector<16xf32>,
    %iota3A_1631 = tpu.iota {dimensions = array<i32: 0>} : vector<16xi32>
    %add3A_1632 = arith.constant 16 : i32
    %add3A_1633 = vector.broadcast %add3A_1632 : i32 to vector<16xi32>
    %add3A_1634 = arith.addi %iota3A_1631, %add3A_1633 : vector<16xi32>
    %mul3A_1635 = arith.constant 129 : i32
    %mul3A_1636 = vector.broadcast %mul3A_1635 : i32 to vector<16xi32>
    %mul3A_1637 = arith.muli %add3A_1634, %mul3A_1636 : vector<16xi32>
    %add3A_1638 = arith.constant 16384 : i32
    %add3A_1639 = vector.broadcast %add3A_1638 : i32 to vector<16xi32>
    %add3A_1640 = arith.addi %mul3A_1637, %add3A_1639 : vector<16xi32>
    %get3A_1641 = arith.constant 13 : i32
    %get3A_1642 = arith.index_cast %get3A_1641 : i32 to index
    %get3A_1643 = arith.constant 16 : index
    %get3A_1644 = tpu.vector_load %arg5[%get3A_1642, %get3A_1643] {strides = array<i32>} : memref<32x128xf32, #tpu.memory_space<vmem>>, vector<16xf32>,
    %exp3A_1645 = math.exp %get3A_1644 : vector<16xf32>
    tpu.vector_store_idx %arg6[%add3A_1640], %exp3A_1645 : memref<49152xf32, #tpu.memory_space<vmem>>[vector<16xi32>], vector<16xf32>,
    %iota3A_1646 = tpu.iota {dimensions = array<i32: 0>} : vector<16xi32>
    %add3A_1647 = arith.constant 32 : i32
    %add3A_1648 = vector.broadcast %add3A_1647 : i32 to vector<16xi32>
    %add3A_1649 = arith.addi %iota3A_1646, %add3A_1648 : vector<16xi32>
    %mul3A_1650 = arith.constant 129 : i32
    %mul3A_1651 = vector.broadcast %mul3A_1650 : i32 to vector<16xi32>
    %mul3A_1652 = arith.muli %add3A_1649, %mul3A_1651 : vector<16xi32>
    %add3A_1653 = arith.constant 16384 : i32
    %add3A_1654 = vector.broadcast %add3A_1653 : i32 to vector<16xi32>
    %add3A_1655 = arith.addi %mul3A_1652, %add3A_1654 : vector<16xi32>
    %get3A_1656 = arith.constant 13 : i32
    %get3A_1657 = arith.index_cast %get3A_1656 : i32 to index
    %get3A_1658 = arith.constant 32 : index
    %get3A_1659 = tpu.vector_load %arg5[%get3A_1657, %get3A_1658] {strides = array<i32>} : memref<32x128xf32, #tpu.memory_space<vmem>>, vector<16xf32>,
    %exp3A_1660 = math.exp %get3A_1659 : vector<16xf32>
    tpu.vector_store_idx %arg6[%add3A_1655], %exp3A_1660 : memref<49152xf32, #tpu.memory_space<vmem>>[vector<16xi32>], vector<16xf32>,
    %iota3A_1661 = tpu.iota {dimensions = array<i32: 0>} : vector<16xi32>
    %add3A_1662 = arith.constant 48 : i32
    %add3A_1663 = vector.broadcast %add3A_1662 : i32 to vector<16xi32>
    %add3A_1664 = arith.addi %iota3A_1661, %add3A_1663 : vector<16xi32>
    %mul3A_1665 = arith.constant 129 : i32
    %mul3A_1666 = vector.broadcast %mul3A_1665 : i32 to vector<16xi32>
    %mul3A_1667 = arith.muli %add3A_1664, %mul3A_1666 : vector<16xi32>
    %add3A_1668 = arith.constant 16384 : i32
    %add3A_1669 = vector.broadcast %add3A_1668 : i32 to vector<16xi32>
    %add3A_1670 = arith.addi %mul3A_1667, %add3A_1669 : vector<16xi32>
    %get3A_1671 = arith.constant 13 : i32
    %get3A_1672 = arith.index_cast %get3A_1671 : i32 to index
    %get3A_1673 = arith.constant 48 : index
    %get3A_1674 = tpu.vector_load %arg5[%get3A_1672, %get3A_1673] {strides = array<i32>} : memref<32x128xf32, #tpu.memory_space<vmem>>, vector<16xf32>,
    %exp3A_1675 = math.exp %get3A_1674 : vector<16xf32>
    tpu.vector_store_idx %arg6[%add3A_1670], %exp3A_1675 : memref<49152xf32, #tpu.memory_space<vmem>>[vector<16xi32>], vector<16xf32>,
    %iota3A_1676 = tpu.iota {dimensions = array<i32: 0>} : vector<16xi32>
    %add3A_1677 = arith.constant 64 : i32
    %add3A_1678 = vector.broadcast %add3A_1677 : i32 to vector<16xi32>
    %add3A_1679 = arith.addi %iota3A_1676, %add3A_1678 : vector<16xi32>
    %mul3A_1680 = arith.constant 129 : i32
    %mul3A_1681 = vector.broadcast %mul3A_1680 : i32 to vector<16xi32>
    %mul3A_1682 = arith.muli %add3A_1679, %mul3A_1681 : vector<16xi32>
    %add3A_1683 = arith.constant 16384 : i32
    %add3A_1684 = vector.broadcast %add3A_1683 : i32 to vector<16xi32>
    %add3A_1685 = arith.addi %mul3A_1682, %add3A_1684 : vector<16xi32>
    %get3A_1686 = arith.constant 13 : i32
    %get3A_1687 = arith.index_cast %get3A_1686 : i32 to index
    %get3A_1688 = arith.constant 64 : index
    %get3A_1689 = tpu.vector_load %arg5[%get3A_1687, %get3A_1688] {strides = array<i32>} : memref<32x128xf32, #tpu.memory_space<vmem>>, vector<16xf32>,
    %exp3A_1690 = math.exp %get3A_1689 : vector<16xf32>
    tpu.vector_store_idx %arg6[%add3A_1685], %exp3A_1690 : memref<49152xf32, #tpu.memory_space<vmem>>[vector<16xi32>], vector<16xf32>,
    %iota3A_1691 = tpu.iota {dimensions = array<i32: 0>} : vector<16xi32>
    %add3A_1692 = arith.constant 80 : i32
    %add3A_1693 = vector.broadcast %add3A_1692 : i32 to vector<16xi32>
    %add3A_1694 = arith.addi %iota3A_1691, %add3A_1693 : vector<16xi32>
    %mul3A_1695 = arith.constant 129 : i32
    %mul3A_1696 = vector.broadcast %mul3A_1695 : i32 to vector<16xi32>
    %mul3A_1697 = arith.muli %add3A_1694, %mul3A_1696 : vector<16xi32>
    %add3A_1698 = arith.constant 16384 : i32
    %add3A_1699 = vector.broadcast %add3A_1698 : i32 to vector<16xi32>
    %add3A_1700 = arith.addi %mul3A_1697, %add3A_1699 : vector<16xi32>
    %get3A_1701 = arith.constant 13 : i32
    %get3A_1702 = arith.index_cast %get3A_1701 : i32 to index
    %get3A_1703 = arith.constant 80 : index
    %get3A_1704 = tpu.vector_load %arg5[%get3A_1702, %get3A_1703] {strides = array<i32>} : memref<32x128xf32, #tpu.memory_space<vmem>>, vector<16xf32>,
    %exp3A_1705 = math.exp %get3A_1704 : vector<16xf32>
    tpu.vector_store_idx %arg6[%add3A_1700], %exp3A_1705 : memref<49152xf32, #tpu.memory_space<vmem>>[vector<16xi32>], vector<16xf32>,
    %iota3A_1706 = tpu.iota {dimensions = array<i32: 0>} : vector<16xi32>
    %add3A_1707 = arith.constant 96 : i32
    %add3A_1708 = vector.broadcast %add3A_1707 : i32 to vector<16xi32>
    %add3A_1709 = arith.addi %iota3A_1706, %add3A_1708 : vector<16xi32>
    %mul3A_1710 = arith.constant 129 : i32
    %mul3A_1711 = vector.broadcast %mul3A_1710 : i32 to vector<16xi32>
    %mul3A_1712 = arith.muli %add3A_1709, %mul3A_1711 : vector<16xi32>
    %add3A_1713 = arith.constant 16384 : i32
    %add3A_1714 = vector.broadcast %add3A_1713 : i32 to vector<16xi32>
    %add3A_1715 = arith.addi %mul3A_1712, %add3A_1714 : vector<16xi32>
    %get3A_1716 = arith.constant 13 : i32
    %get3A_1717 = arith.index_cast %get3A_1716 : i32 to index
    %get3A_1718 = arith.constant 96 : index
    %get3A_1719 = tpu.vector_load %arg5[%get3A_1717, %get3A_1718] {strides = array<i32>} : memref<32x128xf32, #tpu.memory_space<vmem>>, vector<16xf32>,
    %exp3A_1720 = math.exp %get3A_1719 : vector<16xf32>
    tpu.vector_store_idx %arg6[%add3A_1715], %exp3A_1720 : memref<49152xf32, #tpu.memory_space<vmem>>[vector<16xi32>], vector<16xf32>,
    %iota3A_1721 = tpu.iota {dimensions = array<i32: 0>} : vector<16xi32>
    %add3A_1722 = arith.constant 112 : i32
    %add3A_1723 = vector.broadcast %add3A_1722 : i32 to vector<16xi32>
    %add3A_1724 = arith.addi %iota3A_1721, %add3A_1723 : vector<16xi32>
    %mul3A_1725 = arith.constant 129 : i32
    %mul3A_1726 = vector.broadcast %mul3A_1725 : i32 to vector<16xi32>
    %mul3A_1727 = arith.muli %add3A_1724, %mul3A_1726 : vector<16xi32>
    %add3A_1728 = arith.constant 16384 : i32
    %add3A_1729 = vector.broadcast %add3A_1728 : i32 to vector<16xi32>
    %add3A_1730 = arith.addi %mul3A_1727, %add3A_1729 : vector<16xi32>
    %get3A_1731 = arith.constant 13 : i32
    %get3A_1732 = arith.index_cast %get3A_1731 : i32 to index
    %get3A_1733 = arith.constant 112 : index
    %get3A_1734 = tpu.vector_load %arg5[%get3A_1732, %get3A_1733] {strides = array<i32>} : memref<32x128xf32, #tpu.memory_space<vmem>>, vector<16xf32>,
    %exp3A_1735 = math.exp %get3A_1734 : vector<16xf32>
    tpu.vector_store_idx %arg6[%add3A_1730], %exp3A_1735 : memref<49152xf32, #tpu.memory_space<vmem>>[vector<16xi32>], vector<16xf32>,
    %iota3A_1736 = tpu.iota {dimensions = array<i32: 0>} : vector<16xi32>
    %add3A_1737 = arith.constant 0 : i32
    %add3A_1738 = vector.broadcast %add3A_1737 : i32 to vector<16xi32>
    %add3A_1739 = arith.addi %iota3A_1736, %add3A_1738 : vector<16xi32>
    %mul3A_1740 = arith.constant 129 : i32
    %mul3A_1741 = vector.broadcast %mul3A_1740 : i32 to vector<16xi32>
    %mul3A_1742 = arith.muli %add3A_1739, %mul3A_1741 : vector<16xi32>
    %add3A_1743 = arith.constant 32768 : i32
    %add3A_1744 = vector.broadcast %add3A_1743 : i32 to vector<16xi32>
    %add3A_1745 = arith.addi %mul3A_1742, %add3A_1744 : vector<16xi32>
    %get3A_1746 = arith.constant 14 : i32
    %get3A_1747 = arith.index_cast %get3A_1746 : i32 to index
    %get3A_1748 = arith.constant 0 : index
    %get3A_1749 = tpu.vector_load %arg5[%get3A_1747, %get3A_1748] {strides = array<i32>} : memref<32x128xf32, #tpu.memory_space<vmem>>, vector<16xf32>,
    %exp3A_1750 = math.exp %get3A_1749 : vector<16xf32>
    tpu.vector_store_idx %arg6[%add3A_1745], %exp3A_1750 : memref<49152xf32, #tpu.memory_space<vmem>>[vector<16xi32>], vector<16xf32>,
    %iota3A_1751 = tpu.iota {dimensions = array<i32: 0>} : vector<16xi32>
    %add3A_1752 = arith.constant 16 : i32
    %add3A_1753 = vector.broadcast %add3A_1752 : i32 to vector<16xi32>
    %add3A_1754 = arith.addi %iota3A_1751, %add3A_1753 : vector<16xi32>
    %mul3A_1755 = arith.constant 129 : i32
    %mul3A_1756 = vector.broadcast %mul3A_1755 : i32 to vector<16xi32>
    %mul3A_1757 = arith.muli %add3A_1754, %mul3A_1756 : vector<16xi32>
    %add3A_1758 = arith.constant 32768 : i32
    %add3A_1759 = vector.broadcast %add3A_1758 : i32 to vector<16xi32>
    %add3A_1760 = arith.addi %mul3A_1757, %add3A_1759 : vector<16xi32>
    %get3A_1761 = arith.constant 14 : i32
    %get3A_1762 = arith.index_cast %get3A_1761 : i32 to index
    %get3A_1763 = arith.constant 16 : index
    %get3A_1764 = tpu.vector_load %arg5[%get3A_1762, %get3A_1763] {strides = array<i32>} : memref<32x128xf32, #tpu.memory_space<vmem>>, vector<16xf32>,
    %exp3A_1765 = math.exp %get3A_1764 : vector<16xf32>
    tpu.vector_store_idx %arg6[%add3A_1760], %exp3A_1765 : memref<49152xf32, #tpu.memory_space<vmem>>[vector<16xi32>], vector<16xf32>,
    %iota3A_1766 = tpu.iota {dimensions = array<i32: 0>} : vector<16xi32>
    %add3A_1767 = arith.constant 32 : i32
    %add3A_1768 = vector.broadcast %add3A_1767 : i32 to vector<16xi32>
    %add3A_1769 = arith.addi %iota3A_1766, %add3A_1768 : vector<16xi32>
    %mul3A_1770 = arith.constant 129 : i32
    %mul3A_1771 = vector.broadcast %mul3A_1770 : i32 to vector<16xi32>
    %mul3A_1772 = arith.muli %add3A_1769, %mul3A_1771 : vector<16xi32>
    %add3A_1773 = arith.constant 32768 : i32
    %add3A_1774 = vector.broadcast %add3A_1773 : i32 to vector<16xi32>
    %add3A_1775 = arith.addi %mul3A_1772, %add3A_1774 : vector<16xi32>
    %get3A_1776 = arith.constant 14 : i32
    %get3A_1777 = arith.index_cast %get3A_1776 : i32 to index
    %get3A_1778 = arith.constant 32 : index
    %get3A_1779 = tpu.vector_load %arg5[%get3A_1777, %get3A_1778] {strides = array<i32>} : memref<32x128xf32, #tpu.memory_space<vmem>>, vector<16xf32>,
    %exp3A_1780 = math.exp %get3A_1779 : vector<16xf32>
    tpu.vector_store_idx %arg6[%add3A_1775], %exp3A_1780 : memref<49152xf32, #tpu.memory_space<vmem>>[vector<16xi32>], vector<16xf32>,
    %iota3A_1781 = tpu.iota {dimensions = array<i32: 0>} : vector<16xi32>
    %add3A_1782 = arith.constant 48 : i32
    %add3A_1783 = vector.broadcast %add3A_1782 : i32 to vector<16xi32>
    %add3A_1784 = arith.addi %iota3A_1781, %add3A_1783 : vector<16xi32>
    %mul3A_1785 = arith.constant 129 : i32
    %mul3A_1786 = vector.broadcast %mul3A_1785 : i32 to vector<16xi32>
    %mul3A_1787 = arith.muli %add3A_1784, %mul3A_1786 : vector<16xi32>
    %add3A_1788 = arith.constant 32768 : i32
    %add3A_1789 = vector.broadcast %add3A_1788 : i32 to vector<16xi32>
    %add3A_1790 = arith.addi %mul3A_1787, %add3A_1789 : vector<16xi32>
    %get3A_1791 = arith.constant 14 : i32
    %get3A_1792 = arith.index_cast %get3A_1791 : i32 to index
    %get3A_1793 = arith.constant 48 : index
    %get3A_1794 = tpu.vector_load %arg5[%get3A_1792, %get3A_1793] {strides = array<i32>} : memref<32x128xf32, #tpu.memory_space<vmem>>, vector<16xf32>,
    %exp3A_1795 = math.exp %get3A_1794 : vector<16xf32>
    tpu.vector_store_idx %arg6[%add3A_1790], %exp3A_1795 : memref<49152xf32, #tpu.memory_space<vmem>>[vector<16xi32>], vector<16xf32>,
    %iota3A_1796 = tpu.iota {dimensions = array<i32: 0>} : vector<16xi32>
    %add3A_1797 = arith.constant 64 : i32
    %add3A_1798 = vector.broadcast %add3A_1797 : i32 to vector<16xi32>
    %add3A_1799 = arith.addi %iota3A_1796, %add3A_1798 : vector<16xi32>
    %mul3A_1800 = arith.constant 129 : i32
    %mul3A_1801 = vector.broadcast %mul3A_1800 : i32 to vector<16xi32>
    %mul3A_1802 = arith.muli %add3A_1799, %mul3A_1801 : vector<16xi32>
    %add3A_1803 = arith.constant 32768 : i32
    %add3A_1804 = vector.broadcast %add3A_1803 : i32 to vector<16xi32>
    %add3A_1805 = arith.addi %mul3A_1802, %add3A_1804 : vector<16xi32>
    %get3A_1806 = arith.constant 14 : i32
    %get3A_1807 = arith.index_cast %get3A_1806 : i32 to index
    %get3A_1808 = arith.constant 64 : index
    %get3A_1809 = tpu.vector_load %arg5[%get3A_1807, %get3A_1808] {strides = array<i32>} : memref<32x128xf32, #tpu.memory_space<vmem>>, vector<16xf32>,
    %exp3A_1810 = math.exp %get3A_1809 : vector<16xf32>
    tpu.vector_store_idx %arg6[%add3A_1805], %exp3A_1810 : memref<49152xf32, #tpu.memory_space<vmem>>[vector<16xi32>], vector<16xf32>,
    %iota3A_1811 = tpu.iota {dimensions = array<i32: 0>} : vector<16xi32>
    %add3A_1812 = arith.constant 80 : i32
    %add3A_1813 = vector.broadcast %add3A_1812 : i32 to vector<16xi32>
    %add3A_1814 = arith.addi %iota3A_1811, %add3A_1813 : vector<16xi32>
    %mul3A_1815 = arith.constant 129 : i32
    %mul3A_1816 = vector.broadcast %mul3A_1815 : i32 to vector<16xi32>
    %mul3A_1817 = arith.muli %add3A_1814, %mul3A_1816 : vector<16xi32>
    %add3A_1818 = arith.constant 32768 : i32
    %add3A_1819 = vector.broadcast %add3A_1818 : i32 to vector<16xi32>
    %add3A_1820 = arith.addi %mul3A_1817, %add3A_1819 : vector<16xi32>
    %get3A_1821 = arith.constant 14 : i32
    %get3A_1822 = arith.index_cast %get3A_1821 : i32 to index
    %get3A_1823 = arith.constant 80 : index
    %get3A_1824 = tpu.vector_load %arg5[%get3A_1822, %get3A_1823] {strides = array<i32>} : memref<32x128xf32, #tpu.memory_space<vmem>>, vector<16xf32>,
    %exp3A_1825 = math.exp %get3A_1824 : vector<16xf32>
    tpu.vector_store_idx %arg6[%add3A_1820], %exp3A_1825 : memref<49152xf32, #tpu.memory_space<vmem>>[vector<16xi32>], vector<16xf32>,
    %iota3A_1826 = tpu.iota {dimensions = array<i32: 0>} : vector<16xi32>
    %add3A_1827 = arith.constant 96 : i32
    %add3A_1828 = vector.broadcast %add3A_1827 : i32 to vector<16xi32>
    %add3A_1829 = arith.addi %iota3A_1826, %add3A_1828 : vector<16xi32>
    %mul3A_1830 = arith.constant 129 : i32
    %mul3A_1831 = vector.broadcast %mul3A_1830 : i32 to vector<16xi32>
    %mul3A_1832 = arith.muli %add3A_1829, %mul3A_1831 : vector<16xi32>
    %add3A_1833 = arith.constant 32768 : i32
    %add3A_1834 = vector.broadcast %add3A_1833 : i32 to vector<16xi32>
    %add3A_1835 = arith.addi %mul3A_1832, %add3A_1834 : vector<16xi32>
    %get3A_1836 = arith.constant 14 : i32
    %get3A_1837 = arith.index_cast %get3A_1836 : i32 to index
    %get3A_1838 = arith.constant 96 : index
    %get3A_1839 = tpu.vector_load %arg5[%get3A_1837, %get3A_1838] {strides = array<i32>} : memref<32x128xf32, #tpu.memory_space<vmem>>, vector<16xf32>,
    %exp3A_1840 = math.exp %get3A_1839 : vector<16xf32>
    tpu.vector_store_idx %arg6[%add3A_1835], %exp3A_1840 : memref<49152xf32, #tpu.memory_space<vmem>>[vector<16xi32>], vector<16xf32>,
    %iota3A_1841 = tpu.iota {dimensions = array<i32: 0>} : vector<16xi32>
    %add3A_1842 = arith.constant 112 : i32
    %add3A_1843 = vector.broadcast %add3A_1842 : i32 to vector<16xi32>
    %add3A_1844 = arith.addi %iota3A_1841, %add3A_1843 : vector<16xi32>
    %mul3A_1845 = arith.constant 129 : i32
    %mul3A_1846 = vector.broadcast %mul3A_1845 : i32 to vector<16xi32>
    %mul3A_1847 = arith.muli %add3A_1844, %mul3A_1846 : vector<16xi32>
    %add3A_1848 = arith.constant 32768 : i32
    %add3A_1849 = vector.broadcast %add3A_1848 : i32 to vector<16xi32>
    %add3A_1850 = arith.addi %mul3A_1847, %add3A_1849 : vector<16xi32>
    %get3A_1851 = arith.constant 14 : i32
    %get3A_1852 = arith.index_cast %get3A_1851 : i32 to index
    %get3A_1853 = arith.constant 112 : index
    %get3A_1854 = tpu.vector_load %arg5[%get3A_1852, %get3A_1853] {strides = array<i32>} : memref<32x128xf32, #tpu.memory_space<vmem>>, vector<16xf32>,
    %exp3A_1855 = math.exp %get3A_1854 : vector<16xf32>
    tpu.vector_store_idx %arg6[%add3A_1850], %exp3A_1855 : memref<49152xf32, #tpu.memory_space<vmem>>[vector<16xi32>], vector<16xf32>,
    %add3A_1856 = arith.constant 12 : i32
    %add3A_1857 = arith.addi %mul3A_2, %add3A_1856 : i32
    %mul3A_1858 = arith.constant 16384 : i32
    %mul3A_1859 = arith.muli %add3A_1857, %mul3A_1858 : i32
    %dma_start3A_1860 = arith.constant 0 : i32
    %dma_start3A_1861 = tpu.memref_slice %arg6[%dma_start3A_1860] : memref<49152xf32, #tpu.memory_space<vmem>> -> memref<49152xf32, #tpu.memory_space<vmem>>
    %dma_start3A_1862 = tpu.memref_slice %arg4[%mul3A_1859] : memref<16777216xf32, #tpu.memory_space<hbm>> -> memref<49152xf32, #tpu.memory_space<hbm>>
    %dma_start3A_1863 = tpu.memref_slice %arg4[%mul3A_1859] : memref<16777216xf32, #tpu.memory_space<hbm>> -> memref<49152xf32, #tpu.memory_space<hbm>>
    %dma_start3A_1864 = arith.constant 0 : i32
    %dma_start3A_1865 = tpu.memref_slice %arg6[%dma_start3A_1864] : memref<49152xf32, #tpu.memory_space<vmem>> -> memref<49152xf32, #tpu.memory_space<vmem>>
    tpu.enqueue_dma source(%dma_start3A_1865 : memref<49152xf32, #tpu.memory_space<vmem>>) target(%dma_start3A_1863 : memref<49152xf32, #tpu.memory_space<hbm>>) target_semaphore(%arg8 : memref<!tpu.dma_semaphore, #tpu.memory_space<semaphore_mem>>)
    %dma_wait3A_1866 = arith.constant 0 : i32
    %dma_wait3A_1867 = tpu.memref_slice %arg7[%dma_wait3A_1866] : memref<49152xf32, #tpu.memory_space<vmem>> -> memref<49152xf32, #tpu.memory_space<vmem>>
    %dma_wait3A_1868 = tpu.memref_slice %arg4[%mul3A_1483] : memref<16777216xf32, #tpu.memory_space<hbm>> -> memref<49152xf32, #tpu.memory_space<hbm>>
    %dma_wait3A_1869 = tpu.memref_slice %arg4[%mul3A_1483] : memref<16777216xf32, #tpu.memory_space<hbm>> -> memref<49152xf32, #tpu.memory_space<hbm>>
    %dma_wait3A_1870 = arith.constant 0 : i32
    %dma_wait3A_1871 = tpu.memref_slice %arg7[%dma_wait3A_1870] : memref<49152xf32, #tpu.memory_space<vmem>> -> memref<49152xf32, #tpu.memory_space<vmem>>
    tpu.wait_dma2 semaphore(%arg9 : memref<!tpu.dma_semaphore, #tpu.memory_space<semaphore_mem>>) src(%dma_wait3A_1871 : memref<49152xf32, #tpu.memory_space<vmem>>) dst(%dma_wait3A_1869 : memref<49152xf32, #tpu.memory_space<hbm>>)
    %iota3A_1872 = tpu.iota {dimensions = array<i32: 0>} : vector<16xi32>
    %add3A_1873 = arith.constant 0 : i32
    %add3A_1874 = vector.broadcast %add3A_1873 : i32 to vector<16xi32>
    %add3A_1875 = arith.addi %iota3A_1872, %add3A_1874 : vector<16xi32>
    %mul3A_1876 = arith.constant 129 : i32
    %mul3A_1877 = vector.broadcast %mul3A_1876 : i32 to vector<16xi32>
    %mul3A_1878 = arith.muli %add3A_1875, %mul3A_1877 : vector<16xi32>
    %add3A_1879 = arith.constant 0 : i32
    %add3A_1880 = vector.broadcast %add3A_1879 : i32 to vector<16xi32>
    %add3A_1881 = arith.addi %mul3A_1878, %add3A_1880 : vector<16xi32>
    %get3A_1882 = arith.constant 15 : i32
    %get3A_1883 = arith.index_cast %get3A_1882 : i32 to index
    %get3A_1884 = arith.constant 0 : index
    %get3A_1885 = tpu.vector_load %arg5[%get3A_1883, %get3A_1884] {strides = array<i32>} : memref<32x128xf32, #tpu.memory_space<vmem>>, vector<16xf32>,
    %exp3A_1886 = math.exp %get3A_1885 : vector<16xf32>
    tpu.vector_store_idx %arg7[%add3A_1881], %exp3A_1886 : memref<49152xf32, #tpu.memory_space<vmem>>[vector<16xi32>], vector<16xf32>,
    %iota3A_1887 = tpu.iota {dimensions = array<i32: 0>} : vector<16xi32>
    %add3A_1888 = arith.constant 16 : i32
    %add3A_1889 = vector.broadcast %add3A_1888 : i32 to vector<16xi32>
    %add3A_1890 = arith.addi %iota3A_1887, %add3A_1889 : vector<16xi32>
    %mul3A_1891 = arith.constant 129 : i32
    %mul3A_1892 = vector.broadcast %mul3A_1891 : i32 to vector<16xi32>
    %mul3A_1893 = arith.muli %add3A_1890, %mul3A_1892 : vector<16xi32>
    %add3A_1894 = arith.constant 0 : i32
    %add3A_1895 = vector.broadcast %add3A_1894 : i32 to vector<16xi32>
    %add3A_1896 = arith.addi %mul3A_1893, %add3A_1895 : vector<16xi32>
    %get3A_1897 = arith.constant 15 : i32
    %get3A_1898 = arith.index_cast %get3A_1897 : i32 to index
    %get3A_1899 = arith.constant 16 : index
    %get3A_1900 = tpu.vector_load %arg5[%get3A_1898, %get3A_1899] {strides = array<i32>} : memref<32x128xf32, #tpu.memory_space<vmem>>, vector<16xf32>,
    %exp3A_1901 = math.exp %get3A_1900 : vector<16xf32>
    tpu.vector_store_idx %arg7[%add3A_1896], %exp3A_1901 : memref<49152xf32, #tpu.memory_space<vmem>>[vector<16xi32>], vector<16xf32>,
    %iota3A_1902 = tpu.iota {dimensions = array<i32: 0>} : vector<16xi32>
    %add3A_1903 = arith.constant 32 : i32
    %add3A_1904 = vector.broadcast %add3A_1903 : i32 to vector<16xi32>
    %add3A_1905 = arith.addi %iota3A_1902, %add3A_1904 : vector<16xi32>
    %mul3A_1906 = arith.constant 129 : i32
    %mul3A_1907 = vector.broadcast %mul3A_1906 : i32 to vector<16xi32>
    %mul3A_1908 = arith.muli %add3A_1905, %mul3A_1907 : vector<16xi32>
    %add3A_1909 = arith.constant 0 : i32
    %add3A_1910 = vector.broadcast %add3A_1909 : i32 to vector<16xi32>
    %add3A_1911 = arith.addi %mul3A_1908, %add3A_1910 : vector<16xi32>
    %get3A_1912 = arith.constant 15 : i32
    %get3A_1913 = arith.index_cast %get3A_1912 : i32 to index
    %get3A_1914 = arith.constant 32 : index
    %get3A_1915 = tpu.vector_load %arg5[%get3A_1913, %get3A_1914] {strides = array<i32>} : memref<32x128xf32, #tpu.memory_space<vmem>>, vector<16xf32>,
    %exp3A_1916 = math.exp %get3A_1915 : vector<16xf32>
    tpu.vector_store_idx %arg7[%add3A_1911], %exp3A_1916 : memref<49152xf32, #tpu.memory_space<vmem>>[vector<16xi32>], vector<16xf32>,
    %iota3A_1917 = tpu.iota {dimensions = array<i32: 0>} : vector<16xi32>
    %add3A_1918 = arith.constant 48 : i32
    %add3A_1919 = vector.broadcast %add3A_1918 : i32 to vector<16xi32>
    %add3A_1920 = arith.addi %iota3A_1917, %add3A_1919 : vector<16xi32>
    %mul3A_1921 = arith.constant 129 : i32
    %mul3A_1922 = vector.broadcast %mul3A_1921 : i32 to vector<16xi32>
    %mul3A_1923 = arith.muli %add3A_1920, %mul3A_1922 : vector<16xi32>
    %add3A_1924 = arith.constant 0 : i32
    %add3A_1925 = vector.broadcast %add3A_1924 : i32 to vector<16xi32>
    %add3A_1926 = arith.addi %mul3A_1923, %add3A_1925 : vector<16xi32>
    %get3A_1927 = arith.constant 15 : i32
    %get3A_1928 = arith.index_cast %get3A_1927 : i32 to index
    %get3A_1929 = arith.constant 48 : index
    %get3A_1930 = tpu.vector_load %arg5[%get3A_1928, %get3A_1929] {strides = array<i32>} : memref<32x128xf32, #tpu.memory_space<vmem>>, vector<16xf32>,
    %exp3A_1931 = math.exp %get3A_1930 : vector<16xf32>
    tpu.vector_store_idx %arg7[%add3A_1926], %exp3A_1931 : memref<49152xf32, #tpu.memory_space<vmem>>[vector<16xi32>], vector<16xf32>,
    %iota3A_1932 = tpu.iota {dimensions = array<i32: 0>} : vector<16xi32>
    %add3A_1933 = arith.constant 64 : i32
    %add3A_1934 = vector.broadcast %add3A_1933 : i32 to vector<16xi32>
    %add3A_1935 = arith.addi %iota3A_1932, %add3A_1934 : vector<16xi32>
    %mul3A_1936 = arith.constant 129 : i32
    %mul3A_1937 = vector.broadcast %mul3A_1936 : i32 to vector<16xi32>
    %mul3A_1938 = arith.muli %add3A_1935, %mul3A_1937 : vector<16xi32>
    %add3A_1939 = arith.constant 0 : i32
    %add3A_1940 = vector.broadcast %add3A_1939 : i32 to vector<16xi32>
    %add3A_1941 = arith.addi %mul3A_1938, %add3A_1940 : vector<16xi32>
    %get3A_1942 = arith.constant 15 : i32
    %get3A_1943 = arith.index_cast %get3A_1942 : i32 to index
    %get3A_1944 = arith.constant 64 : index
    %get3A_1945 = tpu.vector_load %arg5[%get3A_1943, %get3A_1944] {strides = array<i32>} : memref<32x128xf32, #tpu.memory_space<vmem>>, vector<16xf32>,
    %exp3A_1946 = math.exp %get3A_1945 : vector<16xf32>
    tpu.vector_store_idx %arg7[%add3A_1941], %exp3A_1946 : memref<49152xf32, #tpu.memory_space<vmem>>[vector<16xi32>], vector<16xf32>,
    %iota3A_1947 = tpu.iota {dimensions = array<i32: 0>} : vector<16xi32>
    %add3A_1948 = arith.constant 80 : i32
    %add3A_1949 = vector.broadcast %add3A_1948 : i32 to vector<16xi32>
    %add3A_1950 = arith.addi %iota3A_1947, %add3A_1949 : vector<16xi32>
    %mul3A_1951 = arith.constant 129 : i32
    %mul3A_1952 = vector.broadcast %mul3A_1951 : i32 to vector<16xi32>
    %mul3A_1953 = arith.muli %add3A_1950, %mul3A_1952 : vector<16xi32>
    %add3A_1954 = arith.constant 0 : i32
    %add3A_1955 = vector.broadcast %add3A_1954 : i32 to vector<16xi32>
    %add3A_1956 = arith.addi %mul3A_1953, %add3A_1955 : vector<16xi32>
    %get3A_1957 = arith.constant 15 : i32
    %get3A_1958 = arith.index_cast %get3A_1957 : i32 to index
    %get3A_1959 = arith.constant 80 : index
    %get3A_1960 = tpu.vector_load %arg5[%get3A_1958, %get3A_1959] {strides = array<i32>} : memref<32x128xf32, #tpu.memory_space<vmem>>, vector<16xf32>,
    %exp3A_1961 = math.exp %get3A_1960 : vector<16xf32>
    tpu.vector_store_idx %arg7[%add3A_1956], %exp3A_1961 : memref<49152xf32, #tpu.memory_space<vmem>>[vector<16xi32>], vector<16xf32>,
    %iota3A_1962 = tpu.iota {dimensions = array<i32: 0>} : vector<16xi32>
    %add3A_1963 = arith.constant 96 : i32
    %add3A_1964 = vector.broadcast %add3A_1963 : i32 to vector<16xi32>
    %add3A_1965 = arith.addi %iota3A_1962, %add3A_1964 : vector<16xi32>
    %mul3A_1966 = arith.constant 129 : i32
    %mul3A_1967 = vector.broadcast %mul3A_1966 : i32 to vector<16xi32>
    %mul3A_1968 = arith.muli %add3A_1965, %mul3A_1967 : vector<16xi32>
    %add3A_1969 = arith.constant 0 : i32
    %add3A_1970 = vector.broadcast %add3A_1969 : i32 to vector<16xi32>
    %add3A_1971 = arith.addi %mul3A_1968, %add3A_1970 : vector<16xi32>
    %get3A_1972 = arith.constant 15 : i32
    %get3A_1973 = arith.index_cast %get3A_1972 : i32 to index
    %get3A_1974 = arith.constant 96 : index
    %get3A_1975 = tpu.vector_load %arg5[%get3A_1973, %get3A_1974] {strides = array<i32>} : memref<32x128xf32, #tpu.memory_space<vmem>>, vector<16xf32>,
    %exp3A_1976 = math.exp %get3A_1975 : vector<16xf32>
    tpu.vector_store_idx %arg7[%add3A_1971], %exp3A_1976 : memref<49152xf32, #tpu.memory_space<vmem>>[vector<16xi32>], vector<16xf32>,
    %iota3A_1977 = tpu.iota {dimensions = array<i32: 0>} : vector<16xi32>
    %add3A_1978 = arith.constant 112 : i32
    %add3A_1979 = vector.broadcast %add3A_1978 : i32 to vector<16xi32>
    %add3A_1980 = arith.addi %iota3A_1977, %add3A_1979 : vector<16xi32>
    %mul3A_1981 = arith.constant 129 : i32
    %mul3A_1982 = vector.broadcast %mul3A_1981 : i32 to vector<16xi32>
    %mul3A_1983 = arith.muli %add3A_1980, %mul3A_1982 : vector<16xi32>
    %add3A_1984 = arith.constant 0 : i32
    %add3A_1985 = vector.broadcast %add3A_1984 : i32 to vector<16xi32>
    %add3A_1986 = arith.addi %mul3A_1983, %add3A_1985 : vector<16xi32>
    %get3A_1987 = arith.constant 15 : i32
    %get3A_1988 = arith.index_cast %get3A_1987 : i32 to index
    %get3A_1989 = arith.constant 112 : index
    %get3A_1990 = tpu.vector_load %arg5[%get3A_1988, %get3A_1989] {strides = array<i32>} : memref<32x128xf32, #tpu.memory_space<vmem>>, vector<16xf32>,
    %exp3A_1991 = math.exp %get3A_1990 : vector<16xf32>
    tpu.vector_store_idx %arg7[%add3A_1986], %exp3A_1991 : memref<49152xf32, #tpu.memory_space<vmem>>[vector<16xi32>], vector<16xf32>,
    %iota3A_1992 = tpu.iota {dimensions = array<i32: 0>} : vector<16xi32>
    %add3A_1993 = arith.constant 0 : i32
    %add3A_1994 = vector.broadcast %add3A_1993 : i32 to vector<16xi32>
    %add3A_1995 = arith.addi %iota3A_1992, %add3A_1994 : vector<16xi32>
    %mul3A_1996 = arith.constant 129 : i32
    %mul3A_1997 = vector.broadcast %mul3A_1996 : i32 to vector<16xi32>
    %mul3A_1998 = arith.muli %add3A_1995, %mul3A_1997 : vector<16xi32>
    %add3A_1999 = arith.constant 16384 : i32
    %add3A_2000 = vector.broadcast %add3A_1999 : i32 to vector<16xi32>
    %add3A_2001 = arith.addi %mul3A_1998, %add3A_2000 : vector<16xi32>
    %get3A_2002 = arith.constant 16 : i32
    %get3A_2003 = arith.index_cast %get3A_2002 : i32 to index
    %get3A_2004 = arith.constant 0 : index
    %get3A_2005 = tpu.vector_load %arg5[%get3A_2003, %get3A_2004] {strides = array<i32>} : memref<32x128xf32, #tpu.memory_space<vmem>>, vector<16xf32>,
    %exp3A_2006 = math.exp %get3A_2005 : vector<16xf32>
    tpu.vector_store_idx %arg7[%add3A_2001], %exp3A_2006 : memref<49152xf32, #tpu.memory_space<vmem>>[vector<16xi32>], vector<16xf32>,
    %iota3A_2007 = tpu.iota {dimensions = array<i32: 0>} : vector<16xi32>
    %add3A_2008 = arith.constant 16 : i32
    %add3A_2009 = vector.broadcast %add3A_2008 : i32 to vector<16xi32>
    %add3A_2010 = arith.addi %iota3A_2007, %add3A_2009 : vector<16xi32>
    %mul3A_2011 = arith.constant 129 : i32
    %mul3A_2012 = vector.broadcast %mul3A_2011 : i32 to vector<16xi32>
    %mul3A_2013 = arith.muli %add3A_2010, %mul3A_2012 : vector<16xi32>
    %add3A_2014 = arith.constant 16384 : i32
    %add3A_2015 = vector.broadcast %add3A_2014 : i32 to vector<16xi32>
    %add3A_2016 = arith.addi %mul3A_2013, %add3A_2015 : vector<16xi32>
    %get3A_2017 = arith.constant 16 : i32
    %get3A_2018 = arith.index_cast %get3A_2017 : i32 to index
    %get3A_2019 = arith.constant 16 : index
    %get3A_2020 = tpu.vector_load %arg5[%get3A_2018, %get3A_2019] {strides = array<i32>} : memref<32x128xf32, #tpu.memory_space<vmem>>, vector<16xf32>,
    %exp3A_2021 = math.exp %get3A_2020 : vector<16xf32>
    tpu.vector_store_idx %arg7[%add3A_2016], %exp3A_2021 : memref<49152xf32, #tpu.memory_space<vmem>>[vector<16xi32>], vector<16xf32>,
    %iota3A_2022 = tpu.iota {dimensions = array<i32: 0>} : vector<16xi32>
    %add3A_2023 = arith.constant 32 : i32
    %add3A_2024 = vector.broadcast %add3A_2023 : i32 to vector<16xi32>
    %add3A_2025 = arith.addi %iota3A_2022, %add3A_2024 : vector<16xi32>
    %mul3A_2026 = arith.constant 129 : i32
    %mul3A_2027 = vector.broadcast %mul3A_2026 : i32 to vector<16xi32>
    %mul3A_2028 = arith.muli %add3A_2025, %mul3A_2027 : vector<16xi32>
    %add3A_2029 = arith.constant 16384 : i32
    %add3A_2030 = vector.broadcast %add3A_2029 : i32 to vector<16xi32>
    %add3A_2031 = arith.addi %mul3A_2028, %add3A_2030 : vector<16xi32>
    %get3A_2032 = arith.constant 16 : i32
    %get3A_2033 = arith.index_cast %get3A_2032 : i32 to index
    %get3A_2034 = arith.constant 32 : index
    %get3A_2035 = tpu.vector_load %arg5[%get3A_2033, %get3A_2034] {strides = array<i32>} : memref<32x128xf32, #tpu.memory_space<vmem>>, vector<16xf32>,
    %exp3A_2036 = math.exp %get3A_2035 : vector<16xf32>
    tpu.vector_store_idx %arg7[%add3A_2031], %exp3A_2036 : memref<49152xf32, #tpu.memory_space<vmem>>[vector<16xi32>], vector<16xf32>,
    %iota3A_2037 = tpu.iota {dimensions = array<i32: 0>} : vector<16xi32>
    %add3A_2038 = arith.constant 48 : i32
    %add3A_2039 = vector.broadcast %add3A_2038 : i32 to vector<16xi32>
    %add3A_2040 = arith.addi %iota3A_2037, %add3A_2039 : vector<16xi32>
    %mul3A_2041 = arith.constant 129 : i32
    %mul3A_2042 = vector.broadcast %mul3A_2041 : i32 to vector<16xi32>
    %mul3A_2043 = arith.muli %add3A_2040, %mul3A_2042 : vector<16xi32>
    %add3A_2044 = arith.constant 16384 : i32
    %add3A_2045 = vector.broadcast %add3A_2044 : i32 to vector<16xi32>
    %add3A_2046 = arith.addi %mul3A_2043, %add3A_2045 : vector<16xi32>
    %get3A_2047 = arith.constant 16 : i32
    %get3A_2048 = arith.index_cast %get3A_2047 : i32 to index
    %get3A_2049 = arith.constant 48 : index
    %get3A_2050 = tpu.vector_load %arg5[%get3A_2048, %get3A_2049] {strides = array<i32>} : memref<32x128xf32, #tpu.memory_space<vmem>>, vector<16xf32>,
    %exp3A_2051 = math.exp %get3A_2050 : vector<16xf32>
    tpu.vector_store_idx %arg7[%add3A_2046], %exp3A_2051 : memref<49152xf32, #tpu.memory_space<vmem>>[vector<16xi32>], vector<16xf32>,
    %iota3A_2052 = tpu.iota {dimensions = array<i32: 0>} : vector<16xi32>
    %add3A_2053 = arith.constant 64 : i32
    %add3A_2054 = vector.broadcast %add3A_2053 : i32 to vector<16xi32>
    %add3A_2055 = arith.addi %iota3A_2052, %add3A_2054 : vector<16xi32>
    %mul3A_2056 = arith.constant 129 : i32
    %mul3A_2057 = vector.broadcast %mul3A_2056 : i32 to vector<16xi32>
    %mul3A_2058 = arith.muli %add3A_2055, %mul3A_2057 : vector<16xi32>
    %add3A_2059 = arith.constant 16384 : i32
    %add3A_2060 = vector.broadcast %add3A_2059 : i32 to vector<16xi32>
    %add3A_2061 = arith.addi %mul3A_2058, %add3A_2060 : vector<16xi32>
    %get3A_2062 = arith.constant 16 : i32
    %get3A_2063 = arith.index_cast %get3A_2062 : i32 to index
    %get3A_2064 = arith.constant 64 : index
    %get3A_2065 = tpu.vector_load %arg5[%get3A_2063, %get3A_2064] {strides = array<i32>} : memref<32x128xf32, #tpu.memory_space<vmem>>, vector<16xf32>,
    %exp3A_2066 = math.exp %get3A_2065 : vector<16xf32>
    tpu.vector_store_idx %arg7[%add3A_2061], %exp3A_2066 : memref<49152xf32, #tpu.memory_space<vmem>>[vector<16xi32>], vector<16xf32>,
    %iota3A_2067 = tpu.iota {dimensions = array<i32: 0>} : vector<16xi32>
    %add3A_2068 = arith.constant 80 : i32
    %add3A_2069 = vector.broadcast %add3A_2068 : i32 to vector<16xi32>
    %add3A_2070 = arith.addi %iota3A_2067, %add3A_2069 : vector<16xi32>
    %mul3A_2071 = arith.constant 129 : i32
    %mul3A_2072 = vector.broadcast %mul3A_2071 : i32 to vector<16xi32>
    %mul3A_2073 = arith.muli %add3A_2070, %mul3A_2072 : vector<16xi32>
    %add3A_2074 = arith.constant 16384 : i32
    %add3A_2075 = vector.broadcast %add3A_2074 : i32 to vector<16xi32>
    %add3A_2076 = arith.addi %mul3A_2073, %add3A_2075 : vector<16xi32>
    %get3A_2077 = arith.constant 16 : i32
    %get3A_2078 = arith.index_cast %get3A_2077 : i32 to index
    %get3A_2079 = arith.constant 80 : index
    %get3A_2080 = tpu.vector_load %arg5[%get3A_2078, %get3A_2079] {strides = array<i32>} : memref<32x128xf32, #tpu.memory_space<vmem>>, vector<16xf32>,
    %exp3A_2081 = math.exp %get3A_2080 : vector<16xf32>
    tpu.vector_store_idx %arg7[%add3A_2076], %exp3A_2081 : memref<49152xf32, #tpu.memory_space<vmem>>[vector<16xi32>], vector<16xf32>,
    %iota3A_2082 = tpu.iota {dimensions = array<i32: 0>} : vector<16xi32>
    %add3A_2083 = arith.constant 96 : i32
    %add3A_2084 = vector.broadcast %add3A_2083 : i32 to vector<16xi32>
    %add3A_2085 = arith.addi %iota3A_2082, %add3A_2084 : vector<16xi32>
    %mul3A_2086 = arith.constant 129 : i32
    %mul3A_2087 = vector.broadcast %mul3A_2086 : i32 to vector<16xi32>
    %mul3A_2088 = arith.muli %add3A_2085, %mul3A_2087 : vector<16xi32>
    %add3A_2089 = arith.constant 16384 : i32
    %add3A_2090 = vector.broadcast %add3A_2089 : i32 to vector<16xi32>
    %add3A_2091 = arith.addi %mul3A_2088, %add3A_2090 : vector<16xi32>
    %get3A_2092 = arith.constant 16 : i32
    %get3A_2093 = arith.index_cast %get3A_2092 : i32 to index
    %get3A_2094 = arith.constant 96 : index
    %get3A_2095 = tpu.vector_load %arg5[%get3A_2093, %get3A_2094] {strides = array<i32>} : memref<32x128xf32, #tpu.memory_space<vmem>>, vector<16xf32>,
    %exp3A_2096 = math.exp %get3A_2095 : vector<16xf32>
    tpu.vector_store_idx %arg7[%add3A_2091], %exp3A_2096 : memref<49152xf32, #tpu.memory_space<vmem>>[vector<16xi32>], vector<16xf32>,
    %iota3A_2097 = tpu.iota {dimensions = array<i32: 0>} : vector<16xi32>
    %add3A_2098 = arith.constant 112 : i32
    %add3A_2099 = vector.broadcast %add3A_2098 : i32 to vector<16xi32>
    %add3A_2100 = arith.addi %iota3A_2097, %add3A_2099 : vector<16xi32>
    %mul3A_2101 = arith.constant 129 : i32
    %mul3A_2102 = vector.broadcast %mul3A_2101 : i32 to vector<16xi32>
    %mul3A_2103 = arith.muli %add3A_2100, %mul3A_2102 : vector<16xi32>
    %add3A_2104 = arith.constant 16384 : i32
    %add3A_2105 = vector.broadcast %add3A_2104 : i32 to vector<16xi32>
    %add3A_2106 = arith.addi %mul3A_2103, %add3A_2105 : vector<16xi32>
    %get3A_2107 = arith.constant 16 : i32
    %get3A_2108 = arith.index_cast %get3A_2107 : i32 to index
    %get3A_2109 = arith.constant 112 : index
    %get3A_2110 = tpu.vector_load %arg5[%get3A_2108, %get3A_2109] {strides = array<i32>} : memref<32x128xf32, #tpu.memory_space<vmem>>, vector<16xf32>,
    %exp3A_2111 = math.exp %get3A_2110 : vector<16xf32>
    tpu.vector_store_idx %arg7[%add3A_2106], %exp3A_2111 : memref<49152xf32, #tpu.memory_space<vmem>>[vector<16xi32>], vector<16xf32>,
    %iota3A_2112 = tpu.iota {dimensions = array<i32: 0>} : vector<16xi32>
    %add3A_2113 = arith.constant 0 : i32
    %add3A_2114 = vector.broadcast %add3A_2113 : i32 to vector<16xi32>
    %add3A_2115 = arith.addi %iota3A_2112, %add3A_2114 : vector<16xi32>
    %mul3A_2116 = arith.constant 129 : i32
    %mul3A_2117 = vector.broadcast %mul3A_2116 : i32 to vector<16xi32>
    %mul3A_2118 = arith.muli %add3A_2115, %mul3A_2117 : vector<16xi32>
    %add3A_2119 = arith.constant 32768 : i32
    %add3A_2120 = vector.broadcast %add3A_2119 : i32 to vector<16xi32>
    %add3A_2121 = arith.addi %mul3A_2118, %add3A_2120 : vector<16xi32>
    %get3A_2122 = arith.constant 17 : i32
    %get3A_2123 = arith.index_cast %get3A_2122 : i32 to index
    %get3A_2124 = arith.constant 0 : index
    %get3A_2125 = tpu.vector_load %arg5[%get3A_2123, %get3A_2124] {strides = array<i32>} : memref<32x128xf32, #tpu.memory_space<vmem>>, vector<16xf32>,
    %exp3A_2126 = math.exp %get3A_2125 : vector<16xf32>
    tpu.vector_store_idx %arg7[%add3A_2121], %exp3A_2126 : memref<49152xf32, #tpu.memory_space<vmem>>[vector<16xi32>], vector<16xf32>,
    %iota3A_2127 = tpu.iota {dimensions = array<i32: 0>} : vector<16xi32>
    %add3A_2128 = arith.constant 16 : i32
    %add3A_2129 = vector.broadcast %add3A_2128 : i32 to vector<16xi32>
    %add3A_2130 = arith.addi %iota3A_2127, %add3A_2129 : vector<16xi32>
    %mul3A_2131 = arith.constant 129 : i32
    %mul3A_2132 = vector.broadcast %mul3A_2131 : i32 to vector<16xi32>
    %mul3A_2133 = arith.muli %add3A_2130, %mul3A_2132 : vector<16xi32>
    %add3A_2134 = arith.constant 32768 : i32
    %add3A_2135 = vector.broadcast %add3A_2134 : i32 to vector<16xi32>
    %add3A_2136 = arith.addi %mul3A_2133, %add3A_2135 : vector<16xi32>
    %get3A_2137 = arith.constant 17 : i32
    %get3A_2138 = arith.index_cast %get3A_2137 : i32 to index
    %get3A_2139 = arith.constant 16 : index
    %get3A_2140 = tpu.vector_load %arg5[%get3A_2138, %get3A_2139] {strides = array<i32>} : memref<32x128xf32, #tpu.memory_space<vmem>>, vector<16xf32>,
    %exp3A_2141 = math.exp %get3A_2140 : vector<16xf32>
    tpu.vector_store_idx %arg7[%add3A_2136], %exp3A_2141 : memref<49152xf32, #tpu.memory_space<vmem>>[vector<16xi32>], vector<16xf32>,
    %iota3A_2142 = tpu.iota {dimensions = array<i32: 0>} : vector<16xi32>
    %add3A_2143 = arith.constant 32 : i32
    %add3A_2144 = vector.broadcast %add3A_2143 : i32 to vector<16xi32>
    %add3A_2145 = arith.addi %iota3A_2142, %add3A_2144 : vector<16xi32>
    %mul3A_2146 = arith.constant 129 : i32
    %mul3A_2147 = vector.broadcast %mul3A_2146 : i32 to vector<16xi32>
    %mul3A_2148 = arith.muli %add3A_2145, %mul3A_2147 : vector<16xi32>
    %add3A_2149 = arith.constant 32768 : i32
    %add3A_2150 = vector.broadcast %add3A_2149 : i32 to vector<16xi32>
    %add3A_2151 = arith.addi %mul3A_2148, %add3A_2150 : vector<16xi32>
    %get3A_2152 = arith.constant 17 : i32
    %get3A_2153 = arith.index_cast %get3A_2152 : i32 to index
    %get3A_2154 = arith.constant 32 : index
    %get3A_2155 = tpu.vector_load %arg5[%get3A_2153, %get3A_2154] {strides = array<i32>} : memref<32x128xf32, #tpu.memory_space<vmem>>, vector<16xf32>,
    %exp3A_2156 = math.exp %get3A_2155 : vector<16xf32>
    tpu.vector_store_idx %arg7[%add3A_2151], %exp3A_2156 : memref<49152xf32, #tpu.memory_space<vmem>>[vector<16xi32>], vector<16xf32>,
    %iota3A_2157 = tpu.iota {dimensions = array<i32: 0>} : vector<16xi32>
    %add3A_2158 = arith.constant 48 : i32
    %add3A_2159 = vector.broadcast %add3A_2158 : i32 to vector<16xi32>
    %add3A_2160 = arith.addi %iota3A_2157, %add3A_2159 : vector<16xi32>
    %mul3A_2161 = arith.constant 129 : i32
    %mul3A_2162 = vector.broadcast %mul3A_2161 : i32 to vector<16xi32>
    %mul3A_2163 = arith.muli %add3A_2160, %mul3A_2162 : vector<16xi32>
    %add3A_2164 = arith.constant 32768 : i32
    %add3A_2165 = vector.broadcast %add3A_2164 : i32 to vector<16xi32>
    %add3A_2166 = arith.addi %mul3A_2163, %add3A_2165 : vector<16xi32>
    %get3A_2167 = arith.constant 17 : i32
    %get3A_2168 = arith.index_cast %get3A_2167 : i32 to index
    %get3A_2169 = arith.constant 48 : index
    %get3A_2170 = tpu.vector_load %arg5[%get3A_2168, %get3A_2169] {strides = array<i32>} : memref<32x128xf32, #tpu.memory_space<vmem>>, vector<16xf32>,
    %exp3A_2171 = math.exp %get3A_2170 : vector<16xf32>
    tpu.vector_store_idx %arg7[%add3A_2166], %exp3A_2171 : memref<49152xf32, #tpu.memory_space<vmem>>[vector<16xi32>], vector<16xf32>,
    %iota3A_2172 = tpu.iota {dimensions = array<i32: 0>} : vector<16xi32>
    %add3A_2173 = arith.constant 64 : i32
    %add3A_2174 = vector.broadcast %add3A_2173 : i32 to vector<16xi32>
    %add3A_2175 = arith.addi %iota3A_2172, %add3A_2174 : vector<16xi32>
    %mul3A_2176 = arith.constant 129 : i32
    %mul3A_2177 = vector.broadcast %mul3A_2176 : i32 to vector<16xi32>
    %mul3A_2178 = arith.muli %add3A_2175, %mul3A_2177 : vector<16xi32>
    %add3A_2179 = arith.constant 32768 : i32
    %add3A_2180 = vector.broadcast %add3A_2179 : i32 to vector<16xi32>
    %add3A_2181 = arith.addi %mul3A_2178, %add3A_2180 : vector<16xi32>
    %get3A_2182 = arith.constant 17 : i32
    %get3A_2183 = arith.index_cast %get3A_2182 : i32 to index
    %get3A_2184 = arith.constant 64 : index
    %get3A_2185 = tpu.vector_load %arg5[%get3A_2183, %get3A_2184] {strides = array<i32>} : memref<32x128xf32, #tpu.memory_space<vmem>>, vector<16xf32>,
    %exp3A_2186 = math.exp %get3A_2185 : vector<16xf32>
    tpu.vector_store_idx %arg7[%add3A_2181], %exp3A_2186 : memref<49152xf32, #tpu.memory_space<vmem>>[vector<16xi32>], vector<16xf32>,
    %iota3A_2187 = tpu.iota {dimensions = array<i32: 0>} : vector<16xi32>
    %add3A_2188 = arith.constant 80 : i32
    %add3A_2189 = vector.broadcast %add3A_2188 : i32 to vector<16xi32>
    %add3A_2190 = arith.addi %iota3A_2187, %add3A_2189 : vector<16xi32>
    %mul3A_2191 = arith.constant 129 : i32
    %mul3A_2192 = vector.broadcast %mul3A_2191 : i32 to vector<16xi32>
    %mul3A_2193 = arith.muli %add3A_2190, %mul3A_2192 : vector<16xi32>
    %add3A_2194 = arith.constant 32768 : i32
    %add3A_2195 = vector.broadcast %add3A_2194 : i32 to vector<16xi32>
    %add3A_2196 = arith.addi %mul3A_2193, %add3A_2195 : vector<16xi32>
    %get3A_2197 = arith.constant 17 : i32
    %get3A_2198 = arith.index_cast %get3A_2197 : i32 to index
    %get3A_2199 = arith.constant 80 : index
    %get3A_2200 = tpu.vector_load %arg5[%get3A_2198, %get3A_2199] {strides = array<i32>} : memref<32x128xf32, #tpu.memory_space<vmem>>, vector<16xf32>,
    %exp3A_2201 = math.exp %get3A_2200 : vector<16xf32>
    tpu.vector_store_idx %arg7[%add3A_2196], %exp3A_2201 : memref<49152xf32, #tpu.memory_space<vmem>>[vector<16xi32>], vector<16xf32>,
    %iota3A_2202 = tpu.iota {dimensions = array<i32: 0>} : vector<16xi32>
    %add3A_2203 = arith.constant 96 : i32
    %add3A_2204 = vector.broadcast %add3A_2203 : i32 to vector<16xi32>
    %add3A_2205 = arith.addi %iota3A_2202, %add3A_2204 : vector<16xi32>
    %mul3A_2206 = arith.constant 129 : i32
    %mul3A_2207 = vector.broadcast %mul3A_2206 : i32 to vector<16xi32>
    %mul3A_2208 = arith.muli %add3A_2205, %mul3A_2207 : vector<16xi32>
    %add3A_2209 = arith.constant 32768 : i32
    %add3A_2210 = vector.broadcast %add3A_2209 : i32 to vector<16xi32>
    %add3A_2211 = arith.addi %mul3A_2208, %add3A_2210 : vector<16xi32>
    %get3A_2212 = arith.constant 17 : i32
    %get3A_2213 = arith.index_cast %get3A_2212 : i32 to index
    %get3A_2214 = arith.constant 96 : index
    %get3A_2215 = tpu.vector_load %arg5[%get3A_2213, %get3A_2214] {strides = array<i32>} : memref<32x128xf32, #tpu.memory_space<vmem>>, vector<16xf32>,
    %exp3A_2216 = math.exp %get3A_2215 : vector<16xf32>
    tpu.vector_store_idx %arg7[%add3A_2211], %exp3A_2216 : memref<49152xf32, #tpu.memory_space<vmem>>[vector<16xi32>], vector<16xf32>,
    %iota3A_2217 = tpu.iota {dimensions = array<i32: 0>} : vector<16xi32>
    %add3A_2218 = arith.constant 112 : i32
    %add3A_2219 = vector.broadcast %add3A_2218 : i32 to vector<16xi32>
    %add3A_2220 = arith.addi %iota3A_2217, %add3A_2219 : vector<16xi32>
    %mul3A_2221 = arith.constant 129 : i32
    %mul3A_2222 = vector.broadcast %mul3A_2221 : i32 to vector<16xi32>
    %mul3A_2223 = arith.muli %add3A_2220, %mul3A_2222 : vector<16xi32>
    %add3A_2224 = arith.constant 32768 : i32
    %add3A_2225 = vector.broadcast %add3A_2224 : i32 to vector<16xi32>
    %add3A_2226 = arith.addi %mul3A_2223, %add3A_2225 : vector<16xi32>
    %get3A_2227 = arith.constant 17 : i32
    %get3A_2228 = arith.index_cast %get3A_2227 : i32 to index
    %get3A_2229 = arith.constant 112 : index
    %get3A_2230 = tpu.vector_load %arg5[%get3A_2228, %get3A_2229] {strides = array<i32>} : memref<32x128xf32, #tpu.memory_space<vmem>>, vector<16xf32>,
    %exp3A_2231 = math.exp %get3A_2230 : vector<16xf32>
    tpu.vector_store_idx %arg7[%add3A_2226], %exp3A_2231 : memref<49152xf32, #tpu.memory_space<vmem>>[vector<16xi32>], vector<16xf32>,
    %add3A_2232 = arith.constant 15 : i32
    %add3A_2233 = arith.addi %mul3A_2, %add3A_2232 : i32
    %mul3A_2234 = arith.constant 16384 : i32
    %mul3A_2235 = arith.muli %add3A_2233, %mul3A_2234 : i32
    %dma_start3A_2236 = arith.constant 0 : i32
    %dma_start3A_2237 = tpu.memref_slice %arg7[%dma_start3A_2236] : memref<49152xf32, #tpu.memory_space<vmem>> -> memref<49152xf32, #tpu.memory_space<vmem>>
    %dma_start3A_2238 = tpu.memref_slice %arg4[%mul3A_2235] : memref<16777216xf32, #tpu.memory_space<hbm>> -> memref<49152xf32, #tpu.memory_space<hbm>>
    %dma_start3A_2239 = tpu.memref_slice %arg4[%mul3A_2235] : memref<16777216xf32, #tpu.memory_space<hbm>> -> memref<49152xf32, #tpu.memory_space<hbm>>
    %dma_start3A_2240 = arith.constant 0 : i32
    %dma_start3A_2241 = tpu.memref_slice %arg7[%dma_start3A_2240] : memref<49152xf32, #tpu.memory_space<vmem>> -> memref<49152xf32, #tpu.memory_space<vmem>>
    tpu.enqueue_dma source(%dma_start3A_2241 : memref<49152xf32, #tpu.memory_space<vmem>>) target(%dma_start3A_2239 : memref<49152xf32, #tpu.memory_space<hbm>>) target_semaphore(%arg9 : memref<!tpu.dma_semaphore, #tpu.memory_space<semaphore_mem>>)
    %dma_wait3A_2242 = arith.constant 0 : i32
    %dma_wait3A_2243 = tpu.memref_slice %arg6[%dma_wait3A_2242] : memref<49152xf32, #tpu.memory_space<vmem>> -> memref<49152xf32, #tpu.memory_space<vmem>>
    %dma_wait3A_2244 = tpu.memref_slice %arg4[%mul3A_1859] : memref<16777216xf32, #tpu.memory_space<hbm>> -> memref<49152xf32, #tpu.memory_space<hbm>>
    %dma_wait3A_2245 = tpu.memref_slice %arg4[%mul3A_1859] : memref<16777216xf32, #tpu.memory_space<hbm>> -> memref<49152xf32, #tpu.memory_space<hbm>>
    %dma_wait3A_2246 = arith.constant 0 : i32
    %dma_wait3A_2247 = tpu.memref_slice %arg6[%dma_wait3A_2246] : memref<49152xf32, #tpu.memory_space<vmem>> -> memref<49152xf32, #tpu.memory_space<vmem>>
    tpu.wait_dma2 semaphore(%arg8 : memref<!tpu.dma_semaphore, #tpu.memory_space<semaphore_mem>>) src(%dma_wait3A_2247 : memref<49152xf32, #tpu.memory_space<vmem>>) dst(%dma_wait3A_2245 : memref<49152xf32, #tpu.memory_space<hbm>>)
    %iota3A_2248 = tpu.iota {dimensions = array<i32: 0>} : vector<16xi32>
    %add3A_2249 = arith.constant 0 : i32
    %add3A_2250 = vector.broadcast %add3A_2249 : i32 to vector<16xi32>
    %add3A_2251 = arith.addi %iota3A_2248, %add3A_2250 : vector<16xi32>
    %mul3A_2252 = arith.constant 129 : i32
    %mul3A_2253 = vector.broadcast %mul3A_2252 : i32 to vector<16xi32>
    %mul3A_2254 = arith.muli %add3A_2251, %mul3A_2253 : vector<16xi32>
    %add3A_2255 = arith.constant 0 : i32
    %add3A_2256 = vector.broadcast %add3A_2255 : i32 to vector<16xi32>
    %add3A_2257 = arith.addi %mul3A_2254, %add3A_2256 : vector<16xi32>
    %get3A_2258 = arith.constant 18 : i32
    %get3A_2259 = arith.index_cast %get3A_2258 : i32 to index
    %get3A_2260 = arith.constant 0 : index
    %get3A_2261 = tpu.vector_load %arg5[%get3A_2259, %get3A_2260] {strides = array<i32>} : memref<32x128xf32, #tpu.memory_space<vmem>>, vector<16xf32>,
    %exp3A_2262 = math.exp %get3A_2261 : vector<16xf32>
    tpu.vector_store_idx %arg6[%add3A_2257], %exp3A_2262 : memref<49152xf32, #tpu.memory_space<vmem>>[vector<16xi32>], vector<16xf32>,
    %iota3A_2263 = tpu.iota {dimensions = array<i32: 0>} : vector<16xi32>
    %add3A_2264 = arith.constant 16 : i32
    %add3A_2265 = vector.broadcast %add3A_2264 : i32 to vector<16xi32>
    %add3A_2266 = arith.addi %iota3A_2263, %add3A_2265 : vector<16xi32>
    %mul3A_2267 = arith.constant 129 : i32
    %mul3A_2268 = vector.broadcast %mul3A_2267 : i32 to vector<16xi32>
    %mul3A_2269 = arith.muli %add3A_2266, %mul3A_2268 : vector<16xi32>
    %add3A_2270 = arith.constant 0 : i32
    %add3A_2271 = vector.broadcast %add3A_2270 : i32 to vector<16xi32>
    %add3A_2272 = arith.addi %mul3A_2269, %add3A_2271 : vector<16xi32>
    %get3A_2273 = arith.constant 18 : i32
    %get3A_2274 = arith.index_cast %get3A_2273 : i32 to index
    %get3A_2275 = arith.constant 16 : index
    %get3A_2276 = tpu.vector_load %arg5[%get3A_2274, %get3A_2275] {strides = array<i32>} : memref<32x128xf32, #tpu.memory_space<vmem>>, vector<16xf32>,
    %exp3A_2277 = math.exp %get3A_2276 : vector<16xf32>
    tpu.vector_store_idx %arg6[%add3A_2272], %exp3A_2277 : memref<49152xf32, #tpu.memory_space<vmem>>[vector<16xi32>], vector<16xf32>,
    %iota3A_2278 = tpu.iota {dimensions = array<i32: 0>} : vector<16xi32>
    %add3A_2279 = arith.constant 32 : i32
    %add3A_2280 = vector.broadcast %add3A_2279 : i32 to vector<16xi32>
    %add3A_2281 = arith.addi %iota3A_2278, %add3A_2280 : vector<16xi32>
    %mul3A_2282 = arith.constant 129 : i32
    %mul3A_2283 = vector.broadcast %mul3A_2282 : i32 to vector<16xi32>
    %mul3A_2284 = arith.muli %add3A_2281, %mul3A_2283 : vector<16xi32>
    %add3A_2285 = arith.constant 0 : i32
    %add3A_2286 = vector.broadcast %add3A_2285 : i32 to vector<16xi32>
    %add3A_2287 = arith.addi %mul3A_2284, %add3A_2286 : vector<16xi32>
    %get3A_2288 = arith.constant 18 : i32
    %get3A_2289 = arith.index_cast %get3A_2288 : i32 to index
    %get3A_2290 = arith.constant 32 : index
    %get3A_2291 = tpu.vector_load %arg5[%get3A_2289, %get3A_2290] {strides = array<i32>} : memref<32x128xf32, #tpu.memory_space<vmem>>, vector<16xf32>,
    %exp3A_2292 = math.exp %get3A_2291 : vector<16xf32>
    tpu.vector_store_idx %arg6[%add3A_2287], %exp3A_2292 : memref<49152xf32, #tpu.memory_space<vmem>>[vector<16xi32>], vector<16xf32>,
    %iota3A_2293 = tpu.iota {dimensions = array<i32: 0>} : vector<16xi32>
    %add3A_2294 = arith.constant 48 : i32
    %add3A_2295 = vector.broadcast %add3A_2294 : i32 to vector<16xi32>
    %add3A_2296 = arith.addi %iota3A_2293, %add3A_2295 : vector<16xi32>
    %mul3A_2297 = arith.constant 129 : i32
    %mul3A_2298 = vector.broadcast %mul3A_2297 : i32 to vector<16xi32>
    %mul3A_2299 = arith.muli %add3A_2296, %mul3A_2298 : vector<16xi32>
    %add3A_2300 = arith.constant 0 : i32
    %add3A_2301 = vector.broadcast %add3A_2300 : i32 to vector<16xi32>
    %add3A_2302 = arith.addi %mul3A_2299, %add3A_2301 : vector<16xi32>
    %get3A_2303 = arith.constant 18 : i32
    %get3A_2304 = arith.index_cast %get3A_2303 : i32 to index
    %get3A_2305 = arith.constant 48 : index
    %get3A_2306 = tpu.vector_load %arg5[%get3A_2304, %get3A_2305] {strides = array<i32>} : memref<32x128xf32, #tpu.memory_space<vmem>>, vector<16xf32>,
    %exp3A_2307 = math.exp %get3A_2306 : vector<16xf32>
    tpu.vector_store_idx %arg6[%add3A_2302], %exp3A_2307 : memref<49152xf32, #tpu.memory_space<vmem>>[vector<16xi32>], vector<16xf32>,
    %iota3A_2308 = tpu.iota {dimensions = array<i32: 0>} : vector<16xi32>
    %add3A_2309 = arith.constant 64 : i32
    %add3A_2310 = vector.broadcast %add3A_2309 : i32 to vector<16xi32>
    %add3A_2311 = arith.addi %iota3A_2308, %add3A_2310 : vector<16xi32>
    %mul3A_2312 = arith.constant 129 : i32
    %mul3A_2313 = vector.broadcast %mul3A_2312 : i32 to vector<16xi32>
    %mul3A_2314 = arith.muli %add3A_2311, %mul3A_2313 : vector<16xi32>
    %add3A_2315 = arith.constant 0 : i32
    %add3A_2316 = vector.broadcast %add3A_2315 : i32 to vector<16xi32>
    %add3A_2317 = arith.addi %mul3A_2314, %add3A_2316 : vector<16xi32>
    %get3A_2318 = arith.constant 18 : i32
    %get3A_2319 = arith.index_cast %get3A_2318 : i32 to index
    %get3A_2320 = arith.constant 64 : index
    %get3A_2321 = tpu.vector_load %arg5[%get3A_2319, %get3A_2320] {strides = array<i32>} : memref<32x128xf32, #tpu.memory_space<vmem>>, vector<16xf32>,
    %exp3A_2322 = math.exp %get3A_2321 : vector<16xf32>
    tpu.vector_store_idx %arg6[%add3A_2317], %exp3A_2322 : memref<49152xf32, #tpu.memory_space<vmem>>[vector<16xi32>], vector<16xf32>,
    %iota3A_2323 = tpu.iota {dimensions = array<i32: 0>} : vector<16xi32>
    %add3A_2324 = arith.constant 80 : i32
    %add3A_2325 = vector.broadcast %add3A_2324 : i32 to vector<16xi32>
    %add3A_2326 = arith.addi %iota3A_2323, %add3A_2325 : vector<16xi32>
    %mul3A_2327 = arith.constant 129 : i32
    %mul3A_2328 = vector.broadcast %mul3A_2327 : i32 to vector<16xi32>
    %mul3A_2329 = arith.muli %add3A_2326, %mul3A_2328 : vector<16xi32>
    %add3A_2330 = arith.constant 0 : i32
    %add3A_2331 = vector.broadcast %add3A_2330 : i32 to vector<16xi32>
    %add3A_2332 = arith.addi %mul3A_2329, %add3A_2331 : vector<16xi32>
    %get3A_2333 = arith.constant 18 : i32
    %get3A_2334 = arith.index_cast %get3A_2333 : i32 to index
    %get3A_2335 = arith.constant 80 : index
    %get3A_2336 = tpu.vector_load %arg5[%get3A_2334, %get3A_2335] {strides = array<i32>} : memref<32x128xf32, #tpu.memory_space<vmem>>, vector<16xf32>,
    %exp3A_2337 = math.exp %get3A_2336 : vector<16xf32>
    tpu.vector_store_idx %arg6[%add3A_2332], %exp3A_2337 : memref<49152xf32, #tpu.memory_space<vmem>>[vector<16xi32>], vector<16xf32>,
    %iota3A_2338 = tpu.iota {dimensions = array<i32: 0>} : vector<16xi32>
    %add3A_2339 = arith.constant 96 : i32
    %add3A_2340 = vector.broadcast %add3A_2339 : i32 to vector<16xi32>
    %add3A_2341 = arith.addi %iota3A_2338, %add3A_2340 : vector<16xi32>
    %mul3A_2342 = arith.constant 129 : i32
    %mul3A_2343 = vector.broadcast %mul3A_2342 : i32 to vector<16xi32>
    %mul3A_2344 = arith.muli %add3A_2341, %mul3A_2343 : vector<16xi32>
    %add3A_2345 = arith.constant 0 : i32
    %add3A_2346 = vector.broadcast %add3A_2345 : i32 to vector<16xi32>
    %add3A_2347 = arith.addi %mul3A_2344, %add3A_2346 : vector<16xi32>
    %get3A_2348 = arith.constant 18 : i32
    %get3A_2349 = arith.index_cast %get3A_2348 : i32 to index
    %get3A_2350 = arith.constant 96 : index
    %get3A_2351 = tpu.vector_load %arg5[%get3A_2349, %get3A_2350] {strides = array<i32>} : memref<32x128xf32, #tpu.memory_space<vmem>>, vector<16xf32>,
    %exp3A_2352 = math.exp %get3A_2351 : vector<16xf32>
    tpu.vector_store_idx %arg6[%add3A_2347], %exp3A_2352 : memref<49152xf32, #tpu.memory_space<vmem>>[vector<16xi32>], vector<16xf32>,
    %iota3A_2353 = tpu.iota {dimensions = array<i32: 0>} : vector<16xi32>
    %add3A_2354 = arith.constant 112 : i32
    %add3A_2355 = vector.broadcast %add3A_2354 : i32 to vector<16xi32>
    %add3A_2356 = arith.addi %iota3A_2353, %add3A_2355 : vector<16xi32>
    %mul3A_2357 = arith.constant 129 : i32
    %mul3A_2358 = vector.broadcast %mul3A_2357 : i32 to vector<16xi32>
    %mul3A_2359 = arith.muli %add3A_2356, %mul3A_2358 : vector<16xi32>
    %add3A_2360 = arith.constant 0 : i32
    %add3A_2361 = vector.broadcast %add3A_2360 : i32 to vector<16xi32>
    %add3A_2362 = arith.addi %mul3A_2359, %add3A_2361 : vector<16xi32>
    %get3A_2363 = arith.constant 18 : i32
    %get3A_2364 = arith.index_cast %get3A_2363 : i32 to index
    %get3A_2365 = arith.constant 112 : index
    %get3A_2366 = tpu.vector_load %arg5[%get3A_2364, %get3A_2365] {strides = array<i32>} : memref<32x128xf32, #tpu.memory_space<vmem>>, vector<16xf32>,
    %exp3A_2367 = math.exp %get3A_2366 : vector<16xf32>
    tpu.vector_store_idx %arg6[%add3A_2362], %exp3A_2367 : memref<49152xf32, #tpu.memory_space<vmem>>[vector<16xi32>], vector<16xf32>,
    %iota3A_2368 = tpu.iota {dimensions = array<i32: 0>} : vector<16xi32>
    %add3A_2369 = arith.constant 0 : i32
    %add3A_2370 = vector.broadcast %add3A_2369 : i32 to vector<16xi32>
    %add3A_2371 = arith.addi %iota3A_2368, %add3A_2370 : vector<16xi32>
    %mul3A_2372 = arith.constant 129 : i32
    %mul3A_2373 = vector.broadcast %mul3A_2372 : i32 to vector<16xi32>
    %mul3A_2374 = arith.muli %add3A_2371, %mul3A_2373 : vector<16xi32>
    %add3A_2375 = arith.constant 16384 : i32
    %add3A_2376 = vector.broadcast %add3A_2375 : i32 to vector<16xi32>
    %add3A_2377 = arith.addi %mul3A_2374, %add3A_2376 : vector<16xi32>
    %get3A_2378 = arith.constant 19 : i32
    %get3A_2379 = arith.index_cast %get3A_2378 : i32 to index
    %get3A_2380 = arith.constant 0 : index
    %get3A_2381 = tpu.vector_load %arg5[%get3A_2379, %get3A_2380] {strides = array<i32>} : memref<32x128xf32, #tpu.memory_space<vmem>>, vector<16xf32>,
    %exp3A_2382 = math.exp %get3A_2381 : vector<16xf32>
    tpu.vector_store_idx %arg6[%add3A_2377], %exp3A_2382 : memref<49152xf32, #tpu.memory_space<vmem>>[vector<16xi32>], vector<16xf32>,
    %iota3A_2383 = tpu.iota {dimensions = array<i32: 0>} : vector<16xi32>
    %add3A_2384 = arith.constant 16 : i32
    %add3A_2385 = vector.broadcast %add3A_2384 : i32 to vector<16xi32>
    %add3A_2386 = arith.addi %iota3A_2383, %add3A_2385 : vector<16xi32>
    %mul3A_2387 = arith.constant 129 : i32
    %mul3A_2388 = vector.broadcast %mul3A_2387 : i32 to vector<16xi32>
    %mul3A_2389 = arith.muli %add3A_2386, %mul3A_2388 : vector<16xi32>
    %add3A_2390 = arith.constant 16384 : i32
    %add3A_2391 = vector.broadcast %add3A_2390 : i32 to vector<16xi32>
    %add3A_2392 = arith.addi %mul3A_2389, %add3A_2391 : vector<16xi32>
    %get3A_2393 = arith.constant 19 : i32
    %get3A_2394 = arith.index_cast %get3A_2393 : i32 to index
    %get3A_2395 = arith.constant 16 : index
    %get3A_2396 = tpu.vector_load %arg5[%get3A_2394, %get3A_2395] {strides = array<i32>} : memref<32x128xf32, #tpu.memory_space<vmem>>, vector<16xf32>,
    %exp3A_2397 = math.exp %get3A_2396 : vector<16xf32>
    tpu.vector_store_idx %arg6[%add3A_2392], %exp3A_2397 : memref<49152xf32, #tpu.memory_space<vmem>>[vector<16xi32>], vector<16xf32>,
    %iota3A_2398 = tpu.iota {dimensions = array<i32: 0>} : vector<16xi32>
    %add3A_2399 = arith.constant 32 : i32
    %add3A_2400 = vector.broadcast %add3A_2399 : i32 to vector<16xi32>
    %add3A_2401 = arith.addi %iota3A_2398, %add3A_2400 : vector<16xi32>
    %mul3A_2402 = arith.constant 129 : i32
    %mul3A_2403 = vector.broadcast %mul3A_2402 : i32 to vector<16xi32>
    %mul3A_2404 = arith.muli %add3A_2401, %mul3A_2403 : vector<16xi32>
    %add3A_2405 = arith.constant 16384 : i32
    %add3A_2406 = vector.broadcast %add3A_2405 : i32 to vector<16xi32>
    %add3A_2407 = arith.addi %mul3A_2404, %add3A_2406 : vector<16xi32>
    %get3A_2408 = arith.constant 19 : i32
    %get3A_2409 = arith.index_cast %get3A_2408 : i32 to index
    %get3A_2410 = arith.constant 32 : index
    %get3A_2411 = tpu.vector_load %arg5[%get3A_2409, %get3A_2410] {strides = array<i32>} : memref<32x128xf32, #tpu.memory_space<vmem>>, vector<16xf32>,
    %exp3A_2412 = math.exp %get3A_2411 : vector<16xf32>
    tpu.vector_store_idx %arg6[%add3A_2407], %exp3A_2412 : memref<49152xf32, #tpu.memory_space<vmem>>[vector<16xi32>], vector<16xf32>,
    %iota3A_2413 = tpu.iota {dimensions = array<i32: 0>} : vector<16xi32>
    %add3A_2414 = arith.constant 48 : i32
    %add3A_2415 = vector.broadcast %add3A_2414 : i32 to vector<16xi32>
    %add3A_2416 = arith.addi %iota3A_2413, %add3A_2415 : vector<16xi32>
    %mul3A_2417 = arith.constant 129 : i32
    %mul3A_2418 = vector.broadcast %mul3A_2417 : i32 to vector<16xi32>
    %mul3A_2419 = arith.muli %add3A_2416, %mul3A_2418 : vector<16xi32>
    %add3A_2420 = arith.constant 16384 : i32
    %add3A_2421 = vector.broadcast %add3A_2420 : i32 to vector<16xi32>
    %add3A_2422 = arith.addi %mul3A_2419, %add3A_2421 : vector<16xi32>
    %get3A_2423 = arith.constant 19 : i32
    %get3A_2424 = arith.index_cast %get3A_2423 : i32 to index
    %get3A_2425 = arith.constant 48 : index
    %get3A_2426 = tpu.vector_load %arg5[%get3A_2424, %get3A_2425] {strides = array<i32>} : memref<32x128xf32, #tpu.memory_space<vmem>>, vector<16xf32>,
    %exp3A_2427 = math.exp %get3A_2426 : vector<16xf32>
    tpu.vector_store_idx %arg6[%add3A_2422], %exp3A_2427 : memref<49152xf32, #tpu.memory_space<vmem>>[vector<16xi32>], vector<16xf32>,
    %iota3A_2428 = tpu.iota {dimensions = array<i32: 0>} : vector<16xi32>
    %add3A_2429 = arith.constant 64 : i32
    %add3A_2430 = vector.broadcast %add3A_2429 : i32 to vector<16xi32>
    %add3A_2431 = arith.addi %iota3A_2428, %add3A_2430 : vector<16xi32>
    %mul3A_2432 = arith.constant 129 : i32
    %mul3A_2433 = vector.broadcast %mul3A_2432 : i32 to vector<16xi32>
    %mul3A_2434 = arith.muli %add3A_2431, %mul3A_2433 : vector<16xi32>
    %add3A_2435 = arith.constant 16384 : i32
    %add3A_2436 = vector.broadcast %add3A_2435 : i32 to vector<16xi32>
    %add3A_2437 = arith.addi %mul3A_2434, %add3A_2436 : vector<16xi32>
    %get3A_2438 = arith.constant 19 : i32
    %get3A_2439 = arith.index_cast %get3A_2438 : i32 to index
    %get3A_2440 = arith.constant 64 : index
    %get3A_2441 = tpu.vector_load %arg5[%get3A_2439, %get3A_2440] {strides = array<i32>} : memref<32x128xf32, #tpu.memory_space<vmem>>, vector<16xf32>,
    %exp3A_2442 = math.exp %get3A_2441 : vector<16xf32>
    tpu.vector_store_idx %arg6[%add3A_2437], %exp3A_2442 : memref<49152xf32, #tpu.memory_space<vmem>>[vector<16xi32>], vector<16xf32>,
    %iota3A_2443 = tpu.iota {dimensions = array<i32: 0>} : vector<16xi32>
    %add3A_2444 = arith.constant 80 : i32
    %add3A_2445 = vector.broadcast %add3A_2444 : i32 to vector<16xi32>
    %add3A_2446 = arith.addi %iota3A_2443, %add3A_2445 : vector<16xi32>
    %mul3A_2447 = arith.constant 129 : i32
    %mul3A_2448 = vector.broadcast %mul3A_2447 : i32 to vector<16xi32>
    %mul3A_2449 = arith.muli %add3A_2446, %mul3A_2448 : vector<16xi32>
    %add3A_2450 = arith.constant 16384 : i32
    %add3A_2451 = vector.broadcast %add3A_2450 : i32 to vector<16xi32>
    %add3A_2452 = arith.addi %mul3A_2449, %add3A_2451 : vector<16xi32>
    %get3A_2453 = arith.constant 19 : i32
    %get3A_2454 = arith.index_cast %get3A_2453 : i32 to index
    %get3A_2455 = arith.constant 80 : index
    %get3A_2456 = tpu.vector_load %arg5[%get3A_2454, %get3A_2455] {strides = array<i32>} : memref<32x128xf32, #tpu.memory_space<vmem>>, vector<16xf32>,
    %exp3A_2457 = math.exp %get3A_2456 : vector<16xf32>
    tpu.vector_store_idx %arg6[%add3A_2452], %exp3A_2457 : memref<49152xf32, #tpu.memory_space<vmem>>[vector<16xi32>], vector<16xf32>,
    %iota3A_2458 = tpu.iota {dimensions = array<i32: 0>} : vector<16xi32>
    %add3A_2459 = arith.constant 96 : i32
    %add3A_2460 = vector.broadcast %add3A_2459 : i32 to vector<16xi32>
    %add3A_2461 = arith.addi %iota3A_2458, %add3A_2460 : vector<16xi32>
    %mul3A_2462 = arith.constant 129 : i32
    %mul3A_2463 = vector.broadcast %mul3A_2462 : i32 to vector<16xi32>
    %mul3A_2464 = arith.muli %add3A_2461, %mul3A_2463 : vector<16xi32>
    %add3A_2465 = arith.constant 16384 : i32
    %add3A_2466 = vector.broadcast %add3A_2465 : i32 to vector<16xi32>
    %add3A_2467 = arith.addi %mul3A_2464, %add3A_2466 : vector<16xi32>
    %get3A_2468 = arith.constant 19 : i32
    %get3A_2469 = arith.index_cast %get3A_2468 : i32 to index
    %get3A_2470 = arith.constant 96 : index
    %get3A_2471 = tpu.vector_load %arg5[%get3A_2469, %get3A_2470] {strides = array<i32>} : memref<32x128xf32, #tpu.memory_space<vmem>>, vector<16xf32>,
    %exp3A_2472 = math.exp %get3A_2471 : vector<16xf32>
    tpu.vector_store_idx %arg6[%add3A_2467], %exp3A_2472 : memref<49152xf32, #tpu.memory_space<vmem>>[vector<16xi32>], vector<16xf32>,
    %iota3A_2473 = tpu.iota {dimensions = array<i32: 0>} : vector<16xi32>
    %add3A_2474 = arith.constant 112 : i32
    %add3A_2475 = vector.broadcast %add3A_2474 : i32 to vector<16xi32>
    %add3A_2476 = arith.addi %iota3A_2473, %add3A_2475 : vector<16xi32>
    %mul3A_2477 = arith.constant 129 : i32
    %mul3A_2478 = vector.broadcast %mul3A_2477 : i32 to vector<16xi32>
    %mul3A_2479 = arith.muli %add3A_2476, %mul3A_2478 : vector<16xi32>
    %add3A_2480 = arith.constant 16384 : i32
    %add3A_2481 = vector.broadcast %add3A_2480 : i32 to vector<16xi32>
    %add3A_2482 = arith.addi %mul3A_2479, %add3A_2481 : vector<16xi32>
    %get3A_2483 = arith.constant 19 : i32
    %get3A_2484 = arith.index_cast %get3A_2483 : i32 to index
    %get3A_2485 = arith.constant 112 : index
    %get3A_2486 = tpu.vector_load %arg5[%get3A_2484, %get3A_2485] {strides = array<i32>} : memref<32x128xf32, #tpu.memory_space<vmem>>, vector<16xf32>,
    %exp3A_2487 = math.exp %get3A_2486 : vector<16xf32>
    tpu.vector_store_idx %arg6[%add3A_2482], %exp3A_2487 : memref<49152xf32, #tpu.memory_space<vmem>>[vector<16xi32>], vector<16xf32>,
    %iota3A_2488 = tpu.iota {dimensions = array<i32: 0>} : vector<16xi32>
    %add3A_2489 = arith.constant 0 : i32
    %add3A_2490 = vector.broadcast %add3A_2489 : i32 to vector<16xi32>
    %add3A_2491 = arith.addi %iota3A_2488, %add3A_2490 : vector<16xi32>
    %mul3A_2492 = arith.constant 129 : i32
    %mul3A_2493 = vector.broadcast %mul3A_2492 : i32 to vector<16xi32>
    %mul3A_2494 = arith.muli %add3A_2491, %mul3A_2493 : vector<16xi32>
    %add3A_2495 = arith.constant 32768 : i32
    %add3A_2496 = vector.broadcast %add3A_2495 : i32 to vector<16xi32>
    %add3A_2497 = arith.addi %mul3A_2494, %add3A_2496 : vector<16xi32>
    %get3A_2498 = arith.constant 20 : i32
    %get3A_2499 = arith.index_cast %get3A_2498 : i32 to index
    %get3A_2500 = arith.constant 0 : index
    %get3A_2501 = tpu.vector_load %arg5[%get3A_2499, %get3A_2500] {strides = array<i32>} : memref<32x128xf32, #tpu.memory_space<vmem>>, vector<16xf32>,
    %exp3A_2502 = math.exp %get3A_2501 : vector<16xf32>
    tpu.vector_store_idx %arg6[%add3A_2497], %exp3A_2502 : memref<49152xf32, #tpu.memory_space<vmem>>[vector<16xi32>], vector<16xf32>,
    %iota3A_2503 = tpu.iota {dimensions = array<i32: 0>} : vector<16xi32>
    %add3A_2504 = arith.constant 16 : i32
    %add3A_2505 = vector.broadcast %add3A_2504 : i32 to vector<16xi32>
    %add3A_2506 = arith.addi %iota3A_2503, %add3A_2505 : vector<16xi32>
    %mul3A_2507 = arith.constant 129 : i32
    %mul3A_2508 = vector.broadcast %mul3A_2507 : i32 to vector<16xi32>
    %mul3A_2509 = arith.muli %add3A_2506, %mul3A_2508 : vector<16xi32>
    %add3A_2510 = arith.constant 32768 : i32
    %add3A_2511 = vector.broadcast %add3A_2510 : i32 to vector<16xi32>
    %add3A_2512 = arith.addi %mul3A_2509, %add3A_2511 : vector<16xi32>
    %get3A_2513 = arith.constant 20 : i32
    %get3A_2514 = arith.index_cast %get3A_2513 : i32 to index
    %get3A_2515 = arith.constant 16 : index
    %get3A_2516 = tpu.vector_load %arg5[%get3A_2514, %get3A_2515] {strides = array<i32>} : memref<32x128xf32, #tpu.memory_space<vmem>>, vector<16xf32>,
    %exp3A_2517 = math.exp %get3A_2516 : vector<16xf32>
    tpu.vector_store_idx %arg6[%add3A_2512], %exp3A_2517 : memref<49152xf32, #tpu.memory_space<vmem>>[vector<16xi32>], vector<16xf32>,
    %iota3A_2518 = tpu.iota {dimensions = array<i32: 0>} : vector<16xi32>
    %add3A_2519 = arith.constant 32 : i32
    %add3A_2520 = vector.broadcast %add3A_2519 : i32 to vector<16xi32>
    %add3A_2521 = arith.addi %iota3A_2518, %add3A_2520 : vector<16xi32>
    %mul3A_2522 = arith.constant 129 : i32
    %mul3A_2523 = vector.broadcast %mul3A_2522 : i32 to vector<16xi32>
    %mul3A_2524 = arith.muli %add3A_2521, %mul3A_2523 : vector<16xi32>
    %add3A_2525 = arith.constant 32768 : i32
    %add3A_2526 = vector.broadcast %add3A_2525 : i32 to vector<16xi32>
    %add3A_2527 = arith.addi %mul3A_2524, %add3A_2526 : vector<16xi32>
    %get3A_2528 = arith.constant 20 : i32
    %get3A_2529 = arith.index_cast %get3A_2528 : i32 to index
    %get3A_2530 = arith.constant 32 : index
    %get3A_2531 = tpu.vector_load %arg5[%get3A_2529, %get3A_2530] {strides = array<i32>} : memref<32x128xf32, #tpu.memory_space<vmem>>, vector<16xf32>,
    %exp3A_2532 = math.exp %get3A_2531 : vector<16xf32>
    tpu.vector_store_idx %arg6[%add3A_2527], %exp3A_2532 : memref<49152xf32, #tpu.memory_space<vmem>>[vector<16xi32>], vector<16xf32>,
    %iota3A_2533 = tpu.iota {dimensions = array<i32: 0>} : vector<16xi32>
    %add3A_2534 = arith.constant 48 : i32
    %add3A_2535 = vector.broadcast %add3A_2534 : i32 to vector<16xi32>
    %add3A_2536 = arith.addi %iota3A_2533, %add3A_2535 : vector<16xi32>
    %mul3A_2537 = arith.constant 129 : i32
    %mul3A_2538 = vector.broadcast %mul3A_2537 : i32 to vector<16xi32>
    %mul3A_2539 = arith.muli %add3A_2536, %mul3A_2538 : vector<16xi32>
    %add3A_2540 = arith.constant 32768 : i32
    %add3A_2541 = vector.broadcast %add3A_2540 : i32 to vector<16xi32>
    %add3A_2542 = arith.addi %mul3A_2539, %add3A_2541 : vector<16xi32>
    %get3A_2543 = arith.constant 20 : i32
    %get3A_2544 = arith.index_cast %get3A_2543 : i32 to index
    %get3A_2545 = arith.constant 48 : index
    %get3A_2546 = tpu.vector_load %arg5[%get3A_2544, %get3A_2545] {strides = array<i32>} : memref<32x128xf32, #tpu.memory_space<vmem>>, vector<16xf32>,
    %exp3A_2547 = math.exp %get3A_2546 : vector<16xf32>
    tpu.vector_store_idx %arg6[%add3A_2542], %exp3A_2547 : memref<49152xf32, #tpu.memory_space<vmem>>[vector<16xi32>], vector<16xf32>,
    %iota3A_2548 = tpu.iota {dimensions = array<i32: 0>} : vector<16xi32>
    %add3A_2549 = arith.constant 64 : i32
    %add3A_2550 = vector.broadcast %add3A_2549 : i32 to vector<16xi32>
    %add3A_2551 = arith.addi %iota3A_2548, %add3A_2550 : vector<16xi32>
    %mul3A_2552 = arith.constant 129 : i32
    %mul3A_2553 = vector.broadcast %mul3A_2552 : i32 to vector<16xi32>
    %mul3A_2554 = arith.muli %add3A_2551, %mul3A_2553 : vector<16xi32>
    %add3A_2555 = arith.constant 32768 : i32
    %add3A_2556 = vector.broadcast %add3A_2555 : i32 to vector<16xi32>
    %add3A_2557 = arith.addi %mul3A_2554, %add3A_2556 : vector<16xi32>
    %get3A_2558 = arith.constant 20 : i32
    %get3A_2559 = arith.index_cast %get3A_2558 : i32 to index
    %get3A_2560 = arith.constant 64 : index
    %get3A_2561 = tpu.vector_load %arg5[%get3A_2559, %get3A_2560] {strides = array<i32>} : memref<32x128xf32, #tpu.memory_space<vmem>>, vector<16xf32>,
    %exp3A_2562 = math.exp %get3A_2561 : vector<16xf32>
    tpu.vector_store_idx %arg6[%add3A_2557], %exp3A_2562 : memref<49152xf32, #tpu.memory_space<vmem>>[vector<16xi32>], vector<16xf32>,
    %iota3A_2563 = tpu.iota {dimensions = array<i32: 0>} : vector<16xi32>
    %add3A_2564 = arith.constant 80 : i32
    %add3A_2565 = vector.broadcast %add3A_2564 : i32 to vector<16xi32>
    %add3A_2566 = arith.addi %iota3A_2563, %add3A_2565 : vector<16xi32>
    %mul3A_2567 = arith.constant 129 : i32
    %mul3A_2568 = vector.broadcast %mul3A_2567 : i32 to vector<16xi32>
    %mul3A_2569 = arith.muli %add3A_2566, %mul3A_2568 : vector<16xi32>
    %add3A_2570 = arith.constant 32768 : i32
    %add3A_2571 = vector.broadcast %add3A_2570 : i32 to vector<16xi32>
    %add3A_2572 = arith.addi %mul3A_2569, %add3A_2571 : vector<16xi32>
    %get3A_2573 = arith.constant 20 : i32
    %get3A_2574 = arith.index_cast %get3A_2573 : i32 to index
    %get3A_2575 = arith.constant 80 : index
    %get3A_2576 = tpu.vector_load %arg5[%get3A_2574, %get3A_2575] {strides = array<i32>} : memref<32x128xf32, #tpu.memory_space<vmem>>, vector<16xf32>,
    %exp3A_2577 = math.exp %get3A_2576 : vector<16xf32>
    tpu.vector_store_idx %arg6[%add3A_2572], %exp3A_2577 : memref<49152xf32, #tpu.memory_space<vmem>>[vector<16xi32>], vector<16xf32>,
    %iota3A_2578 = tpu.iota {dimensions = array<i32: 0>} : vector<16xi32>
    %add3A_2579 = arith.constant 96 : i32
    %add3A_2580 = vector.broadcast %add3A_2579 : i32 to vector<16xi32>
    %add3A_2581 = arith.addi %iota3A_2578, %add3A_2580 : vector<16xi32>
    %mul3A_2582 = arith.constant 129 : i32
    %mul3A_2583 = vector.broadcast %mul3A_2582 : i32 to vector<16xi32>
    %mul3A_2584 = arith.muli %add3A_2581, %mul3A_2583 : vector<16xi32>
    %add3A_2585 = arith.constant 32768 : i32
    %add3A_2586 = vector.broadcast %add3A_2585 : i32 to vector<16xi32>
    %add3A_2587 = arith.addi %mul3A_2584, %add3A_2586 : vector<16xi32>
    %get3A_2588 = arith.constant 20 : i32
    %get3A_2589 = arith.index_cast %get3A_2588 : i32 to index
    %get3A_2590 = arith.constant 96 : index
    %get3A_2591 = tpu.vector_load %arg5[%get3A_2589, %get3A_2590] {strides = array<i32>} : memref<32x128xf32, #tpu.memory_space<vmem>>, vector<16xf32>,
    %exp3A_2592 = math.exp %get3A_2591 : vector<16xf32>
    tpu.vector_store_idx %arg6[%add3A_2587], %exp3A_2592 : memref<49152xf32, #tpu.memory_space<vmem>>[vector<16xi32>], vector<16xf32>,
    %iota3A_2593 = tpu.iota {dimensions = array<i32: 0>} : vector<16xi32>
    %add3A_2594 = arith.constant 112 : i32
    %add3A_2595 = vector.broadcast %add3A_2594 : i32 to vector<16xi32>
    %add3A_2596 = arith.addi %iota3A_2593, %add3A_2595 : vector<16xi32>
    %mul3A_2597 = arith.constant 129 : i32
    %mul3A_2598 = vector.broadcast %mul3A_2597 : i32 to vector<16xi32>
    %mul3A_2599 = arith.muli %add3A_2596, %mul3A_2598 : vector<16xi32>
    %add3A_2600 = arith.constant 32768 : i32
    %add3A_2601 = vector.broadcast %add3A_2600 : i32 to vector<16xi32>
    %add3A_2602 = arith.addi %mul3A_2599, %add3A_2601 : vector<16xi32>
    %get3A_2603 = arith.constant 20 : i32
    %get3A_2604 = arith.index_cast %get3A_2603 : i32 to index
    %get3A_2605 = arith.constant 112 : index
    %get3A_2606 = tpu.vector_load %arg5[%get3A_2604, %get3A_2605] {strides = array<i32>} : memref<32x128xf32, #tpu.memory_space<vmem>>, vector<16xf32>,
    %exp3A_2607 = math.exp %get3A_2606 : vector<16xf32>
    tpu.vector_store_idx %arg6[%add3A_2602], %exp3A_2607 : memref<49152xf32, #tpu.memory_space<vmem>>[vector<16xi32>], vector<16xf32>,
    %add3A_2608 = arith.constant 18 : i32
    %add3A_2609 = arith.addi %mul3A_2, %add3A_2608 : i32
    %mul3A_2610 = arith.constant 16384 : i32
    %mul3A_2611 = arith.muli %add3A_2609, %mul3A_2610 : i32
    %dma_start3A_2612 = arith.constant 0 : i32
    %dma_start3A_2613 = tpu.memref_slice %arg6[%dma_start3A_2612] : memref<49152xf32, #tpu.memory_space<vmem>> -> memref<49152xf32, #tpu.memory_space<vmem>>
    %dma_start3A_2614 = tpu.memref_slice %arg4[%mul3A_2611] : memref<16777216xf32, #tpu.memory_space<hbm>> -> memref<49152xf32, #tpu.memory_space<hbm>>
    %dma_start3A_2615 = tpu.memref_slice %arg4[%mul3A_2611] : memref<16777216xf32, #tpu.memory_space<hbm>> -> memref<49152xf32, #tpu.memory_space<hbm>>
    %dma_start3A_2616 = arith.constant 0 : i32
    %dma_start3A_2617 = tpu.memref_slice %arg6[%dma_start3A_2616] : memref<49152xf32, #tpu.memory_space<vmem>> -> memref<49152xf32, #tpu.memory_space<vmem>>
    tpu.enqueue_dma source(%dma_start3A_2617 : memref<49152xf32, #tpu.memory_space<vmem>>) target(%dma_start3A_2615 : memref<49152xf32, #tpu.memory_space<hbm>>) target_semaphore(%arg8 : memref<!tpu.dma_semaphore, #tpu.memory_space<semaphore_mem>>)
    %dma_wait3A_2618 = arith.constant 0 : i32
    %dma_wait3A_2619 = tpu.memref_slice %arg7[%dma_wait3A_2618] : memref<49152xf32, #tpu.memory_space<vmem>> -> memref<49152xf32, #tpu.memory_space<vmem>>
    %dma_wait3A_2620 = tpu.memref_slice %arg4[%mul3A_2235] : memref<16777216xf32, #tpu.memory_space<hbm>> -> memref<49152xf32, #tpu.memory_space<hbm>>
    %dma_wait3A_2621 = tpu.memref_slice %arg4[%mul3A_2235] : memref<16777216xf32, #tpu.memory_space<hbm>> -> memref<49152xf32, #tpu.memory_space<hbm>>
    %dma_wait3A_2622 = arith.constant 0 : i32
    %dma_wait3A_2623 = tpu.memref_slice %arg7[%dma_wait3A_2622] : memref<49152xf32, #tpu.memory_space<vmem>> -> memref<49152xf32, #tpu.memory_space<vmem>>
    tpu.wait_dma2 semaphore(%arg9 : memref<!tpu.dma_semaphore, #tpu.memory_space<semaphore_mem>>) src(%dma_wait3A_2623 : memref<49152xf32, #tpu.memory_space<vmem>>) dst(%dma_wait3A_2621 : memref<49152xf32, #tpu.memory_space<hbm>>)
    %iota3A_2624 = tpu.iota {dimensions = array<i32: 0>} : vector<16xi32>
    %add3A_2625 = arith.constant 0 : i32
    %add3A_2626 = vector.broadcast %add3A_2625 : i32 to vector<16xi32>
    %add3A_2627 = arith.addi %iota3A_2624, %add3A_2626 : vector<16xi32>
    %mul3A_2628 = arith.constant 129 : i32
    %mul3A_2629 = vector.broadcast %mul3A_2628 : i32 to vector<16xi32>
    %mul3A_2630 = arith.muli %add3A_2627, %mul3A_2629 : vector<16xi32>
    %add3A_2631 = arith.constant 0 : i32
    %add3A_2632 = vector.broadcast %add3A_2631 : i32 to vector<16xi32>
    %add3A_2633 = arith.addi %mul3A_2630, %add3A_2632 : vector<16xi32>
    %get3A_2634 = arith.constant 21 : i32
    %get3A_2635 = arith.index_cast %get3A_2634 : i32 to index
    %get3A_2636 = arith.constant 0 : index
    %get3A_2637 = tpu.vector_load %arg5[%get3A_2635, %get3A_2636] {strides = array<i32>} : memref<32x128xf32, #tpu.memory_space<vmem>>, vector<16xf32>,
    %exp3A_2638 = math.exp %get3A_2637 : vector<16xf32>
    tpu.vector_store_idx %arg7[%add3A_2633], %exp3A_2638 : memref<49152xf32, #tpu.memory_space<vmem>>[vector<16xi32>], vector<16xf32>,
    %iota3A_2639 = tpu.iota {dimensions = array<i32: 0>} : vector<16xi32>
    %add3A_2640 = arith.constant 16 : i32
    %add3A_2641 = vector.broadcast %add3A_2640 : i32 to vector<16xi32>
    %add3A_2642 = arith.addi %iota3A_2639, %add3A_2641 : vector<16xi32>
    %mul3A_2643 = arith.constant 129 : i32
    %mul3A_2644 = vector.broadcast %mul3A_2643 : i32 to vector<16xi32>
    %mul3A_2645 = arith.muli %add3A_2642, %mul3A_2644 : vector<16xi32>
    %add3A_2646 = arith.constant 0 : i32
    %add3A_2647 = vector.broadcast %add3A_2646 : i32 to vector<16xi32>
    %add3A_2648 = arith.addi %mul3A_2645, %add3A_2647 : vector<16xi32>
    %get3A_2649 = arith.constant 21 : i32
    %get3A_2650 = arith.index_cast %get3A_2649 : i32 to index
    %get3A_2651 = arith.constant 16 : index
    %get3A_2652 = tpu.vector_load %arg5[%get3A_2650, %get3A_2651] {strides = array<i32>} : memref<32x128xf32, #tpu.memory_space<vmem>>, vector<16xf32>,
    %exp3A_2653 = math.exp %get3A_2652 : vector<16xf32>
    tpu.vector_store_idx %arg7[%add3A_2648], %exp3A_2653 : memref<49152xf32, #tpu.memory_space<vmem>>[vector<16xi32>], vector<16xf32>,
    %iota3A_2654 = tpu.iota {dimensions = array<i32: 0>} : vector<16xi32>
    %add3A_2655 = arith.constant 32 : i32
    %add3A_2656 = vector.broadcast %add3A_2655 : i32 to vector<16xi32>
    %add3A_2657 = arith.addi %iota3A_2654, %add3A_2656 : vector<16xi32>
    %mul3A_2658 = arith.constant 129 : i32
    %mul3A_2659 = vector.broadcast %mul3A_2658 : i32 to vector<16xi32>
    %mul3A_2660 = arith.muli %add3A_2657, %mul3A_2659 : vector<16xi32>
    %add3A_2661 = arith.constant 0 : i32
    %add3A_2662 = vector.broadcast %add3A_2661 : i32 to vector<16xi32>
    %add3A_2663 = arith.addi %mul3A_2660, %add3A_2662 : vector<16xi32>
    %get3A_2664 = arith.constant 21 : i32
    %get3A_2665 = arith.index_cast %get3A_2664 : i32 to index
    %get3A_2666 = arith.constant 32 : index
    %get3A_2667 = tpu.vector_load %arg5[%get3A_2665, %get3A_2666] {strides = array<i32>} : memref<32x128xf32, #tpu.memory_space<vmem>>, vector<16xf32>,
    %exp3A_2668 = math.exp %get3A_2667 : vector<16xf32>
    tpu.vector_store_idx %arg7[%add3A_2663], %exp3A_2668 : memref<49152xf32, #tpu.memory_space<vmem>>[vector<16xi32>], vector<16xf32>,
    %iota3A_2669 = tpu.iota {dimensions = array<i32: 0>} : vector<16xi32>
    %add3A_2670 = arith.constant 48 : i32
    %add3A_2671 = vector.broadcast %add3A_2670 : i32 to vector<16xi32>
    %add3A_2672 = arith.addi %iota3A_2669, %add3A_2671 : vector<16xi32>
    %mul3A_2673 = arith.constant 129 : i32
    %mul3A_2674 = vector.broadcast %mul3A_2673 : i32 to vector<16xi32>
    %mul3A_2675 = arith.muli %add3A_2672, %mul3A_2674 : vector<16xi32>
    %add3A_2676 = arith.constant 0 : i32
    %add3A_2677 = vector.broadcast %add3A_2676 : i32 to vector<16xi32>
    %add3A_2678 = arith.addi %mul3A_2675, %add3A_2677 : vector<16xi32>
    %get3A_2679 = arith.constant 21 : i32
    %get3A_2680 = arith.index_cast %get3A_2679 : i32 to index
    %get3A_2681 = arith.constant 48 : index
    %get3A_2682 = tpu.vector_load %arg5[%get3A_2680, %get3A_2681] {strides = array<i32>} : memref<32x128xf32, #tpu.memory_space<vmem>>, vector<16xf32>,
    %exp3A_2683 = math.exp %get3A_2682 : vector<16xf32>
    tpu.vector_store_idx %arg7[%add3A_2678], %exp3A_2683 : memref<49152xf32, #tpu.memory_space<vmem>>[vector<16xi32>], vector<16xf32>,
    %iota3A_2684 = tpu.iota {dimensions = array<i32: 0>} : vector<16xi32>
    %add3A_2685 = arith.constant 64 : i32
    %add3A_2686 = vector.broadcast %add3A_2685 : i32 to vector<16xi32>
    %add3A_2687 = arith.addi %iota3A_2684, %add3A_2686 : vector<16xi32>
    %mul3A_2688 = arith.constant 129 : i32
    %mul3A_2689 = vector.broadcast %mul3A_2688 : i32 to vector<16xi32>
    %mul3A_2690 = arith.muli %add3A_2687, %mul3A_2689 : vector<16xi32>
    %add3A_2691 = arith.constant 0 : i32
    %add3A_2692 = vector.broadcast %add3A_2691 : i32 to vector<16xi32>
    %add3A_2693 = arith.addi %mul3A_2690, %add3A_2692 : vector<16xi32>
    %get3A_2694 = arith.constant 21 : i32
    %get3A_2695 = arith.index_cast %get3A_2694 : i32 to index
    %get3A_2696 = arith.constant 64 : index
    %get3A_2697 = tpu.vector_load %arg5[%get3A_2695, %get3A_2696] {strides = array<i32>} : memref<32x128xf32, #tpu.memory_space<vmem>>, vector<16xf32>,
    %exp3A_2698 = math.exp %get3A_2697 : vector<16xf32>
    tpu.vector_store_idx %arg7[%add3A_2693], %exp3A_2698 : memref<49152xf32, #tpu.memory_space<vmem>>[vector<16xi32>], vector<16xf32>,
    %iota3A_2699 = tpu.iota {dimensions = array<i32: 0>} : vector<16xi32>
    %add3A_2700 = arith.constant 80 : i32
    %add3A_2701 = vector.broadcast %add3A_2700 : i32 to vector<16xi32>
    %add3A_2702 = arith.addi %iota3A_2699, %add3A_2701 : vector<16xi32>
    %mul3A_2703 = arith.constant 129 : i32
    %mul3A_2704 = vector.broadcast %mul3A_2703 : i32 to vector<16xi32>
    %mul3A_2705 = arith.muli %add3A_2702, %mul3A_2704 : vector<16xi32>
    %add3A_2706 = arith.constant 0 : i32
    %add3A_2707 = vector.broadcast %add3A_2706 : i32 to vector<16xi32>
    %add3A_2708 = arith.addi %mul3A_2705, %add3A_2707 : vector<16xi32>
    %get3A_2709 = arith.constant 21 : i32
    %get3A_2710 = arith.index_cast %get3A_2709 : i32 to index
    %get3A_2711 = arith.constant 80 : index
    %get3A_2712 = tpu.vector_load %arg5[%get3A_2710, %get3A_2711] {strides = array<i32>} : memref<32x128xf32, #tpu.memory_space<vmem>>, vector<16xf32>,
    %exp3A_2713 = math.exp %get3A_2712 : vector<16xf32>
    tpu.vector_store_idx %arg7[%add3A_2708], %exp3A_2713 : memref<49152xf32, #tpu.memory_space<vmem>>[vector<16xi32>], vector<16xf32>,
    %iota3A_2714 = tpu.iota {dimensions = array<i32: 0>} : vector<16xi32>
    %add3A_2715 = arith.constant 96 : i32
    %add3A_2716 = vector.broadcast %add3A_2715 : i32 to vector<16xi32>
    %add3A_2717 = arith.addi %iota3A_2714, %add3A_2716 : vector<16xi32>
    %mul3A_2718 = arith.constant 129 : i32
    %mul3A_2719 = vector.broadcast %mul3A_2718 : i32 to vector<16xi32>
    %mul3A_2720 = arith.muli %add3A_2717, %mul3A_2719 : vector<16xi32>
    %add3A_2721 = arith.constant 0 : i32
    %add3A_2722 = vector.broadcast %add3A_2721 : i32 to vector<16xi32>
    %add3A_2723 = arith.addi %mul3A_2720, %add3A_2722 : vector<16xi32>
    %get3A_2724 = arith.constant 21 : i32
    %get3A_2725 = arith.index_cast %get3A_2724 : i32 to index
    %get3A_2726 = arith.constant 96 : index
    %get3A_2727 = tpu.vector_load %arg5[%get3A_2725, %get3A_2726] {strides = array<i32>} : memref<32x128xf32, #tpu.memory_space<vmem>>, vector<16xf32>,
    %exp3A_2728 = math.exp %get3A_2727 : vector<16xf32>
    tpu.vector_store_idx %arg7[%add3A_2723], %exp3A_2728 : memref<49152xf32, #tpu.memory_space<vmem>>[vector<16xi32>], vector<16xf32>,
    %iota3A_2729 = tpu.iota {dimensions = array<i32: 0>} : vector<16xi32>
    %add3A_2730 = arith.constant 112 : i32
    %add3A_2731 = vector.broadcast %add3A_2730 : i32 to vector<16xi32>
    %add3A_2732 = arith.addi %iota3A_2729, %add3A_2731 : vector<16xi32>
    %mul3A_2733 = arith.constant 129 : i32
    %mul3A_2734 = vector.broadcast %mul3A_2733 : i32 to vector<16xi32>
    %mul3A_2735 = arith.muli %add3A_2732, %mul3A_2734 : vector<16xi32>
    %add3A_2736 = arith.constant 0 : i32
    %add3A_2737 = vector.broadcast %add3A_2736 : i32 to vector<16xi32>
    %add3A_2738 = arith.addi %mul3A_2735, %add3A_2737 : vector<16xi32>
    %get3A_2739 = arith.constant 21 : i32
    %get3A_2740 = arith.index_cast %get3A_2739 : i32 to index
    %get3A_2741 = arith.constant 112 : index
    %get3A_2742 = tpu.vector_load %arg5[%get3A_2740, %get3A_2741] {strides = array<i32>} : memref<32x128xf32, #tpu.memory_space<vmem>>, vector<16xf32>,
    %exp3A_2743 = math.exp %get3A_2742 : vector<16xf32>
    tpu.vector_store_idx %arg7[%add3A_2738], %exp3A_2743 : memref<49152xf32, #tpu.memory_space<vmem>>[vector<16xi32>], vector<16xf32>,
    %iota3A_2744 = tpu.iota {dimensions = array<i32: 0>} : vector<16xi32>
    %add3A_2745 = arith.constant 0 : i32
    %add3A_2746 = vector.broadcast %add3A_2745 : i32 to vector<16xi32>
    %add3A_2747 = arith.addi %iota3A_2744, %add3A_2746 : vector<16xi32>
    %mul3A_2748 = arith.constant 129 : i32
    %mul3A_2749 = vector.broadcast %mul3A_2748 : i32 to vector<16xi32>
    %mul3A_2750 = arith.muli %add3A_2747, %mul3A_2749 : vector<16xi32>
    %add3A_2751 = arith.constant 16384 : i32
    %add3A_2752 = vector.broadcast %add3A_2751 : i32 to vector<16xi32>
    %add3A_2753 = arith.addi %mul3A_2750, %add3A_2752 : vector<16xi32>
    %get3A_2754 = arith.constant 22 : i32
    %get3A_2755 = arith.index_cast %get3A_2754 : i32 to index
    %get3A_2756 = arith.constant 0 : index
    %get3A_2757 = tpu.vector_load %arg5[%get3A_2755, %get3A_2756] {strides = array<i32>} : memref<32x128xf32, #tpu.memory_space<vmem>>, vector<16xf32>,
    %exp3A_2758 = math.exp %get3A_2757 : vector<16xf32>
    tpu.vector_store_idx %arg7[%add3A_2753], %exp3A_2758 : memref<49152xf32, #tpu.memory_space<vmem>>[vector<16xi32>], vector<16xf32>,
    %iota3A_2759 = tpu.iota {dimensions = array<i32: 0>} : vector<16xi32>
    %add3A_2760 = arith.constant 16 : i32
    %add3A_2761 = vector.broadcast %add3A_2760 : i32 to vector<16xi32>
    %add3A_2762 = arith.addi %iota3A_2759, %add3A_2761 : vector<16xi32>
    %mul3A_2763 = arith.constant 129 : i32
    %mul3A_2764 = vector.broadcast %mul3A_2763 : i32 to vector<16xi32>
    %mul3A_2765 = arith.muli %add3A_2762, %mul3A_2764 : vector<16xi32>
    %add3A_2766 = arith.constant 16384 : i32
    %add3A_2767 = vector.broadcast %add3A_2766 : i32 to vector<16xi32>
    %add3A_2768 = arith.addi %mul3A_2765, %add3A_2767 : vector<16xi32>
    %get3A_2769 = arith.constant 22 : i32
    %get3A_2770 = arith.index_cast %get3A_2769 : i32 to index
    %get3A_2771 = arith.constant 16 : index
    %get3A_2772 = tpu.vector_load %arg5[%get3A_2770, %get3A_2771] {strides = array<i32>} : memref<32x128xf32, #tpu.memory_space<vmem>>, vector<16xf32>,
    %exp3A_2773 = math.exp %get3A_2772 : vector<16xf32>
    tpu.vector_store_idx %arg7[%add3A_2768], %exp3A_2773 : memref<49152xf32, #tpu.memory_space<vmem>>[vector<16xi32>], vector<16xf32>,
    %iota3A_2774 = tpu.iota {dimensions = array<i32: 0>} : vector<16xi32>
    %add3A_2775 = arith.constant 32 : i32
    %add3A_2776 = vector.broadcast %add3A_2775 : i32 to vector<16xi32>
    %add3A_2777 = arith.addi %iota3A_2774, %add3A_2776 : vector<16xi32>
    %mul3A_2778 = arith.constant 129 : i32
    %mul3A_2779 = vector.broadcast %mul3A_2778 : i32 to vector<16xi32>
    %mul3A_2780 = arith.muli %add3A_2777, %mul3A_2779 : vector<16xi32>
    %add3A_2781 = arith.constant 16384 : i32
    %add3A_2782 = vector.broadcast %add3A_2781 : i32 to vector<16xi32>
    %add3A_2783 = arith.addi %mul3A_2780, %add3A_2782 : vector<16xi32>
    %get3A_2784 = arith.constant 22 : i32
    %get3A_2785 = arith.index_cast %get3A_2784 : i32 to index
    %get3A_2786 = arith.constant 32 : index
    %get3A_2787 = tpu.vector_load %arg5[%get3A_2785, %get3A_2786] {strides = array<i32>} : memref<32x128xf32, #tpu.memory_space<vmem>>, vector<16xf32>,
    %exp3A_2788 = math.exp %get3A_2787 : vector<16xf32>
    tpu.vector_store_idx %arg7[%add3A_2783], %exp3A_2788 : memref<49152xf32, #tpu.memory_space<vmem>>[vector<16xi32>], vector<16xf32>,
    %iota3A_2789 = tpu.iota {dimensions = array<i32: 0>} : vector<16xi32>
    %add3A_2790 = arith.constant 48 : i32
    %add3A_2791 = vector.broadcast %add3A_2790 : i32 to vector<16xi32>
    %add3A_2792 = arith.addi %iota3A_2789, %add3A_2791 : vector<16xi32>
    %mul3A_2793 = arith.constant 129 : i32
    %mul3A_2794 = vector.broadcast %mul3A_2793 : i32 to vector<16xi32>
    %mul3A_2795 = arith.muli %add3A_2792, %mul3A_2794 : vector<16xi32>
    %add3A_2796 = arith.constant 16384 : i32
    %add3A_2797 = vector.broadcast %add3A_2796 : i32 to vector<16xi32>
    %add3A_2798 = arith.addi %mul3A_2795, %add3A_2797 : vector<16xi32>
    %get3A_2799 = arith.constant 22 : i32
    %get3A_2800 = arith.index_cast %get3A_2799 : i32 to index
    %get3A_2801 = arith.constant 48 : index
    %get3A_2802 = tpu.vector_load %arg5[%get3A_2800, %get3A_2801] {strides = array<i32>} : memref<32x128xf32, #tpu.memory_space<vmem>>, vector<16xf32>,
    %exp3A_2803 = math.exp %get3A_2802 : vector<16xf32>
    tpu.vector_store_idx %arg7[%add3A_2798], %exp3A_2803 : memref<49152xf32, #tpu.memory_space<vmem>>[vector<16xi32>], vector<16xf32>,
    %iota3A_2804 = tpu.iota {dimensions = array<i32: 0>} : vector<16xi32>
    %add3A_2805 = arith.constant 64 : i32
    %add3A_2806 = vector.broadcast %add3A_2805 : i32 to vector<16xi32>
    %add3A_2807 = arith.addi %iota3A_2804, %add3A_2806 : vector<16xi32>
    %mul3A_2808 = arith.constant 129 : i32
    %mul3A_2809 = vector.broadcast %mul3A_2808 : i32 to vector<16xi32>
    %mul3A_2810 = arith.muli %add3A_2807, %mul3A_2809 : vector<16xi32>
    %add3A_2811 = arith.constant 16384 : i32
    %add3A_2812 = vector.broadcast %add3A_2811 : i32 to vector<16xi32>
    %add3A_2813 = arith.addi %mul3A_2810, %add3A_2812 : vector<16xi32>
    %get3A_2814 = arith.constant 22 : i32
    %get3A_2815 = arith.index_cast %get3A_2814 : i32 to index
    %get3A_2816 = arith.constant 64 : index
    %get3A_2817 = tpu.vector_load %arg5[%get3A_2815, %get3A_2816] {strides = array<i32>} : memref<32x128xf32, #tpu.memory_space<vmem>>, vector<16xf32>,
    %exp3A_2818 = math.exp %get3A_2817 : vector<16xf32>
    tpu.vector_store_idx %arg7[%add3A_2813], %exp3A_2818 : memref<49152xf32, #tpu.memory_space<vmem>>[vector<16xi32>], vector<16xf32>,
    %iota3A_2819 = tpu.iota {dimensions = array<i32: 0>} : vector<16xi32>
    %add3A_2820 = arith.constant 80 : i32
    %add3A_2821 = vector.broadcast %add3A_2820 : i32 to vector<16xi32>
    %add3A_2822 = arith.addi %iota3A_2819, %add3A_2821 : vector<16xi32>
    %mul3A_2823 = arith.constant 129 : i32
    %mul3A_2824 = vector.broadcast %mul3A_2823 : i32 to vector<16xi32>
    %mul3A_2825 = arith.muli %add3A_2822, %mul3A_2824 : vector<16xi32>
    %add3A_2826 = arith.constant 16384 : i32
    %add3A_2827 = vector.broadcast %add3A_2826 : i32 to vector<16xi32>
    %add3A_2828 = arith.addi %mul3A_2825, %add3A_2827 : vector<16xi32>
    %get3A_2829 = arith.constant 22 : i32
    %get3A_2830 = arith.index_cast %get3A_2829 : i32 to index
    %get3A_2831 = arith.constant 80 : index
    %get3A_2832 = tpu.vector_load %arg5[%get3A_2830, %get3A_2831] {strides = array<i32>} : memref<32x128xf32, #tpu.memory_space<vmem>>, vector<16xf32>,
    %exp3A_2833 = math.exp %get3A_2832 : vector<16xf32>
    tpu.vector_store_idx %arg7[%add3A_2828], %exp3A_2833 : memref<49152xf32, #tpu.memory_space<vmem>>[vector<16xi32>], vector<16xf32>,
    %iota3A_2834 = tpu.iota {dimensions = array<i32: 0>} : vector<16xi32>
    %add3A_2835 = arith.constant 96 : i32
    %add3A_2836 = vector.broadcast %add3A_2835 : i32 to vector<16xi32>
    %add3A_2837 = arith.addi %iota3A_2834, %add3A_2836 : vector<16xi32>
    %mul3A_2838 = arith.constant 129 : i32
    %mul3A_2839 = vector.broadcast %mul3A_2838 : i32 to vector<16xi32>
    %mul3A_2840 = arith.muli %add3A_2837, %mul3A_2839 : vector<16xi32>
    %add3A_2841 = arith.constant 16384 : i32
    %add3A_2842 = vector.broadcast %add3A_2841 : i32 to vector<16xi32>
    %add3A_2843 = arith.addi %mul3A_2840, %add3A_2842 : vector<16xi32>
    %get3A_2844 = arith.constant 22 : i32
    %get3A_2845 = arith.index_cast %get3A_2844 : i32 to index
    %get3A_2846 = arith.constant 96 : index
    %get3A_2847 = tpu.vector_load %arg5[%get3A_2845, %get3A_2846] {strides = array<i32>} : memref<32x128xf32, #tpu.memory_space<vmem>>, vector<16xf32>,
    %exp3A_2848 = math.exp %get3A_2847 : vector<16xf32>
    tpu.vector_store_idx %arg7[%add3A_2843], %exp3A_2848 : memref<49152xf32, #tpu.memory_space<vmem>>[vector<16xi32>], vector<16xf32>,
    %iota3A_2849 = tpu.iota {dimensions = array<i32: 0>} : vector<16xi32>
    %add3A_2850 = arith.constant 112 : i32
    %add3A_2851 = vector.broadcast %add3A_2850 : i32 to vector<16xi32>
    %add3A_2852 = arith.addi %iota3A_2849, %add3A_2851 : vector<16xi32>
    %mul3A_2853 = arith.constant 129 : i32
    %mul3A_2854 = vector.broadcast %mul3A_2853 : i32 to vector<16xi32>
    %mul3A_2855 = arith.muli %add3A_2852, %mul3A_2854 : vector<16xi32>
    %add3A_2856 = arith.constant 16384 : i32
    %add3A_2857 = vector.broadcast %add3A_2856 : i32 to vector<16xi32>
    %add3A_2858 = arith.addi %mul3A_2855, %add3A_2857 : vector<16xi32>
    %get3A_2859 = arith.constant 22 : i32
    %get3A_2860 = arith.index_cast %get3A_2859 : i32 to index
    %get3A_2861 = arith.constant 112 : index
    %get3A_2862 = tpu.vector_load %arg5[%get3A_2860, %get3A_2861] {strides = array<i32>} : memref<32x128xf32, #tpu.memory_space<vmem>>, vector<16xf32>,
    %exp3A_2863 = math.exp %get3A_2862 : vector<16xf32>
    tpu.vector_store_idx %arg7[%add3A_2858], %exp3A_2863 : memref<49152xf32, #tpu.memory_space<vmem>>[vector<16xi32>], vector<16xf32>,
    %iota3A_2864 = tpu.iota {dimensions = array<i32: 0>} : vector<16xi32>
    %add3A_2865 = arith.constant 0 : i32
    %add3A_2866 = vector.broadcast %add3A_2865 : i32 to vector<16xi32>
    %add3A_2867 = arith.addi %iota3A_2864, %add3A_2866 : vector<16xi32>
    %mul3A_2868 = arith.constant 129 : i32
    %mul3A_2869 = vector.broadcast %mul3A_2868 : i32 to vector<16xi32>
    %mul3A_2870 = arith.muli %add3A_2867, %mul3A_2869 : vector<16xi32>
    %add3A_2871 = arith.constant 32768 : i32
    %add3A_2872 = vector.broadcast %add3A_2871 : i32 to vector<16xi32>
    %add3A_2873 = arith.addi %mul3A_2870, %add3A_2872 : vector<16xi32>
    %get3A_2874 = arith.constant 23 : i32
    %get3A_2875 = arith.index_cast %get3A_2874 : i32 to index
    %get3A_2876 = arith.constant 0 : index
    %get3A_2877 = tpu.vector_load %arg5[%get3A_2875, %get3A_2876] {strides = array<i32>} : memref<32x128xf32, #tpu.memory_space<vmem>>, vector<16xf32>,
    %exp3A_2878 = math.exp %get3A_2877 : vector<16xf32>
    tpu.vector_store_idx %arg7[%add3A_2873], %exp3A_2878 : memref<49152xf32, #tpu.memory_space<vmem>>[vector<16xi32>], vector<16xf32>,
    %iota3A_2879 = tpu.iota {dimensions = array<i32: 0>} : vector<16xi32>
    %add3A_2880 = arith.constant 16 : i32
    %add3A_2881 = vector.broadcast %add3A_2880 : i32 to vector<16xi32>
    %add3A_2882 = arith.addi %iota3A_2879, %add3A_2881 : vector<16xi32>
    %mul3A_2883 = arith.constant 129 : i32
    %mul3A_2884 = vector.broadcast %mul3A_2883 : i32 to vector<16xi32>
    %mul3A_2885 = arith.muli %add3A_2882, %mul3A_2884 : vector<16xi32>
    %add3A_2886 = arith.constant 32768 : i32
    %add3A_2887 = vector.broadcast %add3A_2886 : i32 to vector<16xi32>
    %add3A_2888 = arith.addi %mul3A_2885, %add3A_2887 : vector<16xi32>
    %get3A_2889 = arith.constant 23 : i32
    %get3A_2890 = arith.index_cast %get3A_2889 : i32 to index
    %get3A_2891 = arith.constant 16 : index
    %get3A_2892 = tpu.vector_load %arg5[%get3A_2890, %get3A_2891] {strides = array<i32>} : memref<32x128xf32, #tpu.memory_space<vmem>>, vector<16xf32>,
    %exp3A_2893 = math.exp %get3A_2892 : vector<16xf32>
    tpu.vector_store_idx %arg7[%add3A_2888], %exp3A_2893 : memref<49152xf32, #tpu.memory_space<vmem>>[vector<16xi32>], vector<16xf32>,
    %iota3A_2894 = tpu.iota {dimensions = array<i32: 0>} : vector<16xi32>
    %add3A_2895 = arith.constant 32 : i32
    %add3A_2896 = vector.broadcast %add3A_2895 : i32 to vector<16xi32>
    %add3A_2897 = arith.addi %iota3A_2894, %add3A_2896 : vector<16xi32>
    %mul3A_2898 = arith.constant 129 : i32
    %mul3A_2899 = vector.broadcast %mul3A_2898 : i32 to vector<16xi32>
    %mul3A_2900 = arith.muli %add3A_2897, %mul3A_2899 : vector<16xi32>
    %add3A_2901 = arith.constant 32768 : i32
    %add3A_2902 = vector.broadcast %add3A_2901 : i32 to vector<16xi32>
    %add3A_2903 = arith.addi %mul3A_2900, %add3A_2902 : vector<16xi32>
    %get3A_2904 = arith.constant 23 : i32
    %get3A_2905 = arith.index_cast %get3A_2904 : i32 to index
    %get3A_2906 = arith.constant 32 : index
    %get3A_2907 = tpu.vector_load %arg5[%get3A_2905, %get3A_2906] {strides = array<i32>} : memref<32x128xf32, #tpu.memory_space<vmem>>, vector<16xf32>,
    %exp3A_2908 = math.exp %get3A_2907 : vector<16xf32>
    tpu.vector_store_idx %arg7[%add3A_2903], %exp3A_2908 : memref<49152xf32, #tpu.memory_space<vmem>>[vector<16xi32>], vector<16xf32>,
    %iota3A_2909 = tpu.iota {dimensions = array<i32: 0>} : vector<16xi32>
    %add3A_2910 = arith.constant 48 : i32
    %add3A_2911 = vector.broadcast %add3A_2910 : i32 to vector<16xi32>
    %add3A_2912 = arith.addi %iota3A_2909, %add3A_2911 : vector<16xi32>
    %mul3A_2913 = arith.constant 129 : i32
    %mul3A_2914 = vector.broadcast %mul3A_2913 : i32 to vector<16xi32>
    %mul3A_2915 = arith.muli %add3A_2912, %mul3A_2914 : vector<16xi32>
    %add3A_2916 = arith.constant 32768 : i32
    %add3A_2917 = vector.broadcast %add3A_2916 : i32 to vector<16xi32>
    %add3A_2918 = arith.addi %mul3A_2915, %add3A_2917 : vector<16xi32>
    %get3A_2919 = arith.constant 23 : i32
    %get3A_2920 = arith.index_cast %get3A_2919 : i32 to index
    %get3A_2921 = arith.constant 48 : index
    %get3A_2922 = tpu.vector_load %arg5[%get3A_2920, %get3A_2921] {strides = array<i32>} : memref<32x128xf32, #tpu.memory_space<vmem>>, vector<16xf32>,
    %exp3A_2923 = math.exp %get3A_2922 : vector<16xf32>
    tpu.vector_store_idx %arg7[%add3A_2918], %exp3A_2923 : memref<49152xf32, #tpu.memory_space<vmem>>[vector<16xi32>], vector<16xf32>,
    %iota3A_2924 = tpu.iota {dimensions = array<i32: 0>} : vector<16xi32>
    %add3A_2925 = arith.constant 64 : i32
    %add3A_2926 = vector.broadcast %add3A_2925 : i32 to vector<16xi32>
    %add3A_2927 = arith.addi %iota3A_2924, %add3A_2926 : vector<16xi32>
    %mul3A_2928 = arith.constant 129 : i32
    %mul3A_2929 = vector.broadcast %mul3A_2928 : i32 to vector<16xi32>
    %mul3A_2930 = arith.muli %add3A_2927, %mul3A_2929 : vector<16xi32>
    %add3A_2931 = arith.constant 32768 : i32
    %add3A_2932 = vector.broadcast %add3A_2931 : i32 to vector<16xi32>
    %add3A_2933 = arith.addi %mul3A_2930, %add3A_2932 : vector<16xi32>
    %get3A_2934 = arith.constant 23 : i32
    %get3A_2935 = arith.index_cast %get3A_2934 : i32 to index
    %get3A_2936 = arith.constant 64 : index
    %get3A_2937 = tpu.vector_load %arg5[%get3A_2935, %get3A_2936] {strides = array<i32>} : memref<32x128xf32, #tpu.memory_space<vmem>>, vector<16xf32>,
    %exp3A_2938 = math.exp %get3A_2937 : vector<16xf32>
    tpu.vector_store_idx %arg7[%add3A_2933], %exp3A_2938 : memref<49152xf32, #tpu.memory_space<vmem>>[vector<16xi32>], vector<16xf32>,
    %iota3A_2939 = tpu.iota {dimensions = array<i32: 0>} : vector<16xi32>
    %add3A_2940 = arith.constant 80 : i32
    %add3A_2941 = vector.broadcast %add3A_2940 : i32 to vector<16xi32>
    %add3A_2942 = arith.addi %iota3A_2939, %add3A_2941 : vector<16xi32>
    %mul3A_2943 = arith.constant 129 : i32
    %mul3A_2944 = vector.broadcast %mul3A_2943 : i32 to vector<16xi32>
    %mul3A_2945 = arith.muli %add3A_2942, %mul3A_2944 : vector<16xi32>
    %add3A_2946 = arith.constant 32768 : i32
    %add3A_2947 = vector.broadcast %add3A_2946 : i32 to vector<16xi32>
    %add3A_2948 = arith.addi %mul3A_2945, %add3A_2947 : vector<16xi32>
    %get3A_2949 = arith.constant 23 : i32
    %get3A_2950 = arith.index_cast %get3A_2949 : i32 to index
    %get3A_2951 = arith.constant 80 : index
    %get3A_2952 = tpu.vector_load %arg5[%get3A_2950, %get3A_2951] {strides = array<i32>} : memref<32x128xf32, #tpu.memory_space<vmem>>, vector<16xf32>,
    %exp3A_2953 = math.exp %get3A_2952 : vector<16xf32>
    tpu.vector_store_idx %arg7[%add3A_2948], %exp3A_2953 : memref<49152xf32, #tpu.memory_space<vmem>>[vector<16xi32>], vector<16xf32>,
    %iota3A_2954 = tpu.iota {dimensions = array<i32: 0>} : vector<16xi32>
    %add3A_2955 = arith.constant 96 : i32
    %add3A_2956 = vector.broadcast %add3A_2955 : i32 to vector<16xi32>
    %add3A_2957 = arith.addi %iota3A_2954, %add3A_2956 : vector<16xi32>
    %mul3A_2958 = arith.constant 129 : i32
    %mul3A_2959 = vector.broadcast %mul3A_2958 : i32 to vector<16xi32>
    %mul3A_2960 = arith.muli %add3A_2957, %mul3A_2959 : vector<16xi32>
    %add3A_2961 = arith.constant 32768 : i32
    %add3A_2962 = vector.broadcast %add3A_2961 : i32 to vector<16xi32>
    %add3A_2963 = arith.addi %mul3A_2960, %add3A_2962 : vector<16xi32>
    %get3A_2964 = arith.constant 23 : i32
    %get3A_2965 = arith.index_cast %get3A_2964 : i32 to index
    %get3A_2966 = arith.constant 96 : index
    %get3A_2967 = tpu.vector_load %arg5[%get3A_2965, %get3A_2966] {strides = array<i32>} : memref<32x128xf32, #tpu.memory_space<vmem>>, vector<16xf32>,
    %exp3A_2968 = math.exp %get3A_2967 : vector<16xf32>
    tpu.vector_store_idx %arg7[%add3A_2963], %exp3A_2968 : memref<49152xf32, #tpu.memory_space<vmem>>[vector<16xi32>], vector<16xf32>,
    %iota3A_2969 = tpu.iota {dimensions = array<i32: 0>} : vector<16xi32>
    %add3A_2970 = arith.constant 112 : i32
    %add3A_2971 = vector.broadcast %add3A_2970 : i32 to vector<16xi32>
    %add3A_2972 = arith.addi %iota3A_2969, %add3A_2971 : vector<16xi32>
    %mul3A_2973 = arith.constant 129 : i32
    %mul3A_2974 = vector.broadcast %mul3A_2973 : i32 to vector<16xi32>
    %mul3A_2975 = arith.muli %add3A_2972, %mul3A_2974 : vector<16xi32>
    %add3A_2976 = arith.constant 32768 : i32
    %add3A_2977 = vector.broadcast %add3A_2976 : i32 to vector<16xi32>
    %add3A_2978 = arith.addi %mul3A_2975, %add3A_2977 : vector<16xi32>
    %get3A_2979 = arith.constant 23 : i32
    %get3A_2980 = arith.index_cast %get3A_2979 : i32 to index
    %get3A_2981 = arith.constant 112 : index
    %get3A_2982 = tpu.vector_load %arg5[%get3A_2980, %get3A_2981] {strides = array<i32>} : memref<32x128xf32, #tpu.memory_space<vmem>>, vector<16xf32>,
    %exp3A_2983 = math.exp %get3A_2982 : vector<16xf32>
    tpu.vector_store_idx %arg7[%add3A_2978], %exp3A_2983 : memref<49152xf32, #tpu.memory_space<vmem>>[vector<16xi32>], vector<16xf32>,
    %add3A_2984 = arith.constant 21 : i32
    %add3A_2985 = arith.addi %mul3A_2, %add3A_2984 : i32
    %mul3A_2986 = arith.constant 16384 : i32
    %mul3A_2987 = arith.muli %add3A_2985, %mul3A_2986 : i32
    %dma_start3A_2988 = arith.constant 0 : i32
    %dma_start3A_2989 = tpu.memref_slice %arg7[%dma_start3A_2988] : memref<49152xf32, #tpu.memory_space<vmem>> -> memref<49152xf32, #tpu.memory_space<vmem>>
    %dma_start3A_2990 = tpu.memref_slice %arg4[%mul3A_2987] : memref<16777216xf32, #tpu.memory_space<hbm>> -> memref<49152xf32, #tpu.memory_space<hbm>>
    %dma_start3A_2991 = tpu.memref_slice %arg4[%mul3A_2987] : memref<16777216xf32, #tpu.memory_space<hbm>> -> memref<49152xf32, #tpu.memory_space<hbm>>
    %dma_start3A_2992 = arith.constant 0 : i32
    %dma_start3A_2993 = tpu.memref_slice %arg7[%dma_start3A_2992] : memref<49152xf32, #tpu.memory_space<vmem>> -> memref<49152xf32, #tpu.memory_space<vmem>>
    tpu.enqueue_dma source(%dma_start3A_2993 : memref<49152xf32, #tpu.memory_space<vmem>>) target(%dma_start3A_2991 : memref<49152xf32, #tpu.memory_space<hbm>>) target_semaphore(%arg9 : memref<!tpu.dma_semaphore, #tpu.memory_space<semaphore_mem>>)
    %dma_wait3A_2994 = arith.constant 0 : i32
    %dma_wait3A_2995 = tpu.memref_slice %arg6[%dma_wait3A_2994] : memref<49152xf32, #tpu.memory_space<vmem>> -> memref<49152xf32, #tpu.memory_space<vmem>>
    %dma_wait3A_2996 = tpu.memref_slice %arg4[%mul3A_2611] : memref<16777216xf32, #tpu.memory_space<hbm>> -> memref<49152xf32, #tpu.memory_space<hbm>>
    %dma_wait3A_2997 = tpu.memref_slice %arg4[%mul3A_2611] : memref<16777216xf32, #tpu.memory_space<hbm>> -> memref<49152xf32, #tpu.memory_space<hbm>>
    %dma_wait3A_2998 = arith.constant 0 : i32
    %dma_wait3A_2999 = tpu.memref_slice %arg6[%dma_wait3A_2998] : memref<49152xf32, #tpu.memory_space<vmem>> -> memref<49152xf32, #tpu.memory_space<vmem>>
    tpu.wait_dma2 semaphore(%arg8 : memref<!tpu.dma_semaphore, #tpu.memory_space<semaphore_mem>>) src(%dma_wait3A_2999 : memref<49152xf32, #tpu.memory_space<vmem>>) dst(%dma_wait3A_2997 : memref<49152xf32, #tpu.memory_space<hbm>>)
    %iota3A_3000 = tpu.iota {dimensions = array<i32: 0>} : vector<16xi32>
    %add3A_3001 = arith.constant 0 : i32
    %add3A_3002 = vector.broadcast %add3A_3001 : i32 to vector<16xi32>
    %add3A_3003 = arith.addi %iota3A_3000, %add3A_3002 : vector<16xi32>
    %mul3A_3004 = arith.constant 129 : i32
    %mul3A_3005 = vector.broadcast %mul3A_3004 : i32 to vector<16xi32>
    %mul3A_3006 = arith.muli %add3A_3003, %mul3A_3005 : vector<16xi32>
    %add3A_3007 = arith.constant 0 : i32
    %add3A_3008 = vector.broadcast %add3A_3007 : i32 to vector<16xi32>
    %add3A_3009 = arith.addi %mul3A_3006, %add3A_3008 : vector<16xi32>
    %get3A_3010 = arith.constant 24 : i32
    %get3A_3011 = arith.index_cast %get3A_3010 : i32 to index
    %get3A_3012 = arith.constant 0 : index
    %get3A_3013 = tpu.vector_load %arg5[%get3A_3011, %get3A_3012] {strides = array<i32>} : memref<32x128xf32, #tpu.memory_space<vmem>>, vector<16xf32>,
    %exp3A_3014 = math.exp %get3A_3013 : vector<16xf32>
    tpu.vector_store_idx %arg6[%add3A_3009], %exp3A_3014 : memref<49152xf32, #tpu.memory_space<vmem>>[vector<16xi32>], vector<16xf32>,
    %iota3A_3015 = tpu.iota {dimensions = array<i32: 0>} : vector<16xi32>
    %add3A_3016 = arith.constant 16 : i32
    %add3A_3017 = vector.broadcast %add3A_3016 : i32 to vector<16xi32>
    %add3A_3018 = arith.addi %iota3A_3015, %add3A_3017 : vector<16xi32>
    %mul3A_3019 = arith.constant 129 : i32
    %mul3A_3020 = vector.broadcast %mul3A_3019 : i32 to vector<16xi32>
    %mul3A_3021 = arith.muli %add3A_3018, %mul3A_3020 : vector<16xi32>
    %add3A_3022 = arith.constant 0 : i32
    %add3A_3023 = vector.broadcast %add3A_3022 : i32 to vector<16xi32>
    %add3A_3024 = arith.addi %mul3A_3021, %add3A_3023 : vector<16xi32>
    %get3A_3025 = arith.constant 24 : i32
    %get3A_3026 = arith.index_cast %get3A_3025 : i32 to index
    %get3A_3027 = arith.constant 16 : index
    %get3A_3028 = tpu.vector_load %arg5[%get3A_3026, %get3A_3027] {strides = array<i32>} : memref<32x128xf32, #tpu.memory_space<vmem>>, vector<16xf32>,
    %exp3A_3029 = math.exp %get3A_3028 : vector<16xf32>
    tpu.vector_store_idx %arg6[%add3A_3024], %exp3A_3029 : memref<49152xf32, #tpu.memory_space<vmem>>[vector<16xi32>], vector<16xf32>,
    %iota3A_3030 = tpu.iota {dimensions = array<i32: 0>} : vector<16xi32>
    %add3A_3031 = arith.constant 32 : i32
    %add3A_3032 = vector.broadcast %add3A_3031 : i32 to vector<16xi32>
    %add3A_3033 = arith.addi %iota3A_3030, %add3A_3032 : vector<16xi32>
    %mul3A_3034 = arith.constant 129 : i32
    %mul3A_3035 = vector.broadcast %mul3A_3034 : i32 to vector<16xi32>
    %mul3A_3036 = arith.muli %add3A_3033, %mul3A_3035 : vector<16xi32>
    %add3A_3037 = arith.constant 0 : i32
    %add3A_3038 = vector.broadcast %add3A_3037 : i32 to vector<16xi32>
    %add3A_3039 = arith.addi %mul3A_3036, %add3A_3038 : vector<16xi32>
    %get3A_3040 = arith.constant 24 : i32
    %get3A_3041 = arith.index_cast %get3A_3040 : i32 to index
    %get3A_3042 = arith.constant 32 : index
    %get3A_3043 = tpu.vector_load %arg5[%get3A_3041, %get3A_3042] {strides = array<i32>} : memref<32x128xf32, #tpu.memory_space<vmem>>, vector<16xf32>,
    %exp3A_3044 = math.exp %get3A_3043 : vector<16xf32>
    tpu.vector_store_idx %arg6[%add3A_3039], %exp3A_3044 : memref<49152xf32, #tpu.memory_space<vmem>>[vector<16xi32>], vector<16xf32>,
    %iota3A_3045 = tpu.iota {dimensions = array<i32: 0>} : vector<16xi32>
    %add3A_3046 = arith.constant 48 : i32
    %add3A_3047 = vector.broadcast %add3A_3046 : i32 to vector<16xi32>
    %add3A_3048 = arith.addi %iota3A_3045, %add3A_3047 : vector<16xi32>
    %mul3A_3049 = arith.constant 129 : i32
    %mul3A_3050 = vector.broadcast %mul3A_3049 : i32 to vector<16xi32>
    %mul3A_3051 = arith.muli %add3A_3048, %mul3A_3050 : vector<16xi32>
    %add3A_3052 = arith.constant 0 : i32
    %add3A_3053 = vector.broadcast %add3A_3052 : i32 to vector<16xi32>
    %add3A_3054 = arith.addi %mul3A_3051, %add3A_3053 : vector<16xi32>
    %get3A_3055 = arith.constant 24 : i32
    %get3A_3056 = arith.index_cast %get3A_3055 : i32 to index
    %get3A_3057 = arith.constant 48 : index
    %get3A_3058 = tpu.vector_load %arg5[%get3A_3056, %get3A_3057] {strides = array<i32>} : memref<32x128xf32, #tpu.memory_space<vmem>>, vector<16xf32>,
    %exp3A_3059 = math.exp %get3A_3058 : vector<16xf32>
    tpu.vector_store_idx %arg6[%add3A_3054], %exp3A_3059 : memref<49152xf32, #tpu.memory_space<vmem>>[vector<16xi32>], vector<16xf32>,
    %iota3A_3060 = tpu.iota {dimensions = array<i32: 0>} : vector<16xi32>
    %add3A_3061 = arith.constant 64 : i32
    %add3A_3062 = vector.broadcast %add3A_3061 : i32 to vector<16xi32>
    %add3A_3063 = arith.addi %iota3A_3060, %add3A_3062 : vector<16xi32>
    %mul3A_3064 = arith.constant 129 : i32
    %mul3A_3065 = vector.broadcast %mul3A_3064 : i32 to vector<16xi32>
    %mul3A_3066 = arith.muli %add3A_3063, %mul3A_3065 : vector<16xi32>
    %add3A_3067 = arith.constant 0 : i32
    %add3A_3068 = vector.broadcast %add3A_3067 : i32 to vector<16xi32>
    %add3A_3069 = arith.addi %mul3A_3066, %add3A_3068 : vector<16xi32>
    %get3A_3070 = arith.constant 24 : i32
    %get3A_3071 = arith.index_cast %get3A_3070 : i32 to index
    %get3A_3072 = arith.constant 64 : index
    %get3A_3073 = tpu.vector_load %arg5[%get3A_3071, %get3A_3072] {strides = array<i32>} : memref<32x128xf32, #tpu.memory_space<vmem>>, vector<16xf32>,
    %exp3A_3074 = math.exp %get3A_3073 : vector<16xf32>
    tpu.vector_store_idx %arg6[%add3A_3069], %exp3A_3074 : memref<49152xf32, #tpu.memory_space<vmem>>[vector<16xi32>], vector<16xf32>,
    %iota3A_3075 = tpu.iota {dimensions = array<i32: 0>} : vector<16xi32>
    %add3A_3076 = arith.constant 80 : i32
    %add3A_3077 = vector.broadcast %add3A_3076 : i32 to vector<16xi32>
    %add3A_3078 = arith.addi %iota3A_3075, %add3A_3077 : vector<16xi32>
    %mul3A_3079 = arith.constant 129 : i32
    %mul3A_3080 = vector.broadcast %mul3A_3079 : i32 to vector<16xi32>
    %mul3A_3081 = arith.muli %add3A_3078, %mul3A_3080 : vector<16xi32>
    %add3A_3082 = arith.constant 0 : i32
    %add3A_3083 = vector.broadcast %add3A_3082 : i32 to vector<16xi32>
    %add3A_3084 = arith.addi %mul3A_3081, %add3A_3083 : vector<16xi32>
    %get3A_3085 = arith.constant 24 : i32
    %get3A_3086 = arith.index_cast %get3A_3085 : i32 to index
    %get3A_3087 = arith.constant 80 : index
    %get3A_3088 = tpu.vector_load %arg5[%get3A_3086, %get3A_3087] {strides = array<i32>} : memref<32x128xf32, #tpu.memory_space<vmem>>, vector<16xf32>,
    %exp3A_3089 = math.exp %get3A_3088 : vector<16xf32>
    tpu.vector_store_idx %arg6[%add3A_3084], %exp3A_3089 : memref<49152xf32, #tpu.memory_space<vmem>>[vector<16xi32>], vector<16xf32>,
    %iota3A_3090 = tpu.iota {dimensions = array<i32: 0>} : vector<16xi32>
    %add3A_3091 = arith.constant 96 : i32
    %add3A_3092 = vector.broadcast %add3A_3091 : i32 to vector<16xi32>
    %add3A_3093 = arith.addi %iota3A_3090, %add3A_3092 : vector<16xi32>
    %mul3A_3094 = arith.constant 129 : i32
    %mul3A_3095 = vector.broadcast %mul3A_3094 : i32 to vector<16xi32>
    %mul3A_3096 = arith.muli %add3A_3093, %mul3A_3095 : vector<16xi32>
    %add3A_3097 = arith.constant 0 : i32
    %add3A_3098 = vector.broadcast %add3A_3097 : i32 to vector<16xi32>
    %add3A_3099 = arith.addi %mul3A_3096, %add3A_3098 : vector<16xi32>
    %get3A_3100 = arith.constant 24 : i32
    %get3A_3101 = arith.index_cast %get3A_3100 : i32 to index
    %get3A_3102 = arith.constant 96 : index
    %get3A_3103 = tpu.vector_load %arg5[%get3A_3101, %get3A_3102] {strides = array<i32>} : memref<32x128xf32, #tpu.memory_space<vmem>>, vector<16xf32>,
    %exp3A_3104 = math.exp %get3A_3103 : vector<16xf32>
    tpu.vector_store_idx %arg6[%add3A_3099], %exp3A_3104 : memref<49152xf32, #tpu.memory_space<vmem>>[vector<16xi32>], vector<16xf32>,
    %iota3A_3105 = tpu.iota {dimensions = array<i32: 0>} : vector<16xi32>
    %add3A_3106 = arith.constant 112 : i32
    %add3A_3107 = vector.broadcast %add3A_3106 : i32 to vector<16xi32>
    %add3A_3108 = arith.addi %iota3A_3105, %add3A_3107 : vector<16xi32>
    %mul3A_3109 = arith.constant 129 : i32
    %mul3A_3110 = vector.broadcast %mul3A_3109 : i32 to vector<16xi32>
    %mul3A_3111 = arith.muli %add3A_3108, %mul3A_3110 : vector<16xi32>
    %add3A_3112 = arith.constant 0 : i32
    %add3A_3113 = vector.broadcast %add3A_3112 : i32 to vector<16xi32>
    %add3A_3114 = arith.addi %mul3A_3111, %add3A_3113 : vector<16xi32>
    %get3A_3115 = arith.constant 24 : i32
    %get3A_3116 = arith.index_cast %get3A_3115 : i32 to index
    %get3A_3117 = arith.constant 112 : index
    %get3A_3118 = tpu.vector_load %arg5[%get3A_3116, %get3A_3117] {strides = array<i32>} : memref<32x128xf32, #tpu.memory_space<vmem>>, vector<16xf32>,
    %exp3A_3119 = math.exp %get3A_3118 : vector<16xf32>
    tpu.vector_store_idx %arg6[%add3A_3114], %exp3A_3119 : memref<49152xf32, #tpu.memory_space<vmem>>[vector<16xi32>], vector<16xf32>,
    %iota3A_3120 = tpu.iota {dimensions = array<i32: 0>} : vector<16xi32>
    %add3A_3121 = arith.constant 0 : i32
    %add3A_3122 = vector.broadcast %add3A_3121 : i32 to vector<16xi32>
    %add3A_3123 = arith.addi %iota3A_3120, %add3A_3122 : vector<16xi32>
    %mul3A_3124 = arith.constant 129 : i32
    %mul3A_3125 = vector.broadcast %mul3A_3124 : i32 to vector<16xi32>
    %mul3A_3126 = arith.muli %add3A_3123, %mul3A_3125 : vector<16xi32>
    %add3A_3127 = arith.constant 16384 : i32
    %add3A_3128 = vector.broadcast %add3A_3127 : i32 to vector<16xi32>
    %add3A_3129 = arith.addi %mul3A_3126, %add3A_3128 : vector<16xi32>
    %get3A_3130 = arith.constant 25 : i32
    %get3A_3131 = arith.index_cast %get3A_3130 : i32 to index
    %get3A_3132 = arith.constant 0 : index
    %get3A_3133 = tpu.vector_load %arg5[%get3A_3131, %get3A_3132] {strides = array<i32>} : memref<32x128xf32, #tpu.memory_space<vmem>>, vector<16xf32>,
    %exp3A_3134 = math.exp %get3A_3133 : vector<16xf32>
    tpu.vector_store_idx %arg6[%add3A_3129], %exp3A_3134 : memref<49152xf32, #tpu.memory_space<vmem>>[vector<16xi32>], vector<16xf32>,
    %iota3A_3135 = tpu.iota {dimensions = array<i32: 0>} : vector<16xi32>
    %add3A_3136 = arith.constant 16 : i32
    %add3A_3137 = vector.broadcast %add3A_3136 : i32 to vector<16xi32>
    %add3A_3138 = arith.addi %iota3A_3135, %add3A_3137 : vector<16xi32>
    %mul3A_3139 = arith.constant 129 : i32
    %mul3A_3140 = vector.broadcast %mul3A_3139 : i32 to vector<16xi32>
    %mul3A_3141 = arith.muli %add3A_3138, %mul3A_3140 : vector<16xi32>
    %add3A_3142 = arith.constant 16384 : i32
    %add3A_3143 = vector.broadcast %add3A_3142 : i32 to vector<16xi32>
    %add3A_3144 = arith.addi %mul3A_3141, %add3A_3143 : vector<16xi32>
    %get3A_3145 = arith.constant 25 : i32
    %get3A_3146 = arith.index_cast %get3A_3145 : i32 to index
    %get3A_3147 = arith.constant 16 : index
    %get3A_3148 = tpu.vector_load %arg5[%get3A_3146, %get3A_3147] {strides = array<i32>} : memref<32x128xf32, #tpu.memory_space<vmem>>, vector<16xf32>,
    %exp3A_3149 = math.exp %get3A_3148 : vector<16xf32>
    tpu.vector_store_idx %arg6[%add3A_3144], %exp3A_3149 : memref<49152xf32, #tpu.memory_space<vmem>>[vector<16xi32>], vector<16xf32>,
    %iota3A_3150 = tpu.iota {dimensions = array<i32: 0>} : vector<16xi32>
    %add3A_3151 = arith.constant 32 : i32
    %add3A_3152 = vector.broadcast %add3A_3151 : i32 to vector<16xi32>
    %add3A_3153 = arith.addi %iota3A_3150, %add3A_3152 : vector<16xi32>
    %mul3A_3154 = arith.constant 129 : i32
    %mul3A_3155 = vector.broadcast %mul3A_3154 : i32 to vector<16xi32>
    %mul3A_3156 = arith.muli %add3A_3153, %mul3A_3155 : vector<16xi32>
    %add3A_3157 = arith.constant 16384 : i32
    %add3A_3158 = vector.broadcast %add3A_3157 : i32 to vector<16xi32>
    %add3A_3159 = arith.addi %mul3A_3156, %add3A_3158 : vector<16xi32>
    %get3A_3160 = arith.constant 25 : i32
    %get3A_3161 = arith.index_cast %get3A_3160 : i32 to index
    %get3A_3162 = arith.constant 32 : index
    %get3A_3163 = tpu.vector_load %arg5[%get3A_3161, %get3A_3162] {strides = array<i32>} : memref<32x128xf32, #tpu.memory_space<vmem>>, vector<16xf32>,
    %exp3A_3164 = math.exp %get3A_3163 : vector<16xf32>
    tpu.vector_store_idx %arg6[%add3A_3159], %exp3A_3164 : memref<49152xf32, #tpu.memory_space<vmem>>[vector<16xi32>], vector<16xf32>,
    %iota3A_3165 = tpu.iota {dimensions = array<i32: 0>} : vector<16xi32>
    %add3A_3166 = arith.constant 48 : i32
    %add3A_3167 = vector.broadcast %add3A_3166 : i32 to vector<16xi32>
    %add3A_3168 = arith.addi %iota3A_3165, %add3A_3167 : vector<16xi32>
    %mul3A_3169 = arith.constant 129 : i32
    %mul3A_3170 = vector.broadcast %mul3A_3169 : i32 to vector<16xi32>
    %mul3A_3171 = arith.muli %add3A_3168, %mul3A_3170 : vector<16xi32>
    %add3A_3172 = arith.constant 16384 : i32
    %add3A_3173 = vector.broadcast %add3A_3172 : i32 to vector<16xi32>
    %add3A_3174 = arith.addi %mul3A_3171, %add3A_3173 : vector<16xi32>
    %get3A_3175 = arith.constant 25 : i32
    %get3A_3176 = arith.index_cast %get3A_3175 : i32 to index
    %get3A_3177 = arith.constant 48 : index
    %get3A_3178 = tpu.vector_load %arg5[%get3A_3176, %get3A_3177] {strides = array<i32>} : memref<32x128xf32, #tpu.memory_space<vmem>>, vector<16xf32>,
    %exp3A_3179 = math.exp %get3A_3178 : vector<16xf32>
    tpu.vector_store_idx %arg6[%add3A_3174], %exp3A_3179 : memref<49152xf32, #tpu.memory_space<vmem>>[vector<16xi32>], vector<16xf32>,
    %iota3A_3180 = tpu.iota {dimensions = array<i32: 0>} : vector<16xi32>
    %add3A_3181 = arith.constant 64 : i32
    %add3A_3182 = vector.broadcast %add3A_3181 : i32 to vector<16xi32>
    %add3A_3183 = arith.addi %iota3A_3180, %add3A_3182 : vector<16xi32>
    %mul3A_3184 = arith.constant 129 : i32
    %mul3A_3185 = vector.broadcast %mul3A_3184 : i32 to vector<16xi32>
    %mul3A_3186 = arith.muli %add3A_3183, %mul3A_3185 : vector<16xi32>
    %add3A_3187 = arith.constant 16384 : i32
    %add3A_3188 = vector.broadcast %add3A_3187 : i32 to vector<16xi32>
    %add3A_3189 = arith.addi %mul3A_3186, %add3A_3188 : vector<16xi32>
    %get3A_3190 = arith.constant 25 : i32
    %get3A_3191 = arith.index_cast %get3A_3190 : i32 to index
    %get3A_3192 = arith.constant 64 : index
    %get3A_3193 = tpu.vector_load %arg5[%get3A_3191, %get3A_3192] {strides = array<i32>} : memref<32x128xf32, #tpu.memory_space<vmem>>, vector<16xf32>,
    %exp3A_3194 = math.exp %get3A_3193 : vector<16xf32>
    tpu.vector_store_idx %arg6[%add3A_3189], %exp3A_3194 : memref<49152xf32, #tpu.memory_space<vmem>>[vector<16xi32>], vector<16xf32>,
    %iota3A_3195 = tpu.iota {dimensions = array<i32: 0>} : vector<16xi32>
    %add3A_3196 = arith.constant 80 : i32
    %add3A_3197 = vector.broadcast %add3A_3196 : i32 to vector<16xi32>
    %add3A_3198 = arith.addi %iota3A_3195, %add3A_3197 : vector<16xi32>
    %mul3A_3199 = arith.constant 129 : i32
    %mul3A_3200 = vector.broadcast %mul3A_3199 : i32 to vector<16xi32>
    %mul3A_3201 = arith.muli %add3A_3198, %mul3A_3200 : vector<16xi32>
    %add3A_3202 = arith.constant 16384 : i32
    %add3A_3203 = vector.broadcast %add3A_3202 : i32 to vector<16xi32>
    %add3A_3204 = arith.addi %mul3A_3201, %add3A_3203 : vector<16xi32>
    %get3A_3205 = arith.constant 25 : i32
    %get3A_3206 = arith.index_cast %get3A_3205 : i32 to index
    %get3A_3207 = arith.constant 80 : index
    %get3A_3208 = tpu.vector_load %arg5[%get3A_3206, %get3A_3207] {strides = array<i32>} : memref<32x128xf32, #tpu.memory_space<vmem>>, vector<16xf32>,
    %exp3A_3209 = math.exp %get3A_3208 : vector<16xf32>
    tpu.vector_store_idx %arg6[%add3A_3204], %exp3A_3209 : memref<49152xf32, #tpu.memory_space<vmem>>[vector<16xi32>], vector<16xf32>,
    %iota3A_3210 = tpu.iota {dimensions = array<i32: 0>} : vector<16xi32>
    %add3A_3211 = arith.constant 96 : i32
    %add3A_3212 = vector.broadcast %add3A_3211 : i32 to vector<16xi32>
    %add3A_3213 = arith.addi %iota3A_3210, %add3A_3212 : vector<16xi32>
    %mul3A_3214 = arith.constant 129 : i32
    %mul3A_3215 = vector.broadcast %mul3A_3214 : i32 to vector<16xi32>
    %mul3A_3216 = arith.muli %add3A_3213, %mul3A_3215 : vector<16xi32>
    %add3A_3217 = arith.constant 16384 : i32
    %add3A_3218 = vector.broadcast %add3A_3217 : i32 to vector<16xi32>
    %add3A_3219 = arith.addi %mul3A_3216, %add3A_3218 : vector<16xi32>
    %get3A_3220 = arith.constant 25 : i32
    %get3A_3221 = arith.index_cast %get3A_3220 : i32 to index
    %get3A_3222 = arith.constant 96 : index
    %get3A_3223 = tpu.vector_load %arg5[%get3A_3221, %get3A_3222] {strides = array<i32>} : memref<32x128xf32, #tpu.memory_space<vmem>>, vector<16xf32>,
    %exp3A_3224 = math.exp %get3A_3223 : vector<16xf32>
    tpu.vector_store_idx %arg6[%add3A_3219], %exp3A_3224 : memref<49152xf32, #tpu.memory_space<vmem>>[vector<16xi32>], vector<16xf32>,
    %iota3A_3225 = tpu.iota {dimensions = array<i32: 0>} : vector<16xi32>
    %add3A_3226 = arith.constant 112 : i32
    %add3A_3227 = vector.broadcast %add3A_3226 : i32 to vector<16xi32>
    %add3A_3228 = arith.addi %iota3A_3225, %add3A_3227 : vector<16xi32>
    %mul3A_3229 = arith.constant 129 : i32
    %mul3A_3230 = vector.broadcast %mul3A_3229 : i32 to vector<16xi32>
    %mul3A_3231 = arith.muli %add3A_3228, %mul3A_3230 : vector<16xi32>
    %add3A_3232 = arith.constant 16384 : i32
    %add3A_3233 = vector.broadcast %add3A_3232 : i32 to vector<16xi32>
    %add3A_3234 = arith.addi %mul3A_3231, %add3A_3233 : vector<16xi32>
    %get3A_3235 = arith.constant 25 : i32
    %get3A_3236 = arith.index_cast %get3A_3235 : i32 to index
    %get3A_3237 = arith.constant 112 : index
    %get3A_3238 = tpu.vector_load %arg5[%get3A_3236, %get3A_3237] {strides = array<i32>} : memref<32x128xf32, #tpu.memory_space<vmem>>, vector<16xf32>,
    %exp3A_3239 = math.exp %get3A_3238 : vector<16xf32>
    tpu.vector_store_idx %arg6[%add3A_3234], %exp3A_3239 : memref<49152xf32, #tpu.memory_space<vmem>>[vector<16xi32>], vector<16xf32>,
    %iota3A_3240 = tpu.iota {dimensions = array<i32: 0>} : vector<16xi32>
    %add3A_3241 = arith.constant 0 : i32
    %add3A_3242 = vector.broadcast %add3A_3241 : i32 to vector<16xi32>
    %add3A_3243 = arith.addi %iota3A_3240, %add3A_3242 : vector<16xi32>
    %mul3A_3244 = arith.constant 129 : i32
    %mul3A_3245 = vector.broadcast %mul3A_3244 : i32 to vector<16xi32>
    %mul3A_3246 = arith.muli %add3A_3243, %mul3A_3245 : vector<16xi32>
    %add3A_3247 = arith.constant 32768 : i32
    %add3A_3248 = vector.broadcast %add3A_3247 : i32 to vector<16xi32>
    %add3A_3249 = arith.addi %mul3A_3246, %add3A_3248 : vector<16xi32>
    %get3A_3250 = arith.constant 26 : i32
    %get3A_3251 = arith.index_cast %get3A_3250 : i32 to index
    %get3A_3252 = arith.constant 0 : index
    %get3A_3253 = tpu.vector_load %arg5[%get3A_3251, %get3A_3252] {strides = array<i32>} : memref<32x128xf32, #tpu.memory_space<vmem>>, vector<16xf32>,
    %exp3A_3254 = math.exp %get3A_3253 : vector<16xf32>
    tpu.vector_store_idx %arg6[%add3A_3249], %exp3A_3254 : memref<49152xf32, #tpu.memory_space<vmem>>[vector<16xi32>], vector<16xf32>,
    %iota3A_3255 = tpu.iota {dimensions = array<i32: 0>} : vector<16xi32>
    %add3A_3256 = arith.constant 16 : i32
    %add3A_3257 = vector.broadcast %add3A_3256 : i32 to vector<16xi32>
    %add3A_3258 = arith.addi %iota3A_3255, %add3A_3257 : vector<16xi32>
    %mul3A_3259 = arith.constant 129 : i32
    %mul3A_3260 = vector.broadcast %mul3A_3259 : i32 to vector<16xi32>
    %mul3A_3261 = arith.muli %add3A_3258, %mul3A_3260 : vector<16xi32>
    %add3A_3262 = arith.constant 32768 : i32
    %add3A_3263 = vector.broadcast %add3A_3262 : i32 to vector<16xi32>
    %add3A_3264 = arith.addi %mul3A_3261, %add3A_3263 : vector<16xi32>
    %get3A_3265 = arith.constant 26 : i32
    %get3A_3266 = arith.index_cast %get3A_3265 : i32 to index
    %get3A_3267 = arith.constant 16 : index
    %get3A_3268 = tpu.vector_load %arg5[%get3A_3266, %get3A_3267] {strides = array<i32>} : memref<32x128xf32, #tpu.memory_space<vmem>>, vector<16xf32>,
    %exp3A_3269 = math.exp %get3A_3268 : vector<16xf32>
    tpu.vector_store_idx %arg6[%add3A_3264], %exp3A_3269 : memref<49152xf32, #tpu.memory_space<vmem>>[vector<16xi32>], vector<16xf32>,
    %iota3A_3270 = tpu.iota {dimensions = array<i32: 0>} : vector<16xi32>
    %add3A_3271 = arith.constant 32 : i32
    %add3A_3272 = vector.broadcast %add3A_3271 : i32 to vector<16xi32>
    %add3A_3273 = arith.addi %iota3A_3270, %add3A_3272 : vector<16xi32>
    %mul3A_3274 = arith.constant 129 : i32
    %mul3A_3275 = vector.broadcast %mul3A_3274 : i32 to vector<16xi32>
    %mul3A_3276 = arith.muli %add3A_3273, %mul3A_3275 : vector<16xi32>
    %add3A_3277 = arith.constant 32768 : i32
    %add3A_3278 = vector.broadcast %add3A_3277 : i32 to vector<16xi32>
    %add3A_3279 = arith.addi %mul3A_3276, %add3A_3278 : vector<16xi32>
    %get3A_3280 = arith.constant 26 : i32
    %get3A_3281 = arith.index_cast %get3A_3280 : i32 to index
    %get3A_3282 = arith.constant 32 : index
    %get3A_3283 = tpu.vector_load %arg5[%get3A_3281, %get3A_3282] {strides = array<i32>} : memref<32x128xf32, #tpu.memory_space<vmem>>, vector<16xf32>,
    %exp3A_3284 = math.exp %get3A_3283 : vector<16xf32>
    tpu.vector_store_idx %arg6[%add3A_3279], %exp3A_3284 : memref<49152xf32, #tpu.memory_space<vmem>>[vector<16xi32>], vector<16xf32>,
    %iota3A_3285 = tpu.iota {dimensions = array<i32: 0>} : vector<16xi32>
    %add3A_3286 = arith.constant 48 : i32
    %add3A_3287 = vector.broadcast %add3A_3286 : i32 to vector<16xi32>
    %add3A_3288 = arith.addi %iota3A_3285, %add3A_3287 : vector<16xi32>
    %mul3A_3289 = arith.constant 129 : i32
    %mul3A_3290 = vector.broadcast %mul3A_3289 : i32 to vector<16xi32>
    %mul3A_3291 = arith.muli %add3A_3288, %mul3A_3290 : vector<16xi32>
    %add3A_3292 = arith.constant 32768 : i32
    %add3A_3293 = vector.broadcast %add3A_3292 : i32 to vector<16xi32>
    %add3A_3294 = arith.addi %mul3A_3291, %add3A_3293 : vector<16xi32>
    %get3A_3295 = arith.constant 26 : i32
    %get3A_3296 = arith.index_cast %get3A_3295 : i32 to index
    %get3A_3297 = arith.constant 48 : index
    %get3A_3298 = tpu.vector_load %arg5[%get3A_3296, %get3A_3297] {strides = array<i32>} : memref<32x128xf32, #tpu.memory_space<vmem>>, vector<16xf32>,
    %exp3A_3299 = math.exp %get3A_3298 : vector<16xf32>
    tpu.vector_store_idx %arg6[%add3A_3294], %exp3A_3299 : memref<49152xf32, #tpu.memory_space<vmem>>[vector<16xi32>], vector<16xf32>,
    %iota3A_3300 = tpu.iota {dimensions = array<i32: 0>} : vector<16xi32>
    %add3A_3301 = arith.constant 64 : i32
    %add3A_3302 = vector.broadcast %add3A_3301 : i32 to vector<16xi32>
    %add3A_3303 = arith.addi %iota3A_3300, %add3A_3302 : vector<16xi32>
    %mul3A_3304 = arith.constant 129 : i32
    %mul3A_3305 = vector.broadcast %mul3A_3304 : i32 to vector<16xi32>
    %mul3A_3306 = arith.muli %add3A_3303, %mul3A_3305 : vector<16xi32>
    %add3A_3307 = arith.constant 32768 : i32
    %add3A_3308 = vector.broadcast %add3A_3307 : i32 to vector<16xi32>
    %add3A_3309 = arith.addi %mul3A_3306, %add3A_3308 : vector<16xi32>
    %get3A_3310 = arith.constant 26 : i32
    %get3A_3311 = arith.index_cast %get3A_3310 : i32 to index
    %get3A_3312 = arith.constant 64 : index
    %get3A_3313 = tpu.vector_load %arg5[%get3A_3311, %get3A_3312] {strides = array<i32>} : memref<32x128xf32, #tpu.memory_space<vmem>>, vector<16xf32>,
    %exp3A_3314 = math.exp %get3A_3313 : vector<16xf32>
    tpu.vector_store_idx %arg6[%add3A_3309], %exp3A_3314 : memref<49152xf32, #tpu.memory_space<vmem>>[vector<16xi32>], vector<16xf32>,
    %iota3A_3315 = tpu.iota {dimensions = array<i32: 0>} : vector<16xi32>
    %add3A_3316 = arith.constant 80 : i32
    %add3A_3317 = vector.broadcast %add3A_3316 : i32 to vector<16xi32>
    %add3A_3318 = arith.addi %iota3A_3315, %add3A_3317 : vector<16xi32>
    %mul3A_3319 = arith.constant 129 : i32
    %mul3A_3320 = vector.broadcast %mul3A_3319 : i32 to vector<16xi32>
    %mul3A_3321 = arith.muli %add3A_3318, %mul3A_3320 : vector<16xi32>
    %add3A_3322 = arith.constant 32768 : i32
    %add3A_3323 = vector.broadcast %add3A_3322 : i32 to vector<16xi32>
    %add3A_3324 = arith.addi %mul3A_3321, %add3A_3323 : vector<16xi32>
    %get3A_3325 = arith.constant 26 : i32
    %get3A_3326 = arith.index_cast %get3A_3325 : i32 to index
    %get3A_3327 = arith.constant 80 : index
    %get3A_3328 = tpu.vector_load %arg5[%get3A_3326, %get3A_3327] {strides = array<i32>} : memref<32x128xf32, #tpu.memory_space<vmem>>, vector<16xf32>,
    %exp3A_3329 = math.exp %get3A_3328 : vector<16xf32>
    tpu.vector_store_idx %arg6[%add3A_3324], %exp3A_3329 : memref<49152xf32, #tpu.memory_space<vmem>>[vector<16xi32>], vector<16xf32>,
    %iota3A_3330 = tpu.iota {dimensions = array<i32: 0>} : vector<16xi32>
    %add3A_3331 = arith.constant 96 : i32
    %add3A_3332 = vector.broadcast %add3A_3331 : i32 to vector<16xi32>
    %add3A_3333 = arith.addi %iota3A_3330, %add3A_3332 : vector<16xi32>
    %mul3A_3334 = arith.constant 129 : i32
    %mul3A_3335 = vector.broadcast %mul3A_3334 : i32 to vector<16xi32>
    %mul3A_3336 = arith.muli %add3A_3333, %mul3A_3335 : vector<16xi32>
    %add3A_3337 = arith.constant 32768 : i32
    %add3A_3338 = vector.broadcast %add3A_3337 : i32 to vector<16xi32>
    %add3A_3339 = arith.addi %mul3A_3336, %add3A_3338 : vector<16xi32>
    %get3A_3340 = arith.constant 26 : i32
    %get3A_3341 = arith.index_cast %get3A_3340 : i32 to index
    %get3A_3342 = arith.constant 96 : index
    %get3A_3343 = tpu.vector_load %arg5[%get3A_3341, %get3A_3342] {strides = array<i32>} : memref<32x128xf32, #tpu.memory_space<vmem>>, vector<16xf32>,
    %exp3A_3344 = math.exp %get3A_3343 : vector<16xf32>
    tpu.vector_store_idx %arg6[%add3A_3339], %exp3A_3344 : memref<49152xf32, #tpu.memory_space<vmem>>[vector<16xi32>], vector<16xf32>,
    %iota3A_3345 = tpu.iota {dimensions = array<i32: 0>} : vector<16xi32>
    %add3A_3346 = arith.constant 112 : i32
    %add3A_3347 = vector.broadcast %add3A_3346 : i32 to vector<16xi32>
    %add3A_3348 = arith.addi %iota3A_3345, %add3A_3347 : vector<16xi32>
    %mul3A_3349 = arith.constant 129 : i32
    %mul3A_3350 = vector.broadcast %mul3A_3349 : i32 to vector<16xi32>
    %mul3A_3351 = arith.muli %add3A_3348, %mul3A_3350 : vector<16xi32>
    %add3A_3352 = arith.constant 32768 : i32
    %add3A_3353 = vector.broadcast %add3A_3352 : i32 to vector<16xi32>
    %add3A_3354 = arith.addi %mul3A_3351, %add3A_3353 : vector<16xi32>
    %get3A_3355 = arith.constant 26 : i32
    %get3A_3356 = arith.index_cast %get3A_3355 : i32 to index
    %get3A_3357 = arith.constant 112 : index
    %get3A_3358 = tpu.vector_load %arg5[%get3A_3356, %get3A_3357] {strides = array<i32>} : memref<32x128xf32, #tpu.memory_space<vmem>>, vector<16xf32>,
    %exp3A_3359 = math.exp %get3A_3358 : vector<16xf32>
    tpu.vector_store_idx %arg6[%add3A_3354], %exp3A_3359 : memref<49152xf32, #tpu.memory_space<vmem>>[vector<16xi32>], vector<16xf32>,
    %add3A_3360 = arith.constant 24 : i32
    %add3A_3361 = arith.addi %mul3A_2, %add3A_3360 : i32
    %mul3A_3362 = arith.constant 16384 : i32
    %mul3A_3363 = arith.muli %add3A_3361, %mul3A_3362 : i32
    %dma_start3A_3364 = arith.constant 0 : i32
    %dma_start3A_3365 = tpu.memref_slice %arg6[%dma_start3A_3364] : memref<49152xf32, #tpu.memory_space<vmem>> -> memref<49152xf32, #tpu.memory_space<vmem>>
    %dma_start3A_3366 = tpu.memref_slice %arg4[%mul3A_3363] : memref<16777216xf32, #tpu.memory_space<hbm>> -> memref<49152xf32, #tpu.memory_space<hbm>>
    %dma_start3A_3367 = tpu.memref_slice %arg4[%mul3A_3363] : memref<16777216xf32, #tpu.memory_space<hbm>> -> memref<49152xf32, #tpu.memory_space<hbm>>
    %dma_start3A_3368 = arith.constant 0 : i32
    %dma_start3A_3369 = tpu.memref_slice %arg6[%dma_start3A_3368] : memref<49152xf32, #tpu.memory_space<vmem>> -> memref<49152xf32, #tpu.memory_space<vmem>>
    tpu.enqueue_dma source(%dma_start3A_3369 : memref<49152xf32, #tpu.memory_space<vmem>>) target(%dma_start3A_3367 : memref<49152xf32, #tpu.memory_space<hbm>>) target_semaphore(%arg8 : memref<!tpu.dma_semaphore, #tpu.memory_space<semaphore_mem>>)
    %dma_wait3A_3370 = arith.constant 0 : i32
    %dma_wait3A_3371 = tpu.memref_slice %arg7[%dma_wait3A_3370] : memref<49152xf32, #tpu.memory_space<vmem>> -> memref<49152xf32, #tpu.memory_space<vmem>>
    %dma_wait3A_3372 = tpu.memref_slice %arg4[%mul3A_2987] : memref<16777216xf32, #tpu.memory_space<hbm>> -> memref<49152xf32, #tpu.memory_space<hbm>>
    %dma_wait3A_3373 = tpu.memref_slice %arg4[%mul3A_2987] : memref<16777216xf32, #tpu.memory_space<hbm>> -> memref<49152xf32, #tpu.memory_space<hbm>>
    %dma_wait3A_3374 = arith.constant 0 : i32
    %dma_wait3A_3375 = tpu.memref_slice %arg7[%dma_wait3A_3374] : memref<49152xf32, #tpu.memory_space<vmem>> -> memref<49152xf32, #tpu.memory_space<vmem>>
    tpu.wait_dma2 semaphore(%arg9 : memref<!tpu.dma_semaphore, #tpu.memory_space<semaphore_mem>>) src(%dma_wait3A_3375 : memref<49152xf32, #tpu.memory_space<vmem>>) dst(%dma_wait3A_3373 : memref<49152xf32, #tpu.memory_space<hbm>>)
    %iota3A_3376 = tpu.iota {dimensions = array<i32: 0>} : vector<16xi32>
    %add3A_3377 = arith.constant 0 : i32
    %add3A_3378 = vector.broadcast %add3A_3377 : i32 to vector<16xi32>
    %add3A_3379 = arith.addi %iota3A_3376, %add3A_3378 : vector<16xi32>
    %mul3A_3380 = arith.constant 129 : i32
    %mul3A_3381 = vector.broadcast %mul3A_3380 : i32 to vector<16xi32>
    %mul3A_3382 = arith.muli %add3A_3379, %mul3A_3381 : vector<16xi32>
    %add3A_3383 = arith.constant 0 : i32
    %add3A_3384 = vector.broadcast %add3A_3383 : i32 to vector<16xi32>
    %add3A_3385 = arith.addi %mul3A_3382, %add3A_3384 : vector<16xi32>
    %get3A_3386 = arith.constant 27 : i32
    %get3A_3387 = arith.index_cast %get3A_3386 : i32 to index
    %get3A_3388 = arith.constant 0 : index
    %get3A_3389 = tpu.vector_load %arg5[%get3A_3387, %get3A_3388] {strides = array<i32>} : memref<32x128xf32, #tpu.memory_space<vmem>>, vector<16xf32>,
    %exp3A_3390 = math.exp %get3A_3389 : vector<16xf32>
    tpu.vector_store_idx %arg7[%add3A_3385], %exp3A_3390 : memref<49152xf32, #tpu.memory_space<vmem>>[vector<16xi32>], vector<16xf32>,
    %iota3A_3391 = tpu.iota {dimensions = array<i32: 0>} : vector<16xi32>
    %add3A_3392 = arith.constant 16 : i32
    %add3A_3393 = vector.broadcast %add3A_3392 : i32 to vector<16xi32>
    %add3A_3394 = arith.addi %iota3A_3391, %add3A_3393 : vector<16xi32>
    %mul3A_3395 = arith.constant 129 : i32
    %mul3A_3396 = vector.broadcast %mul3A_3395 : i32 to vector<16xi32>
    %mul3A_3397 = arith.muli %add3A_3394, %mul3A_3396 : vector<16xi32>
    %add3A_3398 = arith.constant 0 : i32
    %add3A_3399 = vector.broadcast %add3A_3398 : i32 to vector<16xi32>
    %add3A_3400 = arith.addi %mul3A_3397, %add3A_3399 : vector<16xi32>
    %get3A_3401 = arith.constant 27 : i32
    %get3A_3402 = arith.index_cast %get3A_3401 : i32 to index
    %get3A_3403 = arith.constant 16 : index
    %get3A_3404 = tpu.vector_load %arg5[%get3A_3402, %get3A_3403] {strides = array<i32>} : memref<32x128xf32, #tpu.memory_space<vmem>>, vector<16xf32>,
    %exp3A_3405 = math.exp %get3A_3404 : vector<16xf32>
    tpu.vector_store_idx %arg7[%add3A_3400], %exp3A_3405 : memref<49152xf32, #tpu.memory_space<vmem>>[vector<16xi32>], vector<16xf32>,
    %iota3A_3406 = tpu.iota {dimensions = array<i32: 0>} : vector<16xi32>
    %add3A_3407 = arith.constant 32 : i32
    %add3A_3408 = vector.broadcast %add3A_3407 : i32 to vector<16xi32>
    %add3A_3409 = arith.addi %iota3A_3406, %add3A_3408 : vector<16xi32>
    %mul3A_3410 = arith.constant 129 : i32
    %mul3A_3411 = vector.broadcast %mul3A_3410 : i32 to vector<16xi32>
    %mul3A_3412 = arith.muli %add3A_3409, %mul3A_3411 : vector<16xi32>
    %add3A_3413 = arith.constant 0 : i32
    %add3A_3414 = vector.broadcast %add3A_3413 : i32 to vector<16xi32>
    %add3A_3415 = arith.addi %mul3A_3412, %add3A_3414 : vector<16xi32>
    %get3A_3416 = arith.constant 27 : i32
    %get3A_3417 = arith.index_cast %get3A_3416 : i32 to index
    %get3A_3418 = arith.constant 32 : index
    %get3A_3419 = tpu.vector_load %arg5[%get3A_3417, %get3A_3418] {strides = array<i32>} : memref<32x128xf32, #tpu.memory_space<vmem>>, vector<16xf32>,
    %exp3A_3420 = math.exp %get3A_3419 : vector<16xf32>
    tpu.vector_store_idx %arg7[%add3A_3415], %exp3A_3420 : memref<49152xf32, #tpu.memory_space<vmem>>[vector<16xi32>], vector<16xf32>,
    %iota3A_3421 = tpu.iota {dimensions = array<i32: 0>} : vector<16xi32>
    %add3A_3422 = arith.constant 48 : i32
    %add3A_3423 = vector.broadcast %add3A_3422 : i32 to vector<16xi32>
    %add3A_3424 = arith.addi %iota3A_3421, %add3A_3423 : vector<16xi32>
    %mul3A_3425 = arith.constant 129 : i32
    %mul3A_3426 = vector.broadcast %mul3A_3425 : i32 to vector<16xi32>
    %mul3A_3427 = arith.muli %add3A_3424, %mul3A_3426 : vector<16xi32>
    %add3A_3428 = arith.constant 0 : i32
    %add3A_3429 = vector.broadcast %add3A_3428 : i32 to vector<16xi32>
    %add3A_3430 = arith.addi %mul3A_3427, %add3A_3429 : vector<16xi32>
    %get3A_3431 = arith.constant 27 : i32
    %get3A_3432 = arith.index_cast %get3A_3431 : i32 to index
    %get3A_3433 = arith.constant 48 : index
    %get3A_3434 = tpu.vector_load %arg5[%get3A_3432, %get3A_3433] {strides = array<i32>} : memref<32x128xf32, #tpu.memory_space<vmem>>, vector<16xf32>,
    %exp3A_3435 = math.exp %get3A_3434 : vector<16xf32>
    tpu.vector_store_idx %arg7[%add3A_3430], %exp3A_3435 : memref<49152xf32, #tpu.memory_space<vmem>>[vector<16xi32>], vector<16xf32>,
    %iota3A_3436 = tpu.iota {dimensions = array<i32: 0>} : vector<16xi32>
    %add3A_3437 = arith.constant 64 : i32
    %add3A_3438 = vector.broadcast %add3A_3437 : i32 to vector<16xi32>
    %add3A_3439 = arith.addi %iota3A_3436, %add3A_3438 : vector<16xi32>
    %mul3A_3440 = arith.constant 129 : i32
    %mul3A_3441 = vector.broadcast %mul3A_3440 : i32 to vector<16xi32>
    %mul3A_3442 = arith.muli %add3A_3439, %mul3A_3441 : vector<16xi32>
    %add3A_3443 = arith.constant 0 : i32
    %add3A_3444 = vector.broadcast %add3A_3443 : i32 to vector<16xi32>
    %add3A_3445 = arith.addi %mul3A_3442, %add3A_3444 : vector<16xi32>
    %get3A_3446 = arith.constant 27 : i32
    %get3A_3447 = arith.index_cast %get3A_3446 : i32 to index
    %get3A_3448 = arith.constant 64 : index
    %get3A_3449 = tpu.vector_load %arg5[%get3A_3447, %get3A_3448] {strides = array<i32>} : memref<32x128xf32, #tpu.memory_space<vmem>>, vector<16xf32>,
    %exp3A_3450 = math.exp %get3A_3449 : vector<16xf32>
    tpu.vector_store_idx %arg7[%add3A_3445], %exp3A_3450 : memref<49152xf32, #tpu.memory_space<vmem>>[vector<16xi32>], vector<16xf32>,
    %iota3A_3451 = tpu.iota {dimensions = array<i32: 0>} : vector<16xi32>
    %add3A_3452 = arith.constant 80 : i32
    %add3A_3453 = vector.broadcast %add3A_3452 : i32 to vector<16xi32>
    %add3A_3454 = arith.addi %iota3A_3451, %add3A_3453 : vector<16xi32>
    %mul3A_3455 = arith.constant 129 : i32
    %mul3A_3456 = vector.broadcast %mul3A_3455 : i32 to vector<16xi32>
    %mul3A_3457 = arith.muli %add3A_3454, %mul3A_3456 : vector<16xi32>
    %add3A_3458 = arith.constant 0 : i32
    %add3A_3459 = vector.broadcast %add3A_3458 : i32 to vector<16xi32>
    %add3A_3460 = arith.addi %mul3A_3457, %add3A_3459 : vector<16xi32>
    %get3A_3461 = arith.constant 27 : i32
    %get3A_3462 = arith.index_cast %get3A_3461 : i32 to index
    %get3A_3463 = arith.constant 80 : index
    %get3A_3464 = tpu.vector_load %arg5[%get3A_3462, %get3A_3463] {strides = array<i32>} : memref<32x128xf32, #tpu.memory_space<vmem>>, vector<16xf32>,
    %exp3A_3465 = math.exp %get3A_3464 : vector<16xf32>
    tpu.vector_store_idx %arg7[%add3A_3460], %exp3A_3465 : memref<49152xf32, #tpu.memory_space<vmem>>[vector<16xi32>], vector<16xf32>,
    %iota3A_3466 = tpu.iota {dimensions = array<i32: 0>} : vector<16xi32>
    %add3A_3467 = arith.constant 96 : i32
    %add3A_3468 = vector.broadcast %add3A_3467 : i32 to vector<16xi32>
    %add3A_3469 = arith.addi %iota3A_3466, %add3A_3468 : vector<16xi32>
    %mul3A_3470 = arith.constant 129 : i32
    %mul3A_3471 = vector.broadcast %mul3A_3470 : i32 to vector<16xi32>
    %mul3A_3472 = arith.muli %add3A_3469, %mul3A_3471 : vector<16xi32>
    %add3A_3473 = arith.constant 0 : i32
    %add3A_3474 = vector.broadcast %add3A_3473 : i32 to vector<16xi32>
    %add3A_3475 = arith.addi %mul3A_3472, %add3A_3474 : vector<16xi32>
    %get3A_3476 = arith.constant 27 : i32
    %get3A_3477 = arith.index_cast %get3A_3476 : i32 to index
    %get3A_3478 = arith.constant 96 : index
    %get3A_3479 = tpu.vector_load %arg5[%get3A_3477, %get3A_3478] {strides = array<i32>} : memref<32x128xf32, #tpu.memory_space<vmem>>, vector<16xf32>,
    %exp3A_3480 = math.exp %get3A_3479 : vector<16xf32>
    tpu.vector_store_idx %arg7[%add3A_3475], %exp3A_3480 : memref<49152xf32, #tpu.memory_space<vmem>>[vector<16xi32>], vector<16xf32>,
    %iota3A_3481 = tpu.iota {dimensions = array<i32: 0>} : vector<16xi32>
    %add3A_3482 = arith.constant 112 : i32
    %add3A_3483 = vector.broadcast %add3A_3482 : i32 to vector<16xi32>
    %add3A_3484 = arith.addi %iota3A_3481, %add3A_3483 : vector<16xi32>
    %mul3A_3485 = arith.constant 129 : i32
    %mul3A_3486 = vector.broadcast %mul3A_3485 : i32 to vector<16xi32>
    %mul3A_3487 = arith.muli %add3A_3484, %mul3A_3486 : vector<16xi32>
    %add3A_3488 = arith.constant 0 : i32
    %add3A_3489 = vector.broadcast %add3A_3488 : i32 to vector<16xi32>
    %add3A_3490 = arith.addi %mul3A_3487, %add3A_3489 : vector<16xi32>
    %get3A_3491 = arith.constant 27 : i32
    %get3A_3492 = arith.index_cast %get3A_3491 : i32 to index
    %get3A_3493 = arith.constant 112 : index
    %get3A_3494 = tpu.vector_load %arg5[%get3A_3492, %get3A_3493] {strides = array<i32>} : memref<32x128xf32, #tpu.memory_space<vmem>>, vector<16xf32>,
    %exp3A_3495 = math.exp %get3A_3494 : vector<16xf32>
    tpu.vector_store_idx %arg7[%add3A_3490], %exp3A_3495 : memref<49152xf32, #tpu.memory_space<vmem>>[vector<16xi32>], vector<16xf32>,
    %iota3A_3496 = tpu.iota {dimensions = array<i32: 0>} : vector<16xi32>
    %add3A_3497 = arith.constant 0 : i32
    %add3A_3498 = vector.broadcast %add3A_3497 : i32 to vector<16xi32>
    %add3A_3499 = arith.addi %iota3A_3496, %add3A_3498 : vector<16xi32>
    %mul3A_3500 = arith.constant 129 : i32
    %mul3A_3501 = vector.broadcast %mul3A_3500 : i32 to vector<16xi32>
    %mul3A_3502 = arith.muli %add3A_3499, %mul3A_3501 : vector<16xi32>
    %add3A_3503 = arith.constant 16384 : i32
    %add3A_3504 = vector.broadcast %add3A_3503 : i32 to vector<16xi32>
    %add3A_3505 = arith.addi %mul3A_3502, %add3A_3504 : vector<16xi32>
    %get3A_3506 = arith.constant 28 : i32
    %get3A_3507 = arith.index_cast %get3A_3506 : i32 to index
    %get3A_3508 = arith.constant 0 : index
    %get3A_3509 = tpu.vector_load %arg5[%get3A_3507, %get3A_3508] {strides = array<i32>} : memref<32x128xf32, #tpu.memory_space<vmem>>, vector<16xf32>,
    %exp3A_3510 = math.exp %get3A_3509 : vector<16xf32>
    tpu.vector_store_idx %arg7[%add3A_3505], %exp3A_3510 : memref<49152xf32, #tpu.memory_space<vmem>>[vector<16xi32>], vector<16xf32>,
    %iota3A_3511 = tpu.iota {dimensions = array<i32: 0>} : vector<16xi32>
    %add3A_3512 = arith.constant 16 : i32
    %add3A_3513 = vector.broadcast %add3A_3512 : i32 to vector<16xi32>
    %add3A_3514 = arith.addi %iota3A_3511, %add3A_3513 : vector<16xi32>
    %mul3A_3515 = arith.constant 129 : i32
    %mul3A_3516 = vector.broadcast %mul3A_3515 : i32 to vector<16xi32>
    %mul3A_3517 = arith.muli %add3A_3514, %mul3A_3516 : vector<16xi32>
    %add3A_3518 = arith.constant 16384 : i32
    %add3A_3519 = vector.broadcast %add3A_3518 : i32 to vector<16xi32>
    %add3A_3520 = arith.addi %mul3A_3517, %add3A_3519 : vector<16xi32>
    %get3A_3521 = arith.constant 28 : i32
    %get3A_3522 = arith.index_cast %get3A_3521 : i32 to index
    %get3A_3523 = arith.constant 16 : index
    %get3A_3524 = tpu.vector_load %arg5[%get3A_3522, %get3A_3523] {strides = array<i32>} : memref<32x128xf32, #tpu.memory_space<vmem>>, vector<16xf32>,
    %exp3A_3525 = math.exp %get3A_3524 : vector<16xf32>
    tpu.vector_store_idx %arg7[%add3A_3520], %exp3A_3525 : memref<49152xf32, #tpu.memory_space<vmem>>[vector<16xi32>], vector<16xf32>,
    %iota3A_3526 = tpu.iota {dimensions = array<i32: 0>} : vector<16xi32>
    %add3A_3527 = arith.constant 32 : i32
    %add3A_3528 = vector.broadcast %add3A_3527 : i32 to vector<16xi32>
    %add3A_3529 = arith.addi %iota3A_3526, %add3A_3528 : vector<16xi32>
    %mul3A_3530 = arith.constant 129 : i32
    %mul3A_3531 = vector.broadcast %mul3A_3530 : i32 to vector<16xi32>
    %mul3A_3532 = arith.muli %add3A_3529, %mul3A_3531 : vector<16xi32>
    %add3A_3533 = arith.constant 16384 : i32
    %add3A_3534 = vector.broadcast %add3A_3533 : i32 to vector<16xi32>
    %add3A_3535 = arith.addi %mul3A_3532, %add3A_3534 : vector<16xi32>
    %get3A_3536 = arith.constant 28 : i32
    %get3A_3537 = arith.index_cast %get3A_3536 : i32 to index
    %get3A_3538 = arith.constant 32 : index
    %get3A_3539 = tpu.vector_load %arg5[%get3A_3537, %get3A_3538] {strides = array<i32>} : memref<32x128xf32, #tpu.memory_space<vmem>>, vector<16xf32>,
    %exp3A_3540 = math.exp %get3A_3539 : vector<16xf32>
    tpu.vector_store_idx %arg7[%add3A_3535], %exp3A_3540 : memref<49152xf32, #tpu.memory_space<vmem>>[vector<16xi32>], vector<16xf32>,
    %iota3A_3541 = tpu.iota {dimensions = array<i32: 0>} : vector<16xi32>
    %add3A_3542 = arith.constant 48 : i32
    %add3A_3543 = vector.broadcast %add3A_3542 : i32 to vector<16xi32>
    %add3A_3544 = arith.addi %iota3A_3541, %add3A_3543 : vector<16xi32>
    %mul3A_3545 = arith.constant 129 : i32
    %mul3A_3546 = vector.broadcast %mul3A_3545 : i32 to vector<16xi32>
    %mul3A_3547 = arith.muli %add3A_3544, %mul3A_3546 : vector<16xi32>
    %add3A_3548 = arith.constant 16384 : i32
    %add3A_3549 = vector.broadcast %add3A_3548 : i32 to vector<16xi32>
    %add3A_3550 = arith.addi %mul3A_3547, %add3A_3549 : vector<16xi32>
    %get3A_3551 = arith.constant 28 : i32
    %get3A_3552 = arith.index_cast %get3A_3551 : i32 to index
    %get3A_3553 = arith.constant 48 : index
    %get3A_3554 = tpu.vector_load %arg5[%get3A_3552, %get3A_3553] {strides = array<i32>} : memref<32x128xf32, #tpu.memory_space<vmem>>, vector<16xf32>,
    %exp3A_3555 = math.exp %get3A_3554 : vector<16xf32>
    tpu.vector_store_idx %arg7[%add3A_3550], %exp3A_3555 : memref<49152xf32, #tpu.memory_space<vmem>>[vector<16xi32>], vector<16xf32>,
    %iota3A_3556 = tpu.iota {dimensions = array<i32: 0>} : vector<16xi32>
    %add3A_3557 = arith.constant 64 : i32
    %add3A_3558 = vector.broadcast %add3A_3557 : i32 to vector<16xi32>
    %add3A_3559 = arith.addi %iota3A_3556, %add3A_3558 : vector<16xi32>
    %mul3A_3560 = arith.constant 129 : i32
    %mul3A_3561 = vector.broadcast %mul3A_3560 : i32 to vector<16xi32>
    %mul3A_3562 = arith.muli %add3A_3559, %mul3A_3561 : vector<16xi32>
    %add3A_3563 = arith.constant 16384 : i32
    %add3A_3564 = vector.broadcast %add3A_3563 : i32 to vector<16xi32>
    %add3A_3565 = arith.addi %mul3A_3562, %add3A_3564 : vector<16xi32>
    %get3A_3566 = arith.constant 28 : i32
    %get3A_3567 = arith.index_cast %get3A_3566 : i32 to index
    %get3A_3568 = arith.constant 64 : index
    %get3A_3569 = tpu.vector_load %arg5[%get3A_3567, %get3A_3568] {strides = array<i32>} : memref<32x128xf32, #tpu.memory_space<vmem>>, vector<16xf32>,
    %exp3A_3570 = math.exp %get3A_3569 : vector<16xf32>
    tpu.vector_store_idx %arg7[%add3A_3565], %exp3A_3570 : memref<49152xf32, #tpu.memory_space<vmem>>[vector<16xi32>], vector<16xf32>,
    %iota3A_3571 = tpu.iota {dimensions = array<i32: 0>} : vector<16xi32>
    %add3A_3572 = arith.constant 80 : i32
    %add3A_3573 = vector.broadcast %add3A_3572 : i32 to vector<16xi32>
    %add3A_3574 = arith.addi %iota3A_3571, %add3A_3573 : vector<16xi32>
    %mul3A_3575 = arith.constant 129 : i32
    %mul3A_3576 = vector.broadcast %mul3A_3575 : i32 to vector<16xi32>
    %mul3A_3577 = arith.muli %add3A_3574, %mul3A_3576 : vector<16xi32>
    %add3A_3578 = arith.constant 16384 : i32
    %add3A_3579 = vector.broadcast %add3A_3578 : i32 to vector<16xi32>
    %add3A_3580 = arith.addi %mul3A_3577, %add3A_3579 : vector<16xi32>
    %get3A_3581 = arith.constant 28 : i32
    %get3A_3582 = arith.index_cast %get3A_3581 : i32 to index
    %get3A_3583 = arith.constant 80 : index
    %get3A_3584 = tpu.vector_load %arg5[%get3A_3582, %get3A_3583] {strides = array<i32>} : memref<32x128xf32, #tpu.memory_space<vmem>>, vector<16xf32>,
    %exp3A_3585 = math.exp %get3A_3584 : vector<16xf32>
    tpu.vector_store_idx %arg7[%add3A_3580], %exp3A_3585 : memref<49152xf32, #tpu.memory_space<vmem>>[vector<16xi32>], vector<16xf32>,
    %iota3A_3586 = tpu.iota {dimensions = array<i32: 0>} : vector<16xi32>
    %add3A_3587 = arith.constant 96 : i32
    %add3A_3588 = vector.broadcast %add3A_3587 : i32 to vector<16xi32>
    %add3A_3589 = arith.addi %iota3A_3586, %add3A_3588 : vector<16xi32>
    %mul3A_3590 = arith.constant 129 : i32
    %mul3A_3591 = vector.broadcast %mul3A_3590 : i32 to vector<16xi32>
    %mul3A_3592 = arith.muli %add3A_3589, %mul3A_3591 : vector<16xi32>
    %add3A_3593 = arith.constant 16384 : i32
    %add3A_3594 = vector.broadcast %add3A_3593 : i32 to vector<16xi32>
    %add3A_3595 = arith.addi %mul3A_3592, %add3A_3594 : vector<16xi32>
    %get3A_3596 = arith.constant 28 : i32
    %get3A_3597 = arith.index_cast %get3A_3596 : i32 to index
    %get3A_3598 = arith.constant 96 : index
    %get3A_3599 = tpu.vector_load %arg5[%get3A_3597, %get3A_3598] {strides = array<i32>} : memref<32x128xf32, #tpu.memory_space<vmem>>, vector<16xf32>,
    %exp3A_3600 = math.exp %get3A_3599 : vector<16xf32>
    tpu.vector_store_idx %arg7[%add3A_3595], %exp3A_3600 : memref<49152xf32, #tpu.memory_space<vmem>>[vector<16xi32>], vector<16xf32>,
    %iota3A_3601 = tpu.iota {dimensions = array<i32: 0>} : vector<16xi32>
    %add3A_3602 = arith.constant 112 : i32
    %add3A_3603 = vector.broadcast %add3A_3602 : i32 to vector<16xi32>
    %add3A_3604 = arith.addi %iota3A_3601, %add3A_3603 : vector<16xi32>
    %mul3A_3605 = arith.constant 129 : i32
    %mul3A_3606 = vector.broadcast %mul3A_3605 : i32 to vector<16xi32>
    %mul3A_3607 = arith.muli %add3A_3604, %mul3A_3606 : vector<16xi32>
    %add3A_3608 = arith.constant 16384 : i32
    %add3A_3609 = vector.broadcast %add3A_3608 : i32 to vector<16xi32>
    %add3A_3610 = arith.addi %mul3A_3607, %add3A_3609 : vector<16xi32>
    %get3A_3611 = arith.constant 28 : i32
    %get3A_3612 = arith.index_cast %get3A_3611 : i32 to index
    %get3A_3613 = arith.constant 112 : index
    %get3A_3614 = tpu.vector_load %arg5[%get3A_3612, %get3A_3613] {strides = array<i32>} : memref<32x128xf32, #tpu.memory_space<vmem>>, vector<16xf32>,
    %exp3A_3615 = math.exp %get3A_3614 : vector<16xf32>
    tpu.vector_store_idx %arg7[%add3A_3610], %exp3A_3615 : memref<49152xf32, #tpu.memory_space<vmem>>[vector<16xi32>], vector<16xf32>,
    %iota3A_3616 = tpu.iota {dimensions = array<i32: 0>} : vector<16xi32>
    %add3A_3617 = arith.constant 0 : i32
    %add3A_3618 = vector.broadcast %add3A_3617 : i32 to vector<16xi32>
    %add3A_3619 = arith.addi %iota3A_3616, %add3A_3618 : vector<16xi32>
    %mul3A_3620 = arith.constant 129 : i32
    %mul3A_3621 = vector.broadcast %mul3A_3620 : i32 to vector<16xi32>
    %mul3A_3622 = arith.muli %add3A_3619, %mul3A_3621 : vector<16xi32>
    %add3A_3623 = arith.constant 32768 : i32
    %add3A_3624 = vector.broadcast %add3A_3623 : i32 to vector<16xi32>
    %add3A_3625 = arith.addi %mul3A_3622, %add3A_3624 : vector<16xi32>
    %get3A_3626 = arith.constant 29 : i32
    %get3A_3627 = arith.index_cast %get3A_3626 : i32 to index
    %get3A_3628 = arith.constant 0 : index
    %get3A_3629 = tpu.vector_load %arg5[%get3A_3627, %get3A_3628] {strides = array<i32>} : memref<32x128xf32, #tpu.memory_space<vmem>>, vector<16xf32>,
    %exp3A_3630 = math.exp %get3A_3629 : vector<16xf32>
    tpu.vector_store_idx %arg7[%add3A_3625], %exp3A_3630 : memref<49152xf32, #tpu.memory_space<vmem>>[vector<16xi32>], vector<16xf32>,
    %iota3A_3631 = tpu.iota {dimensions = array<i32: 0>} : vector<16xi32>
    %add3A_3632 = arith.constant 16 : i32
    %add3A_3633 = vector.broadcast %add3A_3632 : i32 to vector<16xi32>
    %add3A_3634 = arith.addi %iota3A_3631, %add3A_3633 : vector<16xi32>
    %mul3A_3635 = arith.constant 129 : i32
    %mul3A_3636 = vector.broadcast %mul3A_3635 : i32 to vector<16xi32>
    %mul3A_3637 = arith.muli %add3A_3634, %mul3A_3636 : vector<16xi32>
    %add3A_3638 = arith.constant 32768 : i32
    %add3A_3639 = vector.broadcast %add3A_3638 : i32 to vector<16xi32>
    %add3A_3640 = arith.addi %mul3A_3637, %add3A_3639 : vector<16xi32>
    %get3A_3641 = arith.constant 29 : i32
    %get3A_3642 = arith.index_cast %get3A_3641 : i32 to index
    %get3A_3643 = arith.constant 16 : index
    %get3A_3644 = tpu.vector_load %arg5[%get3A_3642, %get3A_3643] {strides = array<i32>} : memref<32x128xf32, #tpu.memory_space<vmem>>, vector<16xf32>,
    %exp3A_3645 = math.exp %get3A_3644 : vector<16xf32>
    tpu.vector_store_idx %arg7[%add3A_3640], %exp3A_3645 : memref<49152xf32, #tpu.memory_space<vmem>>[vector<16xi32>], vector<16xf32>,
    %iota3A_3646 = tpu.iota {dimensions = array<i32: 0>} : vector<16xi32>
    %add3A_3647 = arith.constant 32 : i32
    %add3A_3648 = vector.broadcast %add3A_3647 : i32 to vector<16xi32>
    %add3A_3649 = arith.addi %iota3A_3646, %add3A_3648 : vector<16xi32>
    %mul3A_3650 = arith.constant 129 : i32
    %mul3A_3651 = vector.broadcast %mul3A_3650 : i32 to vector<16xi32>
    %mul3A_3652 = arith.muli %add3A_3649, %mul3A_3651 : vector<16xi32>
    %add3A_3653 = arith.constant 32768 : i32
    %add3A_3654 = vector.broadcast %add3A_3653 : i32 to vector<16xi32>
    %add3A_3655 = arith.addi %mul3A_3652, %add3A_3654 : vector<16xi32>
    %get3A_3656 = arith.constant 29 : i32
    %get3A_3657 = arith.index_cast %get3A_3656 : i32 to index
    %get3A_3658 = arith.constant 32 : index
    %get3A_3659 = tpu.vector_load %arg5[%get3A_3657, %get3A_3658] {strides = array<i32>} : memref<32x128xf32, #tpu.memory_space<vmem>>, vector<16xf32>,
    %exp3A_3660 = math.exp %get3A_3659 : vector<16xf32>
    tpu.vector_store_idx %arg7[%add3A_3655], %exp3A_3660 : memref<49152xf32, #tpu.memory_space<vmem>>[vector<16xi32>], vector<16xf32>,
    %iota3A_3661 = tpu.iota {dimensions = array<i32: 0>} : vector<16xi32>
    %add3A_3662 = arith.constant 48 : i32
    %add3A_3663 = vector.broadcast %add3A_3662 : i32 to vector<16xi32>
    %add3A_3664 = arith.addi %iota3A_3661, %add3A_3663 : vector<16xi32>
    %mul3A_3665 = arith.constant 129 : i32
    %mul3A_3666 = vector.broadcast %mul3A_3665 : i32 to vector<16xi32>
    %mul3A_3667 = arith.muli %add3A_3664, %mul3A_3666 : vector<16xi32>
    %add3A_3668 = arith.constant 32768 : i32
    %add3A_3669 = vector.broadcast %add3A_3668 : i32 to vector<16xi32>
    %add3A_3670 = arith.addi %mul3A_3667, %add3A_3669 : vector<16xi32>
    %get3A_3671 = arith.constant 29 : i32
    %get3A_3672 = arith.index_cast %get3A_3671 : i32 to index
    %get3A_3673 = arith.constant 48 : index
    %get3A_3674 = tpu.vector_load %arg5[%get3A_3672, %get3A_3673] {strides = array<i32>} : memref<32x128xf32, #tpu.memory_space<vmem>>, vector<16xf32>,
    %exp3A_3675 = math.exp %get3A_3674 : vector<16xf32>
    tpu.vector_store_idx %arg7[%add3A_3670], %exp3A_3675 : memref<49152xf32, #tpu.memory_space<vmem>>[vector<16xi32>], vector<16xf32>,
    %iota3A_3676 = tpu.iota {dimensions = array<i32: 0>} : vector<16xi32>
    %add3A_3677 = arith.constant 64 : i32
    %add3A_3678 = vector.broadcast %add3A_3677 : i32 to vector<16xi32>
    %add3A_3679 = arith.addi %iota3A_3676, %add3A_3678 : vector<16xi32>
    %mul3A_3680 = arith.constant 129 : i32
    %mul3A_3681 = vector.broadcast %mul3A_3680 : i32 to vector<16xi32>
    %mul3A_3682 = arith.muli %add3A_3679, %mul3A_3681 : vector<16xi32>
    %add3A_3683 = arith.constant 32768 : i32
    %add3A_3684 = vector.broadcast %add3A_3683 : i32 to vector<16xi32>
    %add3A_3685 = arith.addi %mul3A_3682, %add3A_3684 : vector<16xi32>
    %get3A_3686 = arith.constant 29 : i32
    %get3A_3687 = arith.index_cast %get3A_3686 : i32 to index
    %get3A_3688 = arith.constant 64 : index
    %get3A_3689 = tpu.vector_load %arg5[%get3A_3687, %get3A_3688] {strides = array<i32>} : memref<32x128xf32, #tpu.memory_space<vmem>>, vector<16xf32>,
    %exp3A_3690 = math.exp %get3A_3689 : vector<16xf32>
    tpu.vector_store_idx %arg7[%add3A_3685], %exp3A_3690 : memref<49152xf32, #tpu.memory_space<vmem>>[vector<16xi32>], vector<16xf32>,
    %iota3A_3691 = tpu.iota {dimensions = array<i32: 0>} : vector<16xi32>
    %add3A_3692 = arith.constant 80 : i32
    %add3A_3693 = vector.broadcast %add3A_3692 : i32 to vector<16xi32>
    %add3A_3694 = arith.addi %iota3A_3691, %add3A_3693 : vector<16xi32>
    %mul3A_3695 = arith.constant 129 : i32
    %mul3A_3696 = vector.broadcast %mul3A_3695 : i32 to vector<16xi32>
    %mul3A_3697 = arith.muli %add3A_3694, %mul3A_3696 : vector<16xi32>
    %add3A_3698 = arith.constant 32768 : i32
    %add3A_3699 = vector.broadcast %add3A_3698 : i32 to vector<16xi32>
    %add3A_3700 = arith.addi %mul3A_3697, %add3A_3699 : vector<16xi32>
    %get3A_3701 = arith.constant 29 : i32
    %get3A_3702 = arith.index_cast %get3A_3701 : i32 to index
    %get3A_3703 = arith.constant 80 : index
    %get3A_3704 = tpu.vector_load %arg5[%get3A_3702, %get3A_3703] {strides = array<i32>} : memref<32x128xf32, #tpu.memory_space<vmem>>, vector<16xf32>,
    %exp3A_3705 = math.exp %get3A_3704 : vector<16xf32>
    tpu.vector_store_idx %arg7[%add3A_3700], %exp3A_3705 : memref<49152xf32, #tpu.memory_space<vmem>>[vector<16xi32>], vector<16xf32>,
    %iota3A_3706 = tpu.iota {dimensions = array<i32: 0>} : vector<16xi32>
    %add3A_3707 = arith.constant 96 : i32
    %add3A_3708 = vector.broadcast %add3A_3707 : i32 to vector<16xi32>
    %add3A_3709 = arith.addi %iota3A_3706, %add3A_3708 : vector<16xi32>
    %mul3A_3710 = arith.constant 129 : i32
    %mul3A_3711 = vector.broadcast %mul3A_3710 : i32 to vector<16xi32>
    %mul3A_3712 = arith.muli %add3A_3709, %mul3A_3711 : vector<16xi32>
    %add3A_3713 = arith.constant 32768 : i32
    %add3A_3714 = vector.broadcast %add3A_3713 : i32 to vector<16xi32>
    %add3A_3715 = arith.addi %mul3A_3712, %add3A_3714 : vector<16xi32>
    %get3A_3716 = arith.constant 29 : i32
    %get3A_3717 = arith.index_cast %get3A_3716 : i32 to index
    %get3A_3718 = arith.constant 96 : index
    %get3A_3719 = tpu.vector_load %arg5[%get3A_3717, %get3A_3718] {strides = array<i32>} : memref<32x128xf32, #tpu.memory_space<vmem>>, vector<16xf32>,
    %exp3A_3720 = math.exp %get3A_3719 : vector<16xf32>
    tpu.vector_store_idx %arg7[%add3A_3715], %exp3A_3720 : memref<49152xf32, #tpu.memory_space<vmem>>[vector<16xi32>], vector<16xf32>,
    %iota3A_3721 = tpu.iota {dimensions = array<i32: 0>} : vector<16xi32>
    %add3A_3722 = arith.constant 112 : i32
    %add3A_3723 = vector.broadcast %add3A_3722 : i32 to vector<16xi32>
    %add3A_3724 = arith.addi %iota3A_3721, %add3A_3723 : vector<16xi32>
    %mul3A_3725 = arith.constant 129 : i32
    %mul3A_3726 = vector.broadcast %mul3A_3725 : i32 to vector<16xi32>
    %mul3A_3727 = arith.muli %add3A_3724, %mul3A_3726 : vector<16xi32>
    %add3A_3728 = arith.constant 32768 : i32
    %add3A_3729 = vector.broadcast %add3A_3728 : i32 to vector<16xi32>
    %add3A_3730 = arith.addi %mul3A_3727, %add3A_3729 : vector<16xi32>
    %get3A_3731 = arith.constant 29 : i32
    %get3A_3732 = arith.index_cast %get3A_3731 : i32 to index
    %get3A_3733 = arith.constant 112 : index
    %get3A_3734 = tpu.vector_load %arg5[%get3A_3732, %get3A_3733] {strides = array<i32>} : memref<32x128xf32, #tpu.memory_space<vmem>>, vector<16xf32>,
    %exp3A_3735 = math.exp %get3A_3734 : vector<16xf32>
    tpu.vector_store_idx %arg7[%add3A_3730], %exp3A_3735 : memref<49152xf32, #tpu.memory_space<vmem>>[vector<16xi32>], vector<16xf32>,
    %add3A_3736 = arith.constant 27 : i32
    %add3A_3737 = arith.addi %mul3A_2, %add3A_3736 : i32
    %mul3A_3738 = arith.constant 16384 : i32
    %mul3A_3739 = arith.muli %add3A_3737, %mul3A_3738 : i32
    %dma_start3A_3740 = arith.constant 0 : i32
    %dma_start3A_3741 = tpu.memref_slice %arg7[%dma_start3A_3740] : memref<49152xf32, #tpu.memory_space<vmem>> -> memref<49152xf32, #tpu.memory_space<vmem>>
    %dma_start3A_3742 = tpu.memref_slice %arg4[%mul3A_3739] : memref<16777216xf32, #tpu.memory_space<hbm>> -> memref<49152xf32, #tpu.memory_space<hbm>>
    %dma_start3A_3743 = tpu.memref_slice %arg4[%mul3A_3739] : memref<16777216xf32, #tpu.memory_space<hbm>> -> memref<49152xf32, #tpu.memory_space<hbm>>
    %dma_start3A_3744 = arith.constant 0 : i32
    %dma_start3A_3745 = tpu.memref_slice %arg7[%dma_start3A_3744] : memref<49152xf32, #tpu.memory_space<vmem>> -> memref<49152xf32, #tpu.memory_space<vmem>>
    tpu.enqueue_dma source(%dma_start3A_3745 : memref<49152xf32, #tpu.memory_space<vmem>>) target(%dma_start3A_3743 : memref<49152xf32, #tpu.memory_space<hbm>>) target_semaphore(%arg9 : memref<!tpu.dma_semaphore, #tpu.memory_space<semaphore_mem>>)
    %dma_wait3A_3746 = arith.constant 0 : i32
    %dma_wait3A_3747 = tpu.memref_slice %arg6[%dma_wait3A_3746] : memref<49152xf32, #tpu.memory_space<vmem>> -> memref<49152xf32, #tpu.memory_space<vmem>>
    %dma_wait3A_3748 = tpu.memref_slice %arg4[%mul3A_3363] : memref<16777216xf32, #tpu.memory_space<hbm>> -> memref<49152xf32, #tpu.memory_space<hbm>>
    %dma_wait3A_3749 = tpu.memref_slice %arg4[%mul3A_3363] : memref<16777216xf32, #tpu.memory_space<hbm>> -> memref<49152xf32, #tpu.memory_space<hbm>>
    %dma_wait3A_3750 = arith.constant 0 : i32
    %dma_wait3A_3751 = tpu.memref_slice %arg6[%dma_wait3A_3750] : memref<49152xf32, #tpu.memory_space<vmem>> -> memref<49152xf32, #tpu.memory_space<vmem>>
    tpu.wait_dma2 semaphore(%arg8 : memref<!tpu.dma_semaphore, #tpu.memory_space<semaphore_mem>>) src(%dma_wait3A_3751 : memref<49152xf32, #tpu.memory_space<vmem>>) dst(%dma_wait3A_3749 : memref<49152xf32, #tpu.memory_space<hbm>>)
    %iota3A_3752 = tpu.iota {dimensions = array<i32: 0>} : vector<16xi32>
    %add3A_3753 = arith.constant 0 : i32
    %add3A_3754 = vector.broadcast %add3A_3753 : i32 to vector<16xi32>
    %add3A_3755 = arith.addi %iota3A_3752, %add3A_3754 : vector<16xi32>
    %mul3A_3756 = arith.constant 129 : i32
    %mul3A_3757 = vector.broadcast %mul3A_3756 : i32 to vector<16xi32>
    %mul3A_3758 = arith.muli %add3A_3755, %mul3A_3757 : vector<16xi32>
    %add3A_3759 = arith.constant 0 : i32
    %add3A_3760 = vector.broadcast %add3A_3759 : i32 to vector<16xi32>
    %add3A_3761 = arith.addi %mul3A_3758, %add3A_3760 : vector<16xi32>
    %get3A_3762 = arith.constant 30 : i32
    %get3A_3763 = arith.index_cast %get3A_3762 : i32 to index
    %get3A_3764 = arith.constant 0 : index
    %get3A_3765 = tpu.vector_load %arg5[%get3A_3763, %get3A_3764] {strides = array<i32>} : memref<32x128xf32, #tpu.memory_space<vmem>>, vector<16xf32>,
    %exp3A_3766 = math.exp %get3A_3765 : vector<16xf32>
    tpu.vector_store_idx %arg6[%add3A_3761], %exp3A_3766 : memref<49152xf32, #tpu.memory_space<vmem>>[vector<16xi32>], vector<16xf32>,
    %iota3A_3767 = tpu.iota {dimensions = array<i32: 0>} : vector<16xi32>
    %add3A_3768 = arith.constant 16 : i32
    %add3A_3769 = vector.broadcast %add3A_3768 : i32 to vector<16xi32>
    %add3A_3770 = arith.addi %iota3A_3767, %add3A_3769 : vector<16xi32>
    %mul3A_3771 = arith.constant 129 : i32
    %mul3A_3772 = vector.broadcast %mul3A_3771 : i32 to vector<16xi32>
    %mul3A_3773 = arith.muli %add3A_3770, %mul3A_3772 : vector<16xi32>
    %add3A_3774 = arith.constant 0 : i32
    %add3A_3775 = vector.broadcast %add3A_3774 : i32 to vector<16xi32>
    %add3A_3776 = arith.addi %mul3A_3773, %add3A_3775 : vector<16xi32>
    %get3A_3777 = arith.constant 30 : i32
    %get3A_3778 = arith.index_cast %get3A_3777 : i32 to index
    %get3A_3779 = arith.constant 16 : index
    %get3A_3780 = tpu.vector_load %arg5[%get3A_3778, %get3A_3779] {strides = array<i32>} : memref<32x128xf32, #tpu.memory_space<vmem>>, vector<16xf32>,
    %exp3A_3781 = math.exp %get3A_3780 : vector<16xf32>
    tpu.vector_store_idx %arg6[%add3A_3776], %exp3A_3781 : memref<49152xf32, #tpu.memory_space<vmem>>[vector<16xi32>], vector<16xf32>,
    %iota3A_3782 = tpu.iota {dimensions = array<i32: 0>} : vector<16xi32>
    %add3A_3783 = arith.constant 32 : i32
    %add3A_3784 = vector.broadcast %add3A_3783 : i32 to vector<16xi32>
    %add3A_3785 = arith.addi %iota3A_3782, %add3A_3784 : vector<16xi32>
    %mul3A_3786 = arith.constant 129 : i32
    %mul3A_3787 = vector.broadcast %mul3A_3786 : i32 to vector<16xi32>
    %mul3A_3788 = arith.muli %add3A_3785, %mul3A_3787 : vector<16xi32>
    %add3A_3789 = arith.constant 0 : i32
    %add3A_3790 = vector.broadcast %add3A_3789 : i32 to vector<16xi32>
    %add3A_3791 = arith.addi %mul3A_3788, %add3A_3790 : vector<16xi32>
    %get3A_3792 = arith.constant 30 : i32
    %get3A_3793 = arith.index_cast %get3A_3792 : i32 to index
    %get3A_3794 = arith.constant 32 : index
    %get3A_3795 = tpu.vector_load %arg5[%get3A_3793, %get3A_3794] {strides = array<i32>} : memref<32x128xf32, #tpu.memory_space<vmem>>, vector<16xf32>,
    %exp3A_3796 = math.exp %get3A_3795 : vector<16xf32>
    tpu.vector_store_idx %arg6[%add3A_3791], %exp3A_3796 : memref<49152xf32, #tpu.memory_space<vmem>>[vector<16xi32>], vector<16xf32>,
    %iota3A_3797 = tpu.iota {dimensions = array<i32: 0>} : vector<16xi32>
    %add3A_3798 = arith.constant 48 : i32
    %add3A_3799 = vector.broadcast %add3A_3798 : i32 to vector<16xi32>
    %add3A_3800 = arith.addi %iota3A_3797, %add3A_3799 : vector<16xi32>
    %mul3A_3801 = arith.constant 129 : i32
    %mul3A_3802 = vector.broadcast %mul3A_3801 : i32 to vector<16xi32>
    %mul3A_3803 = arith.muli %add3A_3800, %mul3A_3802 : vector<16xi32>
    %add3A_3804 = arith.constant 0 : i32
    %add3A_3805 = vector.broadcast %add3A_3804 : i32 to vector<16xi32>
    %add3A_3806 = arith.addi %mul3A_3803, %add3A_3805 : vector<16xi32>
    %get3A_3807 = arith.constant 30 : i32
    %get3A_3808 = arith.index_cast %get3A_3807 : i32 to index
    %get3A_3809 = arith.constant 48 : index
    %get3A_3810 = tpu.vector_load %arg5[%get3A_3808, %get3A_3809] {strides = array<i32>} : memref<32x128xf32, #tpu.memory_space<vmem>>, vector<16xf32>,
    %exp3A_3811 = math.exp %get3A_3810 : vector<16xf32>
    tpu.vector_store_idx %arg6[%add3A_3806], %exp3A_3811 : memref<49152xf32, #tpu.memory_space<vmem>>[vector<16xi32>], vector<16xf32>,
    %iota3A_3812 = tpu.iota {dimensions = array<i32: 0>} : vector<16xi32>
    %add3A_3813 = arith.constant 64 : i32
    %add3A_3814 = vector.broadcast %add3A_3813 : i32 to vector<16xi32>
    %add3A_3815 = arith.addi %iota3A_3812, %add3A_3814 : vector<16xi32>
    %mul3A_3816 = arith.constant 129 : i32
    %mul3A_3817 = vector.broadcast %mul3A_3816 : i32 to vector<16xi32>
    %mul3A_3818 = arith.muli %add3A_3815, %mul3A_3817 : vector<16xi32>
    %add3A_3819 = arith.constant 0 : i32
    %add3A_3820 = vector.broadcast %add3A_3819 : i32 to vector<16xi32>
    %add3A_3821 = arith.addi %mul3A_3818, %add3A_3820 : vector<16xi32>
    %get3A_3822 = arith.constant 30 : i32
    %get3A_3823 = arith.index_cast %get3A_3822 : i32 to index
    %get3A_3824 = arith.constant 64 : index
    %get3A_3825 = tpu.vector_load %arg5[%get3A_3823, %get3A_3824] {strides = array<i32>} : memref<32x128xf32, #tpu.memory_space<vmem>>, vector<16xf32>,
    %exp3A_3826 = math.exp %get3A_3825 : vector<16xf32>
    tpu.vector_store_idx %arg6[%add3A_3821], %exp3A_3826 : memref<49152xf32, #tpu.memory_space<vmem>>[vector<16xi32>], vector<16xf32>,
    %iota3A_3827 = tpu.iota {dimensions = array<i32: 0>} : vector<16xi32>
    %add3A_3828 = arith.constant 80 : i32
    %add3A_3829 = vector.broadcast %add3A_3828 : i32 to vector<16xi32>
    %add3A_3830 = arith.addi %iota3A_3827, %add3A_3829 : vector<16xi32>
    %mul3A_3831 = arith.constant 129 : i32
    %mul3A_3832 = vector.broadcast %mul3A_3831 : i32 to vector<16xi32>
    %mul3A_3833 = arith.muli %add3A_3830, %mul3A_3832 : vector<16xi32>
    %add3A_3834 = arith.constant 0 : i32
    %add3A_3835 = vector.broadcast %add3A_3834 : i32 to vector<16xi32>
    %add3A_3836 = arith.addi %mul3A_3833, %add3A_3835 : vector<16xi32>
    %get3A_3837 = arith.constant 30 : i32
    %get3A_3838 = arith.index_cast %get3A_3837 : i32 to index
    %get3A_3839 = arith.constant 80 : index
    %get3A_3840 = tpu.vector_load %arg5[%get3A_3838, %get3A_3839] {strides = array<i32>} : memref<32x128xf32, #tpu.memory_space<vmem>>, vector<16xf32>,
    %exp3A_3841 = math.exp %get3A_3840 : vector<16xf32>
    tpu.vector_store_idx %arg6[%add3A_3836], %exp3A_3841 : memref<49152xf32, #tpu.memory_space<vmem>>[vector<16xi32>], vector<16xf32>,
    %iota3A_3842 = tpu.iota {dimensions = array<i32: 0>} : vector<16xi32>
    %add3A_3843 = arith.constant 96 : i32
    %add3A_3844 = vector.broadcast %add3A_3843 : i32 to vector<16xi32>
    %add3A_3845 = arith.addi %iota3A_3842, %add3A_3844 : vector<16xi32>
    %mul3A_3846 = arith.constant 129 : i32
    %mul3A_3847 = vector.broadcast %mul3A_3846 : i32 to vector<16xi32>
    %mul3A_3848 = arith.muli %add3A_3845, %mul3A_3847 : vector<16xi32>
    %add3A_3849 = arith.constant 0 : i32
    %add3A_3850 = vector.broadcast %add3A_3849 : i32 to vector<16xi32>
    %add3A_3851 = arith.addi %mul3A_3848, %add3A_3850 : vector<16xi32>
    %get3A_3852 = arith.constant 30 : i32
    %get3A_3853 = arith.index_cast %get3A_3852 : i32 to index
    %get3A_3854 = arith.constant 96 : index
    %get3A_3855 = tpu.vector_load %arg5[%get3A_3853, %get3A_3854] {strides = array<i32>} : memref<32x128xf32, #tpu.memory_space<vmem>>, vector<16xf32>,
    %exp3A_3856 = math.exp %get3A_3855 : vector<16xf32>
    tpu.vector_store_idx %arg6[%add3A_3851], %exp3A_3856 : memref<49152xf32, #tpu.memory_space<vmem>>[vector<16xi32>], vector<16xf32>,
    %iota3A_3857 = tpu.iota {dimensions = array<i32: 0>} : vector<16xi32>
    %add3A_3858 = arith.constant 112 : i32
    %add3A_3859 = vector.broadcast %add3A_3858 : i32 to vector<16xi32>
    %add3A_3860 = arith.addi %iota3A_3857, %add3A_3859 : vector<16xi32>
    %mul3A_3861 = arith.constant 129 : i32
    %mul3A_3862 = vector.broadcast %mul3A_3861 : i32 to vector<16xi32>
    %mul3A_3863 = arith.muli %add3A_3860, %mul3A_3862 : vector<16xi32>
    %add3A_3864 = arith.constant 0 : i32
    %add3A_3865 = vector.broadcast %add3A_3864 : i32 to vector<16xi32>
    %add3A_3866 = arith.addi %mul3A_3863, %add3A_3865 : vector<16xi32>
    %get3A_3867 = arith.constant 30 : i32
    %get3A_3868 = arith.index_cast %get3A_3867 : i32 to index
    %get3A_3869 = arith.constant 112 : index
    %get3A_3870 = tpu.vector_load %arg5[%get3A_3868, %get3A_3869] {strides = array<i32>} : memref<32x128xf32, #tpu.memory_space<vmem>>, vector<16xf32>,
    %exp3A_3871 = math.exp %get3A_3870 : vector<16xf32>
    tpu.vector_store_idx %arg6[%add3A_3866], %exp3A_3871 : memref<49152xf32, #tpu.memory_space<vmem>>[vector<16xi32>], vector<16xf32>,
    %iota3A_3872 = tpu.iota {dimensions = array<i32: 0>} : vector<16xi32>
    %add3A_3873 = arith.constant 0 : i32
    %add3A_3874 = vector.broadcast %add3A_3873 : i32 to vector<16xi32>
    %add3A_3875 = arith.addi %iota3A_3872, %add3A_3874 : vector<16xi32>
    %mul3A_3876 = arith.constant 129 : i32
    %mul3A_3877 = vector.broadcast %mul3A_3876 : i32 to vector<16xi32>
    %mul3A_3878 = arith.muli %add3A_3875, %mul3A_3877 : vector<16xi32>
    %add3A_3879 = arith.constant 16384 : i32
    %add3A_3880 = vector.broadcast %add3A_3879 : i32 to vector<16xi32>
    %add3A_3881 = arith.addi %mul3A_3878, %add3A_3880 : vector<16xi32>
    %get3A_3882 = arith.constant 31 : i32
    %get3A_3883 = arith.index_cast %get3A_3882 : i32 to index
    %get3A_3884 = arith.constant 0 : index
    %get3A_3885 = tpu.vector_load %arg5[%get3A_3883, %get3A_3884] {strides = array<i32>} : memref<32x128xf32, #tpu.memory_space<vmem>>, vector<16xf32>,
    %exp3A_3886 = math.exp %get3A_3885 : vector<16xf32>
    tpu.vector_store_idx %arg6[%add3A_3881], %exp3A_3886 : memref<49152xf32, #tpu.memory_space<vmem>>[vector<16xi32>], vector<16xf32>,
    %iota3A_3887 = tpu.iota {dimensions = array<i32: 0>} : vector<16xi32>
    %add3A_3888 = arith.constant 16 : i32
    %add3A_3889 = vector.broadcast %add3A_3888 : i32 to vector<16xi32>
    %add3A_3890 = arith.addi %iota3A_3887, %add3A_3889 : vector<16xi32>
    %mul3A_3891 = arith.constant 129 : i32
    %mul3A_3892 = vector.broadcast %mul3A_3891 : i32 to vector<16xi32>
    %mul3A_3893 = arith.muli %add3A_3890, %mul3A_3892 : vector<16xi32>
    %add3A_3894 = arith.constant 16384 : i32
    %add3A_3895 = vector.broadcast %add3A_3894 : i32 to vector<16xi32>
    %add3A_3896 = arith.addi %mul3A_3893, %add3A_3895 : vector<16xi32>
    %get3A_3897 = arith.constant 31 : i32
    %get3A_3898 = arith.index_cast %get3A_3897 : i32 to index
    %get3A_3899 = arith.constant 16 : index
    %get3A_3900 = tpu.vector_load %arg5[%get3A_3898, %get3A_3899] {strides = array<i32>} : memref<32x128xf32, #tpu.memory_space<vmem>>, vector<16xf32>,
    %exp3A_3901 = math.exp %get3A_3900 : vector<16xf32>
    tpu.vector_store_idx %arg6[%add3A_3896], %exp3A_3901 : memref<49152xf32, #tpu.memory_space<vmem>>[vector<16xi32>], vector<16xf32>,
    %iota3A_3902 = tpu.iota {dimensions = array<i32: 0>} : vector<16xi32>
    %add3A_3903 = arith.constant 32 : i32
    %add3A_3904 = vector.broadcast %add3A_3903 : i32 to vector<16xi32>
    %add3A_3905 = arith.addi %iota3A_3902, %add3A_3904 : vector<16xi32>
    %mul3A_3906 = arith.constant 129 : i32
    %mul3A_3907 = vector.broadcast %mul3A_3906 : i32 to vector<16xi32>
    %mul3A_3908 = arith.muli %add3A_3905, %mul3A_3907 : vector<16xi32>
    %add3A_3909 = arith.constant 16384 : i32
    %add3A_3910 = vector.broadcast %add3A_3909 : i32 to vector<16xi32>
    %add3A_3911 = arith.addi %mul3A_3908, %add3A_3910 : vector<16xi32>
    %get3A_3912 = arith.constant 31 : i32
    %get3A_3913 = arith.index_cast %get3A_3912 : i32 to index
    %get3A_3914 = arith.constant 32 : index
    %get3A_3915 = tpu.vector_load %arg5[%get3A_3913, %get3A_3914] {strides = array<i32>} : memref<32x128xf32, #tpu.memory_space<vmem>>, vector<16xf32>,
    %exp3A_3916 = math.exp %get3A_3915 : vector<16xf32>
    tpu.vector_store_idx %arg6[%add3A_3911], %exp3A_3916 : memref<49152xf32, #tpu.memory_space<vmem>>[vector<16xi32>], vector<16xf32>,
    %iota3A_3917 = tpu.iota {dimensions = array<i32: 0>} : vector<16xi32>
    %add3A_3918 = arith.constant 48 : i32
    %add3A_3919 = vector.broadcast %add3A_3918 : i32 to vector<16xi32>
    %add3A_3920 = arith.addi %iota3A_3917, %add3A_3919 : vector<16xi32>
    %mul3A_3921 = arith.constant 129 : i32
    %mul3A_3922 = vector.broadcast %mul3A_3921 : i32 to vector<16xi32>
    %mul3A_3923 = arith.muli %add3A_3920, %mul3A_3922 : vector<16xi32>
    %add3A_3924 = arith.constant 16384 : i32
    %add3A_3925 = vector.broadcast %add3A_3924 : i32 to vector<16xi32>
    %add3A_3926 = arith.addi %mul3A_3923, %add3A_3925 : vector<16xi32>
    %get3A_3927 = arith.constant 31 : i32
    %get3A_3928 = arith.index_cast %get3A_3927 : i32 to index
    %get3A_3929 = arith.constant 48 : index
    %get3A_3930 = tpu.vector_load %arg5[%get3A_3928, %get3A_3929] {strides = array<i32>} : memref<32x128xf32, #tpu.memory_space<vmem>>, vector<16xf32>,
    %exp3A_3931 = math.exp %get3A_3930 : vector<16xf32>
    tpu.vector_store_idx %arg6[%add3A_3926], %exp3A_3931 : memref<49152xf32, #tpu.memory_space<vmem>>[vector<16xi32>], vector<16xf32>,
    %iota3A_3932 = tpu.iota {dimensions = array<i32: 0>} : vector<16xi32>
    %add3A_3933 = arith.constant 64 : i32
    %add3A_3934 = vector.broadcast %add3A_3933 : i32 to vector<16xi32>
    %add3A_3935 = arith.addi %iota3A_3932, %add3A_3934 : vector<16xi32>
    %mul3A_3936 = arith.constant 129 : i32
    %mul3A_3937 = vector.broadcast %mul3A_3936 : i32 to vector<16xi32>
    %mul3A_3938 = arith.muli %add3A_3935, %mul3A_3937 : vector<16xi32>
    %add3A_3939 = arith.constant 16384 : i32
    %add3A_3940 = vector.broadcast %add3A_3939 : i32 to vector<16xi32>
    %add3A_3941 = arith.addi %mul3A_3938, %add3A_3940 : vector<16xi32>
    %get3A_3942 = arith.constant 31 : i32
    %get3A_3943 = arith.index_cast %get3A_3942 : i32 to index
    %get3A_3944 = arith.constant 64 : index
    %get3A_3945 = tpu.vector_load %arg5[%get3A_3943, %get3A_3944] {strides = array<i32>} : memref<32x128xf32, #tpu.memory_space<vmem>>, vector<16xf32>,
    %exp3A_3946 = math.exp %get3A_3945 : vector<16xf32>
    tpu.vector_store_idx %arg6[%add3A_3941], %exp3A_3946 : memref<49152xf32, #tpu.memory_space<vmem>>[vector<16xi32>], vector<16xf32>,
    %iota3A_3947 = tpu.iota {dimensions = array<i32: 0>} : vector<16xi32>
    %add3A_3948 = arith.constant 80 : i32
    %add3A_3949 = vector.broadcast %add3A_3948 : i32 to vector<16xi32>
    %add3A_3950 = arith.addi %iota3A_3947, %add3A_3949 : vector<16xi32>
    %mul3A_3951 = arith.constant 129 : i32
    %mul3A_3952 = vector.broadcast %mul3A_3951 : i32 to vector<16xi32>
    %mul3A_3953 = arith.muli %add3A_3950, %mul3A_3952 : vector<16xi32>
    %add3A_3954 = arith.constant 16384 : i32
    %add3A_3955 = vector.broadcast %add3A_3954 : i32 to vector<16xi32>
    %add3A_3956 = arith.addi %mul3A_3953, %add3A_3955 : vector<16xi32>
    %get3A_3957 = arith.constant 31 : i32
    %get3A_3958 = arith.index_cast %get3A_3957 : i32 to index
    %get3A_3959 = arith.constant 80 : index
    %get3A_3960 = tpu.vector_load %arg5[%get3A_3958, %get3A_3959] {strides = array<i32>} : memref<32x128xf32, #tpu.memory_space<vmem>>, vector<16xf32>,
    %exp3A_3961 = math.exp %get3A_3960 : vector<16xf32>
    tpu.vector_store_idx %arg6[%add3A_3956], %exp3A_3961 : memref<49152xf32, #tpu.memory_space<vmem>>[vector<16xi32>], vector<16xf32>,
    %iota3A_3962 = tpu.iota {dimensions = array<i32: 0>} : vector<16xi32>
    %add3A_3963 = arith.constant 96 : i32
    %add3A_3964 = vector.broadcast %add3A_3963 : i32 to vector<16xi32>
    %add3A_3965 = arith.addi %iota3A_3962, %add3A_3964 : vector<16xi32>
    %mul3A_3966 = arith.constant 129 : i32
    %mul3A_3967 = vector.broadcast %mul3A_3966 : i32 to vector<16xi32>
    %mul3A_3968 = arith.muli %add3A_3965, %mul3A_3967 : vector<16xi32>
    %add3A_3969 = arith.constant 16384 : i32
    %add3A_3970 = vector.broadcast %add3A_3969 : i32 to vector<16xi32>
    %add3A_3971 = arith.addi %mul3A_3968, %add3A_3970 : vector<16xi32>
    %get3A_3972 = arith.constant 31 : i32
    %get3A_3973 = arith.index_cast %get3A_3972 : i32 to index
    %get3A_3974 = arith.constant 96 : index
    %get3A_3975 = tpu.vector_load %arg5[%get3A_3973, %get3A_3974] {strides = array<i32>} : memref<32x128xf32, #tpu.memory_space<vmem>>, vector<16xf32>,
    %exp3A_3976 = math.exp %get3A_3975 : vector<16xf32>
    tpu.vector_store_idx %arg6[%add3A_3971], %exp3A_3976 : memref<49152xf32, #tpu.memory_space<vmem>>[vector<16xi32>], vector<16xf32>,
    %iota3A_3977 = tpu.iota {dimensions = array<i32: 0>} : vector<16xi32>
    %add3A_3978 = arith.constant 112 : i32
    %add3A_3979 = vector.broadcast %add3A_3978 : i32 to vector<16xi32>
    %add3A_3980 = arith.addi %iota3A_3977, %add3A_3979 : vector<16xi32>
    %mul3A_3981 = arith.constant 129 : i32
    %mul3A_3982 = vector.broadcast %mul3A_3981 : i32 to vector<16xi32>
    %mul3A_3983 = arith.muli %add3A_3980, %mul3A_3982 : vector<16xi32>
    %add3A_3984 = arith.constant 16384 : i32
    %add3A_3985 = vector.broadcast %add3A_3984 : i32 to vector<16xi32>
    %add3A_3986 = arith.addi %mul3A_3983, %add3A_3985 : vector<16xi32>
    %get3A_3987 = arith.constant 31 : i32
    %get3A_3988 = arith.index_cast %get3A_3987 : i32 to index
    %get3A_3989 = arith.constant 112 : index
    %get3A_3990 = tpu.vector_load %arg5[%get3A_3988, %get3A_3989] {strides = array<i32>} : memref<32x128xf32, #tpu.memory_space<vmem>>, vector<16xf32>,
    %exp3A_3991 = math.exp %get3A_3990 : vector<16xf32>
    tpu.vector_store_idx %arg6[%add3A_3986], %exp3A_3991 : memref<49152xf32, #tpu.memory_space<vmem>>[vector<16xi32>], vector<16xf32>,
    %add3A_3992 = arith.constant 30 : i32
    %add3A_3993 = arith.addi %mul3A_2, %add3A_3992 : i32
    %mul3A_3994 = arith.constant 16384 : i32
    %mul3A_3995 = arith.muli %add3A_3993, %mul3A_3994 : i32
    %dma_start3A_3996 = arith.constant 0 : i32
    %dma_start3A_3997 = tpu.memref_slice %arg6[%dma_start3A_3996] : memref<49152xf32, #tpu.memory_space<vmem>> -> memref<32768xf32, #tpu.memory_space<vmem>>
    %dma_start3A_3998 = tpu.memref_slice %arg4[%mul3A_3995] : memref<16777216xf32, #tpu.memory_space<hbm>> -> memref<32768xf32, #tpu.memory_space<hbm>>
    %dma_start3A_3999 = tpu.memref_slice %arg4[%mul3A_3995] : memref<16777216xf32, #tpu.memory_space<hbm>> -> memref<32768xf32, #tpu.memory_space<hbm>>
    %dma_start3A_4000 = arith.constant 0 : i32
    %dma_start3A_4001 = tpu.memref_slice %arg6[%dma_start3A_4000] : memref<49152xf32, #tpu.memory_space<vmem>> -> memref<32768xf32, #tpu.memory_space<vmem>>
    tpu.enqueue_dma source(%dma_start3A_4001 : memref<32768xf32, #tpu.memory_space<vmem>>) target(%dma_start3A_3999 : memref<32768xf32, #tpu.memory_space<hbm>>) target_semaphore(%arg8 : memref<!tpu.dma_semaphore, #tpu.memory_space<semaphore_mem>>)
    %dma_wait3A_4002 = arith.constant 0 : i32
    %dma_wait3A_4003 = tpu.memref_slice %arg6[%dma_wait3A_4002] : memref<49152xf32, #tpu.memory_space<vmem>> -> memref<32768xf32, #tpu.memory_space<vmem>>
    %dma_wait3A_4004 = tpu.memref_slice %arg4[%mul3A_3995] : memref<16777216xf32, #tpu.memory_space<hbm>> -> memref<32768xf32, #tpu.memory_space<hbm>>
    %dma_wait3A_4005 = tpu.memref_slice %arg4[%mul3A_3995] : memref<16777216xf32, #tpu.memory_space<hbm>> -> memref<32768xf32, #tpu.memory_space<hbm>>
    %dma_wait3A_4006 = arith.constant 0 : i32
    %dma_wait3A_4007 = tpu.memref_slice %arg6[%dma_wait3A_4006] : memref<49152xf32, #tpu.memory_space<vmem>> -> memref<32768xf32, #tpu.memory_space<vmem>>
    tpu.wait_dma2 semaphore(%arg8 : memref<!tpu.dma_semaphore, #tpu.memory_space<semaphore_mem>>) src(%dma_wait3A_4007 : memref<32768xf32, #tpu.memory_space<vmem>>) dst(%dma_wait3A_4005 : memref<32768xf32, #tpu.memory_space<hbm>>)
    %dma_wait3A_4008 = arith.constant 0 : i32
    %dma_wait3A_4009 = tpu.memref_slice %arg7[%dma_wait3A_4008] : memref<49152xf32, #tpu.memory_space<vmem>> -> memref<49152xf32, #tpu.memory_space<vmem>>
    %dma_wait3A_4010 = tpu.memref_slice %arg4[%mul3A_3739] : memref<16777216xf32, #tpu.memory_space<hbm>> -> memref<49152xf32, #tpu.memory_space<hbm>>
    %dma_wait3A_4011 = tpu.memref_slice %arg4[%mul3A_3739] : memref<16777216xf32, #tpu.memory_space<hbm>> -> memref<49152xf32, #tpu.memory_space<hbm>>
    %dma_wait3A_4012 = arith.constant 0 : i32
    %dma_wait3A_4013 = tpu.memref_slice %arg7[%dma_wait3A_4012] : memref<49152xf32, #tpu.memory_space<vmem>> -> memref<49152xf32, #tpu.memory_space<vmem>>
    tpu.wait_dma2 semaphore(%arg9 : memref<!tpu.dma_semaphore, #tpu.memory_space<semaphore_mem>>) src(%dma_wait3A_4013 : memref<49152xf32, #tpu.memory_space<vmem>>) dst(%dma_wait3A_4011 : memref<49152xf32, #tpu.memory_space<hbm>>)
    return
  }
}

</mosaic_0001>

<sc_bundles>
// kernel: kernel.3.cloned.1.call-start
scs
__scs_entry_jumppad:
0x0: {  	(pc) =	sbr.rel $0x88, $3  }
0x1: {  	(tag) =	ssettag $0x0;
	lr =	simm.s32 $0x1  }
0x2: {  	[smem:$0x3FA0] =	sst lr;
	_ =	strace $0xD0000000  }
0x3: {  	_ = 	snop  }
0x4: {  	_ = 	snop  }
0x5: {  	_ = 	snop  }
0x6: {  	_ = 	snop  }
0x7: {  	_ = 	snop  }
__scs_overlays_trampoline_lowered:
0x8: {  	[smem:$0x3FAF] =	sst s0  }
0x9: {  	[smem:$0x3FB0] =	sst s1  }
0xa: {  	[smem:$0x3FB1] =	sst s2  }
0xb: {  	[smem:$0x3FB2] =	sst s3  }
0xc: {  	[smem:$0x3FB3] =	sst s4  }
0xd: {  	[smem:$0x3FB4] =	sst s5  }
0xe: {  	[smem:$0x3FB5] =	sst s6  }
0xf: {  	[smem:$0x3FB6] =	sst s7  }
0x10: {  	[smem:$0x3FB7] =	sst s8  }
0x11: {  	[smem:$0x3FB8] =	sst s9;
	s0 =	simm.s32 @!p0 $0x0  }
0x12: {  	s1 =	sld [smem:$0x3F9E];
	s0 =	simm.s32 @p0 $0x1  }
0x13: {  	[smem:$0x3FB9] =	sst s0;
	s0 =	simm.s32 @!p1 $0x0  }
0x14: {  	s2 =	sld [smem:$0x3F9D];
	s0 =	simm.s32 @p1 $0x1  }
0x15: {  	[smem:$0x3FBA] =	sst s0;
	s0 =	simm.s32 @!p2 $0x0  }
0x16: {  	s3 =	sld [smem:$0x3FDB];
	s0 =	simm.s32 @p2 $0x1  }
0x17: {  	s4 =	simm.s32 $0x1BF5;
	[smem:$0x3FBC] =	sst s0  }
0x18: {  	s0 =	sld [smem:$0x3F9F];
	_ =	swait.ge [sflag:s4], $0x0  }
0x19: {  	s7 =	sld [smem:$0x3FA0]  }
0x1a: {  	s8 =	sadd.s32 $0xFFFFE003, lr  }
0x1b: {  	s9 =	sadd.s32 $0xFFFFFEF7, lr;
	s5 =	simm.s32 $0xFFFFFFFF;
	p2 =	slt.u32 s8, $0xFFFFF086  }
0x1c: {  	p1 =	slt.u32 s9, $0xF7A;
	s5 =	simm.s32 @!p2 $0x0  }
0x1d: {  	s5 =	simm.s32 @p1 $0x1;
	p0 =	seq.s32 s7, s2  }
0x1e: {  	s7 =	smul.u32 @!p0 $0xF7A, s2;
	p2 =	seq.s32 @!p0 s5, $0x0  }
0x1f: {  	s9 =	smul.u32 $0xF7A, s1;
	s8 =	simm.s32 @!p0 $0x1BF5;
	p2 =	por !p2, p0  }
0x20: {  	[sflag:s8] =	ssyncset.s32 @!p0 $0xFFFFF086;
	s6 =	sadd.s32 @!p0 s3, s7;
	s7 =	simm.s32 @!p0 $0x108  }
0x21: {  	s3 =	sadd.s32 s3, s9;
	s6 =	sadd.s32 @!p0 $0x88, s6;
	s7 =	simm.s32 @p2 $0x1082  }
0x22: {  	[simem:s7], [sflag:s8] =	dma.local @!p0 [hbm:s6], $0xF7A  }
0x23: {  	s9 =	sor.u32 $0xD0000000, s2;
	s6 =	simm.s32 $0x108;
	_ =	swait.ge @!p0 [sflag:s8], $0x0  }
0x24: {  	s3 =	sadd.s32 $0x88, s3;
	s6 =	simm.s32 @!p1 $0x1082;
	[sflag:s4] =	ssyncset.s32 $0xFFFFF086  }
0x25: {  	[simem:s6], [sflag:s4] =	dma.local [hbm:s3], $0xF7A  }
0x26: {  	[smem:$0x3FA0] =	sst s1;
	(tag) =	ssettag s2;
	_ =	strace s9  }
0x27: {  	s1 =	sld [smem:$0x3FB0]  }
0x28: {  	s2 =	sld [smem:$0x3FB1]  }
0x29: {  	s4 =	sld [smem:$0x3FB3]  }
0x2a: {  	p0 =	seq.s32 s5, $0x0;
	s5 =	sld [smem:$0x3FB4]  }
0x2b: {  	s6 =	sld [smem:$0x3FB5]  }
0x2c: {  	s7 =	sld [smem:$0x3FB6]  }
0x2d: {  	s3 =	simm.s32 $0x108;
	s8 =	sld [smem:$0x3FB7]  }
0x2e: {  	s3 =	simm.s32 @!p0 $0x1082;
	s9 =	sld [smem:$0x3FB8]  }
0x2f: {  	lr =	sadd.s32 s0, s3;
	s0 =	sld [smem:$0x3FAF]  }
0x30: {  	s3 =	sld [smem:$0x3FB2]  }
0x31: {  	[smem:$0x3FBB] =	sst s10  }
0x32: {  	s10 =	sld [smem:$0x3FB9];
	_ =	sdelay $0x3  }
0x33: {  	p0 =	seq.s32 s10, $0x1;
	s10 =	sld [smem:$0x3FBB];
	_ =	sdelay $0x3  }
0x34: {  	[smem:$0x3FBB] =	sst s10  }
0x35: {  	s10 =	sld [smem:$0x3FBA];
	_ =	sdelay $0x3  }
0x36: {  	p1 =	seq.s32 s10, $0x1;
	s10 =	sld [smem:$0x3FBB];
	_ =	sdelay $0x3  }
0x37: {  	[smem:$0x3FBB] =	sst s10  }
0x38: {  	s10 =	sld [smem:$0x3FBC]  }
0x39: {  	_ = 	snop;
	(pc) =	sbr.ind lr, $3  }
0x3a: {  	_ = 	snop  }
0x3b: {  	_ = 	snop  }
0x3c: {  	p2 =	seq.s32 s10, $0x1;
	s10 =	sld [smem:$0x3FBB]  }
0x3d: {  	_ =	shalt  }
0x3e: {  	_ =	shalt  }
0x3f: {  	_ =	shalt  }
0x40: {  	_ =	shalt  }
0x41: {  	_ =	shalt  }
0x42: {  	_ =	shalt  }
0x43: {  	_ =	shalt  }
0x44: {  	_ =	shalt  }
0x45: {  	_ =	shalt  }
0x46: {  	_ =	shalt  }
0x47: {  	_ =	shalt  }
0x48: {  	_ =	shalt  }
0x49: {  	_ =	shalt  }
0x4a: {  	_ =	shalt  }
0x4b: {  	_ =	shalt  }
0x4c: {  	_ =	shalt  }
0x4d: {  	_ =	shalt  }
0x4e: {  	_ =	shalt  }
0x4f: {  	_ =	shalt  }
0x50: {  	_ =	shalt  }
0x51: {  	_ =	shalt  }
0x52: {  	_ =	shalt  }
0x53: {  	_ =	shalt  }
0x54: {  	_ =	shalt  }
0x55: {  	_ =	shalt  }
0x56: {  	_ =	shalt  }
0x57: {  	_ =	shalt  }
0x58: {  	_ =	shalt  }
0x59: {  	_ =	shalt  }
0x5a: {  	_ =	shalt  }
0x5b: {  	_ =	shalt  }
0x5c: {  	_ =	shalt  }
0x5d: {  	_ =	shalt  }
0x5e: {  	_ =	shalt  }
0x5f: {  	_ =	shalt  }
0x60: {  	_ =	shalt  }
0x61: {  	_ =	shalt  }
0x62: {  	_ =	shalt  }
0x63: {  	_ =	shalt  }
0x64: {  	_ =	shalt  }
0x65: {  	_ =	shalt  }
0x66: {  	_ =	shalt  }
0x67: {  	_ =	shalt  }
0x68: {  	_ =	shalt  }
0x69: {  	_ =	shalt  }
0x6a: {  	_ =	shalt  }
0x6b: {  	_ =	shalt  }
0x6c: {  	_ =	shalt  }
0x6d: {  	_ =	shalt  }
0x6e: {  	_ =	shalt  }
0x6f: {  	_ =	shalt  }
0x70: {  	_ =	shalt  }
0x71: {  	_ =	shalt  }
0x72: {  	_ =	shalt  }
0x73: {  	_ =	shalt  }
0x74: {  	_ =	shalt  }
0x75: {  	_ =	shalt  }
0x76: {  	_ =	shalt  }
0x77: {  	_ =	shalt  }
0x78: {  	_ =	shalt  }
0x79: {  	_ =	shalt  }
0x7a: {  	_ =	shalt  }
0x7b: {  	_ =	shalt  }
0x7c: {  	_ =	shalt  }
0x7d: {  	_ =	shalt  }
0x7e: {  	_ =	shalt  }
0x7f: {  	_ =	shalt  }
0x80: {  	_ =	shalt  }
0x81: {  	_ =	shalt  }
0x82: {  	_ =	shalt  }
0x83: {  	_ =	shalt  }
0x84: {  	_ =	shalt  }
0x85: {  	_ =	shalt  }
0x86: {  	_ =	shalt  }
0x87: {  	_ =	shalt  }
.Lfunc_end0:
.L_simem_size_0:
called_computation_lowered:
.L_overlay_start_0:
0x88: {  	s2 =	sld [smem:$0x3FD9]  }
0x89: {  	s3 =	sld [smem:$0x3FFE];
	_ =	sdelay $0x1  }
0x8a: {  	s1 =	srdreg.scid  }
0x8b: {  	s0 =	sand.u32 $0x1, s1  }
0x8c: {  	s17 =	sshll.u32 s0, $0xA;
	s2 =	sadd.s32 s3, s2  }
0x8d: {  	s2 =	sadd.s32 s2, s17  }
0x8e: {  	[smem:$0x3FC7] =	sst s2  }
0x8f: {  	_ = 	snop  }
0x90: {  	s2 =	sld [smem:$0x3FC9]  }
0x91: {  	s18 =	sld [smem:$0x3FD0];
	(tm) =	ssettm $0x1  }
0x92: {  	s4 =	sld [smem:$0x3FFB];
	_ =	sdelay $0x3  }
0x93: {  	_ =	strace s4  }
0x94: {  	s4 =	sld [smem:$0x3FFC];
	_ =	sdelay $0x3  }
0x95: {  	_ =	strace s4  }
0x96: {  	s4 =	sld [smem:$0x3FFD];
	_ =	sdelay $0x3  }
0x97: {  	_ =	strace s4  }
0x98: {  	_ =	strace $0x8FFFFFFF  }
0x99: {  	s19 =	sld [smem:$0x3FDB];
	_ =	sdelay $0x1  }
0x9a: {  	s5 =	simm.s32 $_scs_section_size  }
0x9b: {  	s6 =	simm.s32 $_size__tile_overlayer_lowered;
	s7 =	simm.s32 $_tile_overlayer_lowered  }
0x9c: {  	s22 =	simm.s32 $0x1BFF;
	s21 =	sshll.u32 s7, $0x1;
	s4 =	sadd.s32 s5, s19  }
0x9d: {  	s8 =	simm.s32 $0x0;
	s20 =	sshll.u32 s6, $0x1;
	s6 =	sadd.s32 s21, s4  }
0x9e: {  	[timem:s8], [sflag:s22] =	dma.local [hbm:s6], s20  }
0x9f: {  	_ =	swait.ge [sflag:s22], s20  }
0xa0: {  	s5 =	ssub.s32 $0x0, s20;
	[sflag:s22] =	ssyncset.done $0x0  }
0xa1: {  	[sflag:s22] =	ssyncadd.s32 s5;
	_ =	sdelay $0x1  }
0xa2: {  	s23 =	simm.s32 $0x1B8B  }
0xa3: {  	_ =	swait.ge [sflag:s23], $0x1  }
0xa4: {  	[sflag:s23] =	ssyncset.done $0x0  }
0xa5: {  	s25 =	simm.s32 $0x1B8E;
	s24 =	sld [smem:$0x3FFE];
	[sflag:s23] =	ssyncadd.s32 $0xFFFFFFFF  }
0xa6: {  	s26 =	simm.s32 $execute0_lowered;
	[smem:$0x3FD2] =	sst s25  }
0xa7: {  	s6 =	sshll.u32 s26, $0x1;
	_ =	strace $0x80000046;
	[dreg:$0x1] =	wrdreg $0xFFFFFFFF  }
0xa8: {  	s28 =	simm.s32 $_size_execute0_lowered;
	s4 =	sadd.s32 s4, s6;
	[dreg:$0x0] =	wrdreg $0x0  }
0xa9: {  	s6 =	sshll.u32 s28, $0x1;
	[dreg:$0x2] =	wrdreg s4  }
0xaa: {  	[dreg:$0x3] =	wrdreg s6  }
0xab: {  	[dreg:$0x4] =	wrdreg $0xC0  }
0xac: {  	_ =	task [dreg:s8], $0x5FFFF  }
0xad: {  	[dreg:$0x1] =	wrdreg $0xFFFFFFFF  }
0xae: {  	[dreg:$0x0] =	wrdreg $0x60  }
0xaf: {  	[dreg:$0x2] =	wrdreg s2  }
0xb0: {  	[dreg:$0x3] =	wrdreg s24  }
0xb1: {  	[dreg:$0x4] =	wrdreg s18  }
0xb2: {  	[dreg:$0x5] =	wrdreg $0x9  }
0xb3: {  	_ =	task.clear_ibuf [dreg:s8], $0x6FFFF;
	_ =	strace $0x90000046  }
0xb4: {  	s29 =	simm.s32 $0x9;
	_ =	strace $0x80000048  }
0xb5: {  	_ =	swait.ge [sflag:s29], $0x1  }
0xb6: {  	[sflag:s29] =	ssyncadd.s32 $0xFFFFFFFF  }
0xb7: {  	_ =	strace $0x90000048  }
0xb8: {  	_ =	sfence  }
0xb9: {  	s30 =	sld [smem:$0x0];
	_ =	sdelay $0x2  }
0xba: {  	s31 =	sshll.u32 s1, $0xD;
	s1 =	sshrl.u32 s1, $0x2  }
0xbb: {  	s3 =	sand.u32 $0x4000, s31;
	s1 =	sadd.s32 s1, s30  }
0xbc: {  	s0 =	sor.u32 s3, s0;
	s1 =	sshll.u32 s1, $0x11  }
0xbd: {  	s0 =	sor.u32 s1, s0  }
0xbe: {  	s0 =	sadd.s32 $0x8F2B, s0  }
0xbf: {  	[sflag:s0] =	ssyncadd.remote.s32 $0x1  }
0xc0: {  	_ =	sfence.sel $0xFFFF  }
0xc1: {  	[dreg:$0x0] =	wrdreg $0xFFFFFFFF;
	(pc) =	sbr.abs _section_cstart, $3  }
0xc2: {  	[dreg:$0x1] =	wrdreg $0xFFFFFFFF  }
0xc3: {  	_ =	task.clear_ibuf [dreg:s8], $0x2FFFF;
	_ =	strace $0x9FFFFFFF  }
0xc4: {  	(tm) =	ssettm $0x7FFFFFFF  }
0xc5: {  	_ =	shalt  }
tec
execute0_lowered:
.L_overlay_start_1:
0x0: {  	(tag) =	ssettag $0x1  }
0x1: {  	s5 =	rddreg [dreg:$0x0]  }
0x2: {  	s3 =	rddreg [dreg:$0x1]  }
0x3: {  	s4 =	rddreg [dreg:$0x2]  }
0x4: {  	s0 =	rddreg [dreg:$0x3];
	s2 =	simm.s32 $0x0;
	s6 =	srdreg.scid;
	v0 =	vlaneseq.u32  }
0x5: {  	s1 =	stileid.u32;
	s17 =	simm.s32 $0x3;
	s18 =	simm.s32 $0x1000;
	v0 =	vmul.u32 $0x81, v0  }
0x6: {  	s19 =	simm.s32 $0xD000;
	s20 =	simm.s32 $0x1;
	s21 =	simm.s32 $0x2  }
0x7: {  	[smem:$0x7FF] =	sst s2;
	s6 =	sand.u32 $0x1, s6;
	s7 =	sshll.u32 s1, $0x1;
	v1 =	vadd.s32 $0x810, v0;
	v2 =	vadd.s32 $0x1020, v0  }
0x8: {  	s3 =	sadd.s32 $0x400, s3;
	s7 =	sor.u32 s6, s7;
	s6 =	ssub.s32 $0x2, s6;
	v3 =	vadd.s32 $0x1830, v0;
	v4 =	vadd.s32 $0x2040, v0;
	v5 =	vadd.s32 $0x2850, v0  }
0x9: {  	_ =	strace $0x80000047;
	s8 =	sshll.u32 s7, $0x10;
	s9 =	sshrl.u32 s6, $0x1;
	v6 =	vadd.s32 $0x3060, v0;
	v7 =	vadd.s32 $0x3870, v0;
	v8 =	vor.u32 $0x4000, v0  }
0xa: {  	s7 =	sshll.u32 s7, $0x9;
	v9 =	vadd.s32 $0x4810, v0;
	v10 =	vadd.s32 $0x5020, v0;
	v11 =	vadd.s32 $0x5830, v0;
	s4 =	sadd.s32 s4, s8;
	s16 =	ssub.s32 s6, s9  }
0xb: {  	v12 =	vadd.s32 $0x6040, v0;
	v13 =	vadd.s32 $0x6850, v0;
	v14 =	vadd.s32 $0x7060, v0;
	s5 =	sadd.s32 s5, s7;
	s6 =	sadd.s32 $0x1800, s4;
	s7 =	sadd.s32 $0x3000, s4  }
0xc: {  	v15 =	vadd.s32 $0x7870, v0;
	v16 =	vor.u32 $0x8000, v0;
	v17 =	vadd.s32 $0x8810, v0;
	s8 =	sadd.s32 $0x4800, s4;
	s9 =	sadd.s32 $0x6000, s4;
	s10 =	sadd.s32 $0x7800, s4  }
0xd: {  	v18 =	vadd.s32 $0x9020, v0;
	v19 =	vadd.s32 $0x9830, v0;
	v20 =	vadd.s32 $0xA040, v0;
	s11 =	sadd.s32 $0x9000, s4;
	s12 =	sadd.s32 $0xA800, s4;
	s13 =	sadd.s32 $0xC000, s4  }
0xe: {  	v21 =	vadd.s32 $0xA850, v0;
	v22 =	vadd.s32 $0xB060, v0;
	v23 =	vadd.s32 $0xB870, v0;
	s14 =	sadd.s32 $0xD800, s4;
	s15 =	sadd.s32 $0xF000, s4;
	s16 =	smax.u32 s16, $0x1  }
.LBB2_1:
0xf: {  	[tilespmem:s2], [sflag:$0x3] =	stream.linear.gather [hbm4b:s5+s2], $0x1000, $0x38;
	[tilespmem:$0x19000] =	vst v63  }
0x10: {  	_ =	swait.ge [sflag:s17], $0x1000  }
0x11: {  	[sflag:s17] =	ssyncset.done $0x0  }
0x12: {  	[sflag:s17] =	ssyncadd.s32 $0xFFFFF000  }
0x13: {  	[tilespmem:s18], [sflag:$0x3] =	stream.linear.gather [hbm4b:s3+s2], $0xC000, $0x38;
	[tilespmem:$0x19000] =	vst v63  }
0x14: {  	_ =	swait.ge [sflag:s17], $0xC000  }
0x15: {  	[sflag:s17] =	ssyncset.done $0x0  }
0x16: {  	[sflag:s17] =	ssyncadd.s32 $0xFFFF4000  }
0x17: {  	[tilespmem:s19], [sflag:$0x3] =	stream.linear.gather [hbm4b:s3+s2], $0xC000, $0x38;
	[tilespmem:$0x19000] =	vst v63  }
0x18: {  	_ =	swait.ge [sflag:s17], $0xC000  }
0x19: {  	[sflag:s17] =	ssyncset.done $0x0  }
0x1a: {  	[sflag:s17] =	ssyncadd.s32 $0xFFFF4000  }
0x1b: {  	v24 =	vld [tilespmem:$0x0];
	_ =	sdelay $0x4  }
0x1c: {  	v24 =	vmul.f32 $1.442695020e+00, v24;
	_ =	sdelay $0x1  }
0x1d: {  	(erf) = vpow2.f32 v24;
	_ =	sdelay $0x8  }
0x1e: {  	v24 =	vpop (erf)  }
0x1f: {  	[tilespmem:v0+s18+$0x0] =	vst.idx.msk $0xffff, v24  }
0x20: {  	v24 =	vld [tilespmem:$0x10];
	_ =	sdelay $0x4  }
0x21: {  	v24 =	vmul.f32 $1.442695020e+00, v24;
	_ =	sdelay $0x1  }
0x22: {  	(erf) = vpow2.f32 v24;
	_ =	sdelay $0x8  }
0x23: {  	v24 =	vpop (erf)  }
0x24: {  	[tilespmem:v1+s18+$0x0] =	vst.idx.msk $0xffff, v24  }
0x25: {  	v24 =	vld [tilespmem:$0x20];
	_ =	sdelay $0x4  }
0x26: {  	v24 =	vmul.f32 $1.442695020e+00, v24;
	_ =	sdelay $0x1  }
0x27: {  	(erf) = vpow2.f32 v24;
	_ =	sdelay $0x8  }
0x28: {  	v24 =	vpop (erf)  }
0x29: {  	[tilespmem:v2+s18+$0x0] =	vst.idx.msk $0xffff, v24  }
0x2a: {  	v24 =	vld [tilespmem:$0x30];
	_ =	sdelay $0x4  }
0x2b: {  	v24 =	vmul.f32 $1.442695020e+00, v24;
	_ =	sdelay $0x1  }
0x2c: {  	(erf) = vpow2.f32 v24;
	_ =	sdelay $0x8  }
0x2d: {  	v24 =	vpop (erf)  }
0x2e: {  	[tilespmem:v3+s18+$0x0] =	vst.idx.msk $0xffff, v24  }
0x2f: {  	v24 =	vld [tilespmem:$0x40];
	_ =	sdelay $0x4  }
0x30: {  	v24 =	vmul.f32 $1.442695020e+00, v24;
	_ =	sdelay $0x1  }
0x31: {  	(erf) = vpow2.f32 v24;
	_ =	sdelay $0x8  }
0x32: {  	v24 =	vpop (erf)  }
0x33: {  	[tilespmem:v4+s18+$0x0] =	vst.idx.msk $0xffff, v24  }
0x34: {  	v24 =	vld [tilespmem:$0x50];
	_ =	sdelay $0x4  }
0x35: {  	v24 =	vmul.f32 $1.442695020e+00, v24;
	_ =	sdelay $0x1  }
0x36: {  	(erf) = vpow2.f32 v24;
	_ =	sdelay $0x8  }
0x37: {  	v24 =	vpop (erf)  }
0x38: {  	[tilespmem:v5+s18+$0x0] =	vst.idx.msk $0xffff, v24  }
0x39: {  	v24 =	vld [tilespmem:$0x60];
	_ =	sdelay $0x4  }
0x3a: {  	v24 =	vmul.f32 $1.442695020e+00, v24;
	_ =	sdelay $0x1  }
0x3b: {  	(erf) = vpow2.f32 v24;
	_ =	sdelay $0x8  }
0x3c: {  	v24 =	vpop (erf)  }
0x3d: {  	[tilespmem:v6+s18+$0x0] =	vst.idx.msk $0xffff, v24  }
0x3e: {  	v24 =	vld [tilespmem:$0x70];
	_ =	sdelay $0x4  }
0x3f: {  	v24 =	vmul.f32 $1.442695020e+00, v24;
	_ =	sdelay $0x1  }
0x40: {  	(erf) = vpow2.f32 v24;
	_ =	sdelay $0x8  }
0x41: {  	v24 =	vpop (erf)  }
0x42: {  	[tilespmem:v7+s18+$0x0] =	vst.idx.msk $0xffff, v24  }
0x43: {  	v24 =	vld [tilespmem:$0x80];
	_ =	sdelay $0x4  }
0x44: {  	v24 =	vmul.f32 $1.442695020e+00, v24;
	_ =	sdelay $0x1  }
0x45: {  	(erf) = vpow2.f32 v24;
	_ =	sdelay $0x8  }
0x46: {  	v24 =	vpop (erf)  }
0x47: {  	[tilespmem:v8+s18+$0x0] =	vst.idx.msk $0xffff, v24  }
0x48: {  	v24 =	vld [tilespmem:$0x90];
	_ =	sdelay $0x4  }
0x49: {  	v24 =	vmul.f32 $1.442695020e+00, v24;
	_ =	sdelay $0x1  }
0x4a: {  	(erf) = vpow2.f32 v24;
	_ =	sdelay $0x8  }
0x4b: {  	v24 =	vpop (erf)  }
0x4c: {  	[tilespmem:v9+s18+$0x0] =	vst.idx.msk $0xffff, v24  }
0x4d: {  	v24 =	vld [tilespmem:$0xA0];
	_ =	sdelay $0x4  }
0x4e: {  	v24 =	vmul.f32 $1.442695020e+00, v24;
	_ =	sdelay $0x1  }
0x4f: {  	(erf) = vpow2.f32 v24;
	_ =	sdelay $0x8  }
0x50: {  	v24 =	vpop (erf)  }
0x51: {  	[tilespmem:v10+s18+$0x0] =	vst.idx.msk $0xffff, v24  }
0x52: {  	v24 =	vld [tilespmem:$0xB0];
	_ =	sdelay $0x4  }
0x53: {  	v24 =	vmul.f32 $1.442695020e+00, v24;
	_ =	sdelay $0x1  }
0x54: {  	(erf) = vpow2.f32 v24;
	_ =	sdelay $0x8  }
0x55: {  	v24 =	vpop (erf)  }
0x56: {  	[tilespmem:v11+s18+$0x0] =	vst.idx.msk $0xffff, v24  }
0x57: {  	v24 =	vld [tilespmem:$0xC0];
	_ =	sdelay $0x4  }
0x58: {  	v24 =	vmul.f32 $1.442695020e+00, v24;
	_ =	sdelay $0x1  }
0x59: {  	(erf) = vpow2.f32 v24;
	_ =	sdelay $0x8  }
0x5a: {  	v24 =	vpop (erf)  }
0x5b: {  	[tilespmem:v12+s18+$0x0] =	vst.idx.msk $0xffff, v24  }
0x5c: {  	v24 =	vld [tilespmem:$0xD0];
	_ =	sdelay $0x4  }
0x5d: {  	v24 =	vmul.f32 $1.442695020e+00, v24;
	_ =	sdelay $0x1  }
0x5e: {  	(erf) = vpow2.f32 v24;
	_ =	sdelay $0x8  }
0x5f: {  	v24 =	vpop (erf)  }
0x60: {  	[tilespmem:v13+s18+$0x0] =	vst.idx.msk $0xffff, v24  }
0x61: {  	v24 =	vld [tilespmem:$0xE0];
	_ =	sdelay $0x4  }
0x62: {  	v24 =	vmul.f32 $1.442695020e+00, v24;
	_ =	sdelay $0x1  }
0x63: {  	(erf) = vpow2.f32 v24;
	_ =	sdelay $0x8  }
0x64: {  	v24 =	vpop (erf)  }
0x65: {  	[tilespmem:v14+s18+$0x0] =	vst.idx.msk $0xffff, v24  }
0x66: {  	v24 =	vld [tilespmem:$0xF0];
	_ =	sdelay $0x4  }
0x67: {  	v24 =	vmul.f32 $1.442695020e+00, v24;
	_ =	sdelay $0x1  }
0x68: {  	(erf) = vpow2.f32 v24;
	_ =	sdelay $0x8  }
0x69: {  	v24 =	vpop (erf)  }
0x6a: {  	[tilespmem:v15+s18+$0x0] =	vst.idx.msk $0xffff, v24  }
0x6b: {  	v24 =	vld [tilespmem:$0x100];
	_ =	sdelay $0x4  }
0x6c: {  	v24 =	vmul.f32 $1.442695020e+00, v24;
	_ =	sdelay $0x1  }
0x6d: {  	(erf) = vpow2.f32 v24;
	_ =	sdelay $0x8  }
0x6e: {  	v24 =	vpop (erf)  }
0x6f: {  	[tilespmem:v16+s18+$0x0] =	vst.idx.msk $0xffff, v24  }
0x70: {  	v24 =	vld [tilespmem:$0x110];
	_ =	sdelay $0x4  }
0x71: {  	v24 =	vmul.f32 $1.442695020e+00, v24;
	_ =	sdelay $0x1  }
0x72: {  	(erf) = vpow2.f32 v24;
	_ =	sdelay $0x8  }
0x73: {  	v24 =	vpop (erf)  }
0x74: {  	[tilespmem:v17+s18+$0x0] =	vst.idx.msk $0xffff, v24  }
0x75: {  	v24 =	vld [tilespmem:$0x120];
	_ =	sdelay $0x4  }
0x76: {  	v24 =	vmul.f32 $1.442695020e+00, v24;
	_ =	sdelay $0x1  }
0x77: {  	(erf) = vpow2.f32 v24;
	_ =	sdelay $0x8  }
0x78: {  	v24 =	vpop (erf)  }
0x79: {  	[tilespmem:v18+s18+$0x0] =	vst.idx.msk $0xffff, v24  }
0x7a: {  	v24 =	vld [tilespmem:$0x130];
	_ =	sdelay $0x4  }
0x7b: {  	v24 =	vmul.f32 $1.442695020e+00, v24;
	_ =	sdelay $0x1  }
0x7c: {  	(erf) = vpow2.f32 v24;
	_ =	sdelay $0x8  }
0x7d: {  	v24 =	vpop (erf)  }
0x7e: {  	[tilespmem:v19+s18+$0x0] =	vst.idx.msk $0xffff, v24  }
0x7f: {  	v24 =	vld [tilespmem:$0x140];
	_ =	sdelay $0x4  }
0x80: {  	v24 =	vmul.f32 $1.442695020e+00, v24;
	_ =	sdelay $0x1  }
0x81: {  	(erf) = vpow2.f32 v24;
	_ =	sdelay $0x8  }
0x82: {  	v24 =	vpop (erf)  }
0x83: {  	[tilespmem:v20+s18+$0x0] =	vst.idx.msk $0xffff, v24  }
0x84: {  	v24 =	vld [tilespmem:$0x150];
	_ =	sdelay $0x4  }
0x85: {  	v24 =	vmul.f32 $1.442695020e+00, v24;
	_ =	sdelay $0x1  }
0x86: {  	(erf) = vpow2.f32 v24;
	_ =	sdelay $0x8  }
0x87: {  	v24 =	vpop (erf)  }
0x88: {  	[tilespmem:v21+s18+$0x0] =	vst.idx.msk $0xffff, v24  }
0x89: {  	v24 =	vld [tilespmem:$0x160];
	_ =	sdelay $0x4  }
0x8a: {  	v24 =	vmul.f32 $1.442695020e+00, v24;
	_ =	sdelay $0x1  }
0x8b: {  	(erf) = vpow2.f32 v24;
	_ =	sdelay $0x8  }
0x8c: {  	v24 =	vpop (erf)  }
0x8d: {  	[tilespmem:v22+s18+$0x0] =	vst.idx.msk $0xffff, v24  }
0x8e: {  	v24 =	vld [tilespmem:$0x170];
	_ =	sdelay $0x4  }
0x8f: {  	v24 =	vmul.f32 $1.442695020e+00, v24;
	_ =	sdelay $0x1  }
0x90: {  	(erf) = vpow2.f32 v24;
	_ =	sdelay $0x8  }
0x91: {  	v24 =	vpop (erf)  }
0x92: {  	[tilespmem:v23+s18+$0x0] =	vst.idx.msk $0xffff, v24  }
0x93: {  	[hbm4b:s4+s2] =	stream.linear.scatter [tilespmem:s18], [sflag:$0x1], $0xC000, $0x38;
	[tilespmem:$0x19000] =	vst v63  }
0x94: {  	v24 =	vld [tilespmem:$0x180];
	_ =	sdelay $0x4  }
0x95: {  	v24 =	vmul.f32 $1.442695020e+00, v24;
	_ =	sdelay $0x1  }
0x96: {  	(erf) = vpow2.f32 v24;
	_ =	sdelay $0x8  }
0x97: {  	v24 =	vpop (erf)  }
0x98: {  	[tilespmem:v0+s19+$0x0] =	vst.idx.msk $0xffff, v24  }
0x99: {  	v24 =	vld [tilespmem:$0x190];
	_ =	sdelay $0x4  }
0x9a: {  	v24 =	vmul.f32 $1.442695020e+00, v24;
	_ =	sdelay $0x1  }
0x9b: {  	(erf) = vpow2.f32 v24;
	_ =	sdelay $0x8  }
0x9c: {  	v24 =	vpop (erf)  }
0x9d: {  	[tilespmem:v1+s19+$0x0] =	vst.idx.msk $0xffff, v24  }
0x9e: {  	v24 =	vld [tilespmem:$0x1A0];
	_ =	sdelay $0x4  }
0x9f: {  	v24 =	vmul.f32 $1.442695020e+00, v24;
	_ =	sdelay $0x1  }
0xa0: {  	(erf) = vpow2.f32 v24;
	_ =	sdelay $0x8  }
0xa1: {  	v24 =	vpop (erf)  }
0xa2: {  	[tilespmem:v2+s19+$0x0] =	vst.idx.msk $0xffff, v24  }
0xa3: {  	v24 =	vld [tilespmem:$0x1B0];
	_ =	sdelay $0x4  }
0xa4: {  	v24 =	vmul.f32 $1.442695020e+00, v24;
	_ =	sdelay $0x1  }
0xa5: {  	(erf) = vpow2.f32 v24;
	_ =	sdelay $0x8  }
0xa6: {  	v24 =	vpop (erf)  }
0xa7: {  	[tilespmem:v3+s19+$0x0] =	vst.idx.msk $0xffff, v24  }
0xa8: {  	v24 =	vld [tilespmem:$0x1C0];
	_ =	sdelay $0x4  }
0xa9: {  	v24 =	vmul.f32 $1.442695020e+00, v24;
	_ =	sdelay $0x1  }
0xaa: {  	(erf) = vpow2.f32 v24;
	_ =	sdelay $0x8  }
0xab: {  	v24 =	vpop (erf)  }
0xac: {  	[tilespmem:v4+s19+$0x0] =	vst.idx.msk $0xffff, v24  }
0xad: {  	v24 =	vld [tilespmem:$0x1D0];
	_ =	sdelay $0x4  }
0xae: {  	v24 =	vmul.f32 $1.442695020e+00, v24;
	_ =	sdelay $0x1  }
0xaf: {  	(erf) = vpow2.f32 v24;
	_ =	sdelay $0x8  }
0xb0: {  	v24 =	vpop (erf)  }
0xb1: {  	[tilespmem:v5+s19+$0x0] =	vst.idx.msk $0xffff, v24  }
0xb2: {  	v24 =	vld [tilespmem:$0x1E0];
	_ =	sdelay $0x4  }
0xb3: {  	v24 =	vmul.f32 $1.442695020e+00, v24;
	_ =	sdelay $0x1  }
0xb4: {  	(erf) = vpow2.f32 v24;
	_ =	sdelay $0x8  }
0xb5: {  	v24 =	vpop (erf)  }
0xb6: {  	[tilespmem:v6+s19+$0x0] =	vst.idx.msk $0xffff, v24  }
0xb7: {  	v24 =	vld [tilespmem:$0x1F0];
	_ =	sdelay $0x4  }
0xb8: {  	v24 =	vmul.f32 $1.442695020e+00, v24;
	_ =	sdelay $0x1  }
0xb9: {  	(erf) = vpow2.f32 v24;
	_ =	sdelay $0x8  }
0xba: {  	v24 =	vpop (erf)  }
0xbb: {  	[tilespmem:v7+s19+$0x0] =	vst.idx.msk $0xffff, v24  }
0xbc: {  	v24 =	vld [tilespmem:$0x200];
	_ =	sdelay $0x4  }
0xbd: {  	v24 =	vmul.f32 $1.442695020e+00, v24;
	_ =	sdelay $0x1  }
0xbe: {  	(erf) = vpow2.f32 v24;
	_ =	sdelay $0x8  }
0xbf: {  	v24 =	vpop (erf)  }
0xc0: {  	[tilespmem:v8+s19+$0x0] =	vst.idx.msk $0xffff, v24  }
0xc1: {  	v24 =	vld [tilespmem:$0x210];
	_ =	sdelay $0x4  }
0xc2: {  	v24 =	vmul.f32 $1.442695020e+00, v24;
	_ =	sdelay $0x1  }
0xc3: {  	(erf) = vpow2.f32 v24;
	_ =	sdelay $0x8  }
0xc4: {  	v24 =	vpop (erf)  }
0xc5: {  	[tilespmem:v9+s19+$0x0] =	vst.idx.msk $0xffff, v24  }
0xc6: {  	v24 =	vld [tilespmem:$0x220];
	_ =	sdelay $0x4  }
0xc7: {  	v24 =	vmul.f32 $1.442695020e+00, v24;
	_ =	sdelay $0x1  }
0xc8: {  	(erf) = vpow2.f32 v24;
	_ =	sdelay $0x8  }
0xc9: {  	v24 =	vpop (erf)  }
0xca: {  	[tilespmem:v10+s19+$0x0] =	vst.idx.msk $0xffff, v24  }
0xcb: {  	v24 =	vld [tilespmem:$0x230];
	_ =	sdelay $0x4  }
0xcc: {  	v24 =	vmul.f32 $1.442695020e+00, v24;
	_ =	sdelay $0x1  }
0xcd: {  	(erf) = vpow2.f32 v24;
	_ =	sdelay $0x8  }
0xce: {  	v24 =	vpop (erf)  }
0xcf: {  	[tilespmem:v11+s19+$0x0] =	vst.idx.msk $0xffff, v24  }
0xd0: {  	v24 =	vld [tilespmem:$0x240];
	_ =	sdelay $0x4  }
0xd1: {  	v24 =	vmul.f32 $1.442695020e+00, v24;
	_ =	sdelay $0x1  }
0xd2: {  	(erf) = vpow2.f32 v24;
	_ =	sdelay $0x8  }
0xd3: {  	v24 =	vpop (erf)  }
0xd4: {  	[tilespmem:v12+s19+$0x0] =	vst.idx.msk $0xffff, v24  }
0xd5: {  	v24 =	vld [tilespmem:$0x250];
	_ =	sdelay $0x4  }
0xd6: {  	v24 =	vmul.f32 $1.442695020e+00, v24;
	_ =	sdelay $0x1  }
0xd7: {  	(erf) = vpow2.f32 v24;
	_ =	sdelay $0x8  }
0xd8: {  	v24 =	vpop (erf)  }
0xd9: {  	[tilespmem:v13+s19+$0x0] =	vst.idx.msk $0xffff, v24  }
0xda: {  	v24 =	vld [tilespmem:$0x260];
	_ =	sdelay $0x4  }
0xdb: {  	v24 =	vmul.f32 $1.442695020e+00, v24;
	_ =	sdelay $0x1  }
0xdc: {  	(erf) = vpow2.f32 v24;
	_ =	sdelay $0x8  }
0xdd: {  	v24 =	vpop (erf)  }
0xde: {  	[tilespmem:v14+s19+$0x0] =	vst.idx.msk $0xffff, v24  }
0xdf: {  	v24 =	vld [tilespmem:$0x270];
	_ =	sdelay $0x4  }
0xe0: {  	v24 =	vmul.f32 $1.442695020e+00, v24;
	_ =	sdelay $0x1  }
0xe1: {  	(erf) = vpow2.f32 v24;
	_ =	sdelay $0x8  }
0xe2: {  	v24 =	vpop (erf)  }
0xe3: {  	[tilespmem:v15+s19+$0x0] =	vst.idx.msk $0xffff, v24  }
0xe4: {  	v24 =	vld [tilespmem:$0x280];
	_ =	sdelay $0x4  }
0xe5: {  	v24 =	vmul.f32 $1.442695020e+00, v24;
	_ =	sdelay $0x1  }
0xe6: {  	(erf) = vpow2.f32 v24;
	_ =	sdelay $0x8  }
0xe7: {  	v24 =	vpop (erf)  }
0xe8: {  	[tilespmem:v16+s19+$0x0] =	vst.idx.msk $0xffff, v24  }
0xe9: {  	v24 =	vld [tilespmem:$0x290];
	_ =	sdelay $0x4  }
0xea: {  	v24 =	vmul.f32 $1.442695020e+00, v24;
	_ =	sdelay $0x1  }
0xeb: {  	(erf) = vpow2.f32 v24;
	_ =	sdelay $0x8  }
0xec: {  	v24 =	vpop (erf)  }
0xed: {  	[tilespmem:v17+s19+$0x0] =	vst.idx.msk $0xffff, v24  }
0xee: {  	v24 =	vld [tilespmem:$0x2A0];
	_ =	sdelay $0x4  }
0xef: {  	v24 =	vmul.f32 $1.442695020e+00, v24;
	_ =	sdelay $0x1  }
0xf0: {  	(erf) = vpow2.f32 v24;
	_ =	sdelay $0x8  }
0xf1: {  	v24 =	vpop (erf)  }
0xf2: {  	[tilespmem:v18+s19+$0x0] =	vst.idx.msk $0xffff, v24  }
0xf3: {  	v24 =	vld [tilespmem:$0x2B0];
	_ =	sdelay $0x4  }
0xf4: {  	v24 =	vmul.f32 $1.442695020e+00, v24;
	_ =	sdelay $0x1  }
0xf5: {  	(erf) = vpow2.f32 v24;
	_ =	sdelay $0x8  }
0xf6: {  	v24 =	vpop (erf)  }
0xf7: {  	[tilespmem:v19+s19+$0x0] =	vst.idx.msk $0xffff, v24  }
0xf8: {  	v24 =	vld [tilespmem:$0x2C0];
	_ =	sdelay $0x4  }
0xf9: {  	v24 =	vmul.f32 $1.442695020e+00, v24;
	_ =	sdelay $0x1  }
0xfa: {  	(erf) = vpow2.f32 v24;
	_ =	sdelay $0x8  }
0xfb: {  	v24 =	vpop (erf)  }
0xfc: {  	[tilespmem:v20+s19+$0x0] =	vst.idx.msk $0xffff, v24  }
0xfd: {  	v24 =	vld [tilespmem:$0x2D0];
	_ =	sdelay $0x4  }
0xfe: {  	v24 =	vmul.f32 $1.442695020e+00, v24;
	_ =	sdelay $0x1  }
0xff: {  	(erf) = vpow2.f32 v24;
	_ =	sdelay $0x8  }
0x100: {  	v24 =	vpop (erf)  }
0x101: {  	[tilespmem:v21+s19+$0x0] =	vst.idx.msk $0xffff, v24  }
0x102: {  	v24 =	vld [tilespmem:$0x2E0];
	_ =	sdelay $0x4  }
0x103: {  	v24 =	vmul.f32 $1.442695020e+00, v24;
	_ =	sdelay $0x1  }
0x104: {  	(erf) = vpow2.f32 v24;
	_ =	sdelay $0x8  }
0x105: {  	v24 =	vpop (erf)  }
0x106: {  	[tilespmem:v22+s19+$0x0] =	vst.idx.msk $0xffff, v24  }
0x107: {  	v24 =	vld [tilespmem:$0x2F0];
	_ =	sdelay $0x4  }
0x108: {  	v24 =	vmul.f32 $1.442695020e+00, v24;
	_ =	sdelay $0x1  }
0x109: {  	(erf) = vpow2.f32 v24;
	_ =	sdelay $0x8  }
0x10a: {  	v24 =	vpop (erf)  }
0x10b: {  	[tilespmem:v23+s19+$0x0] =	vst.idx.msk $0xffff, v24  }
0x10c: {  	[hbm4b:s6+s2] =	stream.linear.scatter [tilespmem:s19], [sflag:$0x2], $0xC000, $0x38;
	[tilespmem:$0x19000] =	vst v63  }
0x10d: {  	_ =	swait.ge [sflag:s20], $0xC000  }
0x10e: {  	[sflag:s20] =	ssyncset.done $0x0  }
0x10f: {  	[sflag:s20] =	ssyncadd.s32 $0xFFFF4000  }
0x110: {  	v55 =	vld [tilespmem:$0x300];
	_ =	sdelay $0x4  }
0x111: {  	v24 =	vmul.f32 $1.442695020e+00, v55;
	_ =	sdelay $0x1  }
0x112: {  	(erf) = vpow2.f32 v24;
	_ =	sdelay $0x8  }
0x113: {  	v24 =	vpop (erf)  }
0x114: {  	[tilespmem:v0+s18+$0x0] =	vst.idx.msk $0xffff, v24  }
0x115: {  	v24 =	vld [tilespmem:$0x310];
	_ =	sdelay $0x4  }
0x116: {  	v24 =	vmul.f32 $1.442695020e+00, v24;
	_ =	sdelay $0x1  }
0x117: {  	(erf) = vpow2.f32 v24;
	_ =	sdelay $0x8  }
0x118: {  	v24 =	vpop (erf)  }
0x119: {  	[tilespmem:v1+s18+$0x0] =	vst.idx.msk $0xffff, v24  }
0x11a: {  	v24 =	vld [tilespmem:$0x320];
	_ =	sdelay $0x4  }
0x11b: {  	v24 =	vmul.f32 $1.442695020e+00, v24;
	_ =	sdelay $0x1  }
0x11c: {  	(erf) = vpow2.f32 v24;
	_ =	sdelay $0x8  }
0x11d: {  	v24 =	vpop (erf)  }
0x11e: {  	[tilespmem:v2+s18+$0x0] =	vst.idx.msk $0xffff, v24  }
0x11f: {  	v24 =	vld [tilespmem:$0x330];
	_ =	sdelay $0x4  }
0x120: {  	v24 =	vmul.f32 $1.442695020e+00, v24;
	_ =	sdelay $0x1  }
0x121: {  	(erf) = vpow2.f32 v24;
	_ =	sdelay $0x8  }
0x122: {  	v24 =	vpop (erf)  }
0x123: {  	[tilespmem:v3+s18+$0x0] =	vst.idx.msk $0xffff, v24  }
0x124: {  	v24 =	vld [tilespmem:$0x340];
	_ =	sdelay $0x4  }
0x125: {  	v24 =	vmul.f32 $1.442695020e+00, v24;
	_ =	sdelay $0x1  }
0x126: {  	(erf) = vpow2.f32 v24;
	_ =	sdelay $0x8  }
0x127: {  	v24 =	vpop (erf)  }
0x128: {  	[tilespmem:v4+s18+$0x0] =	vst.idx.msk $0xffff, v24  }
0x129: {  	v24 =	vld [tilespmem:$0x350];
	_ =	sdelay $0x4  }
0x12a: {  	v24 =	vmul.f32 $1.442695020e+00, v24;
	_ =	sdelay $0x1  }
0x12b: {  	(erf) = vpow2.f32 v24;
	_ =	sdelay $0x8  }
0x12c: {  	v24 =	vpop (erf)  }
0x12d: {  	[tilespmem:v5+s18+$0x0] =	vst.idx.msk $0xffff, v24  }
0x12e: {  	v24 =	vld [tilespmem:$0x360];
	_ =	sdelay $0x4  }
0x12f: {  	v24 =	vmul.f32 $1.442695020e+00, v24;
	_ =	sdelay $0x1  }
0x130: {  	(erf) = vpow2.f32 v24;
	_ =	sdelay $0x8  }
0x131: {  	v24 =	vpop (erf)  }
0x132: {  	[tilespmem:v6+s18+$0x0] =	vst.idx.msk $0xffff, v24  }
0x133: {  	v24 =	vld [tilespmem:$0x370];
	_ =	sdelay $0x4  }
0x134: {  	v24 =	vmul.f32 $1.442695020e+00, v24;
	_ =	sdelay $0x1  }
0x135: {  	(erf) = vpow2.f32 v24;
	_ =	sdelay $0x8  }
0x136: {  	v24 =	vpop (erf)  }
0x137: {  	[tilespmem:v7+s18+$0x0] =	vst.idx.msk $0xffff, v24  }
0x138: {  	v24 =	vld [tilespmem:$0x380];
	_ =	sdelay $0x4  }
0x139: {  	v24 =	vmul.f32 $1.442695020e+00, v24;
	_ =	sdelay $0x1  }
0x13a: {  	(erf) = vpow2.f32 v24;
	_ =	sdelay $0x8  }
0x13b: {  	v24 =	vpop (erf)  }
0x13c: {  	[tilespmem:v8+s18+$0x0] =	vst.idx.msk $0xffff, v24  }
0x13d: {  	v24 =	vld [tilespmem:$0x390];
	_ =	sdelay $0x4  }
0x13e: {  	v24 =	vmul.f32 $1.442695020e+00, v24;
	_ =	sdelay $0x1  }
0x13f: {  	(erf) = vpow2.f32 v24;
	_ =	sdelay $0x8  }
0x140: {  	v24 =	vpop (erf)  }
0x141: {  	[tilespmem:v9+s18+$0x0] =	vst.idx.msk $0xffff, v24  }
0x142: {  	v24 =	vld [tilespmem:$0x3A0];
	_ =	sdelay $0x4  }
0x143: {  	v24 =	vmul.f32 $1.442695020e+00, v24;
	_ =	sdelay $0x1  }
0x144: {  	(erf) = vpow2.f32 v24;
	_ =	sdelay $0x8  }
0x145: {  	v24 =	vpop (erf)  }
0x146: {  	[tilespmem:v10+s18+$0x0] =	vst.idx.msk $0xffff, v24  }
0x147: {  	v24 =	vld [tilespmem:$0x3B0];
	_ =	sdelay $0x4  }
0x148: {  	v24 =	vmul.f32 $1.442695020e+00, v24;
	_ =	sdelay $0x1  }
0x149: {  	(erf) = vpow2.f32 v24;
	_ =	sdelay $0x8  }
0x14a: {  	v24 =	vpop (erf)  }
0x14b: {  	[tilespmem:v11+s18+$0x0] =	vst.idx.msk $0xffff, v24  }
0x14c: {  	v24 =	vld [tilespmem:$0x3C0];
	_ =	sdelay $0x4  }
0x14d: {  	v24 =	vmul.f32 $1.442695020e+00, v24;
	_ =	sdelay $0x1  }
0x14e: {  	(erf) = vpow2.f32 v24;
	_ =	sdelay $0x8  }
0x14f: {  	v24 =	vpop (erf)  }
0x150: {  	[tilespmem:v12+s18+$0x0] =	vst.idx.msk $0xffff, v24  }
0x151: {  	v24 =	vld [tilespmem:$0x3D0];
	_ =	sdelay $0x4  }
0x152: {  	v24 =	vmul.f32 $1.442695020e+00, v24;
	_ =	sdelay $0x1  }
0x153: {  	(erf) = vpow2.f32 v24;
	_ =	sdelay $0x8  }
0x154: {  	v24 =	vpop (erf)  }
0x155: {  	[tilespmem:v13+s18+$0x0] =	vst.idx.msk $0xffff, v24  }
0x156: {  	v24 =	vld [tilespmem:$0x3E0];
	_ =	sdelay $0x4  }
0x157: {  	v24 =	vmul.f32 $1.442695020e+00, v24;
	_ =	sdelay $0x1  }
0x158: {  	(erf) = vpow2.f32 v24;
	_ =	sdelay $0x8  }
0x159: {  	v24 =	vpop (erf)  }
0x15a: {  	[tilespmem:v14+s18+$0x0] =	vst.idx.msk $0xffff, v24  }
0x15b: {  	v24 =	vld [tilespmem:$0x3F0];
	_ =	sdelay $0x4  }
0x15c: {  	v24 =	vmul.f32 $1.442695020e+00, v24;
	_ =	sdelay $0x1  }
0x15d: {  	(erf) = vpow2.f32 v24;
	_ =	sdelay $0x8  }
0x15e: {  	v24 =	vpop (erf)  }
0x15f: {  	[tilespmem:v15+s18+$0x0] =	vst.idx.msk $0xffff, v24  }
0x160: {  	v24 =	vld [tilespmem:$0x400];
	_ =	sdelay $0x4  }
0x161: {  	v24 =	vmul.f32 $1.442695020e+00, v24;
	_ =	sdelay $0x1  }
0x162: {  	(erf) = vpow2.f32 v24;
	_ =	sdelay $0x8  }
0x163: {  	v24 =	vpop (erf)  }
0x164: {  	[tilespmem:v16+s18+$0x0] =	vst.idx.msk $0xffff, v24  }
0x165: {  	v24 =	vld [tilespmem:$0x410];
	_ =	sdelay $0x4  }
0x166: {  	v24 =	vmul.f32 $1.442695020e+00, v24;
	_ =	sdelay $0x1  }
0x167: {  	(erf) = vpow2.f32 v24;
	_ =	sdelay $0x8  }
0x168: {  	v24 =	vpop (erf)  }
0x169: {  	[tilespmem:v17+s18+$0x0] =	vst.idx.msk $0xffff, v24  }
0x16a: {  	v24 =	vld [tilespmem:$0x420];
	_ =	sdelay $0x4  }
0x16b: {  	v24 =	vmul.f32 $1.442695020e+00, v24;
	_ =	sdelay $0x1  }
0x16c: {  	(erf) = vpow2.f32 v24;
	_ =	sdelay $0x8  }
0x16d: {  	v24 =	vpop (erf)  }
0x16e: {  	[tilespmem:v18+s18+$0x0] =	vst.idx.msk $0xffff, v24  }
0x16f: {  	v24 =	vld [tilespmem:$0x430];
	_ =	sdelay $0x4  }
0x170: {  	v24 =	vmul.f32 $1.442695020e+00, v24;
	_ =	sdelay $0x1  }
0x171: {  	(erf) = vpow2.f32 v24;
	_ =	sdelay $0x8  }
0x172: {  	v24 =	vpop (erf)  }
0x173: {  	[tilespmem:v19+s18+$0x0] =	vst.idx.msk $0xffff, v24  }
0x174: {  	v24 =	vld [tilespmem:$0x440];
	_ =	sdelay $0x4  }
0x175: {  	v24 =	vmul.f32 $1.442695020e+00, v24;
	_ =	sdelay $0x1  }
0x176: {  	(erf) = vpow2.f32 v24;
	_ =	sdelay $0x8  }
0x177: {  	v24 =	vpop (erf)  }
0x178: {  	[tilespmem:v20+s18+$0x0] =	vst.idx.msk $0xffff, v24  }
0x179: {  	v24 =	vld [tilespmem:$0x450];
	_ =	sdelay $0x4  }
0x17a: {  	v24 =	vmul.f32 $1.442695020e+00, v24;
	_ =	sdelay $0x1  }
0x17b: {  	(erf) = vpow2.f32 v24;
	_ =	sdelay $0x8  }
0x17c: {  	v24 =	vpop (erf)  }
0x17d: {  	[tilespmem:v21+s18+$0x0] =	vst.idx.msk $0xffff, v24  }
0x17e: {  	v24 =	vld [tilespmem:$0x460];
	_ =	sdelay $0x4  }
0x17f: {  	v24 =	vmul.f32 $1.442695020e+00, v24;
	_ =	sdelay $0x1  }
0x180: {  	(erf) = vpow2.f32 v24;
	_ =	sdelay $0x8  }
0x181: {  	v24 =	vpop (erf)  }
0x182: {  	[tilespmem:v22+s18+$0x0] =	vst.idx.msk $0xffff, v24  }
0x183: {  	v24 =	vld [tilespmem:$0x470];
	_ =	sdelay $0x4  }
0x184: {  	v24 =	vmul.f32 $1.442695020e+00, v24;
	_ =	sdelay $0x1  }
0x185: {  	(erf) = vpow2.f32 v24;
	_ =	sdelay $0x8  }
0x186: {  	v24 =	vpop (erf)  }
0x187: {  	[tilespmem:v23+s18+$0x0] =	vst.idx.msk $0xffff, v24  }
0x188: {  	[hbm4b:s7+s2] =	stream.linear.scatter [tilespmem:s18], [sflag:$0x1], $0xC000, $0x38;
	[tilespmem:$0x19000] =	vst v63  }
0x189: {  	_ =	swait.ge [sflag:s21], $0xC000  }
0x18a: {  	[sflag:s21] =	ssyncset.done $0x0  }
0x18b: {  	[sflag:s21] =	ssyncadd.s32 $0xFFFF4000  }
0x18c: {  	v56 =	vld [tilespmem:$0x480];
	_ =	sdelay $0x4  }
0x18d: {  	v24 =	vmul.f32 $1.442695020e+00, v56;
	_ =	sdelay $0x1  }
0x18e: {  	(erf) = vpow2.f32 v24;
	_ =	sdelay $0x8  }
0x18f: {  	v24 =	vpop (erf)  }
0x190: {  	[tilespmem:v0+s19+$0x0] =	vst.idx.msk $0xffff, v24  }
0x191: {  	v24 =	vld [tilespmem:$0x490];
	_ =	sdelay $0x4  }
0x192: {  	v24 =	vmul.f32 $1.442695020e+00, v24;
	_ =	sdelay $0x1  }
0x193: {  	(erf) = vpow2.f32 v24;
	_ =	sdelay $0x8  }
0x194: {  	v24 =	vpop (erf)  }
0x195: {  	[tilespmem:v1+s19+$0x0] =	vst.idx.msk $0xffff, v24  }
0x196: {  	v24 =	vld [tilespmem:$0x4A0];
	_ =	sdelay $0x4  }
0x197: {  	v24 =	vmul.f32 $1.442695020e+00, v24;
	_ =	sdelay $0x1  }
0x198: {  	(erf) = vpow2.f32 v24;
	_ =	sdelay $0x8  }
0x199: {  	v24 =	vpop (erf)  }
0x19a: {  	[tilespmem:v2+s19+$0x0] =	vst.idx.msk $0xffff, v24  }
0x19b: {  	v24 =	vld [tilespmem:$0x4B0];
	_ =	sdelay $0x4  }
0x19c: {  	v24 =	vmul.f32 $1.442695020e+00, v24;
	_ =	sdelay $0x1  }
0x19d: {  	(erf) = vpow2.f32 v24;
	_ =	sdelay $0x8  }
0x19e: {  	v24 =	vpop (erf)  }
0x19f: {  	[tilespmem:v3+s19+$0x0] =	vst.idx.msk $0xffff, v24  }
0x1a0: {  	v24 =	vld [tilespmem:$0x4C0];
	_ =	sdelay $0x4  }
0x1a1: {  	v24 =	vmul.f32 $1.442695020e+00, v24;
	_ =	sdelay $0x1  }
0x1a2: {  	(erf) = vpow2.f32 v24;
	_ =	sdelay $0x8  }
0x1a3: {  	v24 =	vpop (erf)  }
0x1a4: {  	[tilespmem:v4+s19+$0x0] =	vst.idx.msk $0xffff, v24  }
0x1a5: {  	v24 =	vld [tilespmem:$0x4D0];
	_ =	sdelay $0x4  }
0x1a6: {  	v24 =	vmul.f32 $1.442695020e+00, v24;
	_ =	sdelay $0x1  }
0x1a7: {  	(erf) = vpow2.f32 v24;
	_ =	sdelay $0x8  }
0x1a8: {  	v24 =	vpop (erf)  }
0x1a9: {  	[tilespmem:v5+s19+$0x0] =	vst.idx.msk $0xffff, v24  }
0x1aa: {  	v24 =	vld [tilespmem:$0x4E0];
	_ =	sdelay $0x4  }
0x1ab: {  	v24 =	vmul.f32 $1.442695020e+00, v24;
	_ =	sdelay $0x1  }
0x1ac: {  	(erf) = vpow2.f32 v24;
	_ =	sdelay $0x8  }
0x1ad: {  	v24 =	vpop (erf)  }
0x1ae: {  	[tilespmem:v6+s19+$0x0] =	vst.idx.msk $0xffff, v24  }
0x1af: {  	v24 =	vld [tilespmem:$0x4F0];
	_ =	sdelay $0x4  }
0x1b0: {  	v24 =	vmul.f32 $1.442695020e+00, v24;
	_ =	sdelay $0x1  }
0x1b1: {  	(erf) = vpow2.f32 v24;
	_ =	sdelay $0x8  }
0x1b2: {  	v24 =	vpop (erf)  }
0x1b3: {  	[tilespmem:v7+s19+$0x0] =	vst.idx.msk $0xffff, v24  }
0x1b4: {  	v24 =	vld [tilespmem:$0x500];
	_ =	sdelay $0x4  }
0x1b5: {  	v24 =	vmul.f32 $1.442695020e+00, v24;
	_ =	sdelay $0x1  }
0x1b6: {  	(erf) = vpow2.f32 v24;
	_ =	sdelay $0x8  }
0x1b7: {  	v24 =	vpop (erf)  }
0x1b8: {  	[tilespmem:v8+s19+$0x0] =	vst.idx.msk $0xffff, v24  }
0x1b9: {  	v24 =	vld [tilespmem:$0x510];
	_ =	sdelay $0x4  }
0x1ba: {  	v24 =	vmul.f32 $1.442695020e+00, v24;
	_ =	sdelay $0x1  }
0x1bb: {  	(erf) = vpow2.f32 v24;
	_ =	sdelay $0x8  }
0x1bc: {  	v24 =	vpop (erf)  }
0x1bd: {  	[tilespmem:v9+s19+$0x0] =	vst.idx.msk $0xffff, v24  }
0x1be: {  	v24 =	vld [tilespmem:$0x520];
	_ =	sdelay $0x4  }
0x1bf: {  	v24 =	vmul.f32 $1.442695020e+00, v24;
	_ =	sdelay $0x1  }
0x1c0: {  	(erf) = vpow2.f32 v24;
	_ =	sdelay $0x8  }
0x1c1: {  	v24 =	vpop (erf)  }
0x1c2: {  	[tilespmem:v10+s19+$0x0] =	vst.idx.msk $0xffff, v24  }
0x1c3: {  	v24 =	vld [tilespmem:$0x530];
	_ =	sdelay $0x4  }
0x1c4: {  	v24 =	vmul.f32 $1.442695020e+00, v24;
	_ =	sdelay $0x1  }
0x1c5: {  	(erf) = vpow2.f32 v24;
	_ =	sdelay $0x8  }
0x1c6: {  	v24 =	vpop (erf)  }
0x1c7: {  	[tilespmem:v11+s19+$0x0] =	vst.idx.msk $0xffff, v24  }
0x1c8: {  	v24 =	vld [tilespmem:$0x540];
	_ =	sdelay $0x4  }
0x1c9: {  	v24 =	vmul.f32 $1.442695020e+00, v24;
	_ =	sdelay $0x1  }
0x1ca: {  	(erf) = vpow2.f32 v24;
	_ =	sdelay $0x8  }
0x1cb: {  	v24 =	vpop (erf)  }
0x1cc: {  	[tilespmem:v12+s19+$0x0] =	vst.idx.msk $0xffff, v24  }
0x1cd: {  	v24 =	vld [tilespmem:$0x550];
	_ =	sdelay $0x4  }
0x1ce: {  	v24 =	vmul.f32 $1.442695020e+00, v24;
	_ =	sdelay $0x1  }
0x1cf: {  	(erf) = vpow2.f32 v24;
	_ =	sdelay $0x8  }
0x1d0: {  	v24 =	vpop (erf)  }
0x1d1: {  	[tilespmem:v13+s19+$0x0] =	vst.idx.msk $0xffff, v24  }
0x1d2: {  	v24 =	vld [tilespmem:$0x560];
	_ =	sdelay $0x4  }
0x1d3: {  	v24 =	vmul.f32 $1.442695020e+00, v24;
	_ =	sdelay $0x1  }
0x1d4: {  	(erf) = vpow2.f32 v24;
	_ =	sdelay $0x8  }
0x1d5: {  	v24 =	vpop (erf)  }
0x1d6: {  	[tilespmem:v14+s19+$0x0] =	vst.idx.msk $0xffff, v24  }
0x1d7: {  	v24 =	vld [tilespmem:$0x570];
	_ =	sdelay $0x4  }
0x1d8: {  	v24 =	vmul.f32 $1.442695020e+00, v24;
	_ =	sdelay $0x1  }
0x1d9: {  	(erf) = vpow2.f32 v24;
	_ =	sdelay $0x8  }
0x1da: {  	v24 =	vpop (erf)  }
0x1db: {  	[tilespmem:v15+s19+$0x0] =	vst.idx.msk $0xffff, v24  }
0x1dc: {  	v24 =	vld [tilespmem:$0x580];
	_ =	sdelay $0x4  }
0x1dd: {  	v24 =	vmul.f32 $1.442695020e+00, v24;
	_ =	sdelay $0x1  }
0x1de: {  	(erf) = vpow2.f32 v24;
	_ =	sdelay $0x8  }
0x1df: {  	v24 =	vpop (erf)  }
0x1e0: {  	[tilespmem:v16+s19+$0x0] =	vst.idx.msk $0xffff, v24  }
0x1e1: {  	v24 =	vld [tilespmem:$0x590];
	_ =	sdelay $0x4  }
0x1e2: {  	v24 =	vmul.f32 $1.442695020e+00, v24;
	_ =	sdelay $0x1  }
0x1e3: {  	(erf) = vpow2.f32 v24;
	_ =	sdelay $0x8  }
0x1e4: {  	v24 =	vpop (erf)  }
0x1e5: {  	[tilespmem:v17+s19+$0x0] =	vst.idx.msk $0xffff, v24  }
0x1e6: {  	v24 =	vld [tilespmem:$0x5A0];
	_ =	sdelay $0x4  }
0x1e7: {  	v24 =	vmul.f32 $1.442695020e+00, v24;
	_ =	sdelay $0x1  }
0x1e8: {  	(erf) = vpow2.f32 v24;
	_ =	sdelay $0x8  }
0x1e9: {  	v24 =	vpop (erf)  }
0x1ea: {  	[tilespmem:v18+s19+$0x0] =	vst.idx.msk $0xffff, v24  }
0x1eb: {  	v24 =	vld [tilespmem:$0x5B0];
	_ =	sdelay $0x4  }
0x1ec: {  	v24 =	vmul.f32 $1.442695020e+00, v24;
	_ =	sdelay $0x1  }
0x1ed: {  	(erf) = vpow2.f32 v24;
	_ =	sdelay $0x8  }
0x1ee: {  	v24 =	vpop (erf)  }
0x1ef: {  	[tilespmem:v19+s19+$0x0] =	vst.idx.msk $0xffff, v24  }
0x1f0: {  	v24 =	vld [tilespmem:$0x5C0];
	_ =	sdelay $0x4  }
0x1f1: {  	v24 =	vmul.f32 $1.442695020e+00, v24;
	_ =	sdelay $0x1  }
0x1f2: {  	(erf) = vpow2.f32 v24;
	_ =	sdelay $0x8  }
0x1f3: {  	v24 =	vpop (erf)  }
0x1f4: {  	[tilespmem:v20+s19+$0x0] =	vst.idx.msk $0xffff, v24  }
0x1f5: {  	v24 =	vld [tilespmem:$0x5D0];
	_ =	sdelay $0x4  }
0x1f6: {  	v24 =	vmul.f32 $1.442695020e+00, v24;
	_ =	sdelay $0x1  }
0x1f7: {  	(erf) = vpow2.f32 v24;
	_ =	sdelay $0x8  }
0x1f8: {  	v24 =	vpop (erf)  }
0x1f9: {  	[tilespmem:v21+s19+$0x0] =	vst.idx.msk $0xffff, v24  }
0x1fa: {  	v24 =	vld [tilespmem:$0x5E0];
	_ =	sdelay $0x4  }
0x1fb: {  	v24 =	vmul.f32 $1.442695020e+00, v24;
	_ =	sdelay $0x1  }
0x1fc: {  	(erf) = vpow2.f32 v24;
	_ =	sdelay $0x8  }
0x1fd: {  	v24 =	vpop (erf)  }
0x1fe: {  	[tilespmem:v22+s19+$0x0] =	vst.idx.msk $0xffff, v24  }
0x1ff: {  	v24 =	vld [tilespmem:$0x5F0];
	_ =	sdelay $0x4  }
0x200: {  	v24 =	vmul.f32 $1.442695020e+00, v24;
	_ =	sdelay $0x1  }
0x201: {  	(erf) = vpow2.f32 v24;
	_ =	sdelay $0x8  }
0x202: {  	v24 =	vpop (erf)  }
0x203: {  	[tilespmem:v23+s19+$0x0] =	vst.idx.msk $0xffff, v24  }
0x204: {  	[hbm4b:s8+s2] =	stream.linear.scatter [tilespmem:s19], [sflag:$0x2], $0xC000, $0x38;
	[tilespmem:$0x19000] =	vst v63  }
0x205: {  	_ =	swait.ge [sflag:s20], $0xC000  }
0x206: {  	[sflag:s20] =	ssyncset.done $0x0  }
0x207: {  	[sflag:s20] =	ssyncadd.s32 $0xFFFF4000  }
0x208: {  	v57 =	vld [tilespmem:$0x600];
	_ =	sdelay $0x4  }
0x209: {  	v24 =	vmul.f32 $1.442695020e+00, v57;
	_ =	sdelay $0x1  }
0x20a: {  	(erf) = vpow2.f32 v24;
	_ =	sdelay $0x8  }
0x20b: {  	v24 =	vpop (erf)  }
0x20c: {  	[tilespmem:v0+s18+$0x0] =	vst.idx.msk $0xffff, v24  }
0x20d: {  	v24 =	vld [tilespmem:$0x610];
	_ =	sdelay $0x4  }
0x20e: {  	v24 =	vmul.f32 $1.442695020e+00, v24;
	_ =	sdelay $0x1  }
0x20f: {  	(erf) = vpow2.f32 v24;
	_ =	sdelay $0x8  }
0x210: {  	v24 =	vpop (erf)  }
0x211: {  	[tilespmem:v1+s18+$0x0] =	vst.idx.msk $0xffff, v24  }
0x212: {  	v24 =	vld [tilespmem:$0x620];
	_ =	sdelay $0x4  }
0x213: {  	v24 =	vmul.f32 $1.442695020e+00, v24;
	_ =	sdelay $0x1  }
0x214: {  	(erf) = vpow2.f32 v24;
	_ =	sdelay $0x8  }
0x215: {  	v24 =	vpop (erf)  }
0x216: {  	[tilespmem:v2+s18+$0x0] =	vst.idx.msk $0xffff, v24  }
0x217: {  	v24 =	vld [tilespmem:$0x630];
	_ =	sdelay $0x4  }
0x218: {  	v24 =	vmul.f32 $1.442695020e+00, v24;
	_ =	sdelay $0x1  }
0x219: {  	(erf) = vpow2.f32 v24;
	_ =	sdelay $0x8  }
0x21a: {  	v24 =	vpop (erf)  }
0x21b: {  	[tilespmem:v3+s18+$0x0] =	vst.idx.msk $0xffff, v24  }
0x21c: {  	v24 =	vld [tilespmem:$0x640];
	_ =	sdelay $0x4  }
0x21d: {  	v24 =	vmul.f32 $1.442695020e+00, v24;
	_ =	sdelay $0x1  }
0x21e: {  	(erf) = vpow2.f32 v24;
	_ =	sdelay $0x8  }
0x21f: {  	v24 =	vpop (erf)  }
0x220: {  	[tilespmem:v4+s18+$0x0] =	vst.idx.msk $0xffff, v24  }
0x221: {  	v24 =	vld [tilespmem:$0x650];
	_ =	sdelay $0x4  }
0x222: {  	v24 =	vmul.f32 $1.442695020e+00, v24;
	_ =	sdelay $0x1  }
0x223: {  	(erf) = vpow2.f32 v24;
	_ =	sdelay $0x8  }
0x224: {  	v24 =	vpop (erf)  }
0x225: {  	[tilespmem:v5+s18+$0x0] =	vst.idx.msk $0xffff, v24  }
0x226: {  	v24 =	vld [tilespmem:$0x660];
	_ =	sdelay $0x4  }
0x227: {  	v24 =	vmul.f32 $1.442695020e+00, v24;
	_ =	sdelay $0x1  }
0x228: {  	(erf) = vpow2.f32 v24;
	_ =	sdelay $0x8  }
0x229: {  	v24 =	vpop (erf)  }
0x22a: {  	[tilespmem:v6+s18+$0x0] =	vst.idx.msk $0xffff, v24  }
0x22b: {  	v24 =	vld [tilespmem:$0x670];
	_ =	sdelay $0x4  }
0x22c: {  	v24 =	vmul.f32 $1.442695020e+00, v24;
	_ =	sdelay $0x1  }
0x22d: {  	(erf) = vpow2.f32 v24;
	_ =	sdelay $0x8  }
0x22e: {  	v24 =	vpop (erf)  }
0x22f: {  	[tilespmem:v7+s18+$0x0] =	vst.idx.msk $0xffff, v24  }
0x230: {  	v24 =	vld [tilespmem:$0x680];
	_ =	sdelay $0x4  }
0x231: {  	v24 =	vmul.f32 $1.442695020e+00, v24;
	_ =	sdelay $0x1  }
0x232: {  	(erf) = vpow2.f32 v24;
	_ =	sdelay $0x8  }
0x233: {  	v24 =	vpop (erf)  }
0x234: {  	[tilespmem:v8+s18+$0x0] =	vst.idx.msk $0xffff, v24  }
0x235: {  	v24 =	vld [tilespmem:$0x690];
	_ =	sdelay $0x4  }
0x236: {  	v24 =	vmul.f32 $1.442695020e+00, v24;
	_ =	sdelay $0x1  }
0x237: {  	(erf) = vpow2.f32 v24;
	_ =	sdelay $0x8  }
0x238: {  	v24 =	vpop (erf)  }
0x239: {  	[tilespmem:v9+s18+$0x0] =	vst.idx.msk $0xffff, v24  }
0x23a: {  	v24 =	vld [tilespmem:$0x6A0];
	_ =	sdelay $0x4  }
0x23b: {  	v24 =	vmul.f32 $1.442695020e+00, v24;
	_ =	sdelay $0x1  }
0x23c: {  	(erf) = vpow2.f32 v24;
	_ =	sdelay $0x8  }
0x23d: {  	v24 =	vpop (erf)  }
0x23e: {  	[tilespmem:v10+s18+$0x0] =	vst.idx.msk $0xffff, v24  }
0x23f: {  	v24 =	vld [tilespmem:$0x6B0];
	_ =	sdelay $0x4  }
0x240: {  	v24 =	vmul.f32 $1.442695020e+00, v24;
	_ =	sdelay $0x1  }
0x241: {  	(erf) = vpow2.f32 v24;
	_ =	sdelay $0x8  }
0x242: {  	v24 =	vpop (erf)  }
0x243: {  	[tilespmem:v11+s18+$0x0] =	vst.idx.msk $0xffff, v24  }
0x244: {  	v24 =	vld [tilespmem:$0x6C0];
	_ =	sdelay $0x4  }
0x245: {  	v24 =	vmul.f32 $1.442695020e+00, v24;
	_ =	sdelay $0x1  }
0x246: {  	(erf) = vpow2.f32 v24;
	_ =	sdelay $0x8  }
0x247: {  	v24 =	vpop (erf)  }
0x248: {  	[tilespmem:v12+s18+$0x0] =	vst.idx.msk $0xffff, v24  }
0x249: {  	v24 =	vld [tilespmem:$0x6D0];
	_ =	sdelay $0x4  }
0x24a: {  	v24 =	vmul.f32 $1.442695020e+00, v24;
	_ =	sdelay $0x1  }
0x24b: {  	(erf) = vpow2.f32 v24;
	_ =	sdelay $0x8  }
0x24c: {  	v24 =	vpop (erf)  }
0x24d: {  	[tilespmem:v13+s18+$0x0] =	vst.idx.msk $0xffff, v24  }
0x24e: {  	v24 =	vld [tilespmem:$0x6E0];
	_ =	sdelay $0x4  }
0x24f: {  	v24 =	vmul.f32 $1.442695020e+00, v24;
	_ =	sdelay $0x1  }
0x250: {  	(erf) = vpow2.f32 v24;
	_ =	sdelay $0x8  }
0x251: {  	v24 =	vpop (erf)  }
0x252: {  	[tilespmem:v14+s18+$0x0] =	vst.idx.msk $0xffff, v24  }
0x253: {  	v24 =	vld [tilespmem:$0x6F0];
	_ =	sdelay $0x4  }
0x254: {  	v24 =	vmul.f32 $1.442695020e+00, v24;
	_ =	sdelay $0x1  }
0x255: {  	(erf) = vpow2.f32 v24;
	_ =	sdelay $0x8  }
0x256: {  	v24 =	vpop (erf)  }
0x257: {  	[tilespmem:v15+s18+$0x0] =	vst.idx.msk $0xffff, v24  }
0x258: {  	v24 =	vld [tilespmem:$0x700];
	_ =	sdelay $0x4  }
0x259: {  	v24 =	vmul.f32 $1.442695020e+00, v24;
	_ =	sdelay $0x1  }
0x25a: {  	(erf) = vpow2.f32 v24;
	_ =	sdelay $0x8  }
0x25b: {  	v24 =	vpop (erf)  }
0x25c: {  	[tilespmem:v16+s18+$0x0] =	vst.idx.msk $0xffff, v24  }
0x25d: {  	v24 =	vld [tilespmem:$0x710];
	_ =	sdelay $0x4  }
0x25e: {  	v24 =	vmul.f32 $1.442695020e+00, v24;
	_ =	sdelay $0x1  }
0x25f: {  	(erf) = vpow2.f32 v24;
	_ =	sdelay $0x8  }
0x260: {  	v24 =	vpop (erf)  }
0x261: {  	[tilespmem:v17+s18+$0x0] =	vst.idx.msk $0xffff, v24  }
0x262: {  	v24 =	vld [tilespmem:$0x720];
	_ =	sdelay $0x4  }
0x263: {  	v24 =	vmul.f32 $1.442695020e+00, v24;
	_ =	sdelay $0x1  }
0x264: {  	(erf) = vpow2.f32 v24;
	_ =	sdelay $0x8  }
0x265: {  	v24 =	vpop (erf)  }
0x266: {  	[tilespmem:v18+s18+$0x0] =	vst.idx.msk $0xffff, v24  }
0x267: {  	v24 =	vld [tilespmem:$0x730];
	_ =	sdelay $0x4  }
0x268: {  	v24 =	vmul.f32 $1.442695020e+00, v24;
	_ =	sdelay $0x1  }
0x269: {  	(erf) = vpow2.f32 v24;
	_ =	sdelay $0x8  }
0x26a: {  	v24 =	vpop (erf)  }
0x26b: {  	[tilespmem:v19+s18+$0x0] =	vst.idx.msk $0xffff, v24  }
0x26c: {  	v24 =	vld [tilespmem:$0x740];
	_ =	sdelay $0x4  }
0x26d: {  	v24 =	vmul.f32 $1.442695020e+00, v24;
	_ =	sdelay $0x1  }
0x26e: {  	(erf) = vpow2.f32 v24;
	_ =	sdelay $0x8  }
0x26f: {  	v24 =	vpop (erf)  }
0x270: {  	[tilespmem:v20+s18+$0x0] =	vst.idx.msk $0xffff, v24  }
0x271: {  	v24 =	vld [tilespmem:$0x750];
	_ =	sdelay $0x4  }
0x272: {  	v24 =	vmul.f32 $1.442695020e+00, v24;
	_ =	sdelay $0x1  }
0x273: {  	(erf) = vpow2.f32 v24;
	_ =	sdelay $0x8  }
0x274: {  	v24 =	vpop (erf)  }
0x275: {  	[tilespmem:v21+s18+$0x0] =	vst.idx.msk $0xffff, v24  }
0x276: {  	v24 =	vld [tilespmem:$0x760];
	_ =	sdelay $0x4  }
0x277: {  	v24 =	vmul.f32 $1.442695020e+00, v24;
	_ =	sdelay $0x1  }
0x278: {  	(erf) = vpow2.f32 v24;
	_ =	sdelay $0x8  }
0x279: {  	v24 =	vpop (erf)  }
0x27a: {  	[tilespmem:v22+s18+$0x0] =	vst.idx.msk $0xffff, v24  }
0x27b: {  	v24 =	vld [tilespmem:$0x770];
	_ =	sdelay $0x4  }
0x27c: {  	v24 =	vmul.f32 $1.442695020e+00, v24;
	_ =	sdelay $0x1  }
0x27d: {  	(erf) = vpow2.f32 v24;
	_ =	sdelay $0x8  }
0x27e: {  	v24 =	vpop (erf)  }
0x27f: {  	[tilespmem:v23+s18+$0x0] =	vst.idx.msk $0xffff, v24  }
0x280: {  	[hbm4b:s9+s2] =	stream.linear.scatter [tilespmem:s18], [sflag:$0x1], $0xC000, $0x38;
	[tilespmem:$0x19000] =	vst v63  }
0x281: {  	_ =	swait.ge [sflag:s21], $0xC000  }
0x282: {  	[sflag:s21] =	ssyncset.done $0x0  }
0x283: {  	[sflag:s21] =	ssyncadd.s32 $0xFFFF4000  }
0x284: {  	v58 =	vld [tilespmem:$0x780];
	_ =	sdelay $0x4  }
0x285: {  	v24 =	vmul.f32 $1.442695020e+00, v58;
	_ =	sdelay $0x1  }
0x286: {  	(erf) = vpow2.f32 v24;
	_ =	sdelay $0x8  }
0x287: {  	v24 =	vpop (erf)  }
0x288: {  	[tilespmem:v0+s19+$0x0] =	vst.idx.msk $0xffff, v24  }
0x289: {  	v24 =	vld [tilespmem:$0x790];
	_ =	sdelay $0x4  }
0x28a: {  	v24 =	vmul.f32 $1.442695020e+00, v24;
	_ =	sdelay $0x1  }
0x28b: {  	(erf) = vpow2.f32 v24;
	_ =	sdelay $0x8  }
0x28c: {  	v24 =	vpop (erf)  }
0x28d: {  	[tilespmem:v1+s19+$0x0] =	vst.idx.msk $0xffff, v24  }
0x28e: {  	v24 =	vld [tilespmem:$0x7A0];
	_ =	sdelay $0x4  }
0x28f: {  	v24 =	vmul.f32 $1.442695020e+00, v24;
	_ =	sdelay $0x1  }
0x290: {  	(erf) = vpow2.f32 v24;
	_ =	sdelay $0x8  }
0x291: {  	v24 =	vpop (erf)  }
0x292: {  	[tilespmem:v2+s19+$0x0] =	vst.idx.msk $0xffff, v24  }
0x293: {  	v24 =	vld [tilespmem:$0x7B0];
	_ =	sdelay $0x4  }
0x294: {  	v24 =	vmul.f32 $1.442695020e+00, v24;
	_ =	sdelay $0x1  }
0x295: {  	(erf) = vpow2.f32 v24;
	_ =	sdelay $0x8  }
0x296: {  	v24 =	vpop (erf)  }
0x297: {  	[tilespmem:v3+s19+$0x0] =	vst.idx.msk $0xffff, v24  }
0x298: {  	v24 =	vld [tilespmem:$0x7C0];
	_ =	sdelay $0x4  }
0x299: {  	v24 =	vmul.f32 $1.442695020e+00, v24;
	_ =	sdelay $0x1  }
0x29a: {  	(erf) = vpow2.f32 v24;
	_ =	sdelay $0x8  }
0x29b: {  	v24 =	vpop (erf)  }
0x29c: {  	[tilespmem:v4+s19+$0x0] =	vst.idx.msk $0xffff, v24  }
0x29d: {  	v24 =	vld [tilespmem:$0x7D0];
	_ =	sdelay $0x4  }
0x29e: {  	v24 =	vmul.f32 $1.442695020e+00, v24;
	_ =	sdelay $0x1  }
0x29f: {  	(erf) = vpow2.f32 v24;
	_ =	sdelay $0x8  }
0x2a0: {  	v24 =	vpop (erf)  }
0x2a1: {  	[tilespmem:v5+s19+$0x0] =	vst.idx.msk $0xffff, v24  }
0x2a2: {  	v24 =	vld [tilespmem:$0x7E0];
	_ =	sdelay $0x4  }
0x2a3: {  	v24 =	vmul.f32 $1.442695020e+00, v24;
	_ =	sdelay $0x1  }
0x2a4: {  	(erf) = vpow2.f32 v24;
	_ =	sdelay $0x8  }
0x2a5: {  	v24 =	vpop (erf)  }
0x2a6: {  	[tilespmem:v6+s19+$0x0] =	vst.idx.msk $0xffff, v24  }
0x2a7: {  	v24 =	vld [tilespmem:$0x7F0];
	_ =	sdelay $0x4  }
0x2a8: {  	v24 =	vmul.f32 $1.442695020e+00, v24;
	_ =	sdelay $0x1  }
0x2a9: {  	(erf) = vpow2.f32 v24;
	_ =	sdelay $0x8  }
0x2aa: {  	v24 =	vpop (erf)  }
0x2ab: {  	[tilespmem:v7+s19+$0x0] =	vst.idx.msk $0xffff, v24  }
0x2ac: {  	v24 =	vld [tilespmem:$0x800];
	_ =	sdelay $0x4  }
0x2ad: {  	v24 =	vmul.f32 $1.442695020e+00, v24;
	_ =	sdelay $0x1  }
0x2ae: {  	(erf) = vpow2.f32 v24;
	_ =	sdelay $0x8  }
0x2af: {  	v24 =	vpop (erf)  }
0x2b0: {  	[tilespmem:v8+s19+$0x0] =	vst.idx.msk $0xffff, v24  }
0x2b1: {  	v24 =	vld [tilespmem:$0x810];
	_ =	sdelay $0x4  }
0x2b2: {  	v24 =	vmul.f32 $1.442695020e+00, v24;
	_ =	sdelay $0x1  }
0x2b3: {  	(erf) = vpow2.f32 v24;
	_ =	sdelay $0x8  }
0x2b4: {  	v24 =	vpop (erf)  }
0x2b5: {  	[tilespmem:v9+s19+$0x0] =	vst.idx.msk $0xffff, v24  }
0x2b6: {  	v24 =	vld [tilespmem:$0x820];
	_ =	sdelay $0x4  }
0x2b7: {  	v24 =	vmul.f32 $1.442695020e+00, v24;
	_ =	sdelay $0x1  }
0x2b8: {  	(erf) = vpow2.f32 v24;
	_ =	sdelay $0x8  }
0x2b9: {  	v24 =	vpop (erf)  }
0x2ba: {  	[tilespmem:v10+s19+$0x0] =	vst.idx.msk $0xffff, v24  }
0x2bb: {  	v24 =	vld [tilespmem:$0x830];
	_ =	sdelay $0x4  }
0x2bc: {  	v24 =	vmul.f32 $1.442695020e+00, v24;
	_ =	sdelay $0x1  }
0x2bd: {  	(erf) = vpow2.f32 v24;
	_ =	sdelay $0x8  }
0x2be: {  	v24 =	vpop (erf)  }
0x2bf: {  	[tilespmem:v11+s19+$0x0] =	vst.idx.msk $0xffff, v24  }
0x2c0: {  	v24 =	vld [tilespmem:$0x840];
	_ =	sdelay $0x4  }
0x2c1: {  	v24 =	vmul.f32 $1.442695020e+00, v24;
	_ =	sdelay $0x1  }
0x2c2: {  	(erf) = vpow2.f32 v24;
	_ =	sdelay $0x8  }
0x2c3: {  	v24 =	vpop (erf)  }
0x2c4: {  	[tilespmem:v12+s19+$0x0] =	vst.idx.msk $0xffff, v24  }
0x2c5: {  	v24 =	vld [tilespmem:$0x850];
	_ =	sdelay $0x4  }
0x2c6: {  	v24 =	vmul.f32 $1.442695020e+00, v24;
	_ =	sdelay $0x1  }
0x2c7: {  	(erf) = vpow2.f32 v24;
	_ =	sdelay $0x8  }
0x2c8: {  	v24 =	vpop (erf)  }
0x2c9: {  	[tilespmem:v13+s19+$0x0] =	vst.idx.msk $0xffff, v24  }
0x2ca: {  	v24 =	vld [tilespmem:$0x860];
	_ =	sdelay $0x4  }
0x2cb: {  	v24 =	vmul.f32 $1.442695020e+00, v24;
	_ =	sdelay $0x1  }
0x2cc: {  	(erf) = vpow2.f32 v24;
	_ =	sdelay $0x8  }
0x2cd: {  	v24 =	vpop (erf)  }
0x2ce: {  	[tilespmem:v14+s19+$0x0] =	vst.idx.msk $0xffff, v24  }
0x2cf: {  	v24 =	vld [tilespmem:$0x870];
	_ =	sdelay $0x4  }
0x2d0: {  	v24 =	vmul.f32 $1.442695020e+00, v24;
	_ =	sdelay $0x1  }
0x2d1: {  	(erf) = vpow2.f32 v24;
	_ =	sdelay $0x8  }
0x2d2: {  	v24 =	vpop (erf)  }
0x2d3: {  	[tilespmem:v15+s19+$0x0] =	vst.idx.msk $0xffff, v24  }
0x2d4: {  	v24 =	vld [tilespmem:$0x880];
	_ =	sdelay $0x4  }
0x2d5: {  	v24 =	vmul.f32 $1.442695020e+00, v24;
	_ =	sdelay $0x1  }
0x2d6: {  	(erf) = vpow2.f32 v24;
	_ =	sdelay $0x8  }
0x2d7: {  	v24 =	vpop (erf)  }
0x2d8: {  	[tilespmem:v16+s19+$0x0] =	vst.idx.msk $0xffff, v24  }
0x2d9: {  	v24 =	vld [tilespmem:$0x890];
	_ =	sdelay $0x4  }
0x2da: {  	v24 =	vmul.f32 $1.442695020e+00, v24;
	_ =	sdelay $0x1  }
0x2db: {  	(erf) = vpow2.f32 v24;
	_ =	sdelay $0x8  }
0x2dc: {  	v24 =	vpop (erf)  }
0x2dd: {  	[tilespmem:v17+s19+$0x0] =	vst.idx.msk $0xffff, v24  }
0x2de: {  	v24 =	vld [tilespmem:$0x8A0];
	_ =	sdelay $0x4  }
0x2df: {  	v24 =	vmul.f32 $1.442695020e+00, v24;
	_ =	sdelay $0x1  }
0x2e0: {  	(erf) = vpow2.f32 v24;
	_ =	sdelay $0x8  }
0x2e1: {  	v24 =	vpop (erf)  }
0x2e2: {  	[tilespmem:v18+s19+$0x0] =	vst.idx.msk $0xffff, v24  }
0x2e3: {  	v24 =	vld [tilespmem:$0x8B0];
	_ =	sdelay $0x4  }
0x2e4: {  	v24 =	vmul.f32 $1.442695020e+00, v24;
	_ =	sdelay $0x1  }
0x2e5: {  	(erf) = vpow2.f32 v24;
	_ =	sdelay $0x8  }
0x2e6: {  	v24 =	vpop (erf)  }
0x2e7: {  	[tilespmem:v19+s19+$0x0] =	vst.idx.msk $0xffff, v24  }
0x2e8: {  	v24 =	vld [tilespmem:$0x8C0];
	_ =	sdelay $0x4  }
0x2e9: {  	v24 =	vmul.f32 $1.442695020e+00, v24;
	_ =	sdelay $0x1  }
0x2ea: {  	(erf) = vpow2.f32 v24;
	_ =	sdelay $0x8  }
0x2eb: {  	v24 =	vpop (erf)  }
0x2ec: {  	[tilespmem:v20+s19+$0x0] =	vst.idx.msk $0xffff, v24  }
0x2ed: {  	v24 =	vld [tilespmem:$0x8D0];
	_ =	sdelay $0x4  }
0x2ee: {  	v24 =	vmul.f32 $1.442695020e+00, v24;
	_ =	sdelay $0x1  }
0x2ef: {  	(erf) = vpow2.f32 v24;
	_ =	sdelay $0x8  }
0x2f0: {  	v24 =	vpop (erf)  }
0x2f1: {  	[tilespmem:v21+s19+$0x0] =	vst.idx.msk $0xffff, v24  }
0x2f2: {  	v24 =	vld [tilespmem:$0x8E0];
	_ =	sdelay $0x4  }
0x2f3: {  	v24 =	vmul.f32 $1.442695020e+00, v24;
	_ =	sdelay $0x1  }
0x2f4: {  	(erf) = vpow2.f32 v24;
	_ =	sdelay $0x8  }
0x2f5: {  	v24 =	vpop (erf)  }
0x2f6: {  	[tilespmem:v22+s19+$0x0] =	vst.idx.msk $0xffff, v24  }
0x2f7: {  	v24 =	vld [tilespmem:$0x8F0];
	_ =	sdelay $0x4  }
0x2f8: {  	v24 =	vmul.f32 $1.442695020e+00, v24;
	_ =	sdelay $0x1  }
0x2f9: {  	(erf) = vpow2.f32 v24;
	_ =	sdelay $0x8  }
0x2fa: {  	v24 =	vpop (erf)  }
0x2fb: {  	[tilespmem:v23+s19+$0x0] =	vst.idx.msk $0xffff, v24  }
0x2fc: {  	[hbm4b:s10+s2] =	stream.linear.scatter [tilespmem:s19], [sflag:$0x2], $0xC000, $0x38;
	[tilespmem:$0x19000] =	vst v63  }
0x2fd: {  	_ =	swait.ge [sflag:s20], $0xC000  }
0x2fe: {  	[sflag:s20] =	ssyncset.done $0x0  }
0x2ff: {  	[sflag:s20] =	ssyncadd.s32 $0xFFFF4000  }
0x300: {  	v59 =	vld [tilespmem:$0x900];
	_ =	sdelay $0x4  }
0x301: {  	v24 =	vmul.f32 $1.442695020e+00, v59;
	_ =	sdelay $0x1  }
0x302: {  	(erf) = vpow2.f32 v24;
	_ =	sdelay $0x8  }
0x303: {  	v24 =	vpop (erf)  }
0x304: {  	[tilespmem:v0+s18+$0x0] =	vst.idx.msk $0xffff, v24  }
0x305: {  	v24 =	vld [tilespmem:$0x910];
	_ =	sdelay $0x4  }
0x306: {  	v24 =	vmul.f32 $1.442695020e+00, v24;
	_ =	sdelay $0x1  }
0x307: {  	(erf) = vpow2.f32 v24;
	_ =	sdelay $0x8  }
0x308: {  	v24 =	vpop (erf)  }
0x309: {  	[tilespmem:v1+s18+$0x0] =	vst.idx.msk $0xffff, v24  }
0x30a: {  	v24 =	vld [tilespmem:$0x920];
	_ =	sdelay $0x4  }
0x30b: {  	v24 =	vmul.f32 $1.442695020e+00, v24;
	_ =	sdelay $0x1  }
0x30c: {  	(erf) = vpow2.f32 v24;
	_ =	sdelay $0x8  }
0x30d: {  	v24 =	vpop (erf)  }
0x30e: {  	[tilespmem:v2+s18+$0x0] =	vst.idx.msk $0xffff, v24  }
0x30f: {  	v24 =	vld [tilespmem:$0x930];
	_ =	sdelay $0x4  }
0x310: {  	v24 =	vmul.f32 $1.442695020e+00, v24;
	_ =	sdelay $0x1  }
0x311: {  	(erf) = vpow2.f32 v24;
	_ =	sdelay $0x8  }
0x312: {  	v24 =	vpop (erf)  }
0x313: {  	[tilespmem:v3+s18+$0x0] =	vst.idx.msk $0xffff, v24  }
0x314: {  	v24 =	vld [tilespmem:$0x940];
	_ =	sdelay $0x4  }
0x315: {  	v24 =	vmul.f32 $1.442695020e+00, v24;
	_ =	sdelay $0x1  }
0x316: {  	(erf) = vpow2.f32 v24;
	_ =	sdelay $0x8  }
0x317: {  	v24 =	vpop (erf)  }
0x318: {  	[tilespmem:v4+s18+$0x0] =	vst.idx.msk $0xffff, v24  }
0x319: {  	v24 =	vld [tilespmem:$0x950];
	_ =	sdelay $0x4  }
0x31a: {  	v24 =	vmul.f32 $1.442695020e+00, v24;
	_ =	sdelay $0x1  }
0x31b: {  	(erf) = vpow2.f32 v24;
	_ =	sdelay $0x8  }
0x31c: {  	v24 =	vpop (erf)  }
0x31d: {  	[tilespmem:v5+s18+$0x0] =	vst.idx.msk $0xffff, v24  }
0x31e: {  	v24 =	vld [tilespmem:$0x960];
	_ =	sdelay $0x4  }
0x31f: {  	v24 =	vmul.f32 $1.442695020e+00, v24;
	_ =	sdelay $0x1  }
0x320: {  	(erf) = vpow2.f32 v24;
	_ =	sdelay $0x8  }
0x321: {  	v24 =	vpop (erf)  }
0x322: {  	[tilespmem:v6+s18+$0x0] =	vst.idx.msk $0xffff, v24  }
0x323: {  	v24 =	vld [tilespmem:$0x970];
	_ =	sdelay $0x4  }
0x324: {  	v24 =	vmul.f32 $1.442695020e+00, v24;
	_ =	sdelay $0x1  }
0x325: {  	(erf) = vpow2.f32 v24;
	_ =	sdelay $0x8  }
0x326: {  	v24 =	vpop (erf)  }
0x327: {  	[tilespmem:v7+s18+$0x0] =	vst.idx.msk $0xffff, v24  }
0x328: {  	v24 =	vld [tilespmem:$0x980];
	_ =	sdelay $0x4  }
0x329: {  	v24 =	vmul.f32 $1.442695020e+00, v24;
	_ =	sdelay $0x1  }
0x32a: {  	(erf) = vpow2.f32 v24;
	_ =	sdelay $0x8  }
0x32b: {  	v24 =	vpop (erf)  }
0x32c: {  	[tilespmem:v8+s18+$0x0] =	vst.idx.msk $0xffff, v24  }
0x32d: {  	v24 =	vld [tilespmem:$0x990];
	_ =	sdelay $0x4  }
0x32e: {  	v24 =	vmul.f32 $1.442695020e+00, v24;
	_ =	sdelay $0x1  }
0x32f: {  	(erf) = vpow2.f32 v24;
	_ =	sdelay $0x8  }
0x330: {  	v24 =	vpop (erf)  }
0x331: {  	[tilespmem:v9+s18+$0x0] =	vst.idx.msk $0xffff, v24  }
0x332: {  	v24 =	vld [tilespmem:$0x9A0];
	_ =	sdelay $0x4  }
0x333: {  	v24 =	vmul.f32 $1.442695020e+00, v24;
	_ =	sdelay $0x1  }
0x334: {  	(erf) = vpow2.f32 v24;
	_ =	sdelay $0x8  }
0x335: {  	v24 =	vpop (erf)  }
0x336: {  	[tilespmem:v10+s18+$0x0] =	vst.idx.msk $0xffff, v24  }
0x337: {  	v24 =	vld [tilespmem:$0x9B0];
	_ =	sdelay $0x4  }
0x338: {  	v24 =	vmul.f32 $1.442695020e+00, v24;
	_ =	sdelay $0x1  }
0x339: {  	(erf) = vpow2.f32 v24;
	_ =	sdelay $0x8  }
0x33a: {  	v24 =	vpop (erf)  }
0x33b: {  	[tilespmem:v11+s18+$0x0] =	vst.idx.msk $0xffff, v24  }
0x33c: {  	v24 =	vld [tilespmem:$0x9C0];
	_ =	sdelay $0x4  }
0x33d: {  	v24 =	vmul.f32 $1.442695020e+00, v24;
	_ =	sdelay $0x1  }
0x33e: {  	(erf) = vpow2.f32 v24;
	_ =	sdelay $0x8  }
0x33f: {  	v24 =	vpop (erf)  }
0x340: {  	[tilespmem:v12+s18+$0x0] =	vst.idx.msk $0xffff, v24  }
0x341: {  	v24 =	vld [tilespmem:$0x9D0];
	_ =	sdelay $0x4  }
0x342: {  	v24 =	vmul.f32 $1.442695020e+00, v24;
	_ =	sdelay $0x1  }
0x343: {  	(erf) = vpow2.f32 v24;
	_ =	sdelay $0x8  }
0x344: {  	v24 =	vpop (erf)  }
0x345: {  	[tilespmem:v13+s18+$0x0] =	vst.idx.msk $0xffff, v24  }
0x346: {  	v24 =	vld [tilespmem:$0x9E0];
	_ =	sdelay $0x4  }
0x347: {  	v24 =	vmul.f32 $1.442695020e+00, v24;
	_ =	sdelay $0x1  }
0x348: {  	(erf) = vpow2.f32 v24;
	_ =	sdelay $0x8  }
0x349: {  	v24 =	vpop (erf)  }
0x34a: {  	[tilespmem:v14+s18+$0x0] =	vst.idx.msk $0xffff, v24  }
0x34b: {  	v24 =	vld [tilespmem:$0x9F0];
	_ =	sdelay $0x4  }
0x34c: {  	v24 =	vmul.f32 $1.442695020e+00, v24;
	_ =	sdelay $0x1  }
0x34d: {  	(erf) = vpow2.f32 v24;
	_ =	sdelay $0x8  }
0x34e: {  	v24 =	vpop (erf)  }
0x34f: {  	[tilespmem:v15+s18+$0x0] =	vst.idx.msk $0xffff, v24  }
0x350: {  	v24 =	vld [tilespmem:$0xA00];
	_ =	sdelay $0x4  }
0x351: {  	v24 =	vmul.f32 $1.442695020e+00, v24;
	_ =	sdelay $0x1  }
0x352: {  	(erf) = vpow2.f32 v24;
	_ =	sdelay $0x8  }
0x353: {  	v24 =	vpop (erf)  }
0x354: {  	[tilespmem:v16+s18+$0x0] =	vst.idx.msk $0xffff, v24  }
0x355: {  	v24 =	vld [tilespmem:$0xA10];
	_ =	sdelay $0x4  }
0x356: {  	v24 =	vmul.f32 $1.442695020e+00, v24;
	_ =	sdelay $0x1  }
0x357: {  	(erf) = vpow2.f32 v24;
	_ =	sdelay $0x8  }
0x358: {  	v24 =	vpop (erf)  }
0x359: {  	[tilespmem:v17+s18+$0x0] =	vst.idx.msk $0xffff, v24  }
0x35a: {  	v24 =	vld [tilespmem:$0xA20];
	_ =	sdelay $0x4  }
0x35b: {  	v24 =	vmul.f32 $1.442695020e+00, v24;
	_ =	sdelay $0x1  }
0x35c: {  	(erf) = vpow2.f32 v24;
	_ =	sdelay $0x8  }
0x35d: {  	v24 =	vpop (erf)  }
0x35e: {  	[tilespmem:v18+s18+$0x0] =	vst.idx.msk $0xffff, v24  }
0x35f: {  	v24 =	vld [tilespmem:$0xA30];
	_ =	sdelay $0x4  }
0x360: {  	v24 =	vmul.f32 $1.442695020e+00, v24;
	_ =	sdelay $0x1  }
0x361: {  	(erf) = vpow2.f32 v24;
	_ =	sdelay $0x8  }
0x362: {  	v24 =	vpop (erf)  }
0x363: {  	[tilespmem:v19+s18+$0x0] =	vst.idx.msk $0xffff, v24  }
0x364: {  	v24 =	vld [tilespmem:$0xA40];
	_ =	sdelay $0x4  }
0x365: {  	v24 =	vmul.f32 $1.442695020e+00, v24;
	_ =	sdelay $0x1  }
0x366: {  	(erf) = vpow2.f32 v24;
	_ =	sdelay $0x8  }
0x367: {  	v24 =	vpop (erf)  }
0x368: {  	[tilespmem:v20+s18+$0x0] =	vst.idx.msk $0xffff, v24  }
0x369: {  	v24 =	vld [tilespmem:$0xA50];
	_ =	sdelay $0x4  }
0x36a: {  	v24 =	vmul.f32 $1.442695020e+00, v24;
	_ =	sdelay $0x1  }
0x36b: {  	(erf) = vpow2.f32 v24;
	_ =	sdelay $0x8  }
0x36c: {  	v24 =	vpop (erf)  }
0x36d: {  	[tilespmem:v21+s18+$0x0] =	vst.idx.msk $0xffff, v24  }
0x36e: {  	v24 =	vld [tilespmem:$0xA60];
	_ =	sdelay $0x4  }
0x36f: {  	v24 =	vmul.f32 $1.442695020e+00, v24;
	_ =	sdelay $0x1  }
0x370: {  	(erf) = vpow2.f32 v24;
	_ =	sdelay $0x8  }
0x371: {  	v24 =	vpop (erf)  }
0x372: {  	[tilespmem:v22+s18+$0x0] =	vst.idx.msk $0xffff, v24  }
0x373: {  	v24 =	vld [tilespmem:$0xA70];
	_ =	sdelay $0x4  }
0x374: {  	v24 =	vmul.f32 $1.442695020e+00, v24;
	_ =	sdelay $0x1  }
0x375: {  	(erf) = vpow2.f32 v24;
	_ =	sdelay $0x8  }
0x376: {  	v24 =	vpop (erf)  }
0x377: {  	[tilespmem:v23+s18+$0x0] =	vst.idx.msk $0xffff, v24  }
0x378: {  	[hbm4b:s11+s2] =	stream.linear.scatter [tilespmem:s18], [sflag:$0x1], $0xC000, $0x38;
	[tilespmem:$0x19000] =	vst v63  }
0x379: {  	_ =	swait.ge [sflag:s21], $0xC000  }
0x37a: {  	[sflag:s21] =	ssyncset.done $0x0  }
0x37b: {  	[sflag:s21] =	ssyncadd.s32 $0xFFFF4000  }
0x37c: {  	v60 =	vld [tilespmem:$0xA80];
	_ =	sdelay $0x4  }
0x37d: {  	v24 =	vmul.f32 $1.442695020e+00, v60;
	_ =	sdelay $0x1  }
0x37e: {  	(erf) = vpow2.f32 v24;
	_ =	sdelay $0x8  }
0x37f: {  	v24 =	vpop (erf)  }
0x380: {  	[tilespmem:v0+s19+$0x0] =	vst.idx.msk $0xffff, v24  }
0x381: {  	v24 =	vld [tilespmem:$0xA90];
	_ =	sdelay $0x4  }
0x382: {  	v24 =	vmul.f32 $1.442695020e+00, v24;
	_ =	sdelay $0x1  }
0x383: {  	(erf) = vpow2.f32 v24;
	_ =	sdelay $0x8  }
0x384: {  	v24 =	vpop (erf)  }
0x385: {  	[tilespmem:v1+s19+$0x0] =	vst.idx.msk $0xffff, v24  }
0x386: {  	v24 =	vld [tilespmem:$0xAA0];
	_ =	sdelay $0x4  }
0x387: {  	v24 =	vmul.f32 $1.442695020e+00, v24;
	_ =	sdelay $0x1  }
0x388: {  	(erf) = vpow2.f32 v24;
	_ =	sdelay $0x8  }
0x389: {  	v24 =	vpop (erf)  }
0x38a: {  	[tilespmem:v2+s19+$0x0] =	vst.idx.msk $0xffff, v24  }
0x38b: {  	v24 =	vld [tilespmem:$0xAB0];
	_ =	sdelay $0x4  }
0x38c: {  	v24 =	vmul.f32 $1.442695020e+00, v24;
	_ =	sdelay $0x1  }
0x38d: {  	(erf) = vpow2.f32 v24;
	_ =	sdelay $0x8  }
0x38e: {  	v24 =	vpop (erf)  }
0x38f: {  	[tilespmem:v3+s19+$0x0] =	vst.idx.msk $0xffff, v24  }
0x390: {  	v24 =	vld [tilespmem:$0xAC0];
	_ =	sdelay $0x4  }
0x391: {  	v24 =	vmul.f32 $1.442695020e+00, v24;
	_ =	sdelay $0x1  }
0x392: {  	(erf) = vpow2.f32 v24;
	_ =	sdelay $0x8  }
0x393: {  	v24 =	vpop (erf)  }
0x394: {  	[tilespmem:v4+s19+$0x0] =	vst.idx.msk $0xffff, v24  }
0x395: {  	v24 =	vld [tilespmem:$0xAD0];
	_ =	sdelay $0x4  }
0x396: {  	v24 =	vmul.f32 $1.442695020e+00, v24;
	_ =	sdelay $0x1  }
0x397: {  	(erf) = vpow2.f32 v24;
	_ =	sdelay $0x8  }
0x398: {  	v24 =	vpop (erf)  }
0x399: {  	[tilespmem:v5+s19+$0x0] =	vst.idx.msk $0xffff, v24  }
0x39a: {  	v24 =	vld [tilespmem:$0xAE0];
	_ =	sdelay $0x4  }
0x39b: {  	v24 =	vmul.f32 $1.442695020e+00, v24;
	_ =	sdelay $0x1  }
0x39c: {  	(erf) = vpow2.f32 v24;
	_ =	sdelay $0x8  }
0x39d: {  	v24 =	vpop (erf)  }
0x39e: {  	[tilespmem:v6+s19+$0x0] =	vst.idx.msk $0xffff, v24  }
0x39f: {  	v24 =	vld [tilespmem:$0xAF0];
	_ =	sdelay $0x4  }
0x3a0: {  	v24 =	vmul.f32 $1.442695020e+00, v24;
	_ =	sdelay $0x1  }
0x3a1: {  	(erf) = vpow2.f32 v24;
	_ =	sdelay $0x8  }
0x3a2: {  	v24 =	vpop (erf)  }
0x3a3: {  	[tilespmem:v7+s19+$0x0] =	vst.idx.msk $0xffff, v24  }
0x3a4: {  	v24 =	vld [tilespmem:$0xB00];
	_ =	sdelay $0x4  }
0x3a5: {  	v24 =	vmul.f32 $1.442695020e+00, v24;
	_ =	sdelay $0x1  }
0x3a6: {  	(erf) = vpow2.f32 v24;
	_ =	sdelay $0x8  }
0x3a7: {  	v24 =	vpop (erf)  }
0x3a8: {  	[tilespmem:v8+s19+$0x0] =	vst.idx.msk $0xffff, v24  }
0x3a9: {  	v24 =	vld [tilespmem:$0xB10];
	_ =	sdelay $0x4  }
0x3aa: {  	v24 =	vmul.f32 $1.442695020e+00, v24;
	_ =	sdelay $0x1  }
0x3ab: {  	(erf) = vpow2.f32 v24;
	_ =	sdelay $0x8  }
0x3ac: {  	v24 =	vpop (erf)  }
0x3ad: {  	[tilespmem:v9+s19+$0x0] =	vst.idx.msk $0xffff, v24  }
0x3ae: {  	v24 =	vld [tilespmem:$0xB20];
	_ =	sdelay $0x4  }
0x3af: {  	v24 =	vmul.f32 $1.442695020e+00, v24;
	_ =	sdelay $0x1  }
0x3b0: {  	(erf) = vpow2.f32 v24;
	_ =	sdelay $0x8  }
0x3b1: {  	v24 =	vpop (erf)  }
0x3b2: {  	[tilespmem:v10+s19+$0x0] =	vst.idx.msk $0xffff, v24  }
0x3b3: {  	v24 =	vld [tilespmem:$0xB30];
	_ =	sdelay $0x4  }
0x3b4: {  	v24 =	vmul.f32 $1.442695020e+00, v24;
	_ =	sdelay $0x1  }
0x3b5: {  	(erf) = vpow2.f32 v24;
	_ =	sdelay $0x8  }
0x3b6: {  	v24 =	vpop (erf)  }
0x3b7: {  	[tilespmem:v11+s19+$0x0] =	vst.idx.msk $0xffff, v24  }
0x3b8: {  	v24 =	vld [tilespmem:$0xB40];
	_ =	sdelay $0x4  }
0x3b9: {  	v24 =	vmul.f32 $1.442695020e+00, v24;
	_ =	sdelay $0x1  }
0x3ba: {  	(erf) = vpow2.f32 v24;
	_ =	sdelay $0x8  }
0x3bb: {  	v24 =	vpop (erf)  }
0x3bc: {  	[tilespmem:v12+s19+$0x0] =	vst.idx.msk $0xffff, v24  }
0x3bd: {  	v24 =	vld [tilespmem:$0xB50];
	_ =	sdelay $0x4  }
0x3be: {  	v24 =	vmul.f32 $1.442695020e+00, v24;
	_ =	sdelay $0x1  }
0x3bf: {  	(erf) = vpow2.f32 v24;
	_ =	sdelay $0x8  }
0x3c0: {  	v24 =	vpop (erf)  }
0x3c1: {  	[tilespmem:v13+s19+$0x0] =	vst.idx.msk $0xffff, v24  }
0x3c2: {  	v24 =	vld [tilespmem:$0xB60];
	_ =	sdelay $0x4  }
0x3c3: {  	v24 =	vmul.f32 $1.442695020e+00, v24;
	_ =	sdelay $0x1  }
0x3c4: {  	(erf) = vpow2.f32 v24;
	_ =	sdelay $0x8  }
0x3c5: {  	v24 =	vpop (erf)  }
0x3c6: {  	[tilespmem:v14+s19+$0x0] =	vst.idx.msk $0xffff, v24  }
0x3c7: {  	v24 =	vld [tilespmem:$0xB70];
	_ =	sdelay $0x4  }
0x3c8: {  	v24 =	vmul.f32 $1.442695020e+00, v24;
	_ =	sdelay $0x1  }
0x3c9: {  	(erf) = vpow2.f32 v24;
	_ =	sdelay $0x8  }
0x3ca: {  	v24 =	vpop (erf)  }
0x3cb: {  	[tilespmem:v15+s19+$0x0] =	vst.idx.msk $0xffff, v24  }
0x3cc: {  	v24 =	vld [tilespmem:$0xB80];
	_ =	sdelay $0x4  }
0x3cd: {  	v24 =	vmul.f32 $1.442695020e+00, v24;
	_ =	sdelay $0x1  }
0x3ce: {  	(erf) = vpow2.f32 v24;
	_ =	sdelay $0x8  }
0x3cf: {  	v24 =	vpop (erf)  }
0x3d0: {  	[tilespmem:v16+s19+$0x0] =	vst.idx.msk $0xffff, v24  }
0x3d1: {  	v24 =	vld [tilespmem:$0xB90];
	_ =	sdelay $0x4  }
0x3d2: {  	v24 =	vmul.f32 $1.442695020e+00, v24;
	_ =	sdelay $0x1  }
0x3d3: {  	(erf) = vpow2.f32 v24;
	_ =	sdelay $0x8  }
0x3d4: {  	v24 =	vpop (erf)  }
0x3d5: {  	[tilespmem:v17+s19+$0x0] =	vst.idx.msk $0xffff, v24  }
0x3d6: {  	v24 =	vld [tilespmem:$0xBA0];
	_ =	sdelay $0x4  }
0x3d7: {  	v24 =	vmul.f32 $1.442695020e+00, v24;
	_ =	sdelay $0x1  }
0x3d8: {  	(erf) = vpow2.f32 v24;
	_ =	sdelay $0x8  }
0x3d9: {  	v24 =	vpop (erf)  }
0x3da: {  	[tilespmem:v18+s19+$0x0] =	vst.idx.msk $0xffff, v24  }
0x3db: {  	v24 =	vld [tilespmem:$0xBB0];
	_ =	sdelay $0x4  }
0x3dc: {  	v24 =	vmul.f32 $1.442695020e+00, v24;
	_ =	sdelay $0x1  }
0x3dd: {  	(erf) = vpow2.f32 v24;
	_ =	sdelay $0x8  }
0x3de: {  	v24 =	vpop (erf)  }
0x3df: {  	[tilespmem:v19+s19+$0x0] =	vst.idx.msk $0xffff, v24  }
0x3e0: {  	v24 =	vld [tilespmem:$0xBC0];
	_ =	sdelay $0x4  }
0x3e1: {  	v24 =	vmul.f32 $1.442695020e+00, v24;
	_ =	sdelay $0x1  }
0x3e2: {  	(erf) = vpow2.f32 v24;
	_ =	sdelay $0x8  }
0x3e3: {  	v24 =	vpop (erf)  }
0x3e4: {  	[tilespmem:v20+s19+$0x0] =	vst.idx.msk $0xffff, v24  }
0x3e5: {  	v24 =	vld [tilespmem:$0xBD0];
	_ =	sdelay $0x4  }
0x3e6: {  	v24 =	vmul.f32 $1.442695020e+00, v24;
	_ =	sdelay $0x1  }
0x3e7: {  	(erf) = vpow2.f32 v24;
	_ =	sdelay $0x8  }
0x3e8: {  	v24 =	vpop (erf)  }
0x3e9: {  	[tilespmem:v21+s19+$0x0] =	vst.idx.msk $0xffff, v24  }
0x3ea: {  	v24 =	vld [tilespmem:$0xBE0];
	_ =	sdelay $0x4  }
0x3eb: {  	v24 =	vmul.f32 $1.442695020e+00, v24;
	_ =	sdelay $0x1  }
0x3ec: {  	(erf) = vpow2.f32 v24;
	_ =	sdelay $0x8  }
0x3ed: {  	v24 =	vpop (erf)  }
0x3ee: {  	[tilespmem:v22+s19+$0x0] =	vst.idx.msk $0xffff, v24  }
0x3ef: {  	v24 =	vld [tilespmem:$0xBF0];
	_ =	sdelay $0x4  }
0x3f0: {  	v24 =	vmul.f32 $1.442695020e+00, v24;
	_ =	sdelay $0x1  }
0x3f1: {  	(erf) = vpow2.f32 v24;
	_ =	sdelay $0x8  }
0x3f2: {  	v24 =	vpop (erf)  }
0x3f3: {  	[tilespmem:v23+s19+$0x0] =	vst.idx.msk $0xffff, v24  }
0x3f4: {  	[hbm4b:s12+s2] =	stream.linear.scatter [tilespmem:s19], [sflag:$0x2], $0xC000, $0x38;
	[tilespmem:$0x19000] =	vst v63  }
0x3f5: {  	_ =	swait.ge [sflag:s20], $0xC000  }
0x3f6: {  	[sflag:s20] =	ssyncset.done $0x0  }
0x3f7: {  	[sflag:s20] =	ssyncadd.s32 $0xFFFF4000  }
0x3f8: {  	v61 =	vld [tilespmem:$0xC00];
	_ =	sdelay $0x4  }
0x3f9: {  	v24 =	vmul.f32 $1.442695020e+00, v61;
	_ =	sdelay $0x1  }
0x3fa: {  	(erf) = vpow2.f32 v24;
	_ =	sdelay $0x8  }
0x3fb: {  	v24 =	vpop (erf)  }
0x3fc: {  	[tilespmem:v0+s18+$0x0] =	vst.idx.msk $0xffff, v24  }
0x3fd: {  	v24 =	vld [tilespmem:$0xC10];
	_ =	sdelay $0x4  }
0x3fe: {  	v24 =	vmul.f32 $1.442695020e+00, v24;
	_ =	sdelay $0x1  }
0x3ff: {  	(erf) = vpow2.f32 v24;
	_ =	sdelay $0x8  }
0x400: {  	v24 =	vpop (erf)  }
0x401: {  	[tilespmem:v1+s18+$0x0] =	vst.idx.msk $0xffff, v24  }
0x402: {  	v24 =	vld [tilespmem:$0xC20];
	_ =	sdelay $0x4  }
0x403: {  	v24 =	vmul.f32 $1.442695020e+00, v24;
	_ =	sdelay $0x1  }
0x404: {  	(erf) = vpow2.f32 v24;
	_ =	sdelay $0x8  }
0x405: {  	v24 =	vpop (erf)  }
0x406: {  	[tilespmem:v2+s18+$0x0] =	vst.idx.msk $0xffff, v24  }
0x407: {  	v24 =	vld [tilespmem:$0xC30];
	_ =	sdelay $0x4  }
0x408: {  	v24 =	vmul.f32 $1.442695020e+00, v24;
	_ =	sdelay $0x1  }
0x409: {  	(erf) = vpow2.f32 v24;
	_ =	sdelay $0x8  }
0x40a: {  	v24 =	vpop (erf)  }
0x40b: {  	[tilespmem:v3+s18+$0x0] =	vst.idx.msk $0xffff, v24  }
0x40c: {  	v24 =	vld [tilespmem:$0xC40];
	_ =	sdelay $0x4  }
0x40d: {  	v24 =	vmul.f32 $1.442695020e+00, v24;
	_ =	sdelay $0x1  }
0x40e: {  	(erf) = vpow2.f32 v24;
	_ =	sdelay $0x8  }
0x40f: {  	v24 =	vpop (erf)  }
0x410: {  	[tilespmem:v4+s18+$0x0] =	vst.idx.msk $0xffff, v24  }
0x411: {  	v24 =	vld [tilespmem:$0xC50];
	_ =	sdelay $0x4  }
0x412: {  	v24 =	vmul.f32 $1.442695020e+00, v24;
	_ =	sdelay $0x1  }
0x413: {  	(erf) = vpow2.f32 v24;
	_ =	sdelay $0x8  }
0x414: {  	v24 =	vpop (erf)  }
0x415: {  	[tilespmem:v5+s18+$0x0] =	vst.idx.msk $0xffff, v24  }
0x416: {  	v24 =	vld [tilespmem:$0xC60];
	_ =	sdelay $0x4  }
0x417: {  	v24 =	vmul.f32 $1.442695020e+00, v24;
	_ =	sdelay $0x1  }
0x418: {  	(erf) = vpow2.f32 v24;
	_ =	sdelay $0x8  }
0x419: {  	v24 =	vpop (erf)  }
0x41a: {  	[tilespmem:v6+s18+$0x0] =	vst.idx.msk $0xffff, v24  }
0x41b: {  	v24 =	vld [tilespmem:$0xC70];
	_ =	sdelay $0x4  }
0x41c: {  	v24 =	vmul.f32 $1.442695020e+00, v24;
	_ =	sdelay $0x1  }
0x41d: {  	(erf) = vpow2.f32 v24;
	_ =	sdelay $0x8  }
0x41e: {  	v24 =	vpop (erf)  }
0x41f: {  	[tilespmem:v7+s18+$0x0] =	vst.idx.msk $0xffff, v24  }
0x420: {  	v24 =	vld [tilespmem:$0xC80];
	_ =	sdelay $0x4  }
0x421: {  	v24 =	vmul.f32 $1.442695020e+00, v24;
	_ =	sdelay $0x1  }
0x422: {  	(erf) = vpow2.f32 v24;
	_ =	sdelay $0x8  }
0x423: {  	v24 =	vpop (erf)  }
0x424: {  	[tilespmem:v8+s18+$0x0] =	vst.idx.msk $0xffff, v24  }
0x425: {  	v24 =	vld [tilespmem:$0xC90];
	_ =	sdelay $0x4  }
0x426: {  	v24 =	vmul.f32 $1.442695020e+00, v24;
	_ =	sdelay $0x1  }
0x427: {  	(erf) = vpow2.f32 v24;
	_ =	sdelay $0x8  }
0x428: {  	v24 =	vpop (erf)  }
0x429: {  	[tilespmem:v9+s18+$0x0] =	vst.idx.msk $0xffff, v24  }
0x42a: {  	v24 =	vld [tilespmem:$0xCA0];
	_ =	sdelay $0x4  }
0x42b: {  	v24 =	vmul.f32 $1.442695020e+00, v24;
	_ =	sdelay $0x1  }
0x42c: {  	(erf) = vpow2.f32 v24;
	_ =	sdelay $0x8  }
0x42d: {  	v24 =	vpop (erf)  }
0x42e: {  	[tilespmem:v10+s18+$0x0] =	vst.idx.msk $0xffff, v24  }
0x42f: {  	v24 =	vld [tilespmem:$0xCB0];
	_ =	sdelay $0x4  }
0x430: {  	v24 =	vmul.f32 $1.442695020e+00, v24;
	_ =	sdelay $0x1  }
0x431: {  	(erf) = vpow2.f32 v24;
	_ =	sdelay $0x8  }
0x432: {  	v24 =	vpop (erf)  }
0x433: {  	[tilespmem:v11+s18+$0x0] =	vst.idx.msk $0xffff, v24  }
0x434: {  	v24 =	vld [tilespmem:$0xCC0];
	_ =	sdelay $0x4  }
0x435: {  	v24 =	vmul.f32 $1.442695020e+00, v24;
	_ =	sdelay $0x1  }
0x436: {  	(erf) = vpow2.f32 v24;
	_ =	sdelay $0x8  }
0x437: {  	v24 =	vpop (erf)  }
0x438: {  	[tilespmem:v12+s18+$0x0] =	vst.idx.msk $0xffff, v24  }
0x439: {  	v24 =	vld [tilespmem:$0xCD0];
	_ =	sdelay $0x4  }
0x43a: {  	v24 =	vmul.f32 $1.442695020e+00, v24;
	_ =	sdelay $0x1  }
0x43b: {  	(erf) = vpow2.f32 v24;
	_ =	sdelay $0x8  }
0x43c: {  	v24 =	vpop (erf)  }
0x43d: {  	[tilespmem:v13+s18+$0x0] =	vst.idx.msk $0xffff, v24  }
0x43e: {  	v24 =	vld [tilespmem:$0xCE0];
	_ =	sdelay $0x4  }
0x43f: {  	v24 =	vmul.f32 $1.442695020e+00, v24;
	_ =	sdelay $0x1  }
0x440: {  	(erf) = vpow2.f32 v24;
	_ =	sdelay $0x8  }
0x441: {  	v24 =	vpop (erf)  }
0x442: {  	[tilespmem:v14+s18+$0x0] =	vst.idx.msk $0xffff, v24  }
0x443: {  	v24 =	vld [tilespmem:$0xCF0];
	_ =	sdelay $0x4  }
0x444: {  	v24 =	vmul.f32 $1.442695020e+00, v24;
	_ =	sdelay $0x1  }
0x445: {  	(erf) = vpow2.f32 v24;
	_ =	sdelay $0x8  }
0x446: {  	v24 =	vpop (erf)  }
0x447: {  	[tilespmem:v15+s18+$0x0] =	vst.idx.msk $0xffff, v24  }
0x448: {  	v24 =	vld [tilespmem:$0xD00];
	_ =	sdelay $0x4  }
0x449: {  	v24 =	vmul.f32 $1.442695020e+00, v24;
	_ =	sdelay $0x1  }
0x44a: {  	(erf) = vpow2.f32 v24;
	_ =	sdelay $0x8  }
0x44b: {  	v24 =	vpop (erf)  }
0x44c: {  	[tilespmem:v16+s18+$0x0] =	vst.idx.msk $0xffff, v24  }
0x44d: {  	v24 =	vld [tilespmem:$0xD10];
	_ =	sdelay $0x4  }
0x44e: {  	v24 =	vmul.f32 $1.442695020e+00, v24;
	_ =	sdelay $0x1  }
0x44f: {  	(erf) = vpow2.f32 v24;
	_ =	sdelay $0x8  }
0x450: {  	v24 =	vpop (erf)  }
0x451: {  	[tilespmem:v17+s18+$0x0] =	vst.idx.msk $0xffff, v24  }
0x452: {  	v24 =	vld [tilespmem:$0xD20];
	_ =	sdelay $0x4  }
0x453: {  	v24 =	vmul.f32 $1.442695020e+00, v24;
	_ =	sdelay $0x1  }
0x454: {  	(erf) = vpow2.f32 v24;
	_ =	sdelay $0x8  }
0x455: {  	v24 =	vpop (erf)  }
0x456: {  	[tilespmem:v18+s18+$0x0] =	vst.idx.msk $0xffff, v24  }
0x457: {  	v24 =	vld [tilespmem:$0xD30];
	_ =	sdelay $0x4  }
0x458: {  	v24 =	vmul.f32 $1.442695020e+00, v24;
	_ =	sdelay $0x1  }
0x459: {  	(erf) = vpow2.f32 v24;
	_ =	sdelay $0x8  }
0x45a: {  	v24 =	vpop (erf)  }
0x45b: {  	[tilespmem:v19+s18+$0x0] =	vst.idx.msk $0xffff, v24  }
0x45c: {  	v24 =	vld [tilespmem:$0xD40];
	_ =	sdelay $0x4  }
0x45d: {  	v24 =	vmul.f32 $1.442695020e+00, v24;
	_ =	sdelay $0x1  }
0x45e: {  	(erf) = vpow2.f32 v24;
	_ =	sdelay $0x8  }
0x45f: {  	v24 =	vpop (erf)  }
0x460: {  	[tilespmem:v20+s18+$0x0] =	vst.idx.msk $0xffff, v24  }
0x461: {  	v24 =	vld [tilespmem:$0xD50];
	_ =	sdelay $0x4  }
0x462: {  	v24 =	vmul.f32 $1.442695020e+00, v24;
	_ =	sdelay $0x1  }
0x463: {  	(erf) = vpow2.f32 v24;
	_ =	sdelay $0x8  }
0x464: {  	v24 =	vpop (erf)  }
0x465: {  	[tilespmem:v21+s18+$0x0] =	vst.idx.msk $0xffff, v24  }
0x466: {  	v24 =	vld [tilespmem:$0xD60];
	_ =	sdelay $0x4  }
0x467: {  	v24 =	vmul.f32 $1.442695020e+00, v24;
	_ =	sdelay $0x1  }
0x468: {  	(erf) = vpow2.f32 v24;
	_ =	sdelay $0x8  }
0x469: {  	v24 =	vpop (erf)  }
0x46a: {  	[tilespmem:v22+s18+$0x0] =	vst.idx.msk $0xffff, v24  }
0x46b: {  	v24 =	vld [tilespmem:$0xD70];
	_ =	sdelay $0x4  }
0x46c: {  	v24 =	vmul.f32 $1.442695020e+00, v24;
	_ =	sdelay $0x1  }
0x46d: {  	(erf) = vpow2.f32 v24;
	_ =	sdelay $0x8  }
0x46e: {  	v24 =	vpop (erf)  }
0x46f: {  	[tilespmem:v23+s18+$0x0] =	vst.idx.msk $0xffff, v24  }
0x470: {  	[hbm4b:s13+s2] =	stream.linear.scatter [tilespmem:s18], [sflag:$0x1], $0xC000, $0x38;
	[tilespmem:$0x19000] =	vst v63  }
0x471: {  	_ =	swait.ge [sflag:s21], $0xC000  }
0x472: {  	[sflag:s21] =	ssyncset.done $0x0  }
0x473: {  	[sflag:s21] =	ssyncadd.s32 $0xFFFF4000  }
0x474: {  	v62 =	vld [tilespmem:$0xD80];
	_ =	sdelay $0x4  }
0x475: {  	v24 =	vmul.f32 $1.442695020e+00, v62;
	_ =	sdelay $0x1  }
0x476: {  	(erf) = vpow2.f32 v24;
	_ =	sdelay $0x8  }
0x477: {  	v24 =	vpop (erf)  }
0x478: {  	[tilespmem:v0+s19+$0x0] =	vst.idx.msk $0xffff, v24  }
0x479: {  	v24 =	vld [tilespmem:$0xD90];
	_ =	sdelay $0x4  }
0x47a: {  	v24 =	vmul.f32 $1.442695020e+00, v24;
	_ =	sdelay $0x1  }
0x47b: {  	(erf) = vpow2.f32 v24;
	_ =	sdelay $0x8  }
0x47c: {  	v24 =	vpop (erf)  }
0x47d: {  	[tilespmem:v1+s19+$0x0] =	vst.idx.msk $0xffff, v24  }
0x47e: {  	v24 =	vld [tilespmem:$0xDA0];
	_ =	sdelay $0x4  }
0x47f: {  	v24 =	vmul.f32 $1.442695020e+00, v24;
	_ =	sdelay $0x1  }
0x480: {  	(erf) = vpow2.f32 v24;
	_ =	sdelay $0x8  }
0x481: {  	v24 =	vpop (erf)  }
0x482: {  	[tilespmem:v2+s19+$0x0] =	vst.idx.msk $0xffff, v24  }
0x483: {  	v24 =	vld [tilespmem:$0xDB0];
	_ =	sdelay $0x4  }
0x484: {  	v24 =	vmul.f32 $1.442695020e+00, v24;
	_ =	sdelay $0x1  }
0x485: {  	(erf) = vpow2.f32 v24;
	_ =	sdelay $0x8  }
0x486: {  	v24 =	vpop (erf)  }
0x487: {  	[tilespmem:v3+s19+$0x0] =	vst.idx.msk $0xffff, v24  }
0x488: {  	v24 =	vld [tilespmem:$0xDC0];
	_ =	sdelay $0x4  }
0x489: {  	v24 =	vmul.f32 $1.442695020e+00, v24;
	_ =	sdelay $0x1  }
0x48a: {  	(erf) = vpow2.f32 v24;
	_ =	sdelay $0x8  }
0x48b: {  	v24 =	vpop (erf)  }
0x48c: {  	[tilespmem:v4+s19+$0x0] =	vst.idx.msk $0xffff, v24  }
0x48d: {  	v24 =	vld [tilespmem:$0xDD0];
	_ =	sdelay $0x4  }
0x48e: {  	v24 =	vmul.f32 $1.442695020e+00, v24;
	_ =	sdelay $0x1  }
0x48f: {  	(erf) = vpow2.f32 v24;
	_ =	sdelay $0x8  }
0x490: {  	v24 =	vpop (erf)  }
0x491: {  	[tilespmem:v5+s19+$0x0] =	vst.idx.msk $0xffff, v24  }
0x492: {  	v24 =	vld [tilespmem:$0xDE0];
	_ =	sdelay $0x4  }
0x493: {  	v24 =	vmul.f32 $1.442695020e+00, v24;
	_ =	sdelay $0x1  }
0x494: {  	(erf) = vpow2.f32 v24;
	_ =	sdelay $0x8  }
0x495: {  	v24 =	vpop (erf)  }
0x496: {  	[tilespmem:v6+s19+$0x0] =	vst.idx.msk $0xffff, v24  }
0x497: {  	v24 =	vld [tilespmem:$0xDF0];
	_ =	sdelay $0x4  }
0x498: {  	v24 =	vmul.f32 $1.442695020e+00, v24;
	_ =	sdelay $0x1  }
0x499: {  	(erf) = vpow2.f32 v24;
	_ =	sdelay $0x8  }
0x49a: {  	v24 =	vpop (erf)  }
0x49b: {  	[tilespmem:v7+s19+$0x0] =	vst.idx.msk $0xffff, v24  }
0x49c: {  	v24 =	vld [tilespmem:$0xE00];
	_ =	sdelay $0x4  }
0x49d: {  	v24 =	vmul.f32 $1.442695020e+00, v24;
	_ =	sdelay $0x1  }
0x49e: {  	(erf) = vpow2.f32 v24;
	_ =	sdelay $0x8  }
0x49f: {  	v24 =	vpop (erf)  }
0x4a0: {  	[tilespmem:v8+s19+$0x0] =	vst.idx.msk $0xffff, v24  }
0x4a1: {  	v24 =	vld [tilespmem:$0xE10];
	_ =	sdelay $0x4  }
0x4a2: {  	v24 =	vmul.f32 $1.442695020e+00, v24;
	_ =	sdelay $0x1  }
0x4a3: {  	(erf) = vpow2.f32 v24;
	_ =	sdelay $0x8  }
0x4a4: {  	v24 =	vpop (erf)  }
0x4a5: {  	[tilespmem:v9+s19+$0x0] =	vst.idx.msk $0xffff, v24  }
0x4a6: {  	v24 =	vld [tilespmem:$0xE20];
	_ =	sdelay $0x4  }
0x4a7: {  	v24 =	vmul.f32 $1.442695020e+00, v24;
	_ =	sdelay $0x1  }
0x4a8: {  	(erf) = vpow2.f32 v24;
	_ =	sdelay $0x8  }
0x4a9: {  	v24 =	vpop (erf)  }
0x4aa: {  	[tilespmem:v10+s19+$0x0] =	vst.idx.msk $0xffff, v24  }
0x4ab: {  	v24 =	vld [tilespmem:$0xE30];
	_ =	sdelay $0x4  }
0x4ac: {  	v24 =	vmul.f32 $1.442695020e+00, v24;
	_ =	sdelay $0x1  }
0x4ad: {  	(erf) = vpow2.f32 v24;
	_ =	sdelay $0x8  }
0x4ae: {  	v24 =	vpop (erf)  }
0x4af: {  	[tilespmem:v11+s19+$0x0] =	vst.idx.msk $0xffff, v24  }
0x4b0: {  	v24 =	vld [tilespmem:$0xE40];
	_ =	sdelay $0x4  }
0x4b1: {  	v24 =	vmul.f32 $1.442695020e+00, v24;
	_ =	sdelay $0x1  }
0x4b2: {  	(erf) = vpow2.f32 v24;
	_ =	sdelay $0x8  }
0x4b3: {  	v24 =	vpop (erf)  }
0x4b4: {  	[tilespmem:v12+s19+$0x0] =	vst.idx.msk $0xffff, v24  }
0x4b5: {  	v24 =	vld [tilespmem:$0xE50];
	_ =	sdelay $0x4  }
0x4b6: {  	v24 =	vmul.f32 $1.442695020e+00, v24;
	_ =	sdelay $0x1  }
0x4b7: {  	(erf) = vpow2.f32 v24;
	_ =	sdelay $0x8  }
0x4b8: {  	v24 =	vpop (erf)  }
0x4b9: {  	[tilespmem:v13+s19+$0x0] =	vst.idx.msk $0xffff, v24  }
0x4ba: {  	v24 =	vld [tilespmem:$0xE60];
	_ =	sdelay $0x4  }
0x4bb: {  	v24 =	vmul.f32 $1.442695020e+00, v24;
	_ =	sdelay $0x1  }
0x4bc: {  	(erf) = vpow2.f32 v24;
	_ =	sdelay $0x8  }
0x4bd: {  	v24 =	vpop (erf)  }
0x4be: {  	[tilespmem:v14+s19+$0x0] =	vst.idx.msk $0xffff, v24  }
0x4bf: {  	v24 =	vld [tilespmem:$0xE70];
	_ =	sdelay $0x4  }
0x4c0: {  	v24 =	vmul.f32 $1.442695020e+00, v24;
	_ =	sdelay $0x1  }
0x4c1: {  	(erf) = vpow2.f32 v24;
	_ =	sdelay $0x8  }
0x4c2: {  	v24 =	vpop (erf)  }
0x4c3: {  	[tilespmem:v15+s19+$0x0] =	vst.idx.msk $0xffff, v24  }
0x4c4: {  	v24 =	vld [tilespmem:$0xE80];
	_ =	sdelay $0x4  }
0x4c5: {  	v24 =	vmul.f32 $1.442695020e+00, v24;
	_ =	sdelay $0x1  }
0x4c6: {  	(erf) = vpow2.f32 v24;
	_ =	sdelay $0x8  }
0x4c7: {  	v24 =	vpop (erf)  }
0x4c8: {  	[tilespmem:v16+s19+$0x0] =	vst.idx.msk $0xffff, v24  }
0x4c9: {  	v24 =	vld [tilespmem:$0xE90];
	_ =	sdelay $0x4  }
0x4ca: {  	v24 =	vmul.f32 $1.442695020e+00, v24;
	_ =	sdelay $0x1  }
0x4cb: {  	(erf) = vpow2.f32 v24;
	_ =	sdelay $0x8  }
0x4cc: {  	v24 =	vpop (erf)  }
0x4cd: {  	[tilespmem:v17+s19+$0x0] =	vst.idx.msk $0xffff, v24  }
0x4ce: {  	v24 =	vld [tilespmem:$0xEA0];
	_ =	sdelay $0x4  }
0x4cf: {  	v24 =	vmul.f32 $1.442695020e+00, v24;
	_ =	sdelay $0x1  }
0x4d0: {  	(erf) = vpow2.f32 v24;
	_ =	sdelay $0x8  }
0x4d1: {  	v24 =	vpop (erf)  }
0x4d2: {  	[tilespmem:v18+s19+$0x0] =	vst.idx.msk $0xffff, v24  }
0x4d3: {  	v24 =	vld [tilespmem:$0xEB0];
	_ =	sdelay $0x4  }
0x4d4: {  	v24 =	vmul.f32 $1.442695020e+00, v24;
	_ =	sdelay $0x1  }
0x4d5: {  	(erf) = vpow2.f32 v24;
	_ =	sdelay $0x8  }
0x4d6: {  	v24 =	vpop (erf)  }
0x4d7: {  	[tilespmem:v19+s19+$0x0] =	vst.idx.msk $0xffff, v24  }
0x4d8: {  	v24 =	vld [tilespmem:$0xEC0];
	_ =	sdelay $0x4  }
0x4d9: {  	v24 =	vmul.f32 $1.442695020e+00, v24;
	_ =	sdelay $0x1  }
0x4da: {  	(erf) = vpow2.f32 v24;
	_ =	sdelay $0x8  }
0x4db: {  	v24 =	vpop (erf)  }
0x4dc: {  	[tilespmem:v20+s19+$0x0] =	vst.idx.msk $0xffff, v24  }
0x4dd: {  	v24 =	vld [tilespmem:$0xED0];
	_ =	sdelay $0x4  }
0x4de: {  	v24 =	vmul.f32 $1.442695020e+00, v24;
	_ =	sdelay $0x1  }
0x4df: {  	(erf) = vpow2.f32 v24;
	_ =	sdelay $0x8  }
0x4e0: {  	v24 =	vpop (erf)  }
0x4e1: {  	[tilespmem:v21+s19+$0x0] =	vst.idx.msk $0xffff, v24  }
0x4e2: {  	v24 =	vld [tilespmem:$0xEE0];
	_ =	sdelay $0x4  }
0x4e3: {  	v24 =	vmul.f32 $1.442695020e+00, v24;
	_ =	sdelay $0x1  }
0x4e4: {  	(erf) = vpow2.f32 v24;
	_ =	sdelay $0x8  }
0x4e5: {  	v24 =	vpop (erf)  }
0x4e6: {  	[tilespmem:v22+s19+$0x0] =	vst.idx.msk $0xffff, v24  }
0x4e7: {  	v24 =	vld [tilespmem:$0xEF0];
	_ =	sdelay $0x4  }
0x4e8: {  	v24 =	vmul.f32 $1.442695020e+00, v24;
	_ =	sdelay $0x1  }
0x4e9: {  	(erf) = vpow2.f32 v24;
	_ =	sdelay $0x8  }
0x4ea: {  	v24 =	vpop (erf)  }
0x4eb: {  	[tilespmem:v23+s19+$0x0] =	vst.idx.msk $0xffff, v24  }
0x4ec: {  	[hbm4b:s14+s2] =	stream.linear.scatter [tilespmem:s19], [sflag:$0x2], $0xC000, $0x38;
	[tilespmem:$0x19000] =	vst v63  }
0x4ed: {  	_ =	swait.ge [sflag:s20], $0xC000  }
0x4ee: {  	[sflag:s20] =	ssyncset.done $0x0  }
0x4ef: {  	[sflag:s20] =	ssyncadd.s32 $0xFFFF4000  }
0x4f0: {  	v63 =	vld [tilespmem:$0xF00];
	_ =	sdelay $0x4  }
0x4f1: {  	v24 =	vmul.f32 $1.442695020e+00, v63;
	_ =	sdelay $0x1  }
0x4f2: {  	(erf) = vpow2.f32 v24;
	_ =	sdelay $0x8  }
0x4f3: {  	v24 =	vpop (erf)  }
0x4f4: {  	[tilespmem:v0+s18+$0x0] =	vst.idx.msk $0xffff, v24  }
0x4f5: {  	v24 =	vld [tilespmem:$0xF10];
	_ =	sdelay $0x4  }
0x4f6: {  	v24 =	vmul.f32 $1.442695020e+00, v24;
	_ =	sdelay $0x1  }
0x4f7: {  	(erf) = vpow2.f32 v24;
	_ =	sdelay $0x8  }
0x4f8: {  	v24 =	vpop (erf)  }
0x4f9: {  	[tilespmem:v1+s18+$0x0] =	vst.idx.msk $0xffff, v24  }
0x4fa: {  	v24 =	vld [tilespmem:$0xF20];
	_ =	sdelay $0x4  }
0x4fb: {  	v24 =	vmul.f32 $1.442695020e+00, v24;
	_ =	sdelay $0x1  }
0x4fc: {  	(erf) = vpow2.f32 v24;
	_ =	sdelay $0x8  }
0x4fd: {  	v24 =	vpop (erf)  }
0x4fe: {  	[tilespmem:v2+s18+$0x0] =	vst.idx.msk $0xffff, v24  }
0x4ff: {  	v24 =	vld [tilespmem:$0xF30];
	_ =	sdelay $0x4  }
0x500: {  	v24 =	vmul.f32 $1.442695020e+00, v24;
	_ =	sdelay $0x1  }
0x501: {  	(erf) = vpow2.f32 v24;
	_ =	sdelay $0x8  }
0x502: {  	v24 =	vpop (erf)  }
0x503: {  	[tilespmem:v3+s18+$0x0] =	vst.idx.msk $0xffff, v24  }
0x504: {  	v24 =	vld [tilespmem:$0xF40];
	_ =	sdelay $0x4  }
0x505: {  	v24 =	vmul.f32 $1.442695020e+00, v24;
	_ =	sdelay $0x1  }
0x506: {  	(erf) = vpow2.f32 v24;
	_ =	sdelay $0x8  }
0x507: {  	v24 =	vpop (erf)  }
0x508: {  	[tilespmem:v4+s18+$0x0] =	vst.idx.msk $0xffff, v24  }
0x509: {  	v24 =	vld [tilespmem:$0xF50];
	_ =	sdelay $0x4  }
0x50a: {  	v24 =	vmul.f32 $1.442695020e+00, v24;
	_ =	sdelay $0x1  }
0x50b: {  	(erf) = vpow2.f32 v24;
	_ =	sdelay $0x8  }
0x50c: {  	v24 =	vpop (erf)  }
0x50d: {  	[tilespmem:v5+s18+$0x0] =	vst.idx.msk $0xffff, v24  }
0x50e: {  	v24 =	vld [tilespmem:$0xF60];
	_ =	sdelay $0x4  }
0x50f: {  	v24 =	vmul.f32 $1.442695020e+00, v24;
	_ =	sdelay $0x1  }
0x510: {  	(erf) = vpow2.f32 v24;
	_ =	sdelay $0x8  }
0x511: {  	v24 =	vpop (erf)  }
0x512: {  	[tilespmem:v6+s18+$0x0] =	vst.idx.msk $0xffff, v24  }
0x513: {  	v24 =	vld [tilespmem:$0xF70];
	_ =	sdelay $0x4  }
0x514: {  	v24 =	vmul.f32 $1.442695020e+00, v24;
	_ =	sdelay $0x1  }
0x515: {  	(erf) = vpow2.f32 v24;
	_ =	sdelay $0x8  }
0x516: {  	v24 =	vpop (erf)  }
0x517: {  	[tilespmem:v7+s18+$0x0] =	vst.idx.msk $0xffff, v24  }
0x518: {  	v24 =	vld [tilespmem:$0xF80];
	_ =	sdelay $0x4  }
0x519: {  	v24 =	vmul.f32 $1.442695020e+00, v24;
	_ =	sdelay $0x1  }
0x51a: {  	(erf) = vpow2.f32 v24;
	_ =	sdelay $0x8  }
0x51b: {  	v24 =	vpop (erf)  }
0x51c: {  	[tilespmem:v8+s18+$0x0] =	vst.idx.msk $0xffff, v24  }
0x51d: {  	v24 =	vld [tilespmem:$0xF90];
	_ =	sdelay $0x4  }
0x51e: {  	v24 =	vmul.f32 $1.442695020e+00, v24;
	_ =	sdelay $0x1  }
0x51f: {  	(erf) = vpow2.f32 v24;
	_ =	sdelay $0x8  }
0x520: {  	v24 =	vpop (erf)  }
0x521: {  	[tilespmem:v9+s18+$0x0] =	vst.idx.msk $0xffff, v24  }
0x522: {  	v24 =	vld [tilespmem:$0xFA0];
	_ =	sdelay $0x4  }
0x523: {  	v24 =	vmul.f32 $1.442695020e+00, v24;
	_ =	sdelay $0x1  }
0x524: {  	(erf) = vpow2.f32 v24;
	_ =	sdelay $0x8  }
0x525: {  	v24 =	vpop (erf)  }
0x526: {  	[tilespmem:v10+s18+$0x0] =	vst.idx.msk $0xffff, v24  }
0x527: {  	v24 =	vld [tilespmem:$0xFB0];
	_ =	sdelay $0x4  }
0x528: {  	v24 =	vmul.f32 $1.442695020e+00, v24;
	_ =	sdelay $0x1  }
0x529: {  	(erf) = vpow2.f32 v24;
	_ =	sdelay $0x8  }
0x52a: {  	v24 =	vpop (erf)  }
0x52b: {  	[tilespmem:v11+s18+$0x0] =	vst.idx.msk $0xffff, v24  }
0x52c: {  	v24 =	vld [tilespmem:$0xFC0];
	_ =	sdelay $0x4  }
0x52d: {  	v24 =	vmul.f32 $1.442695020e+00, v24;
	_ =	sdelay $0x1  }
0x52e: {  	(erf) = vpow2.f32 v24;
	_ =	sdelay $0x8  }
0x52f: {  	v24 =	vpop (erf)  }
0x530: {  	[tilespmem:v12+s18+$0x0] =	vst.idx.msk $0xffff, v24  }
0x531: {  	v24 =	vld [tilespmem:$0xFD0];
	_ =	sdelay $0x4  }
0x532: {  	v24 =	vmul.f32 $1.442695020e+00, v24;
	_ =	sdelay $0x1  }
0x533: {  	(erf) = vpow2.f32 v24;
	_ =	sdelay $0x8  }
0x534: {  	v24 =	vpop (erf)  }
0x535: {  	[tilespmem:v13+s18+$0x0] =	vst.idx.msk $0xffff, v24  }
0x536: {  	v24 =	vld [tilespmem:$0xFE0];
	_ =	sdelay $0x4  }
0x537: {  	v24 =	vmul.f32 $1.442695020e+00, v24;
	_ =	sdelay $0x1  }
0x538: {  	(erf) = vpow2.f32 v24;
	_ =	sdelay $0x8  }
0x539: {  	v24 =	vpop (erf)  }
0x53a: {  	[tilespmem:v14+s18+$0x0] =	vst.idx.msk $0xffff, v24  }
0x53b: {  	v24 =	vld [tilespmem:$0xFF0];
	_ =	sdelay $0x4  }
0x53c: {  	v24 =	vmul.f32 $1.442695020e+00, v24;
	_ =	sdelay $0x1  }
0x53d: {  	(erf) = vpow2.f32 v24;
	_ =	sdelay $0x8  }
0x53e: {  	v24 =	vpop (erf)  }
0x53f: {  	[tilespmem:v15+s18+$0x0] =	vst.idx.msk $0xffff, v24  }
0x540: {  	[hbm4b:s15+s2] =	stream.linear.scatter [tilespmem:s18], [sflag:$0x1], $0x8000, $0x38;
	[tilespmem:$0x19000] =	vst v63  }
0x541: {  	p0 =	sne.s32 s16, $0x1;
	_ =	swait.ge [sflag:s20], $0x8000  }
.Ltmp0:
0x542: {  	[sflag:s20] =	ssyncset.done $0x0;
	(pc) =	sbr.rel @p0 .LBB2_1-.Ltmp0, $4  }
0x543: {  	[sflag:s20] =	ssyncadd.s32 $0xFFFF8000  }
0x544: {  	_ =	swait.ge [sflag:s21], $0xC000  }
0x545: {  	[sflag:s21] =	ssyncset.done $0x0  }
0x546: {  	s16 =	sadd.s32 $0xFFFFFFFF, s16;
	[sflag:s21] =	ssyncadd.s32 $0xFFFF4000  }
0x547: {  	_ =	sfence.sel $0x180000  }
0x548: {  	[bflag:$0x0] =	sbarrier.arrive $0xFFFF  }
0x549: {  	p0 =	sne.s32 s1, $0x0;
	_ =	strace $0x90000047  }
0x54a: {  	s0 =	sadd.s32 @!p0 $0x100000, s0;
	[bflag:$0x2] =	sbarrier.arrive $0xFFFF  }
0x54b: {  	[sflag:s0] =	ssyncadd.tile.s32 @!p0 $0x1;
	_ =	shalt  }
.Lfunc_end2:
_tile_overlayer_lowered:
.L_overlay_start_2:
0x54c: {  	(tag) =	ssettag $0x2  }
0x54d: {  	s0 =	rddreg [dreg:$0x0];
	s2 =	stileid.u32  }
0x54e: {  	s1 =	rddreg [dreg:$0x1];
	p0 =	sne.s32 s2, $0x0  }
0x54f: {  	s3 =	rddreg [dreg:$0x2];
	[bflag:$0x3] =	sbarrier.arrive $0xFFFF;
	s2 =	simm.s32 @!p0 $0x1C03  }
0x550: {  	[timem:s3], [sflag:s2] =	dma.local @!p0 [hbm:s0], s1  }
0x551: {  	s0 =	simm.s32 @!p0 $0x3  }
0x552: {  	_ =	swait.ge @!p0 [sflag:s0], s1  }
0x553: {  	s1 =	ssub.s32 @!p0 $0x0, s1;
	[sflag:s0] =	ssyncset.done @!p0 $0x0  }
0x554: {  	[sflag:s0] =	ssyncadd.s32 @!p0 s1  }
0x555: {  	[bflag:$0x3] =	sbarrier.arrive $0xFFFF  }
0x556: {  	_ =	shalt  }

</sc_bundles>
